<compile_context>
chip_gen: v7x
topology: tpu7x:2x2x1
jax: 0.10.2.dev20260603
libtpu: 0.0.44.dev20260713+nightly
codegen_flags: <defaults>
</compile_context>

<pallas_src>
import functools

import jax
import jax.numpy as jnp
from jax import lax
from jax.experimental import pallas as pl
from jax.experimental.pallas import tpu as pltpu
from jax.experimental.pallas import tpu_sc as plsc

NUM_CORES = 2
NUM_SUBCORES = 16
NUM_WORKERS = NUM_CORES * NUM_SUBCORES
LANES = 16
OBUF = 4
IBUF = 2
SLAB = 8


@functools.lru_cache(maxsize=None)
def _make_kernel(batch: int, hist: int, vocab: int, dim: int):
    rounds = dim // NUM_WORKERS
    bt = batch // 128
    blocks = batch // LANES
    mesh = plsc.VectorSubcoreMesh(
        core_axis_name="c", subcore_axis_name="s")

    @functools.partial(
        pl.kernel,
        mesh=mesh,
        out_type=jax.ShapeDtypeStruct((hist, dim // 8, bt, 8, 128),
                                      jnp.float32),
        scratch_types=[
            pltpu.VMEM((vocab,), jnp.float32),
            pltpu.VMEM((IBUF, batch), jnp.int32),
            pltpu.VMEM((OBUF, bt, 128), jnp.float32),
            pltpu.VMEM_SHARED((2, SLAB, batch), jnp.int32),
            [pltpu.SemaphoreType.DMA] * IBUF,
            [pltpu.SemaphoreType.DMA] * OBUF,
            pltpu.SemaphoreType.DMA,
        ],
        compiler_params=pltpu.CompilerParams(use_tc_tiling_on_sc=False,
                                             needs_layout_passes=False),
    )
    def emb_kernel(idx_t, table_t, out_k, feat_v, idx_v, out_v, idx_sh,
                   isems, osems, fsem):
        wid = lax.axis_index("s") * NUM_CORES + lax.axis_index("c")
        is_filler = lax.axis_index("s") == 0
        n_slabs = hist // SLAB

        for r in range(rounds):
            d = wid * rounds + r
            dt = d // 8
            ds = d % 8
            pltpu.sync_copy(table_t.at[d, :], feat_v)
            @pl.when(is_filler)
            def _():
                pltpu.sync_copy(idx_t.at[pl.ds(0, SLAB), :], idx_sh.at[0])
            plsc.subcore_barrier()
            for b in range(IBUF):
                pltpu.async_copy(idx_sh.at[0, b, :], idx_v.at[b, :],
                                 isems[b])

            @pl.loop(0, n_slabs)
            def _(S):
                sp = S % 2
                sn = (S + 1) % 2
                more = S + 1 < n_slabs

                @pl.when(jnp.logical_and(is_filler, more))
                def _():
                    pltpu.async_copy(
                        idx_t.at[pl.ds((S + 1) * SLAB, SLAB), :],
                        idx_sh.at[sn], fsem)

                for hb in range(SLAB):
                    b = hb % OBUF
                    ip = hb % IBUF
                    h = S * SLAB + hb
                    pltpu.make_async_copy(
                        idx_sh.at[sp, hb, :], idx_v.at[ip, :],
                        isems[ip]).wait()

                    def _drain():
                        pltpu.make_async_copy(
                            out_v.at[b], out_k.at[0, 0, :, 0, :],
                            osems[b]).wait()

                    if r > 0:
                        _drain()
                    else:
                        pl.when(h >= OBUF)(_drain)

                    @plsc.parallel_loop(0, blocks, unroll=32)
                    def _(j):
                        idx = idx_v[ip, pl.ds(j * LANES, LANES)]
                        out_v[b, j // 8, pl.ds((j % 8) * LANES, LANES)] = (
                            plsc.load_gather(feat_v, [idx]))

                    pltpu.async_copy(
                        out_v.at[b], out_k.at[h, dt, :, ds, :], osems[b])

                    if hb < SLAB - IBUF:
                        pltpu.async_copy(
                            idx_sh.at[sp, hb + IBUF, :], idx_v.at[ip, :],
                            isems[ip])

                @pl.when(jnp.logical_and(is_filler, more))
                def _():
                    pltpu.make_async_copy(
                        idx_t.at[pl.ds(0, SLAB), :], idx_sh.at[sn],
                        fsem).wait()
                plsc.subcore_barrier()
                for b in range(IBUF):
                    @pl.when(more)
                    def _():
                        pltpu.async_copy(idx_sh.at[sn, b, :],
                                         idx_v.at[b, :], isems[b])

            if r == rounds - 1:
                for b in range(OBUF):
                    pltpu.make_async_copy(
                        out_v.at[b], out_k.at[0, 0, :, 0, :],
                        osems[b]).wait()

    return emb_kernel


def kernel(index, table):
    batch, hist = index.shape
    vocab, dim = table.shape
    out_k = _make_kernel(batch, hist, vocab, dim)(index.T, table.T)
    return out_k.transpose(2, 4, 0, 1, 3).reshape(batch, hist, dim)

# --- scband reference (transcript-rebuilt; emitter-appended) ---
"""Pipeline reference for scband-token-embedder-50354196578457 (READ-ONLY COPY).

The authoritative reference and input builder live on the scoring server;
editing this copy changes nothing except your own understanding.
"""

import jax, jax.numpy as jnp
import numpy as np

VOCAB = 100000
EMBED_DIM = 64
BATCH = 4096
HIST = 200


def setup_inputs(seed: int = 0) -> dict:
    key = jax.random.key(seed)
    k1, k2 = jax.random.split(key)
    table = jax.random.normal(k1, (VOCAB, EMBED_DIM), dtype=jnp.float32)
    index = jax.random.randint(k2, (BATCH, HIST), 0, VOCAB, dtype=jnp.int32)
    return {"index": index, "table": table}


def reference(index, table):
    # TokenEmbedder.forward -> TrainFlagEmbedding.forward (trainable path):
    # a plain embedding lookup: (batch, indices_per_batch) -> (batch, indices_per_batch, embed_dim)
    return jnp.take(table, index, axis=0)

if __name__ == "__main__":
    import jax
    _d = setup_inputs()
    print(jax.jit(kernel)(*tuple(_d.values())))

</pallas_src>

<mosaic_0001>
#map = affine_map<(d0, d1) -> (0, 0)>
#map1 = affine_map<(d0, d1) -> (0, 0, 0, 0, 0)>
module attributes {stable_mosaic.version = 14 : i64} {
  func.func @emb_kernel(%arg0: i32, %arg1: i32, %arg2: memref<200x4096xi32, #tpu.memory_space<hbm>>, %arg3: memref<64x100000xf32, #tpu.memory_space<hbm>>, %arg4: memref<200x8x32x8x128xf32, #tpu.memory_space<hbm>>, %arg5: memref<100000xf32, #tpu.memory_space<vmem>>, %arg6: memref<2x4096xi32, #tpu.memory_space<vmem>>, %arg7: memref<4x32x128xf32, #tpu.memory_space<vmem>>, %arg8: memref<2x8x4096xi32, #tpu.memory_space<vmem_shared>>, %arg9: memref<!tpu.dma_semaphore, #tpu.memory_space<semaphore_mem>>, %arg10: memref<!tpu.dma_semaphore, #tpu.memory_space<semaphore_mem>>, %arg11: memref<!tpu.dma_semaphore, #tpu.memory_space<semaphore_mem>>, %arg12: memref<!tpu.dma_semaphore, #tpu.memory_space<semaphore_mem>>, %arg13: memref<!tpu.dma_semaphore, #tpu.memory_space<semaphore_mem>>, %arg14: memref<!tpu.dma_semaphore, #tpu.memory_space<semaphore_mem>>, %arg15: memref<!tpu.dma_semaphore, #tpu.memory_space<semaphore_mem>>) attributes {dimension_semantics = [#tpu.dimension_semantics<core_parallel>, #tpu.dimension_semantics<subcore_parallel>], iteration_bounds = array<i64: 2, 16>, scalar_prefetch = 0 : i64, scratch_operands = 11 : i64, tpu.core_type = #tpu.core_type<sc_vector_subcore>, window_params = [{transform_indices = #map}, {transform_indices = #map}, {transform_indices = #map1}]} {
    %mul3A = arith.constant 2 : i32
    %mul3A_0 = arith.muli %arg1, %mul3A : i32
    %add3A = arith.addi %mul3A_0, %arg0 : i32
    %eq3A = arith.constant 0 : i32
    %eq3A_1 = arith.cmpi eq, %arg1, %eq3A : i32
    %mul3A_2 = arith.constant 2 : i32
    %mul3A_3 = arith.muli %add3A, %mul3A_2 : i32
    %add3A_4 = arith.constant 0 : i32
    %add3A_5 = arith.addi %mul3A_3, %add3A_4 : i32
    %jit3A = arith.constant 8 : i32
    %div3A = arith.divsi %add3A_5, %jit3A : i32
    %sign3A = arith.constant 0 : i32
    %sign3A_6 = arith.cmpi sgt, %add3A_5, %sign3A : i32
    %sign3A_7 = arith.extui %sign3A_6 : i1 to i32
    %sign3A_8 = arith.constant 0 : i32
    %sign3A_9 = arith.cmpi slt, %add3A_5, %sign3A_8 : i32
    %sign3A_10 = arith.extui %sign3A_9 : i1 to i32
    %sign3A_11 = arith.subi %sign3A_7, %sign3A_10 : i32
    %sign3A_12 = arith.constant 0 : i32
    %sign3A_13 = arith.cmpi sgt, %jit3A, %sign3A_12 : i32
    %sign3A_14 = arith.extui %sign3A_13 : i1 to i32
    %sign3A_15 = arith.constant 0 : i32
    %sign3A_16 = arith.cmpi slt, %jit3A, %sign3A_15 : i32
    %sign3A_17 = arith.extui %sign3A_16 : i1 to i32
    %sign3A_18 = arith.subi %sign3A_14, %sign3A_17 : i32
    %ne3A = arith.cmpi ne, %sign3A_11, %sign3A_18 : i32
    %rem3A = arith.remsi %add3A_5, %jit3A : i32
    %ne3A_19 = arith.constant 0 : i32
    %ne3A_20 = arith.cmpi ne, %rem3A, %ne3A_19 : i32
    %and3A = arith.andi %ne3A, %ne3A_20 : i1
    %sub3A = arith.constant 1 : i32
    %sub3A_21 = arith.subi %div3A, %sub3A : i32
    %select_n3A = arith.select %and3A, %sub3A_21, %div3A : i32
    %jit3A_22 = arith.constant 8 : i32
    %eq3A_23 = arith.constant 0 : i32
    %eq3A_24 = arith.cmpi eq, %jit3A_22, %eq3A_23 : i32
    %jit3A_25 = arith.constant 1 : i32
    %select_n3A_26 = arith.select %eq3A_24, %jit3A_25, %jit3A_22 : i32
    %rem3A_27 = arith.remsi %add3A_5, %select_n3A_26 : i32
    %ne3A_28 = arith.constant 0 : i32
    %ne3A_29 = arith.cmpi ne, %rem3A_27, %ne3A_28 : i32
    %lt3A = arith.constant 0 : i32
    %lt3A_30 = arith.cmpi slt, %rem3A_27, %lt3A : i32
    %lt3A_31 = arith.constant 0 : i32
    %lt3A_32 = arith.cmpi slt, %select_n3A_26, %lt3A_31 : i32
    %ne3A_33 = arith.xori %lt3A_30, %lt3A_32 : i1
    %and3A_34 = arith.andi %ne3A_33, %ne3A_29 : i1
    %add3A_35 = arith.addi %rem3A_27, %select_n3A_26 : i32
    %select_n3A_36 = arith.select %and3A_34, %add3A_35, %rem3A_27 : i32
    "tpu.region"() ({
      %run_scoped3A = tpu.sem_alloc : memref<!tpu.dma_semaphore, #tpu.memory_space<semaphore_mem>>
      %dma_start3A_233 = arith.constant 0 : i32
      %dma_start3A_234 = tpu.memref_slice %arg3[%add3A_5, %dma_start3A_233] : memref<64x100000xf32, #tpu.memory_space<hbm>> -> memref<1x100000xf32, #tpu.memory_space<hbm>>
      %dma_start3A_235 = tpu.memref_squeeze %dma_start3A_234 : memref<1x100000xf32, #tpu.memory_space<hbm>> -> memref<100000xf32, #tpu.memory_space<hbm>>
      %dma_start3A_236 = arith.constant 0 : i32
      %dma_start3A_237 = tpu.memref_slice %arg3[%add3A_5, %dma_start3A_236] : memref<64x100000xf32, #tpu.memory_space<hbm>> -> memref<1x100000xf32, #tpu.memory_space<hbm>>
      %dma_start3A_238 = tpu.memref_squeeze %dma_start3A_237 : memref<1x100000xf32, #tpu.memory_space<hbm>> -> memref<100000xf32, #tpu.memory_space<hbm>>
      tpu.enqueue_dma source(%dma_start3A_238 : memref<100000xf32, #tpu.memory_space<hbm>>) target(%arg5 : memref<100000xf32, #tpu.memory_space<vmem>>) target_semaphore(%run_scoped3A : memref<!tpu.dma_semaphore, #tpu.memory_space<semaphore_mem>>)
      %dma_wait3A_239 = arith.constant 0 : i32
      %dma_wait3A_240 = tpu.memref_slice %arg3[%add3A_5, %dma_wait3A_239] : memref<64x100000xf32, #tpu.memory_space<hbm>> -> memref<1x100000xf32, #tpu.memory_space<hbm>>
      %dma_wait3A_241 = tpu.memref_squeeze %dma_wait3A_240 : memref<1x100000xf32, #tpu.memory_space<hbm>> -> memref<100000xf32, #tpu.memory_space<hbm>>
      %dma_wait3A_242 = arith.constant 0 : i32
      %dma_wait3A_243 = tpu.memref_slice %arg3[%add3A_5, %dma_wait3A_242] : memref<64x100000xf32, #tpu.memory_space<hbm>> -> memref<1x100000xf32, #tpu.memory_space<hbm>>
      %dma_wait3A_244 = tpu.memref_squeeze %dma_wait3A_243 : memref<1x100000xf32, #tpu.memory_space<hbm>> -> memref<100000xf32, #tpu.memory_space<hbm>>
      tpu.wait_dma2 semaphore(%run_scoped3A : memref<!tpu.dma_semaphore, #tpu.memory_space<semaphore_mem>>) src(%dma_wait3A_244 : memref<100000xf32, #tpu.memory_space<hbm>>) dst(%arg5 : memref<100000xf32, #tpu.memory_space<vmem>>)
      tpu.yield
    }) : () -> ()
    %convert_element_type3A = arith.extui %eq3A_1 : i1 to i32
    %cond3A = arith.constant 0 : i32
    %cond3A_37 = arith.cmpi ne, %convert_element_type3A, %cond3A : i32
    scf.if %cond3A_37 {
      %run_scoped3A = arith.constant 0 : i32
      "tpu.region"() ({
        %run_scoped3A_233 = tpu.sem_alloc : memref<!tpu.dma_semaphore, #tpu.memory_space<semaphore_mem>>
        %dma_start3A_234 = arith.constant 0 : i32
        %dma_start3A_235 = arith.constant 0 : i32
        %dma_start3A_236 = tpu.memref_slice %arg8[%run_scoped3A, %dma_start3A_234, %dma_start3A_235] : memref<2x8x4096xi32, #tpu.memory_space<vmem_shared>> -> memref<1x8x4096xi32, #tpu.memory_space<vmem_shared>>
        %dma_start3A_237 = tpu.memref_squeeze %dma_start3A_236 : memref<1x8x4096xi32, #tpu.memory_space<vmem_shared>> -> memref<8x4096xi32, #tpu.memory_space<vmem_shared>>
        %dma_start3A_238 = arith.constant 0 : i32
        %dma_start3A_239 = arith.constant 0 : i32
        %dma_start3A_240 = tpu.memref_slice %arg2[%dma_start3A_238, %dma_start3A_239] : memref<200x4096xi32, #tpu.memory_space<hbm>> -> memref<8x4096xi32, #tpu.memory_space<hbm>>
        tpu.enqueue_dma source(%dma_start3A_240 : memref<8x4096xi32, #tpu.memory_space<hbm>>) target(%dma_start3A_237 : memref<8x4096xi32, #tpu.memory_space<vmem_shared>>) target_semaphore(%run_scoped3A_233 : memref<!tpu.dma_semaphore, #tpu.memory_space<semaphore_mem>>)
        %dma_wait3A_241 = arith.constant 0 : i32
        %dma_wait3A_242 = arith.constant 0 : i32
        %dma_wait3A_243 = tpu.memref_slice %arg8[%run_scoped3A, %dma_wait3A_241, %dma_wait3A_242] : memref<2x8x4096xi32, #tpu.memory_space<vmem_shared>> -> memref<1x8x4096xi32, #tpu.memory_space<vmem_shared>>
        %dma_wait3A_244 = tpu.memref_squeeze %dma_wait3A_243 : memref<1x8x4096xi32, #tpu.memory_space<vmem_shared>> -> memref<8x4096xi32, #tpu.memory_space<vmem_shared>>
        %dma_wait3A_245 = arith.constant 0 : i32
        %dma_wait3A_246 = arith.constant 0 : i32
        %dma_wait3A_247 = tpu.memref_slice %arg2[%dma_wait3A_245, %dma_wait3A_246] : memref<200x4096xi32, #tpu.memory_space<hbm>> -> memref<8x4096xi32, #tpu.memory_space<hbm>>
        tpu.wait_dma2 semaphore(%run_scoped3A_233 : memref<!tpu.dma_semaphore, #tpu.memory_space<semaphore_mem>>) src(%dma_wait3A_247 : memref<8x4096xi32, #tpu.memory_space<hbm>>) dst(%dma_wait3A_244 : memref<8x4096xi32, #tpu.memory_space<vmem_shared>>)
        tpu.yield
      }) : () -> ()
    } else {
    }
    %barrier3A = arith.constant 0 : index
    tpu.barrier barrier_id(%barrier3A)
    %dma_start3A = arith.constant 0 : i32
    %dma_start3A_38 = arith.constant 0 : i32
    %dma_start3A_39 = arith.constant 0 : i32
    %dma_start3A_40 = arith.constant 0 : i32
    %dma_start3A_41 = tpu.memref_slice %arg6[%dma_start3A_39, %dma_start3A_40] : memref<2x4096xi32, #tpu.memory_space<vmem>> -> memref<1x4096xi32, #tpu.memory_space<vmem>>
    %dma_start3A_42 = tpu.memref_squeeze %dma_start3A_41 : memref<1x4096xi32, #tpu.memory_space<vmem>> -> memref<4096xi32, #tpu.memory_space<vmem>>
    %dma_start3A_43 = arith.constant 0 : i32
    %dma_start3A_44 = tpu.memref_slice %arg8[%dma_start3A, %dma_start3A_38, %dma_start3A_43] : memref<2x8x4096xi32, #tpu.memory_space<vmem_shared>> -> memref<1x1x4096xi32, #tpu.memory_space<vmem_shared>>
    %dma_start3A_45 = tpu.memref_squeeze %dma_start3A_44 : memref<1x1x4096xi32, #tpu.memory_space<vmem_shared>> -> memref<4096xi32, #tpu.memory_space<vmem_shared>>
    %dma_start3A_46 = arith.constant 0 : i32
    %dma_start3A_47 = tpu.memref_slice %arg6[%dma_start3A_39, %dma_start3A_46] : memref<2x4096xi32, #tpu.memory_space<vmem>> -> memref<1x4096xi32, #tpu.memory_space<vmem>>
    %dma_start3A_48 = tpu.memref_squeeze %dma_start3A_47 : memref<1x4096xi32, #tpu.memory_space<vmem>> -> memref<4096xi32, #tpu.memory_space<vmem>>
    %dma_start3A_49 = arith.constant 0 : i32
    %dma_start3A_50 = tpu.memref_slice %arg8[%dma_start3A, %dma_start3A_38, %dma_start3A_49] : memref<2x8x4096xi32, #tpu.memory_space<vmem_shared>> -> memref<1x1x4096xi32, #tpu.memory_space<vmem_shared>>
    %dma_start3A_51 = tpu.memref_squeeze %dma_start3A_50 : memref<1x1x4096xi32, #tpu.memory_space<vmem_shared>> -> memref<4096xi32, #tpu.memory_space<vmem_shared>>
    tpu.enqueue_dma source(%dma_start3A_51 : memref<4096xi32, #tpu.memory_space<vmem_shared>>) target(%dma_start3A_48 : memref<4096xi32, #tpu.memory_space<vmem>>) target_semaphore(%arg9 : memref<!tpu.dma_semaphore, #tpu.memory_space<semaphore_mem>>)
    %dma_start3A_52 = arith.constant 0 : i32
    %dma_start3A_53 = arith.constant 1 : i32
    %dma_start3A_54 = arith.constant 1 : i32
    %dma_start3A_55 = arith.constant 0 : i32
    %dma_start3A_56 = tpu.memref_slice %arg6[%dma_start3A_54, %dma_start3A_55] : memref<2x4096xi32, #tpu.memory_space<vmem>> -> memref<1x4096xi32, #tpu.memory_space<vmem>>
    %dma_start3A_57 = tpu.memref_squeeze %dma_start3A_56 : memref<1x4096xi32, #tpu.memory_space<vmem>> -> memref<4096xi32, #tpu.memory_space<vmem>>
    %dma_start3A_58 = arith.constant 0 : i32
    %dma_start3A_59 = tpu.memref_slice %arg8[%dma_start3A_52, %dma_start3A_53, %dma_start3A_58] : memref<2x8x4096xi32, #tpu.memory_space<vmem_shared>> -> memref<1x1x4096xi32, #tpu.memory_space<vmem_shared>>
    %dma_start3A_60 = tpu.memref_squeeze %dma_start3A_59 : memref<1x1x4096xi32, #tpu.memory_space<vmem_shared>> -> memref<4096xi32, #tpu.memory_space<vmem_shared>>
    %dma_start3A_61 = arith.constant 0 : i32
    %dma_start3A_62 = tpu.memref_slice %arg6[%dma_start3A_54, %dma_start3A_61] : memref<2x4096xi32, #tpu.memory_space<vmem>> -> memref<1x4096xi32, #tpu.memory_space<vmem>>
    %dma_start3A_63 = tpu.memref_squeeze %dma_start3A_62 : memref<1x4096xi32, #tpu.memory_space<vmem>> -> memref<4096xi32, #tpu.memory_space<vmem>>
    %dma_start3A_64 = arith.constant 0 : i32
    %dma_start3A_65 = tpu.memref_slice %arg8[%dma_start3A_52, %dma_start3A_53, %dma_start3A_64] : memref<2x8x4096xi32, #tpu.memory_space<vmem_shared>> -> memref<1x1x4096xi32, #tpu.memory_space<vmem_shared>>
    %dma_start3A_66 = tpu.memref_squeeze %dma_start3A_65 : memref<1x1x4096xi32, #tpu.memory_space<vmem_shared>> -> memref<4096xi32, #tpu.memory_space<vmem_shared>>
    tpu.enqueue_dma source(%dma_start3A_66 : memref<4096xi32, #tpu.memory_space<vmem_shared>>) target(%dma_start3A_63 : memref<4096xi32, #tpu.memory_space<vmem>>) target_semaphore(%arg10 : memref<!tpu.dma_semaphore, #tpu.memory_space<semaphore_mem>>)
    %scan3A = arith.constant 0 : i32
    %scan3A_67 = arith.constant 25 : i32
    %scan3A_68 = arith.addi %scan3A, %scan3A_67 : i32
    %scan3A_69 = arith.constant 1 : i32
    scf.for %scan3A_233 = %scan3A to %scan3A_68 step %scan3A_69  : i32 {
      %mul3A_234 = arith.constant 1 : i32
      %mul3A_235 = arith.muli %scan3A_233, %mul3A_234 : i32
      %add3A_236 = arith.constant 0 : i32
      %add3A_237 = arith.addi %add3A_236, %mul3A_235 : i32
      %jit3A_238 = arith.constant 2 : i32
      %eq3A_239 = arith.constant 0 : i32
      %eq3A_240 = arith.cmpi eq, %jit3A_238, %eq3A_239 : i32
      %jit3A_241 = arith.constant 1 : i32
      %select_n3A_242 = arith.select %eq3A_240, %jit3A_241, %jit3A_238 : i32
      %rem3A_243 = arith.remsi %add3A_237, %select_n3A_242 : i32
      %ne3A_244 = arith.constant 0 : i32
      %ne3A_245 = arith.cmpi ne, %rem3A_243, %ne3A_244 : i32
      %lt3A_246 = arith.constant 0 : i32
      %lt3A_247 = arith.cmpi slt, %rem3A_243, %lt3A_246 : i32
      %lt3A_248 = arith.constant 0 : i32
      %lt3A_249 = arith.cmpi slt, %select_n3A_242, %lt3A_248 : i32
      %ne3A_250 = arith.xori %lt3A_247, %lt3A_249 : i1
      %and3A_251 = arith.andi %ne3A_250, %ne3A_245 : i1
      %add3A_252 = arith.addi %rem3A_243, %select_n3A_242 : i32
      %select_n3A_253 = arith.select %and3A_251, %add3A_252, %rem3A_243 : i32
      %add3A_254 = arith.constant 1 : i32
      %add3A_255 = arith.addi %add3A_237, %add3A_254 : i32
      %jit3A_256 = arith.constant 2 : i32
      %eq3A_257 = arith.constant 0 : i32
      %eq3A_258 = arith.cmpi eq, %jit3A_256, %eq3A_257 : i32
      %jit3A_259 = arith.constant 1 : i32
      %select_n3A_260 = arith.select %eq3A_258, %jit3A_259, %jit3A_256 : i32
      %rem3A_261 = arith.remsi %add3A_255, %select_n3A_260 : i32
      %ne3A_262 = arith.constant 0 : i32
      %ne3A_263 = arith.cmpi ne, %rem3A_261, %ne3A_262 : i32
      %lt3A_264 = arith.constant 0 : i32
      %lt3A_265 = arith.cmpi slt, %rem3A_261, %lt3A_264 : i32
      %lt3A_266 = arith.constant 0 : i32
      %lt3A_267 = arith.cmpi slt, %select_n3A_260, %lt3A_266 : i32
      %ne3A_268 = arith.xori %lt3A_265, %lt3A_267 : i1
      %and3A_269 = arith.andi %ne3A_268, %ne3A_263 : i1
      %add3A_270 = arith.addi %rem3A_261, %select_n3A_260 : i32
      %select_n3A_271 = arith.select %and3A_269, %add3A_270, %rem3A_261 : i32
      %add3A_272 = arith.constant 1 : i32
      %add3A_273 = arith.addi %add3A_237, %add3A_272 : i32
      %lt3A_274 = arith.constant 25 : i32
      %lt3A_275 = arith.cmpi slt, %add3A_273, %lt3A_274 : i32
      %and3A_276 = arith.andi %eq3A_1, %lt3A_275 : i1
      %convert_element_type3A_277 = arith.extui %and3A_276 : i1 to i32
      %cond3A_278 = arith.constant 0 : i32
      %cond3A_279 = arith.cmpi ne, %convert_element_type3A_277, %cond3A_278 : i32
      scf.if %cond3A_279 {
        %add3A_717 = arith.constant 1 : i32
        %add3A_718 = arith.addi %add3A_237, %add3A_717 : i32
        %mul3A_719 = arith.constant 8 : i32
        %mul3A_720 = arith.muli %add3A_718, %mul3A_719 : i32
        %dma_start3A_721 = arith.constant 0 : i32
        %dma_start3A_722 = arith.constant 0 : i32
        %dma_start3A_723 = tpu.memref_slice %arg8[%select_n3A_271, %dma_start3A_721, %dma_start3A_722] : memref<2x8x4096xi32, #tpu.memory_space<vmem_shared>> -> memref<1x8x4096xi32, #tpu.memory_space<vmem_shared>>
        %dma_start3A_724 = tpu.memref_squeeze %dma_start3A_723 : memref<1x8x4096xi32, #tpu.memory_space<vmem_shared>> -> memref<8x4096xi32, #tpu.memory_space<vmem_shared>>
        %dma_start3A_725 = arith.constant 0 : i32
        %dma_start3A_726 = tpu.memref_slice %arg2[%mul3A_720, %dma_start3A_725] : memref<200x4096xi32, #tpu.memory_space<hbm>> -> memref<8x4096xi32, #tpu.memory_space<hbm>>
        tpu.enqueue_dma source(%dma_start3A_726 : memref<8x4096xi32, #tpu.memory_space<hbm>>) target(%dma_start3A_724 : memref<8x4096xi32, #tpu.memory_space<vmem_shared>>) target_semaphore(%arg15 : memref<!tpu.dma_semaphore, #tpu.memory_space<semaphore_mem>>)
      } else {
      }
      %mul3A_280 = arith.constant 8 : i32
      %mul3A_281 = arith.muli %add3A_237, %mul3A_280 : i32
      %add3A_282 = arith.constant 0 : i32
      %add3A_283 = arith.addi %mul3A_281, %add3A_282 : i32
      %dma_wait3A_284 = arith.constant 0 : i32
      %dma_wait3A_285 = arith.constant 0 : i32
      %dma_wait3A_286 = arith.constant 0 : i32
      %dma_wait3A_287 = tpu.memref_slice %arg6[%dma_wait3A_285, %dma_wait3A_286] : memref<2x4096xi32, #tpu.memory_space<vmem>> -> memref<1x4096xi32, #tpu.memory_space<vmem>>
      %dma_wait3A_288 = tpu.memref_squeeze %dma_wait3A_287 : memref<1x4096xi32, #tpu.memory_space<vmem>> -> memref<4096xi32, #tpu.memory_space<vmem>>
      %dma_wait3A_289 = arith.constant 0 : i32
      %dma_wait3A_290 = tpu.memref_slice %arg8[%select_n3A_253, %dma_wait3A_284, %dma_wait3A_289] : memref<2x8x4096xi32, #tpu.memory_space<vmem_shared>> -> memref<1x1x4096xi32, #tpu.memory_space<vmem_shared>>
      %dma_wait3A_291 = tpu.memref_squeeze %dma_wait3A_290 : memref<1x1x4096xi32, #tpu.memory_space<vmem_shared>> -> memref<4096xi32, #tpu.memory_space<vmem_shared>>
      %dma_wait3A_292 = arith.constant 0 : i32
      %dma_wait3A_293 = tpu.memref_slice %arg6[%dma_wait3A_285, %dma_wait3A_292] : memref<2x4096xi32, #tpu.memory_space<vmem>> -> memref<1x4096xi32, #tpu.memory_space<vmem>>
      %dma_wait3A_294 = tpu.memref_squeeze %dma_wait3A_293 : memref<1x4096xi32, #tpu.memory_space<vmem>> -> memref<4096xi32, #tpu.memory_space<vmem>>
      %dma_wait3A_295 = arith.constant 0 : i32
      %dma_wait3A_296 = tpu.memref_slice %arg8[%select_n3A_253, %dma_wait3A_284, %dma_wait3A_295] : memref<2x8x4096xi32, #tpu.memory_space<vmem_shared>> -> memref<1x1x4096xi32, #tpu.memory_space<vmem_shared>>
      %dma_wait3A_297 = tpu.memref_squeeze %dma_wait3A_296 : memref<1x1x4096xi32, #tpu.memory_space<vmem_shared>> -> memref<4096xi32, #tpu.memory_space<vmem_shared>>
      tpu.wait_dma2 semaphore(%arg9 : memref<!tpu.dma_semaphore, #tpu.memory_space<semaphore_mem>>) src(%dma_wait3A_297 : memref<4096xi32, #tpu.memory_space<vmem_shared>>) dst(%dma_wait3A_294 : memref<4096xi32, #tpu.memory_space<vmem>>)
      %ge3A = arith.constant 4 : i32
      %ge3A_298 = arith.cmpi sge, %add3A_283, %ge3A : i32
      %convert_element_type3A_299 = arith.extui %ge3A_298 : i1 to i32
      %cond3A_300 = arith.constant 0 : i32
      %cond3A_301 = arith.cmpi ne, %convert_element_type3A_299, %cond3A_300 : i32
      scf.if %cond3A_301 {
        %dma_wait3A_717 = arith.constant 0 : i32
        %dma_wait3A_718 = arith.constant 0 : i32
        %dma_wait3A_719 = arith.constant 0 : i32
        %dma_wait3A_720 = arith.constant 0 : i32
        %dma_wait3A_721 = arith.constant 0 : i32
        %dma_wait3A_722 = arith.constant 0 : i32
        %dma_wait3A_723 = tpu.memref_slice %arg7[%dma_wait3A_717, %dma_wait3A_721, %dma_wait3A_722] : memref<4x32x128xf32, #tpu.memory_space<vmem>> -> memref<1x32x128xf32, #tpu.memory_space<vmem>>
        %dma_wait3A_724 = tpu.memref_squeeze %dma_wait3A_723 : memref<1x32x128xf32, #tpu.memory_space<vmem>> -> memref<32x128xf32, #tpu.memory_space<vmem>>
        %dma_wait3A_725 = arith.constant 0 : i32
        %dma_wait3A_726 = arith.constant 0 : i32
        %dma_wait3A_727 = tpu.memref_slice %arg4[%dma_wait3A_718, %dma_wait3A_719, %dma_wait3A_725, %dma_wait3A_720, %dma_wait3A_726] : memref<200x8x32x8x128xf32, #tpu.memory_space<hbm>> -> memref<1x1x32x1x128xf32, #tpu.memory_space<hbm>>
        %dma_wait3A_728 = tpu.memref_squeeze %dma_wait3A_727 : memref<1x1x32x1x128xf32, #tpu.memory_space<hbm>> -> memref<32x128xf32, #tpu.memory_space<hbm>>
        %dma_wait3A_729 = arith.constant 0 : i32
        %dma_wait3A_730 = arith.constant 0 : i32
        %dma_wait3A_731 = tpu.memref_slice %arg4[%dma_wait3A_718, %dma_wait3A_719, %dma_wait3A_729, %dma_wait3A_720, %dma_wait3A_730] : memref<200x8x32x8x128xf32, #tpu.memory_space<hbm>> -> memref<1x1x32x1x128xf32, #tpu.memory_space<hbm>>
        %dma_wait3A_732 = tpu.memref_squeeze %dma_wait3A_731 : memref<1x1x32x1x128xf32, #tpu.memory_space<hbm>> -> memref<32x128xf32, #tpu.memory_space<hbm>>
        %dma_wait3A_733 = arith.constant 0 : i32
        %dma_wait3A_734 = arith.constant 0 : i32
        %dma_wait3A_735 = tpu.memref_slice %arg7[%dma_wait3A_717, %dma_wait3A_733, %dma_wait3A_734] : memref<4x32x128xf32, #tpu.memory_space<vmem>> -> memref<1x32x128xf32, #tpu.memory_space<vmem>>
        %dma_wait3A_736 = tpu.memref_squeeze %dma_wait3A_735 : memref<1x32x128xf32, #tpu.memory_space<vmem>> -> memref<32x128xf32, #tpu.memory_space<vmem>>
        tpu.wait_dma2 semaphore(%arg11 : memref<!tpu.dma_semaphore, #tpu.memory_space<semaphore_mem>>) src(%dma_wait3A_736 : memref<32x128xf32, #tpu.memory_space<vmem>>) dst(%dma_wait3A_732 : memref<32x128xf32, #tpu.memory_space<hbm>>)
      } else {
      }
      %parallel_loop3A = arith.constant 0 : i32
      %parallel_loop3A_302 = arith.constant 256 : i32
      %parallel_loop3A_303 = arith.constant 1 : i32
      scf.for %parallel_loop3A_717 = %parallel_loop3A to %parallel_loop3A_302 step %parallel_loop3A_303  : i32 {
        %parallel_loop3A_718 = arith.constant 16 : i32
        %parallel_loop3A_719 = arith.muli %parallel_loop3A_717, %parallel_loop3A_718 : i32
        %parallel_loop3A_720 = arith.constant 0 : i32
        %parallel_loop3A_721 = arith.index_cast %parallel_loop3A_720 : i32 to index
        %parallel_loop3A_722 = arith.index_cast %parallel_loop3A_719 : i32 to index
        %parallel_loop3A_723 = tpu.vector_load %arg6[%parallel_loop3A_721, %parallel_loop3A_722] {strides = array<i32>} : memref<2x4096xi32, #tpu.memory_space<vmem>>, vector<16xi32>,
        %parallel_loop3A_724 = tpu.vector_load_idx %arg5[%parallel_loop3A_723] : memref<100000xf32, #tpu.memory_space<vmem>>[vector<16xi32>], vector<16xf32>,
        %parallel_loop3A_725 = arith.constant 8 : i32
        %parallel_loop3A_726 = arith.divsi %parallel_loop3A_717, %parallel_loop3A_725 : i32
        %parallel_loop3A_727 = arith.constant 0 : i32
        %parallel_loop3A_728 = arith.cmpi sgt, %parallel_loop3A_717, %parallel_loop3A_727 : i32
        %parallel_loop3A_729 = arith.extui %parallel_loop3A_728 : i1 to i32
        %parallel_loop3A_730 = arith.constant 0 : i32
        %parallel_loop3A_731 = arith.cmpi slt, %parallel_loop3A_717, %parallel_loop3A_730 : i32
        %parallel_loop3A_732 = arith.extui %parallel_loop3A_731 : i1 to i32
        %parallel_loop3A_733 = arith.subi %parallel_loop3A_729, %parallel_loop3A_732 : i32
        %parallel_loop3A_734 = arith.constant 0 : i32
        %parallel_loop3A_735 = arith.cmpi sgt, %parallel_loop3A_725, %parallel_loop3A_734 : i32
        %parallel_loop3A_736 = arith.extui %parallel_loop3A_735 : i1 to i32
        %parallel_loop3A_737 = arith.constant 0 : i32
        %parallel_loop3A_738 = arith.cmpi slt, %parallel_loop3A_725, %parallel_loop3A_737 : i32
        %parallel_loop3A_739 = arith.extui %parallel_loop3A_738 : i1 to i32
        %parallel_loop3A_740 = arith.subi %parallel_loop3A_736, %parallel_loop3A_739 : i32
        %parallel_loop3A_741 = arith.cmpi ne, %parallel_loop3A_733, %parallel_loop3A_740 : i32
        %parallel_loop3A_742 = arith.remsi %parallel_loop3A_717, %parallel_loop3A_725 : i32
        %parallel_loop3A_743 = arith.constant 0 : i32
        %parallel_loop3A_744 = arith.cmpi ne, %parallel_loop3A_742, %parallel_loop3A_743 : i32
        %parallel_loop3A_745 = arith.andi %parallel_loop3A_741, %parallel_loop3A_744 : i1
        %parallel_loop3A_746 = arith.constant 1 : i32
        %parallel_loop3A_747 = arith.subi %parallel_loop3A_726, %parallel_loop3A_746 : i32
        %parallel_loop3A_748 = arith.select %parallel_loop3A_745, %parallel_loop3A_747, %parallel_loop3A_726 : i32
        %parallel_loop3A_749 = arith.constant 8 : i32
        %parallel_loop3A_750 = arith.constant 0 : i32
        %parallel_loop3A_751 = arith.cmpi eq, %parallel_loop3A_749, %parallel_loop3A_750 : i32
        %parallel_loop3A_752 = arith.constant 1 : i32
        %parallel_loop3A_753 = arith.select %parallel_loop3A_751, %parallel_loop3A_752, %parallel_loop3A_749 : i32
        %parallel_loop3A_754 = arith.remsi %parallel_loop3A_717, %parallel_loop3A_753 : i32
        %parallel_loop3A_755 = arith.constant 0 : i32
        %parallel_loop3A_756 = arith.cmpi ne, %parallel_loop3A_754, %parallel_loop3A_755 : i32
        %parallel_loop3A_757 = arith.constant 0 : i32
        %parallel_loop3A_758 = arith.cmpi slt, %parallel_loop3A_754, %parallel_loop3A_757 : i32
        %parallel_loop3A_759 = arith.constant 0 : i32
        %parallel_loop3A_760 = arith.cmpi slt, %parallel_loop3A_753, %parallel_loop3A_759 : i32
        %parallel_loop3A_761 = arith.xori %parallel_loop3A_758, %parallel_loop3A_760 : i1
        %parallel_loop3A_762 = arith.andi %parallel_loop3A_761, %parallel_loop3A_756 : i1
        %parallel_loop3A_763 = arith.addi %parallel_loop3A_754, %parallel_loop3A_753 : i32
        %parallel_loop3A_764 = arith.select %parallel_loop3A_762, %parallel_loop3A_763, %parallel_loop3A_754 : i32
        %parallel_loop3A_765 = arith.constant 16 : i32
        %parallel_loop3A_766 = arith.muli %parallel_loop3A_764, %parallel_loop3A_765 : i32
        %parallel_loop3A_767 = arith.constant 0 : i32
        %parallel_loop3A_768 = arith.index_cast %parallel_loop3A_767 : i32 to index
        %parallel_loop3A_769 = arith.index_cast %parallel_loop3A_748 : i32 to index
        %parallel_loop3A_770 = arith.index_cast %parallel_loop3A_766 : i32 to index
        %parallel_loop3A_771 = tpu.vector_load %arg7[%parallel_loop3A_768, %parallel_loop3A_769, %parallel_loop3A_770] {strides = array<i32>} : memref<4x32x128xf32, #tpu.memory_space<vmem>>, vector<16xf32>,
        tpu.vector_store %arg7[%parallel_loop3A_768, %parallel_loop3A_769, %parallel_loop3A_770], %parallel_loop3A_724 {strides = array<i32>} : memref<4x32x128xf32, #tpu.memory_space<vmem>>, vector<16xf32>,
      } {sc.loop_unroll_factor = 32 : i64, sc.parallel_access}
      %dma_start3A_304 = arith.constant 0 : i32
      %dma_start3A_305 = arith.constant 0 : i32
      %dma_start3A_306 = arith.constant 0 : i32
      %dma_start3A_307 = tpu.memref_slice %arg7[%dma_start3A_304, %dma_start3A_305, %dma_start3A_306] : memref<4x32x128xf32, #tpu.memory_space<vmem>> -> memref<1x32x128xf32, #tpu.memory_space<vmem>>
      %dma_start3A_308 = tpu.memref_squeeze %dma_start3A_307 : memref<1x32x128xf32, #tpu.memory_space<vmem>> -> memref<32x128xf32, #tpu.memory_space<vmem>>
      %dma_start3A_309 = arith.constant 0 : i32
      %dma_start3A_310 = arith.constant 0 : i32
      %dma_start3A_311 = tpu.memref_slice %arg4[%add3A_283, %select_n3A, %dma_start3A_309, %select_n3A_36, %dma_start3A_310] : memref<200x8x32x8x128xf32, #tpu.memory_space<hbm>> -> memref<1x1x32x1x128xf32, #tpu.memory_space<hbm>>
      %dma_start3A_312 = tpu.memref_squeeze %dma_start3A_311 : memref<1x1x32x1x128xf32, #tpu.memory_space<hbm>> -> memref<32x128xf32, #tpu.memory_space<hbm>>
      %dma_start3A_313 = arith.constant 0 : i32
      %dma_start3A_314 = arith.constant 0 : i32
      %dma_start3A_315 = tpu.memref_slice %arg4[%add3A_283, %select_n3A, %dma_start3A_313, %select_n3A_36, %dma_start3A_314] : memref<200x8x32x8x128xf32, #tpu.memory_space<hbm>> -> memref<1x1x32x1x128xf32, #tpu.memory_space<hbm>>
      %dma_start3A_316 = tpu.memref_squeeze %dma_start3A_315 : memref<1x1x32x1x128xf32, #tpu.memory_space<hbm>> -> memref<32x128xf32, #tpu.memory_space<hbm>>
      %dma_start3A_317 = arith.constant 0 : i32
      %dma_start3A_318 = arith.constant 0 : i32
      %dma_start3A_319 = tpu.memref_slice %arg7[%dma_start3A_304, %dma_start3A_317, %dma_start3A_318] : memref<4x32x128xf32, #tpu.memory_space<vmem>> -> memref<1x32x128xf32, #tpu.memory_space<vmem>>
      %dma_start3A_320 = tpu.memref_squeeze %dma_start3A_319 : memref<1x32x128xf32, #tpu.memory_space<vmem>> -> memref<32x128xf32, #tpu.memory_space<vmem>>
      tpu.enqueue_dma source(%dma_start3A_320 : memref<32x128xf32, #tpu.memory_space<vmem>>) target(%dma_start3A_316 : memref<32x128xf32, #tpu.memory_space<hbm>>) target_semaphore(%arg11 : memref<!tpu.dma_semaphore, #tpu.memory_space<semaphore_mem>>)
      %dma_start3A_321 = arith.constant 2 : i32
      %dma_start3A_322 = arith.constant 0 : i32
      %dma_start3A_323 = arith.constant 0 : i32
      %dma_start3A_324 = tpu.memref_slice %arg6[%dma_start3A_322, %dma_start3A_323] : memref<2x4096xi32, #tpu.memory_space<vmem>> -> memref<1x4096xi32, #tpu.memory_space<vmem>>
      %dma_start3A_325 = tpu.memref_squeeze %dma_start3A_324 : memref<1x4096xi32, #tpu.memory_space<vmem>> -> memref<4096xi32, #tpu.memory_space<vmem>>
      %dma_start3A_326 = arith.constant 0 : i32
      %dma_start3A_327 = tpu.memref_slice %arg8[%select_n3A_253, %dma_start3A_321, %dma_start3A_326] : memref<2x8x4096xi32, #tpu.memory_space<vmem_shared>> -> memref<1x1x4096xi32, #tpu.memory_space<vmem_shared>>
      %dma_start3A_328 = tpu.memref_squeeze %dma_start3A_327 : memref<1x1x4096xi32, #tpu.memory_space<vmem_shared>> -> memref<4096xi32, #tpu.memory_space<vmem_shared>>
      %dma_start3A_329 = arith.constant 0 : i32
      %dma_start3A_330 = tpu.memref_slice %arg6[%dma_start3A_322, %dma_start3A_329] : memref<2x4096xi32, #tpu.memory_space<vmem>> -> memref<1x4096xi32, #tpu.memory_space<vmem>>
      %dma_start3A_331 = tpu.memref_squeeze %dma_start3A_330 : memref<1x4096xi32, #tpu.memory_space<vmem>> -> memref<4096xi32, #tpu.memory_space<vmem>>
      %dma_start3A_332 = arith.constant 0 : i32
      %dma_start3A_333 = tpu.memref_slice %arg8[%select_n3A_253, %dma_start3A_321, %dma_start3A_332] : memref<2x8x4096xi32, #tpu.memory_space<vmem_shared>> -> memref<1x1x4096xi32, #tpu.memory_space<vmem_shared>>
      %dma_start3A_334 = tpu.memref_squeeze %dma_start3A_333 : memref<1x1x4096xi32, #tpu.memory_space<vmem_shared>> -> memref<4096xi32, #tpu.memory_space<vmem_shared>>
      tpu.enqueue_dma source(%dma_start3A_334 : memref<4096xi32, #tpu.memory_space<vmem_shared>>) target(%dma_start3A_331 : memref<4096xi32, #tpu.memory_space<vmem>>) target_semaphore(%arg9 : memref<!tpu.dma_semaphore, #tpu.memory_space<semaphore_mem>>)
      %mul3A_335 = arith.constant 8 : i32
      %mul3A_336 = arith.muli %add3A_237, %mul3A_335 : i32
      %add3A_337 = arith.constant 1 : i32
      %add3A_338 = arith.addi %mul3A_336, %add3A_337 : i32
      %dma_wait3A_339 = arith.constant 1 : i32
      %dma_wait3A_340 = arith.constant 1 : i32
      %dma_wait3A_341 = arith.constant 0 : i32
      %dma_wait3A_342 = tpu.memref_slice %arg6[%dma_wait3A_340, %dma_wait3A_341] : memref<2x4096xi32, #tpu.memory_space<vmem>> -> memref<1x4096xi32, #tpu.memory_space<vmem>>
      %dma_wait3A_343 = tpu.memref_squeeze %dma_wait3A_342 : memref<1x4096xi32, #tpu.memory_space<vmem>> -> memref<4096xi32, #tpu.memory_space<vmem>>
      %dma_wait3A_344 = arith.constant 0 : i32
      %dma_wait3A_345 = tpu.memref_slice %arg8[%select_n3A_253, %dma_wait3A_339, %dma_wait3A_344] : memref<2x8x4096xi32, #tpu.memory_space<vmem_shared>> -> memref<1x1x4096xi32, #tpu.memory_space<vmem_shared>>
      %dma_wait3A_346 = tpu.memref_squeeze %dma_wait3A_345 : memref<1x1x4096xi32, #tpu.memory_space<vmem_shared>> -> memref<4096xi32, #tpu.memory_space<vmem_shared>>
      %dma_wait3A_347 = arith.constant 0 : i32
      %dma_wait3A_348 = tpu.memref_slice %arg6[%dma_wait3A_340, %dma_wait3A_347] : memref<2x4096xi32, #tpu.memory_space<vmem>> -> memref<1x4096xi32, #tpu.memory_space<vmem>>
      %dma_wait3A_349 = tpu.memref_squeeze %dma_wait3A_348 : memref<1x4096xi32, #tpu.memory_space<vmem>> -> memref<4096xi32, #tpu.memory_space<vmem>>
      %dma_wait3A_350 = arith.constant 0 : i32
      %dma_wait3A_351 = tpu.memref_slice %arg8[%select_n3A_253, %dma_wait3A_339, %dma_wait3A_350] : memref<2x8x4096xi32, #tpu.memory_space<vmem_shared>> -> memref<1x1x4096xi32, #tpu.memory_space<vmem_shared>>
      %dma_wait3A_352 = tpu.memref_squeeze %dma_wait3A_351 : memref<1x1x4096xi32, #tpu.memory_space<vmem_shared>> -> memref<4096xi32, #tpu.memory_space<vmem_shared>>
      tpu.wait_dma2 semaphore(%arg10 : memref<!tpu.dma_semaphore, #tpu.memory_space<semaphore_mem>>) src(%dma_wait3A_352 : memref<4096xi32, #tpu.memory_space<vmem_shared>>) dst(%dma_wait3A_349 : memref<4096xi32, #tpu.memory_space<vmem>>)
      %ge3A_353 = arith.constant 4 : i32
      %ge3A_354 = arith.cmpi sge, %add3A_338, %ge3A_353 : i32
      %convert_element_type3A_355 = arith.extui %ge3A_354 : i1 to i32
      %cond3A_356 = arith.constant 0 : i32
      %cond3A_357 = arith.cmpi ne, %convert_element_type3A_355, %cond3A_356 : i32
      scf.if %cond3A_357 {
        %dma_wait3A_717 = arith.constant 1 : i32
        %dma_wait3A_718 = arith.constant 0 : i32
        %dma_wait3A_719 = arith.constant 0 : i32
        %dma_wait3A_720 = arith.constant 0 : i32
        %dma_wait3A_721 = arith.constant 0 : i32
        %dma_wait3A_722 = arith.constant 0 : i32
        %dma_wait3A_723 = tpu.memref_slice %arg7[%dma_wait3A_717, %dma_wait3A_721, %dma_wait3A_722] : memref<4x32x128xf32, #tpu.memory_space<vmem>> -> memref<1x32x128xf32, #tpu.memory_space<vmem>>
        %dma_wait3A_724 = tpu.memref_squeeze %dma_wait3A_723 : memref<1x32x128xf32, #tpu.memory_space<vmem>> -> memref<32x128xf32, #tpu.memory_space<vmem>>
        %dma_wait3A_725 = arith.constant 0 : i32
        %dma_wait3A_726 = arith.constant 0 : i32
        %dma_wait3A_727 = tpu.memref_slice %arg4[%dma_wait3A_718, %dma_wait3A_719, %dma_wait3A_725, %dma_wait3A_720, %dma_wait3A_726] : memref<200x8x32x8x128xf32, #tpu.memory_space<hbm>> -> memref<1x1x32x1x128xf32, #tpu.memory_space<hbm>>
        %dma_wait3A_728 = tpu.memref_squeeze %dma_wait3A_727 : memref<1x1x32x1x128xf32, #tpu.memory_space<hbm>> -> memref<32x128xf32, #tpu.memory_space<hbm>>
        %dma_wait3A_729 = arith.constant 0 : i32
        %dma_wait3A_730 = arith.constant 0 : i32
        %dma_wait3A_731 = tpu.memref_slice %arg4[%dma_wait3A_718, %dma_wait3A_719, %dma_wait3A_729, %dma_wait3A_720, %dma_wait3A_730] : memref<200x8x32x8x128xf32, #tpu.memory_space<hbm>> -> memref<1x1x32x1x128xf32, #tpu.memory_space<hbm>>
        %dma_wait3A_732 = tpu.memref_squeeze %dma_wait3A_731 : memref<1x1x32x1x128xf32, #tpu.memory_space<hbm>> -> memref<32x128xf32, #tpu.memory_space<hbm>>
        %dma_wait3A_733 = arith.constant 0 : i32
        %dma_wait3A_734 = arith.constant 0 : i32
        %dma_wait3A_735 = tpu.memref_slice %arg7[%dma_wait3A_717, %dma_wait3A_733, %dma_wait3A_734] : memref<4x32x128xf32, #tpu.memory_space<vmem>> -> memref<1x32x128xf32, #tpu.memory_space<vmem>>
        %dma_wait3A_736 = tpu.memref_squeeze %dma_wait3A_735 : memref<1x32x128xf32, #tpu.memory_space<vmem>> -> memref<32x128xf32, #tpu.memory_space<vmem>>
        tpu.wait_dma2 semaphore(%arg12 : memref<!tpu.dma_semaphore, #tpu.memory_space<semaphore_mem>>) src(%dma_wait3A_736 : memref<32x128xf32, #tpu.memory_space<vmem>>) dst(%dma_wait3A_732 : memref<32x128xf32, #tpu.memory_space<hbm>>)
      } else {
      }
      %parallel_loop3A_358 = arith.constant 0 : i32
      %parallel_loop3A_359 = arith.constant 256 : i32
      %parallel_loop3A_360 = arith.constant 1 : i32
      scf.for %parallel_loop3A_717 = %parallel_loop3A_358 to %parallel_loop3A_359 step %parallel_loop3A_360  : i32 {
        %parallel_loop3A_718 = arith.constant 16 : i32
        %parallel_loop3A_719 = arith.muli %parallel_loop3A_717, %parallel_loop3A_718 : i32
        %parallel_loop3A_720 = arith.constant 1 : i32
        %parallel_loop3A_721 = arith.index_cast %parallel_loop3A_720 : i32 to index
        %parallel_loop3A_722 = arith.index_cast %parallel_loop3A_719 : i32 to index
        %parallel_loop3A_723 = tpu.vector_load %arg6[%parallel_loop3A_721, %parallel_loop3A_722] {strides = array<i32>} : memref<2x4096xi32, #tpu.memory_space<vmem>>, vector<16xi32>,
        %parallel_loop3A_724 = tpu.vector_load_idx %arg5[%parallel_loop3A_723] : memref<100000xf32, #tpu.memory_space<vmem>>[vector<16xi32>], vector<16xf32>,
        %parallel_loop3A_725 = arith.constant 8 : i32
        %parallel_loop3A_726 = arith.divsi %parallel_loop3A_717, %parallel_loop3A_725 : i32
        %parallel_loop3A_727 = arith.constant 0 : i32
        %parallel_loop3A_728 = arith.cmpi sgt, %parallel_loop3A_717, %parallel_loop3A_727 : i32
        %parallel_loop3A_729 = arith.extui %parallel_loop3A_728 : i1 to i32
        %parallel_loop3A_730 = arith.constant 0 : i32
        %parallel_loop3A_731 = arith.cmpi slt, %parallel_loop3A_717, %parallel_loop3A_730 : i32
        %parallel_loop3A_732 = arith.extui %parallel_loop3A_731 : i1 to i32
        %parallel_loop3A_733 = arith.subi %parallel_loop3A_729, %parallel_loop3A_732 : i32
        %parallel_loop3A_734 = arith.constant 0 : i32
        %parallel_loop3A_735 = arith.cmpi sgt, %parallel_loop3A_725, %parallel_loop3A_734 : i32
        %parallel_loop3A_736 = arith.extui %parallel_loop3A_735 : i1 to i32
        %parallel_loop3A_737 = arith.constant 0 : i32
        %parallel_loop3A_738 = arith.cmpi slt, %parallel_loop3A_725, %parallel_loop3A_737 : i32
        %parallel_loop3A_739 = arith.extui %parallel_loop3A_738 : i1 to i32
        %parallel_loop3A_740 = arith.subi %parallel_loop3A_736, %parallel_loop3A_739 : i32
        %parallel_loop3A_741 = arith.cmpi ne, %parallel_loop3A_733, %parallel_loop3A_740 : i32
        %parallel_loop3A_742 = arith.remsi %parallel_loop3A_717, %parallel_loop3A_725 : i32
        %parallel_loop3A_743 = arith.constant 0 : i32
        %parallel_loop3A_744 = arith.cmpi ne, %parallel_loop3A_742, %parallel_loop3A_743 : i32
        %parallel_loop3A_745 = arith.andi %parallel_loop3A_741, %parallel_loop3A_744 : i1
        %parallel_loop3A_746 = arith.constant 1 : i32
        %parallel_loop3A_747 = arith.subi %parallel_loop3A_726, %parallel_loop3A_746 : i32
        %parallel_loop3A_748 = arith.select %parallel_loop3A_745, %parallel_loop3A_747, %parallel_loop3A_726 : i32
        %parallel_loop3A_749 = arith.constant 8 : i32
        %parallel_loop3A_750 = arith.constant 0 : i32
        %parallel_loop3A_751 = arith.cmpi eq, %parallel_loop3A_749, %parallel_loop3A_750 : i32
        %parallel_loop3A_752 = arith.constant 1 : i32
        %parallel_loop3A_753 = arith.select %parallel_loop3A_751, %parallel_loop3A_752, %parallel_loop3A_749 : i32
        %parallel_loop3A_754 = arith.remsi %parallel_loop3A_717, %parallel_loop3A_753 : i32
        %parallel_loop3A_755 = arith.constant 0 : i32
        %parallel_loop3A_756 = arith.cmpi ne, %parallel_loop3A_754, %parallel_loop3A_755 : i32
        %parallel_loop3A_757 = arith.constant 0 : i32
        %parallel_loop3A_758 = arith.cmpi slt, %parallel_loop3A_754, %parallel_loop3A_757 : i32
        %parallel_loop3A_759 = arith.constant 0 : i32
        %parallel_loop3A_760 = arith.cmpi slt, %parallel_loop3A_753, %parallel_loop3A_759 : i32
        %parallel_loop3A_761 = arith.xori %parallel_loop3A_758, %parallel_loop3A_760 : i1
        %parallel_loop3A_762 = arith.andi %parallel_loop3A_761, %parallel_loop3A_756 : i1
        %parallel_loop3A_763 = arith.addi %parallel_loop3A_754, %parallel_loop3A_753 : i32
        %parallel_loop3A_764 = arith.select %parallel_loop3A_762, %parallel_loop3A_763, %parallel_loop3A_754 : i32
        %parallel_loop3A_765 = arith.constant 16 : i32
        %parallel_loop3A_766 = arith.muli %parallel_loop3A_764, %parallel_loop3A_765 : i32
        %parallel_loop3A_767 = arith.constant 1 : i32
        %parallel_loop3A_768 = arith.index_cast %parallel_loop3A_767 : i32 to index
        %parallel_loop3A_769 = arith.index_cast %parallel_loop3A_748 : i32 to index
        %parallel_loop3A_770 = arith.index_cast %parallel_loop3A_766 : i32 to index
        %parallel_loop3A_771 = tpu.vector_load %arg7[%parallel_loop3A_768, %parallel_loop3A_769, %parallel_loop3A_770] {strides = array<i32>} : memref<4x32x128xf32, #tpu.memory_space<vmem>>, vector<16xf32>,
        tpu.vector_store %arg7[%parallel_loop3A_768, %parallel_loop3A_769, %parallel_loop3A_770], %parallel_loop3A_724 {strides = array<i32>} : memref<4x32x128xf32, #tpu.memory_space<vmem>>, vector<16xf32>,
      } {sc.loop_unroll_factor = 32 : i64, sc.parallel_access}
      %dma_start3A_361 = arith.constant 1 : i32
      %dma_start3A_362 = arith.constant 0 : i32
      %dma_start3A_363 = arith.constant 0 : i32
      %dma_start3A_364 = tpu.memref_slice %arg7[%dma_start3A_361, %dma_start3A_362, %dma_start3A_363] : memref<4x32x128xf32, #tpu.memory_space<vmem>> -> memref<1x32x128xf32, #tpu.memory_space<vmem>>
      %dma_start3A_365 = tpu.memref_squeeze %dma_start3A_364 : memref<1x32x128xf32, #tpu.memory_space<vmem>> -> memref<32x128xf32, #tpu.memory_space<vmem>>
      %dma_start3A_366 = arith.constant 0 : i32
      %dma_start3A_367 = arith.constant 0 : i32
      %dma_start3A_368 = tpu.memref_slice %arg4[%add3A_338, %select_n3A, %dma_start3A_366, %select_n3A_36, %dma_start3A_367] : memref<200x8x32x8x128xf32, #tpu.memory_space<hbm>> -> memref<1x1x32x1x128xf32, #tpu.memory_space<hbm>>
      %dma_start3A_369 = tpu.memref_squeeze %dma_start3A_368 : memref<1x1x32x1x128xf32, #tpu.memory_space<hbm>> -> memref<32x128xf32, #tpu.memory_space<hbm>>
      %dma_start3A_370 = arith.constant 0 : i32
      %dma_start3A_371 = arith.constant 0 : i32
      %dma_start3A_372 = tpu.memref_slice %arg4[%add3A_338, %select_n3A, %dma_start3A_370, %select_n3A_36, %dma_start3A_371] : memref<200x8x32x8x128xf32, #tpu.memory_space<hbm>> -> memref<1x1x32x1x128xf32, #tpu.memory_space<hbm>>
      %dma_start3A_373 = tpu.memref_squeeze %dma_start3A_372 : memref<1x1x32x1x128xf32, #tpu.memory_space<hbm>> -> memref<32x128xf32, #tpu.memory_space<hbm>>
      %dma_start3A_374 = arith.constant 0 : i32
      %dma_start3A_375 = arith.constant 0 : i32
      %dma_start3A_376 = tpu.memref_slice %arg7[%dma_start3A_361, %dma_start3A_374, %dma_start3A_375] : memref<4x32x128xf32, #tpu.memory_space<vmem>> -> memref<1x32x128xf32, #tpu.memory_space<vmem>>
      %dma_start3A_377 = tpu.memref_squeeze %dma_start3A_376 : memref<1x32x128xf32, #tpu.memory_space<vmem>> -> memref<32x128xf32, #tpu.memory_space<vmem>>
      tpu.enqueue_dma source(%dma_start3A_377 : memref<32x128xf32, #tpu.memory_space<vmem>>) target(%dma_start3A_373 : memref<32x128xf32, #tpu.memory_space<hbm>>) target_semaphore(%arg12 : memref<!tpu.dma_semaphore, #tpu.memory_space<semaphore_mem>>)
      %dma_start3A_378 = arith.constant 3 : i32
      %dma_start3A_379 = arith.constant 1 : i32
      %dma_start3A_380 = arith.constant 0 : i32
      %dma_start3A_381 = tpu.memref_slice %arg6[%dma_start3A_379, %dma_start3A_380] : memref<2x4096xi32, #tpu.memory_space<vmem>> -> memref<1x4096xi32, #tpu.memory_space<vmem>>
      %dma_start3A_382 = tpu.memref_squeeze %dma_start3A_381 : memref<1x4096xi32, #tpu.memory_space<vmem>> -> memref<4096xi32, #tpu.memory_space<vmem>>
      %dma_start3A_383 = arith.constant 0 : i32
      %dma_start3A_384 = tpu.memref_slice %arg8[%select_n3A_253, %dma_start3A_378, %dma_start3A_383] : memref<2x8x4096xi32, #tpu.memory_space<vmem_shared>> -> memref<1x1x4096xi32, #tpu.memory_space<vmem_shared>>
      %dma_start3A_385 = tpu.memref_squeeze %dma_start3A_384 : memref<1x1x4096xi32, #tpu.memory_space<vmem_shared>> -> memref<4096xi32, #tpu.memory_space<vmem_shared>>
      %dma_start3A_386 = arith.constant 0 : i32
      %dma_start3A_387 = tpu.memref_slice %arg6[%dma_start3A_379, %dma_start3A_386] : memref<2x4096xi32, #tpu.memory_space<vmem>> -> memref<1x4096xi32, #tpu.memory_space<vmem>>
      %dma_start3A_388 = tpu.memref_squeeze %dma_start3A_387 : memref<1x4096xi32, #tpu.memory_space<vmem>> -> memref<4096xi32, #tpu.memory_space<vmem>>
      %dma_start3A_389 = arith.constant 0 : i32
      %dma_start3A_390 = tpu.memref_slice %arg8[%select_n3A_253, %dma_start3A_378, %dma_start3A_389] : memref<2x8x4096xi32, #tpu.memory_space<vmem_shared>> -> memref<1x1x4096xi32, #tpu.memory_space<vmem_shared>>
      %dma_start3A_391 = tpu.memref_squeeze %dma_start3A_390 : memref<1x1x4096xi32, #tpu.memory_space<vmem_shared>> -> memref<4096xi32, #tpu.memory_space<vmem_shared>>
      tpu.enqueue_dma source(%dma_start3A_391 : memref<4096xi32, #tpu.memory_space<vmem_shared>>) target(%dma_start3A_388 : memref<4096xi32, #tpu.memory_space<vmem>>) target_semaphore(%arg10 : memref<!tpu.dma_semaphore, #tpu.memory_space<semaphore_mem>>)
      %mul3A_392 = arith.constant 8 : i32
      %mul3A_393 = arith.muli %add3A_237, %mul3A_392 : i32
      %add3A_394 = arith.constant 2 : i32
      %add3A_395 = arith.addi %mul3A_393, %add3A_394 : i32
      %dma_wait3A_396 = arith.constant 2 : i32
      %dma_wait3A_397 = arith.constant 0 : i32
      %dma_wait3A_398 = arith.constant 0 : i32
      %dma_wait3A_399 = tpu.memref_slice %arg6[%dma_wait3A_397, %dma_wait3A_398] : memref<2x4096xi32, #tpu.memory_space<vmem>> -> memref<1x4096xi32, #tpu.memory_space<vmem>>
      %dma_wait3A_400 = tpu.memref_squeeze %dma_wait3A_399 : memref<1x4096xi32, #tpu.memory_space<vmem>> -> memref<4096xi32, #tpu.memory_space<vmem>>
      %dma_wait3A_401 = arith.constant 0 : i32
      %dma_wait3A_402 = tpu.memref_slice %arg8[%select_n3A_253, %dma_wait3A_396, %dma_wait3A_401] : memref<2x8x4096xi32, #tpu.memory_space<vmem_shared>> -> memref<1x1x4096xi32, #tpu.memory_space<vmem_shared>>
      %dma_wait3A_403 = tpu.memref_squeeze %dma_wait3A_402 : memref<1x1x4096xi32, #tpu.memory_space<vmem_shared>> -> memref<4096xi32, #tpu.memory_space<vmem_shared>>
      %dma_wait3A_404 = arith.constant 0 : i32
      %dma_wait3A_405 = tpu.memref_slice %arg6[%dma_wait3A_397, %dma_wait3A_404] : memref<2x4096xi32, #tpu.memory_space<vmem>> -> memref<1x4096xi32, #tpu.memory_space<vmem>>
      %dma_wait3A_406 = tpu.memref_squeeze %dma_wait3A_405 : memref<1x4096xi32, #tpu.memory_space<vmem>> -> memref<4096xi32, #tpu.memory_space<vmem>>
      %dma_wait3A_407 = arith.constant 0 : i32
      %dma_wait3A_408 = tpu.memref_slice %arg8[%select_n3A_253, %dma_wait3A_396, %dma_wait3A_407] : memref<2x8x4096xi32, #tpu.memory_space<vmem_shared>> -> memref<1x1x4096xi32, #tpu.memory_space<vmem_shared>>
      %dma_wait3A_409 = tpu.memref_squeeze %dma_wait3A_408 : memref<1x1x4096xi32, #tpu.memory_space<vmem_shared>> -> memref<4096xi32, #tpu.memory_space<vmem_shared>>
      tpu.wait_dma2 semaphore(%arg9 : memref<!tpu.dma_semaphore, #tpu.memory_space<semaphore_mem>>) src(%dma_wait3A_409 : memref<4096xi32, #tpu.memory_space<vmem_shared>>) dst(%dma_wait3A_406 : memref<4096xi32, #tpu.memory_space<vmem>>)
      %ge3A_410 = arith.constant 4 : i32
      %ge3A_411 = arith.cmpi sge, %add3A_395, %ge3A_410 : i32
      %convert_element_type3A_412 = arith.extui %ge3A_411 : i1 to i32
      %cond3A_413 = arith.constant 0 : i32
      %cond3A_414 = arith.cmpi ne, %convert_element_type3A_412, %cond3A_413 : i32
      scf.if %cond3A_414 {
        %dma_wait3A_717 = arith.constant 2 : i32
        %dma_wait3A_718 = arith.constant 0 : i32
        %dma_wait3A_719 = arith.constant 0 : i32
        %dma_wait3A_720 = arith.constant 0 : i32
        %dma_wait3A_721 = arith.constant 0 : i32
        %dma_wait3A_722 = arith.constant 0 : i32
        %dma_wait3A_723 = tpu.memref_slice %arg7[%dma_wait3A_717, %dma_wait3A_721, %dma_wait3A_722] : memref<4x32x128xf32, #tpu.memory_space<vmem>> -> memref<1x32x128xf32, #tpu.memory_space<vmem>>
        %dma_wait3A_724 = tpu.memref_squeeze %dma_wait3A_723 : memref<1x32x128xf32, #tpu.memory_space<vmem>> -> memref<32x128xf32, #tpu.memory_space<vmem>>
        %dma_wait3A_725 = arith.constant 0 : i32
        %dma_wait3A_726 = arith.constant 0 : i32
        %dma_wait3A_727 = tpu.memref_slice %arg4[%dma_wait3A_718, %dma_wait3A_719, %dma_wait3A_725, %dma_wait3A_720, %dma_wait3A_726] : memref<200x8x32x8x128xf32, #tpu.memory_space<hbm>> -> memref<1x1x32x1x128xf32, #tpu.memory_space<hbm>>
        %dma_wait3A_728 = tpu.memref_squeeze %dma_wait3A_727 : memref<1x1x32x1x128xf32, #tpu.memory_space<hbm>> -> memref<32x128xf32, #tpu.memory_space<hbm>>
        %dma_wait3A_729 = arith.constant 0 : i32
        %dma_wait3A_730 = arith.constant 0 : i32
        %dma_wait3A_731 = tpu.memref_slice %arg4[%dma_wait3A_718, %dma_wait3A_719, %dma_wait3A_729, %dma_wait3A_720, %dma_wait3A_730] : memref<200x8x32x8x128xf32, #tpu.memory_space<hbm>> -> memref<1x1x32x1x128xf32, #tpu.memory_space<hbm>>
        %dma_wait3A_732 = tpu.memref_squeeze %dma_wait3A_731 : memref<1x1x32x1x128xf32, #tpu.memory_space<hbm>> -> memref<32x128xf32, #tpu.memory_space<hbm>>
        %dma_wait3A_733 = arith.constant 0 : i32
        %dma_wait3A_734 = arith.constant 0 : i32
        %dma_wait3A_735 = tpu.memref_slice %arg7[%dma_wait3A_717, %dma_wait3A_733, %dma_wait3A_734] : memref<4x32x128xf32, #tpu.memory_space<vmem>> -> memref<1x32x128xf32, #tpu.memory_space<vmem>>
        %dma_wait3A_736 = tpu.memref_squeeze %dma_wait3A_735 : memref<1x32x128xf32, #tpu.memory_space<vmem>> -> memref<32x128xf32, #tpu.memory_space<vmem>>
        tpu.wait_dma2 semaphore(%arg13 : memref<!tpu.dma_semaphore, #tpu.memory_space<semaphore_mem>>) src(%dma_wait3A_736 : memref<32x128xf32, #tpu.memory_space<vmem>>) dst(%dma_wait3A_732 : memref<32x128xf32, #tpu.memory_space<hbm>>)
      } else {
      }
      %parallel_loop3A_415 = arith.constant 0 : i32
      %parallel_loop3A_416 = arith.constant 256 : i32
      %parallel_loop3A_417 = arith.constant 1 : i32
      scf.for %parallel_loop3A_717 = %parallel_loop3A_415 to %parallel_loop3A_416 step %parallel_loop3A_417  : i32 {
        %parallel_loop3A_718 = arith.constant 16 : i32
        %parallel_loop3A_719 = arith.muli %parallel_loop3A_717, %parallel_loop3A_718 : i32
        %parallel_loop3A_720 = arith.constant 0 : i32
        %parallel_loop3A_721 = arith.index_cast %parallel_loop3A_720 : i32 to index
        %parallel_loop3A_722 = arith.index_cast %parallel_loop3A_719 : i32 to index
        %parallel_loop3A_723 = tpu.vector_load %arg6[%parallel_loop3A_721, %parallel_loop3A_722] {strides = array<i32>} : memref<2x4096xi32, #tpu.memory_space<vmem>>, vector<16xi32>,
        %parallel_loop3A_724 = tpu.vector_load_idx %arg5[%parallel_loop3A_723] : memref<100000xf32, #tpu.memory_space<vmem>>[vector<16xi32>], vector<16xf32>,
        %parallel_loop3A_725 = arith.constant 8 : i32
        %parallel_loop3A_726 = arith.divsi %parallel_loop3A_717, %parallel_loop3A_725 : i32
        %parallel_loop3A_727 = arith.constant 0 : i32
        %parallel_loop3A_728 = arith.cmpi sgt, %parallel_loop3A_717, %parallel_loop3A_727 : i32
        %parallel_loop3A_729 = arith.extui %parallel_loop3A_728 : i1 to i32
        %parallel_loop3A_730 = arith.constant 0 : i32
        %parallel_loop3A_731 = arith.cmpi slt, %parallel_loop3A_717, %parallel_loop3A_730 : i32
        %parallel_loop3A_732 = arith.extui %parallel_loop3A_731 : i1 to i32
        %parallel_loop3A_733 = arith.subi %parallel_loop3A_729, %parallel_loop3A_732 : i32
        %parallel_loop3A_734 = arith.constant 0 : i32
        %parallel_loop3A_735 = arith.cmpi sgt, %parallel_loop3A_725, %parallel_loop3A_734 : i32
        %parallel_loop3A_736 = arith.extui %parallel_loop3A_735 : i1 to i32
        %parallel_loop3A_737 = arith.constant 0 : i32
        %parallel_loop3A_738 = arith.cmpi slt, %parallel_loop3A_725, %parallel_loop3A_737 : i32
        %parallel_loop3A_739 = arith.extui %parallel_loop3A_738 : i1 to i32
        %parallel_loop3A_740 = arith.subi %parallel_loop3A_736, %parallel_loop3A_739 : i32
        %parallel_loop3A_741 = arith.cmpi ne, %parallel_loop3A_733, %parallel_loop3A_740 : i32
        %parallel_loop3A_742 = arith.remsi %parallel_loop3A_717, %parallel_loop3A_725 : i32
        %parallel_loop3A_743 = arith.constant 0 : i32
        %parallel_loop3A_744 = arith.cmpi ne, %parallel_loop3A_742, %parallel_loop3A_743 : i32
        %parallel_loop3A_745 = arith.andi %parallel_loop3A_741, %parallel_loop3A_744 : i1
        %parallel_loop3A_746 = arith.constant 1 : i32
        %parallel_loop3A_747 = arith.subi %parallel_loop3A_726, %parallel_loop3A_746 : i32
        %parallel_loop3A_748 = arith.select %parallel_loop3A_745, %parallel_loop3A_747, %parallel_loop3A_726 : i32
        %parallel_loop3A_749 = arith.constant 8 : i32
        %parallel_loop3A_750 = arith.constant 0 : i32
        %parallel_loop3A_751 = arith.cmpi eq, %parallel_loop3A_749, %parallel_loop3A_750 : i32
        %parallel_loop3A_752 = arith.constant 1 : i32
        %parallel_loop3A_753 = arith.select %parallel_loop3A_751, %parallel_loop3A_752, %parallel_loop3A_749 : i32
        %parallel_loop3A_754 = arith.remsi %parallel_loop3A_717, %parallel_loop3A_753 : i32
        %parallel_loop3A_755 = arith.constant 0 : i32
        %parallel_loop3A_756 = arith.cmpi ne, %parallel_loop3A_754, %parallel_loop3A_755 : i32
        %parallel_loop3A_757 = arith.constant 0 : i32
        %parallel_loop3A_758 = arith.cmpi slt, %parallel_loop3A_754, %parallel_loop3A_757 : i32
        %parallel_loop3A_759 = arith.constant 0 : i32
        %parallel_loop3A_760 = arith.cmpi slt, %parallel_loop3A_753, %parallel_loop3A_759 : i32
        %parallel_loop3A_761 = arith.xori %parallel_loop3A_758, %parallel_loop3A_760 : i1
        %parallel_loop3A_762 = arith.andi %parallel_loop3A_761, %parallel_loop3A_756 : i1
        %parallel_loop3A_763 = arith.addi %parallel_loop3A_754, %parallel_loop3A_753 : i32
        %parallel_loop3A_764 = arith.select %parallel_loop3A_762, %parallel_loop3A_763, %parallel_loop3A_754 : i32
        %parallel_loop3A_765 = arith.constant 16 : i32
        %parallel_loop3A_766 = arith.muli %parallel_loop3A_764, %parallel_loop3A_765 : i32
        %parallel_loop3A_767 = arith.constant 2 : i32
        %parallel_loop3A_768 = arith.index_cast %parallel_loop3A_767 : i32 to index
        %parallel_loop3A_769 = arith.index_cast %parallel_loop3A_748 : i32 to index
        %parallel_loop3A_770 = arith.index_cast %parallel_loop3A_766 : i32 to index
        %parallel_loop3A_771 = tpu.vector_load %arg7[%parallel_loop3A_768, %parallel_loop3A_769, %parallel_loop3A_770] {strides = array<i32>} : memref<4x32x128xf32, #tpu.memory_space<vmem>>, vector<16xf32>,
        tpu.vector_store %arg7[%parallel_loop3A_768, %parallel_loop3A_769, %parallel_loop3A_770], %parallel_loop3A_724 {strides = array<i32>} : memref<4x32x128xf32, #tpu.memory_space<vmem>>, vector<16xf32>,
      } {sc.loop_unroll_factor = 32 : i64, sc.parallel_access}
      %dma_start3A_418 = arith.constant 2 : i32
      %dma_start3A_419 = arith.constant 0 : i32
      %dma_start3A_420 = arith.constant 0 : i32
      %dma_start3A_421 = tpu.memref_slice %arg7[%dma_start3A_418, %dma_start3A_419, %dma_start3A_420] : memref<4x32x128xf32, #tpu.memory_space<vmem>> -> memref<1x32x128xf32, #tpu.memory_space<vmem>>
      %dma_start3A_422 = tpu.memref_squeeze %dma_start3A_421 : memref<1x32x128xf32, #tpu.memory_space<vmem>> -> memref<32x128xf32, #tpu.memory_space<vmem>>
      %dma_start3A_423 = arith.constant 0 : i32
      %dma_start3A_424 = arith.constant 0 : i32
      %dma_start3A_425 = tpu.memref_slice %arg4[%add3A_395, %select_n3A, %dma_start3A_423, %select_n3A_36, %dma_start3A_424] : memref<200x8x32x8x128xf32, #tpu.memory_space<hbm>> -> memref<1x1x32x1x128xf32, #tpu.memory_space<hbm>>
      %dma_start3A_426 = tpu.memref_squeeze %dma_start3A_425 : memref<1x1x32x1x128xf32, #tpu.memory_space<hbm>> -> memref<32x128xf32, #tpu.memory_space<hbm>>
      %dma_start3A_427 = arith.constant 0 : i32
      %dma_start3A_428 = arith.constant 0 : i32
      %dma_start3A_429 = tpu.memref_slice %arg4[%add3A_395, %select_n3A, %dma_start3A_427, %select_n3A_36, %dma_start3A_428] : memref<200x8x32x8x128xf32, #tpu.memory_space<hbm>> -> memref<1x1x32x1x128xf32, #tpu.memory_space<hbm>>
      %dma_start3A_430 = tpu.memref_squeeze %dma_start3A_429 : memref<1x1x32x1x128xf32, #tpu.memory_space<hbm>> -> memref<32x128xf32, #tpu.memory_space<hbm>>
      %dma_start3A_431 = arith.constant 0 : i32
      %dma_start3A_432 = arith.constant 0 : i32
      %dma_start3A_433 = tpu.memref_slice %arg7[%dma_start3A_418, %dma_start3A_431, %dma_start3A_432] : memref<4x32x128xf32, #tpu.memory_space<vmem>> -> memref<1x32x128xf32, #tpu.memory_space<vmem>>
      %dma_start3A_434 = tpu.memref_squeeze %dma_start3A_433 : memref<1x32x128xf32, #tpu.memory_space<vmem>> -> memref<32x128xf32, #tpu.memory_space<vmem>>
      tpu.enqueue_dma source(%dma_start3A_434 : memref<32x128xf32, #tpu.memory_space<vmem>>) target(%dma_start3A_430 : memref<32x128xf32, #tpu.memory_space<hbm>>) target_semaphore(%arg13 : memref<!tpu.dma_semaphore, #tpu.memory_space<semaphore_mem>>)
      %dma_start3A_435 = arith.constant 4 : i32
      %dma_start3A_436 = arith.constant 0 : i32
      %dma_start3A_437 = arith.constant 0 : i32
      %dma_start3A_438 = tpu.memref_slice %arg6[%dma_start3A_436, %dma_start3A_437] : memref<2x4096xi32, #tpu.memory_space<vmem>> -> memref<1x4096xi32, #tpu.memory_space<vmem>>
      %dma_start3A_439 = tpu.memref_squeeze %dma_start3A_438 : memref<1x4096xi32, #tpu.memory_space<vmem>> -> memref<4096xi32, #tpu.memory_space<vmem>>
      %dma_start3A_440 = arith.constant 0 : i32
      %dma_start3A_441 = tpu.memref_slice %arg8[%select_n3A_253, %dma_start3A_435, %dma_start3A_440] : memref<2x8x4096xi32, #tpu.memory_space<vmem_shared>> -> memref<1x1x4096xi32, #tpu.memory_space<vmem_shared>>
      %dma_start3A_442 = tpu.memref_squeeze %dma_start3A_441 : memref<1x1x4096xi32, #tpu.memory_space<vmem_shared>> -> memref<4096xi32, #tpu.memory_space<vmem_shared>>
      %dma_start3A_443 = arith.constant 0 : i32
      %dma_start3A_444 = tpu.memref_slice %arg6[%dma_start3A_436, %dma_start3A_443] : memref<2x4096xi32, #tpu.memory_space<vmem>> -> memref<1x4096xi32, #tpu.memory_space<vmem>>
      %dma_start3A_445 = tpu.memref_squeeze %dma_start3A_444 : memref<1x4096xi32, #tpu.memory_space<vmem>> -> memref<4096xi32, #tpu.memory_space<vmem>>
      %dma_start3A_446 = arith.constant 0 : i32
      %dma_start3A_447 = tpu.memref_slice %arg8[%select_n3A_253, %dma_start3A_435, %dma_start3A_446] : memref<2x8x4096xi32, #tpu.memory_space<vmem_shared>> -> memref<1x1x4096xi32, #tpu.memory_space<vmem_shared>>
      %dma_start3A_448 = tpu.memref_squeeze %dma_start3A_447 : memref<1x1x4096xi32, #tpu.memory_space<vmem_shared>> -> memref<4096xi32, #tpu.memory_space<vmem_shared>>
      tpu.enqueue_dma source(%dma_start3A_448 : memref<4096xi32, #tpu.memory_space<vmem_shared>>) target(%dma_start3A_445 : memref<4096xi32, #tpu.memory_space<vmem>>) target_semaphore(%arg9 : memref<!tpu.dma_semaphore, #tpu.memory_space<semaphore_mem>>)
      %mul3A_449 = arith.constant 8 : i32
      %mul3A_450 = arith.muli %add3A_237, %mul3A_449 : i32
      %add3A_451 = arith.constant 3 : i32
      %add3A_452 = arith.addi %mul3A_450, %add3A_451 : i32
      %dma_wait3A_453 = arith.constant 3 : i32
      %dma_wait3A_454 = arith.constant 1 : i32
      %dma_wait3A_455 = arith.constant 0 : i32
      %dma_wait3A_456 = tpu.memref_slice %arg6[%dma_wait3A_454, %dma_wait3A_455] : memref<2x4096xi32, #tpu.memory_space<vmem>> -> memref<1x4096xi32, #tpu.memory_space<vmem>>
      %dma_wait3A_457 = tpu.memref_squeeze %dma_wait3A_456 : memref<1x4096xi32, #tpu.memory_space<vmem>> -> memref<4096xi32, #tpu.memory_space<vmem>>
      %dma_wait3A_458 = arith.constant 0 : i32
      %dma_wait3A_459 = tpu.memref_slice %arg8[%select_n3A_253, %dma_wait3A_453, %dma_wait3A_458] : memref<2x8x4096xi32, #tpu.memory_space<vmem_shared>> -> memref<1x1x4096xi32, #tpu.memory_space<vmem_shared>>
      %dma_wait3A_460 = tpu.memref_squeeze %dma_wait3A_459 : memref<1x1x4096xi32, #tpu.memory_space<vmem_shared>> -> memref<4096xi32, #tpu.memory_space<vmem_shared>>
      %dma_wait3A_461 = arith.constant 0 : i32
      %dma_wait3A_462 = tpu.memref_slice %arg6[%dma_wait3A_454, %dma_wait3A_461] : memref<2x4096xi32, #tpu.memory_space<vmem>> -> memref<1x4096xi32, #tpu.memory_space<vmem>>
      %dma_wait3A_463 = tpu.memref_squeeze %dma_wait3A_462 : memref<1x4096xi32, #tpu.memory_space<vmem>> -> memref<4096xi32, #tpu.memory_space<vmem>>
      %dma_wait3A_464 = arith.constant 0 : i32
      %dma_wait3A_465 = tpu.memref_slice %arg8[%select_n3A_253, %dma_wait3A_453, %dma_wait3A_464] : memref<2x8x4096xi32, #tpu.memory_space<vmem_shared>> -> memref<1x1x4096xi32, #tpu.memory_space<vmem_shared>>
      %dma_wait3A_466 = tpu.memref_squeeze %dma_wait3A_465 : memref<1x1x4096xi32, #tpu.memory_space<vmem_shared>> -> memref<4096xi32, #tpu.memory_space<vmem_shared>>
      tpu.wait_dma2 semaphore(%arg10 : memref<!tpu.dma_semaphore, #tpu.memory_space<semaphore_mem>>) src(%dma_wait3A_466 : memref<4096xi32, #tpu.memory_space<vmem_shared>>) dst(%dma_wait3A_463 : memref<4096xi32, #tpu.memory_space<vmem>>)
      %ge3A_467 = arith.constant 4 : i32
      %ge3A_468 = arith.cmpi sge, %add3A_452, %ge3A_467 : i32
      %convert_element_type3A_469 = arith.extui %ge3A_468 : i1 to i32
      %cond3A_470 = arith.constant 0 : i32
      %cond3A_471 = arith.cmpi ne, %convert_element_type3A_469, %cond3A_470 : i32
      scf.if %cond3A_471 {
        %dma_wait3A_717 = arith.constant 3 : i32
        %dma_wait3A_718 = arith.constant 0 : i32
        %dma_wait3A_719 = arith.constant 0 : i32
        %dma_wait3A_720 = arith.constant 0 : i32
        %dma_wait3A_721 = arith.constant 0 : i32
        %dma_wait3A_722 = arith.constant 0 : i32
        %dma_wait3A_723 = tpu.memref_slice %arg7[%dma_wait3A_717, %dma_wait3A_721, %dma_wait3A_722] : memref<4x32x128xf32, #tpu.memory_space<vmem>> -> memref<1x32x128xf32, #tpu.memory_space<vmem>>
        %dma_wait3A_724 = tpu.memref_squeeze %dma_wait3A_723 : memref<1x32x128xf32, #tpu.memory_space<vmem>> -> memref<32x128xf32, #tpu.memory_space<vmem>>
        %dma_wait3A_725 = arith.constant 0 : i32
        %dma_wait3A_726 = arith.constant 0 : i32
        %dma_wait3A_727 = tpu.memref_slice %arg4[%dma_wait3A_718, %dma_wait3A_719, %dma_wait3A_725, %dma_wait3A_720, %dma_wait3A_726] : memref<200x8x32x8x128xf32, #tpu.memory_space<hbm>> -> memref<1x1x32x1x128xf32, #tpu.memory_space<hbm>>
        %dma_wait3A_728 = tpu.memref_squeeze %dma_wait3A_727 : memref<1x1x32x1x128xf32, #tpu.memory_space<hbm>> -> memref<32x128xf32, #tpu.memory_space<hbm>>
        %dma_wait3A_729 = arith.constant 0 : i32
        %dma_wait3A_730 = arith.constant 0 : i32
        %dma_wait3A_731 = tpu.memref_slice %arg4[%dma_wait3A_718, %dma_wait3A_719, %dma_wait3A_729, %dma_wait3A_720, %dma_wait3A_730] : memref<200x8x32x8x128xf32, #tpu.memory_space<hbm>> -> memref<1x1x32x1x128xf32, #tpu.memory_space<hbm>>
        %dma_wait3A_732 = tpu.memref_squeeze %dma_wait3A_731 : memref<1x1x32x1x128xf32, #tpu.memory_space<hbm>> -> memref<32x128xf32, #tpu.memory_space<hbm>>
        %dma_wait3A_733 = arith.constant 0 : i32
        %dma_wait3A_734 = arith.constant 0 : i32
        %dma_wait3A_735 = tpu.memref_slice %arg7[%dma_wait3A_717, %dma_wait3A_733, %dma_wait3A_734] : memref<4x32x128xf32, #tpu.memory_space<vmem>> -> memref<1x32x128xf32, #tpu.memory_space<vmem>>
        %dma_wait3A_736 = tpu.memref_squeeze %dma_wait3A_735 : memref<1x32x128xf32, #tpu.memory_space<vmem>> -> memref<32x128xf32, #tpu.memory_space<vmem>>
        tpu.wait_dma2 semaphore(%arg14 : memref<!tpu.dma_semaphore, #tpu.memory_space<semaphore_mem>>) src(%dma_wait3A_736 : memref<32x128xf32, #tpu.memory_space<vmem>>) dst(%dma_wait3A_732 : memref<32x128xf32, #tpu.memory_space<hbm>>)
      } else {
      }
      %parallel_loop3A_472 = arith.constant 0 : i32
      %parallel_loop3A_473 = arith.constant 256 : i32
      %parallel_loop3A_474 = arith.constant 1 : i32
      scf.for %parallel_loop3A_717 = %parallel_loop3A_472 to %parallel_loop3A_473 step %parallel_loop3A_474  : i32 {
        %parallel_loop3A_718 = arith.constant 16 : i32
        %parallel_loop3A_719 = arith.muli %parallel_loop3A_717, %parallel_loop3A_718 : i32
        %parallel_loop3A_720 = arith.constant 1 : i32
        %parallel_loop3A_721 = arith.index_cast %parallel_loop3A_720 : i32 to index
        %parallel_loop3A_722 = arith.index_cast %parallel_loop3A_719 : i32 to index
        %parallel_loop3A_723 = tpu.vector_load %arg6[%parallel_loop3A_721, %parallel_loop3A_722] {strides = array<i32>} : memref<2x4096xi32, #tpu.memory_space<vmem>>, vector<16xi32>,
        %parallel_loop3A_724 = tpu.vector_load_idx %arg5[%parallel_loop3A_723] : memref<100000xf32, #tpu.memory_space<vmem>>[vector<16xi32>], vector<16xf32>,
        %parallel_loop3A_725 = arith.constant 8 : i32
        %parallel_loop3A_726 = arith.divsi %parallel_loop3A_717, %parallel_loop3A_725 : i32
        %parallel_loop3A_727 = arith.constant 0 : i32
        %parallel_loop3A_728 = arith.cmpi sgt, %parallel_loop3A_717, %parallel_loop3A_727 : i32
        %parallel_loop3A_729 = arith.extui %parallel_loop3A_728 : i1 to i32
        %parallel_loop3A_730 = arith.constant 0 : i32
        %parallel_loop3A_731 = arith.cmpi slt, %parallel_loop3A_717, %parallel_loop3A_730 : i32
        %parallel_loop3A_732 = arith.extui %parallel_loop3A_731 : i1 to i32
        %parallel_loop3A_733 = arith.subi %parallel_loop3A_729, %parallel_loop3A_732 : i32
        %parallel_loop3A_734 = arith.constant 0 : i32
        %parallel_loop3A_735 = arith.cmpi sgt, %parallel_loop3A_725, %parallel_loop3A_734 : i32
        %parallel_loop3A_736 = arith.extui %parallel_loop3A_735 : i1 to i32
        %parallel_loop3A_737 = arith.constant 0 : i32
        %parallel_loop3A_738 = arith.cmpi slt, %parallel_loop3A_725, %parallel_loop3A_737 : i32
        %parallel_loop3A_739 = arith.extui %parallel_loop3A_738 : i1 to i32
        %parallel_loop3A_740 = arith.subi %parallel_loop3A_736, %parallel_loop3A_739 : i32
        %parallel_loop3A_741 = arith.cmpi ne, %parallel_loop3A_733, %parallel_loop3A_740 : i32
        %parallel_loop3A_742 = arith.remsi %parallel_loop3A_717, %parallel_loop3A_725 : i32
        %parallel_loop3A_743 = arith.constant 0 : i32
        %parallel_loop3A_744 = arith.cmpi ne, %parallel_loop3A_742, %parallel_loop3A_743 : i32
        %parallel_loop3A_745 = arith.andi %parallel_loop3A_741, %parallel_loop3A_744 : i1
        %parallel_loop3A_746 = arith.constant 1 : i32
        %parallel_loop3A_747 = arith.subi %parallel_loop3A_726, %parallel_loop3A_746 : i32
        %parallel_loop3A_748 = arith.select %parallel_loop3A_745, %parallel_loop3A_747, %parallel_loop3A_726 : i32
        %parallel_loop3A_749 = arith.constant 8 : i32
        %parallel_loop3A_750 = arith.constant 0 : i32
        %parallel_loop3A_751 = arith.cmpi eq, %parallel_loop3A_749, %parallel_loop3A_750 : i32
        %parallel_loop3A_752 = arith.constant 1 : i32
        %parallel_loop3A_753 = arith.select %parallel_loop3A_751, %parallel_loop3A_752, %parallel_loop3A_749 : i32
        %parallel_loop3A_754 = arith.remsi %parallel_loop3A_717, %parallel_loop3A_753 : i32
        %parallel_loop3A_755 = arith.constant 0 : i32
        %parallel_loop3A_756 = arith.cmpi ne, %parallel_loop3A_754, %parallel_loop3A_755 : i32
        %parallel_loop3A_757 = arith.constant 0 : i32
        %parallel_loop3A_758 = arith.cmpi slt, %parallel_loop3A_754, %parallel_loop3A_757 : i32
        %parallel_loop3A_759 = arith.constant 0 : i32
        %parallel_loop3A_760 = arith.cmpi slt, %parallel_loop3A_753, %parallel_loop3A_759 : i32
        %parallel_loop3A_761 = arith.xori %parallel_loop3A_758, %parallel_loop3A_760 : i1
        %parallel_loop3A_762 = arith.andi %parallel_loop3A_761, %parallel_loop3A_756 : i1
        %parallel_loop3A_763 = arith.addi %parallel_loop3A_754, %parallel_loop3A_753 : i32
        %parallel_loop3A_764 = arith.select %parallel_loop3A_762, %parallel_loop3A_763, %parallel_loop3A_754 : i32
        %parallel_loop3A_765 = arith.constant 16 : i32
        %parallel_loop3A_766 = arith.muli %parallel_loop3A_764, %parallel_loop3A_765 : i32
        %parallel_loop3A_767 = arith.constant 3 : i32
        %parallel_loop3A_768 = arith.index_cast %parallel_loop3A_767 : i32 to index
        %parallel_loop3A_769 = arith.index_cast %parallel_loop3A_748 : i32 to index
        %parallel_loop3A_770 = arith.index_cast %parallel_loop3A_766 : i32 to index
        %parallel_loop3A_771 = tpu.vector_load %arg7[%parallel_loop3A_768, %parallel_loop3A_769, %parallel_loop3A_770] {strides = array<i32>} : memref<4x32x128xf32, #tpu.memory_space<vmem>>, vector<16xf32>,
        tpu.vector_store %arg7[%parallel_loop3A_768, %parallel_loop3A_769, %parallel_loop3A_770], %parallel_loop3A_724 {strides = array<i32>} : memref<4x32x128xf32, #tpu.memory_space<vmem>>, vector<16xf32>,
      } {sc.loop_unroll_factor = 32 : i64, sc.parallel_access}
      %dma_start3A_475 = arith.constant 3 : i32
      %dma_start3A_476 = arith.constant 0 : i32
      %dma_start3A_477 = arith.constant 0 : i32
      %dma_start3A_478 = tpu.memref_slice %arg7[%dma_start3A_475, %dma_start3A_476, %dma_start3A_477] : memref<4x32x128xf32, #tpu.memory_space<vmem>> -> memref<1x32x128xf32, #tpu.memory_space<vmem>>
      %dma_start3A_479 = tpu.memref_squeeze %dma_start3A_478 : memref<1x32x128xf32, #tpu.memory_space<vmem>> -> memref<32x128xf32, #tpu.memory_space<vmem>>
      %dma_start3A_480 = arith.constant 0 : i32
      %dma_start3A_481 = arith.constant 0 : i32
      %dma_start3A_482 = tpu.memref_slice %arg4[%add3A_452, %select_n3A, %dma_start3A_480, %select_n3A_36, %dma_start3A_481] : memref<200x8x32x8x128xf32, #tpu.memory_space<hbm>> -> memref<1x1x32x1x128xf32, #tpu.memory_space<hbm>>
      %dma_start3A_483 = tpu.memref_squeeze %dma_start3A_482 : memref<1x1x32x1x128xf32, #tpu.memory_space<hbm>> -> memref<32x128xf32, #tpu.memory_space<hbm>>
      %dma_start3A_484 = arith.constant 0 : i32
      %dma_start3A_485 = arith.constant 0 : i32
      %dma_start3A_486 = tpu.memref_slice %arg4[%add3A_452, %select_n3A, %dma_start3A_484, %select_n3A_36, %dma_start3A_485] : memref<200x8x32x8x128xf32, #tpu.memory_space<hbm>> -> memref<1x1x32x1x128xf32, #tpu.memory_space<hbm>>
      %dma_start3A_487 = tpu.memref_squeeze %dma_start3A_486 : memref<1x1x32x1x128xf32, #tpu.memory_space<hbm>> -> memref<32x128xf32, #tpu.memory_space<hbm>>
      %dma_start3A_488 = arith.constant 0 : i32
      %dma_start3A_489 = arith.constant 0 : i32
      %dma_start3A_490 = tpu.memref_slice %arg7[%dma_start3A_475, %dma_start3A_488, %dma_start3A_489] : memref<4x32x128xf32, #tpu.memory_space<vmem>> -> memref<1x32x128xf32, #tpu.memory_space<vmem>>
      %dma_start3A_491 = tpu.memref_squeeze %dma_start3A_490 : memref<1x32x128xf32, #tpu.memory_space<vmem>> -> memref<32x128xf32, #tpu.memory_space<vmem>>
      tpu.enqueue_dma source(%dma_start3A_491 : memref<32x128xf32, #tpu.memory_space<vmem>>) target(%dma_start3A_487 : memref<32x128xf32, #tpu.memory_space<hbm>>) target_semaphore(%arg14 : memref<!tpu.dma_semaphore, #tpu.memory_space<semaphore_mem>>)
      %dma_start3A_492 = arith.constant 5 : i32
      %dma_start3A_493 = arith.constant 1 : i32
      %dma_start3A_494 = arith.constant 0 : i32
      %dma_start3A_495 = tpu.memref_slice %arg6[%dma_start3A_493, %dma_start3A_494] : memref<2x4096xi32, #tpu.memory_space<vmem>> -> memref<1x4096xi32, #tpu.memory_space<vmem>>
      %dma_start3A_496 = tpu.memref_squeeze %dma_start3A_495 : memref<1x4096xi32, #tpu.memory_space<vmem>> -> memref<4096xi32, #tpu.memory_space<vmem>>
      %dma_start3A_497 = arith.constant 0 : i32
      %dma_start3A_498 = tpu.memref_slice %arg8[%select_n3A_253, %dma_start3A_492, %dma_start3A_497] : memref<2x8x4096xi32, #tpu.memory_space<vmem_shared>> -> memref<1x1x4096xi32, #tpu.memory_space<vmem_shared>>
      %dma_start3A_499 = tpu.memref_squeeze %dma_start3A_498 : memref<1x1x4096xi32, #tpu.memory_space<vmem_shared>> -> memref<4096xi32, #tpu.memory_space<vmem_shared>>
      %dma_start3A_500 = arith.constant 0 : i32
      %dma_start3A_501 = tpu.memref_slice %arg6[%dma_start3A_493, %dma_start3A_500] : memref<2x4096xi32, #tpu.memory_space<vmem>> -> memref<1x4096xi32, #tpu.memory_space<vmem>>
      %dma_start3A_502 = tpu.memref_squeeze %dma_start3A_501 : memref<1x4096xi32, #tpu.memory_space<vmem>> -> memref<4096xi32, #tpu.memory_space<vmem>>
      %dma_start3A_503 = arith.constant 0 : i32
      %dma_start3A_504 = tpu.memref_slice %arg8[%select_n3A_253, %dma_start3A_492, %dma_start3A_503] : memref<2x8x4096xi32, #tpu.memory_space<vmem_shared>> -> memref<1x1x4096xi32, #tpu.memory_space<vmem_shared>>
      %dma_start3A_505 = tpu.memref_squeeze %dma_start3A_504 : memref<1x1x4096xi32, #tpu.memory_space<vmem_shared>> -> memref<4096xi32, #tpu.memory_space<vmem_shared>>
      tpu.enqueue_dma source(%dma_start3A_505 : memref<4096xi32, #tpu.memory_space<vmem_shared>>) target(%dma_start3A_502 : memref<4096xi32, #tpu.memory_space<vmem>>) target_semaphore(%arg10 : memref<!tpu.dma_semaphore, #tpu.memory_space<semaphore_mem>>)
      %mul3A_506 = arith.constant 8 : i32
      %mul3A_507 = arith.muli %add3A_237, %mul3A_506 : i32
      %add3A_508 = arith.constant 4 : i32
      %add3A_509 = arith.addi %mul3A_507, %add3A_508 : i32
      %dma_wait3A_510 = arith.constant 4 : i32
      %dma_wait3A_511 = arith.constant 0 : i32
      %dma_wait3A_512 = arith.constant 0 : i32
      %dma_wait3A_513 = tpu.memref_slice %arg6[%dma_wait3A_511, %dma_wait3A_512] : memref<2x4096xi32, #tpu.memory_space<vmem>> -> memref<1x4096xi32, #tpu.memory_space<vmem>>
      %dma_wait3A_514 = tpu.memref_squeeze %dma_wait3A_513 : memref<1x4096xi32, #tpu.memory_space<vmem>> -> memref<4096xi32, #tpu.memory_space<vmem>>
      %dma_wait3A_515 = arith.constant 0 : i32
      %dma_wait3A_516 = tpu.memref_slice %arg8[%select_n3A_253, %dma_wait3A_510, %dma_wait3A_515] : memref<2x8x4096xi32, #tpu.memory_space<vmem_shared>> -> memref<1x1x4096xi32, #tpu.memory_space<vmem_shared>>
      %dma_wait3A_517 = tpu.memref_squeeze %dma_wait3A_516 : memref<1x1x4096xi32, #tpu.memory_space<vmem_shared>> -> memref<4096xi32, #tpu.memory_space<vmem_shared>>
      %dma_wait3A_518 = arith.constant 0 : i32
      %dma_wait3A_519 = tpu.memref_slice %arg6[%dma_wait3A_511, %dma_wait3A_518] : memref<2x4096xi32, #tpu.memory_space<vmem>> -> memref<1x4096xi32, #tpu.memory_space<vmem>>
      %dma_wait3A_520 = tpu.memref_squeeze %dma_wait3A_519 : memref<1x4096xi32, #tpu.memory_space<vmem>> -> memref<4096xi32, #tpu.memory_space<vmem>>
      %dma_wait3A_521 = arith.constant 0 : i32
      %dma_wait3A_522 = tpu.memref_slice %arg8[%select_n3A_253, %dma_wait3A_510, %dma_wait3A_521] : memref<2x8x4096xi32, #tpu.memory_space<vmem_shared>> -> memref<1x1x4096xi32, #tpu.memory_space<vmem_shared>>
      %dma_wait3A_523 = tpu.memref_squeeze %dma_wait3A_522 : memref<1x1x4096xi32, #tpu.memory_space<vmem_shared>> -> memref<4096xi32, #tpu.memory_space<vmem_shared>>
      tpu.wait_dma2 semaphore(%arg9 : memref<!tpu.dma_semaphore, #tpu.memory_space<semaphore_mem>>) src(%dma_wait3A_523 : memref<4096xi32, #tpu.memory_space<vmem_shared>>) dst(%dma_wait3A_520 : memref<4096xi32, #tpu.memory_space<vmem>>)
      %ge3A_524 = arith.constant 4 : i32
      %ge3A_525 = arith.cmpi sge, %add3A_509, %ge3A_524 : i32
      %convert_element_type3A_526 = arith.extui %ge3A_525 : i1 to i32
      %cond3A_527 = arith.constant 0 : i32
      %cond3A_528 = arith.cmpi ne, %convert_element_type3A_526, %cond3A_527 : i32
      scf.if %cond3A_528 {
        %dma_wait3A_717 = arith.constant 0 : i32
        %dma_wait3A_718 = arith.constant 0 : i32
        %dma_wait3A_719 = arith.constant 0 : i32
        %dma_wait3A_720 = arith.constant 0 : i32
        %dma_wait3A_721 = arith.constant 0 : i32
        %dma_wait3A_722 = arith.constant 0 : i32
        %dma_wait3A_723 = tpu.memref_slice %arg7[%dma_wait3A_717, %dma_wait3A_721, %dma_wait3A_722] : memref<4x32x128xf32, #tpu.memory_space<vmem>> -> memref<1x32x128xf32, #tpu.memory_space<vmem>>
        %dma_wait3A_724 = tpu.memref_squeeze %dma_wait3A_723 : memref<1x32x128xf32, #tpu.memory_space<vmem>> -> memref<32x128xf32, #tpu.memory_space<vmem>>
        %dma_wait3A_725 = arith.constant 0 : i32
        %dma_wait3A_726 = arith.constant 0 : i32
        %dma_wait3A_727 = tpu.memref_slice %arg4[%dma_wait3A_718, %dma_wait3A_719, %dma_wait3A_725, %dma_wait3A_720, %dma_wait3A_726] : memref<200x8x32x8x128xf32, #tpu.memory_space<hbm>> -> memref<1x1x32x1x128xf32, #tpu.memory_space<hbm>>
        %dma_wait3A_728 = tpu.memref_squeeze %dma_wait3A_727 : memref<1x1x32x1x128xf32, #tpu.memory_space<hbm>> -> memref<32x128xf32, #tpu.memory_space<hbm>>
        %dma_wait3A_729 = arith.constant 0 : i32
        %dma_wait3A_730 = arith.constant 0 : i32
        %dma_wait3A_731 = tpu.memref_slice %arg4[%dma_wait3A_718, %dma_wait3A_719, %dma_wait3A_729, %dma_wait3A_720, %dma_wait3A_730] : memref<200x8x32x8x128xf32, #tpu.memory_space<hbm>> -> memref<1x1x32x1x128xf32, #tpu.memory_space<hbm>>
        %dma_wait3A_732 = tpu.memref_squeeze %dma_wait3A_731 : memref<1x1x32x1x128xf32, #tpu.memory_space<hbm>> -> memref<32x128xf32, #tpu.memory_space<hbm>>
        %dma_wait3A_733 = arith.constant 0 : i32
        %dma_wait3A_734 = arith.constant 0 : i32
        %dma_wait3A_735 = tpu.memref_slice %arg7[%dma_wait3A_717, %dma_wait3A_733, %dma_wait3A_734] : memref<4x32x128xf32, #tpu.memory_space<vmem>> -> memref<1x32x128xf32, #tpu.memory_space<vmem>>
        %dma_wait3A_736 = tpu.memref_squeeze %dma_wait3A_735 : memref<1x32x128xf32, #tpu.memory_space<vmem>> -> memref<32x128xf32, #tpu.memory_space<vmem>>
        tpu.wait_dma2 semaphore(%arg11 : memref<!tpu.dma_semaphore, #tpu.memory_space<semaphore_mem>>) src(%dma_wait3A_736 : memref<32x128xf32, #tpu.memory_space<vmem>>) dst(%dma_wait3A_732 : memref<32x128xf32, #tpu.memory_space<hbm>>)
      } else {
      }
      %parallel_loop3A_529 = arith.constant 0 : i32
      %parallel_loop3A_530 = arith.constant 256 : i32
      %parallel_loop3A_531 = arith.constant 1 : i32
      scf.for %parallel_loop3A_717 = %parallel_loop3A_529 to %parallel_loop3A_530 step %parallel_loop3A_531  : i32 {
        %parallel_loop3A_718 = arith.constant 16 : i32
        %parallel_loop3A_719 = arith.muli %parallel_loop3A_717, %parallel_loop3A_718 : i32
        %parallel_loop3A_720 = arith.constant 0 : i32
        %parallel_loop3A_721 = arith.index_cast %parallel_loop3A_720 : i32 to index
        %parallel_loop3A_722 = arith.index_cast %parallel_loop3A_719 : i32 to index
        %parallel_loop3A_723 = tpu.vector_load %arg6[%parallel_loop3A_721, %parallel_loop3A_722] {strides = array<i32>} : memref<2x4096xi32, #tpu.memory_space<vmem>>, vector<16xi32>,
        %parallel_loop3A_724 = tpu.vector_load_idx %arg5[%parallel_loop3A_723] : memref<100000xf32, #tpu.memory_space<vmem>>[vector<16xi32>], vector<16xf32>,
        %parallel_loop3A_725 = arith.constant 8 : i32
        %parallel_loop3A_726 = arith.divsi %parallel_loop3A_717, %parallel_loop3A_725 : i32
        %parallel_loop3A_727 = arith.constant 0 : i32
        %parallel_loop3A_728 = arith.cmpi sgt, %parallel_loop3A_717, %parallel_loop3A_727 : i32
        %parallel_loop3A_729 = arith.extui %parallel_loop3A_728 : i1 to i32
        %parallel_loop3A_730 = arith.constant 0 : i32
        %parallel_loop3A_731 = arith.cmpi slt, %parallel_loop3A_717, %parallel_loop3A_730 : i32
        %parallel_loop3A_732 = arith.extui %parallel_loop3A_731 : i1 to i32
        %parallel_loop3A_733 = arith.subi %parallel_loop3A_729, %parallel_loop3A_732 : i32
        %parallel_loop3A_734 = arith.constant 0 : i32
        %parallel_loop3A_735 = arith.cmpi sgt, %parallel_loop3A_725, %parallel_loop3A_734 : i32
        %parallel_loop3A_736 = arith.extui %parallel_loop3A_735 : i1 to i32
        %parallel_loop3A_737 = arith.constant 0 : i32
        %parallel_loop3A_738 = arith.cmpi slt, %parallel_loop3A_725, %parallel_loop3A_737 : i32
        %parallel_loop3A_739 = arith.extui %parallel_loop3A_738 : i1 to i32
        %parallel_loop3A_740 = arith.subi %parallel_loop3A_736, %parallel_loop3A_739 : i32
        %parallel_loop3A_741 = arith.cmpi ne, %parallel_loop3A_733, %parallel_loop3A_740 : i32
        %parallel_loop3A_742 = arith.remsi %parallel_loop3A_717, %parallel_loop3A_725 : i32
        %parallel_loop3A_743 = arith.constant 0 : i32
        %parallel_loop3A_744 = arith.cmpi ne, %parallel_loop3A_742, %parallel_loop3A_743 : i32
        %parallel_loop3A_745 = arith.andi %parallel_loop3A_741, %parallel_loop3A_744 : i1
        %parallel_loop3A_746 = arith.constant 1 : i32
        %parallel_loop3A_747 = arith.subi %parallel_loop3A_726, %parallel_loop3A_746 : i32
        %parallel_loop3A_748 = arith.select %parallel_loop3A_745, %parallel_loop3A_747, %parallel_loop3A_726 : i32
        %parallel_loop3A_749 = arith.constant 8 : i32
        %parallel_loop3A_750 = arith.constant 0 : i32
        %parallel_loop3A_751 = arith.cmpi eq, %parallel_loop3A_749, %parallel_loop3A_750 : i32
        %parallel_loop3A_752 = arith.constant 1 : i32
        %parallel_loop3A_753 = arith.select %parallel_loop3A_751, %parallel_loop3A_752, %parallel_loop3A_749 : i32
        %parallel_loop3A_754 = arith.remsi %parallel_loop3A_717, %parallel_loop3A_753 : i32
        %parallel_loop3A_755 = arith.constant 0 : i32
        %parallel_loop3A_756 = arith.cmpi ne, %parallel_loop3A_754, %parallel_loop3A_755 : i32
        %parallel_loop3A_757 = arith.constant 0 : i32
        %parallel_loop3A_758 = arith.cmpi slt, %parallel_loop3A_754, %parallel_loop3A_757 : i32
        %parallel_loop3A_759 = arith.constant 0 : i32
        %parallel_loop3A_760 = arith.cmpi slt, %parallel_loop3A_753, %parallel_loop3A_759 : i32
        %parallel_loop3A_761 = arith.xori %parallel_loop3A_758, %parallel_loop3A_760 : i1
        %parallel_loop3A_762 = arith.andi %parallel_loop3A_761, %parallel_loop3A_756 : i1
        %parallel_loop3A_763 = arith.addi %parallel_loop3A_754, %parallel_loop3A_753 : i32
        %parallel_loop3A_764 = arith.select %parallel_loop3A_762, %parallel_loop3A_763, %parallel_loop3A_754 : i32
        %parallel_loop3A_765 = arith.constant 16 : i32
        %parallel_loop3A_766 = arith.muli %parallel_loop3A_764, %parallel_loop3A_765 : i32
        %parallel_loop3A_767 = arith.constant 0 : i32
        %parallel_loop3A_768 = arith.index_cast %parallel_loop3A_767 : i32 to index
        %parallel_loop3A_769 = arith.index_cast %parallel_loop3A_748 : i32 to index
        %parallel_loop3A_770 = arith.index_cast %parallel_loop3A_766 : i32 to index
        %parallel_loop3A_771 = tpu.vector_load %arg7[%parallel_loop3A_768, %parallel_loop3A_769, %parallel_loop3A_770] {strides = array<i32>} : memref<4x32x128xf32, #tpu.memory_space<vmem>>, vector<16xf32>,
        tpu.vector_store %arg7[%parallel_loop3A_768, %parallel_loop3A_769, %parallel_loop3A_770], %parallel_loop3A_724 {strides = array<i32>} : memref<4x32x128xf32, #tpu.memory_space<vmem>>, vector<16xf32>,
      } {sc.loop_unroll_factor = 32 : i64, sc.parallel_access}
      %dma_start3A_532 = arith.constant 0 : i32
      %dma_start3A_533 = arith.constant 0 : i32
      %dma_start3A_534 = arith.constant 0 : i32
      %dma_start3A_535 = tpu.memref_slice %arg7[%dma_start3A_532, %dma_start3A_533, %dma_start3A_534] : memref<4x32x128xf32, #tpu.memory_space<vmem>> -> memref<1x32x128xf32, #tpu.memory_space<vmem>>
      %dma_start3A_536 = tpu.memref_squeeze %dma_start3A_535 : memref<1x32x128xf32, #tpu.memory_space<vmem>> -> memref<32x128xf32, #tpu.memory_space<vmem>>
      %dma_start3A_537 = arith.constant 0 : i32
      %dma_start3A_538 = arith.constant 0 : i32
      %dma_start3A_539 = tpu.memref_slice %arg4[%add3A_509, %select_n3A, %dma_start3A_537, %select_n3A_36, %dma_start3A_538] : memref<200x8x32x8x128xf32, #tpu.memory_space<hbm>> -> memref<1x1x32x1x128xf32, #tpu.memory_space<hbm>>
      %dma_start3A_540 = tpu.memref_squeeze %dma_start3A_539 : memref<1x1x32x1x128xf32, #tpu.memory_space<hbm>> -> memref<32x128xf32, #tpu.memory_space<hbm>>
      %dma_start3A_541 = arith.constant 0 : i32
      %dma_start3A_542 = arith.constant 0 : i32
      %dma_start3A_543 = tpu.memref_slice %arg4[%add3A_509, %select_n3A, %dma_start3A_541, %select_n3A_36, %dma_start3A_542] : memref<200x8x32x8x128xf32, #tpu.memory_space<hbm>> -> memref<1x1x32x1x128xf32, #tpu.memory_space<hbm>>
      %dma_start3A_544 = tpu.memref_squeeze %dma_start3A_543 : memref<1x1x32x1x128xf32, #tpu.memory_space<hbm>> -> memref<32x128xf32, #tpu.memory_space<hbm>>
      %dma_start3A_545 = arith.constant 0 : i32
      %dma_start3A_546 = arith.constant 0 : i32
      %dma_start3A_547 = tpu.memref_slice %arg7[%dma_start3A_532, %dma_start3A_545, %dma_start3A_546] : memref<4x32x128xf32, #tpu.memory_space<vmem>> -> memref<1x32x128xf32, #tpu.memory_space<vmem>>
      %dma_start3A_548 = tpu.memref_squeeze %dma_start3A_547 : memref<1x32x128xf32, #tpu.memory_space<vmem>> -> memref<32x128xf32, #tpu.memory_space<vmem>>
      tpu.enqueue_dma source(%dma_start3A_548 : memref<32x128xf32, #tpu.memory_space<vmem>>) target(%dma_start3A_544 : memref<32x128xf32, #tpu.memory_space<hbm>>) target_semaphore(%arg11 : memref<!tpu.dma_semaphore, #tpu.memory_space<semaphore_mem>>)
      %dma_start3A_549 = arith.constant 6 : i32
      %dma_start3A_550 = arith.constant 0 : i32
      %dma_start3A_551 = arith.constant 0 : i32
      %dma_start3A_552 = tpu.memref_slice %arg6[%dma_start3A_550, %dma_start3A_551] : memref<2x4096xi32, #tpu.memory_space<vmem>> -> memref<1x4096xi32, #tpu.memory_space<vmem>>
      %dma_start3A_553 = tpu.memref_squeeze %dma_start3A_552 : memref<1x4096xi32, #tpu.memory_space<vmem>> -> memref<4096xi32, #tpu.memory_space<vmem>>
      %dma_start3A_554 = arith.constant 0 : i32
      %dma_start3A_555 = tpu.memref_slice %arg8[%select_n3A_253, %dma_start3A_549, %dma_start3A_554] : memref<2x8x4096xi32, #tpu.memory_space<vmem_shared>> -> memref<1x1x4096xi32, #tpu.memory_space<vmem_shared>>
      %dma_start3A_556 = tpu.memref_squeeze %dma_start3A_555 : memref<1x1x4096xi32, #tpu.memory_space<vmem_shared>> -> memref<4096xi32, #tpu.memory_space<vmem_shared>>
      %dma_start3A_557 = arith.constant 0 : i32
      %dma_start3A_558 = tpu.memref_slice %arg6[%dma_start3A_550, %dma_start3A_557] : memref<2x4096xi32, #tpu.memory_space<vmem>> -> memref<1x4096xi32, #tpu.memory_space<vmem>>
      %dma_start3A_559 = tpu.memref_squeeze %dma_start3A_558 : memref<1x4096xi32, #tpu.memory_space<vmem>> -> memref<4096xi32, #tpu.memory_space<vmem>>
      %dma_start3A_560 = arith.constant 0 : i32
      %dma_start3A_561 = tpu.memref_slice %arg8[%select_n3A_253, %dma_start3A_549, %dma_start3A_560] : memref<2x8x4096xi32, #tpu.memory_space<vmem_shared>> -> memref<1x1x4096xi32, #tpu.memory_space<vmem_shared>>
      %dma_start3A_562 = tpu.memref_squeeze %dma_start3A_561 : memref<1x1x4096xi32, #tpu.memory_space<vmem_shared>> -> memref<4096xi32, #tpu.memory_space<vmem_shared>>
      tpu.enqueue_dma source(%dma_start3A_562 : memref<4096xi32, #tpu.memory_space<vmem_shared>>) target(%dma_start3A_559 : memref<4096xi32, #tpu.memory_space<vmem>>) target_semaphore(%arg9 : memref<!tpu.dma_semaphore, #tpu.memory_space<semaphore_mem>>)
      %mul3A_563 = arith.constant 8 : i32
      %mul3A_564 = arith.muli %add3A_237, %mul3A_563 : i32
      %add3A_565 = arith.constant 5 : i32
      %add3A_566 = arith.addi %mul3A_564, %add3A_565 : i32
      %dma_wait3A_567 = arith.constant 5 : i32
      %dma_wait3A_568 = arith.constant 1 : i32
      %dma_wait3A_569 = arith.constant 0 : i32
      %dma_wait3A_570 = tpu.memref_slice %arg6[%dma_wait3A_568, %dma_wait3A_569] : memref<2x4096xi32, #tpu.memory_space<vmem>> -> memref<1x4096xi32, #tpu.memory_space<vmem>>
      %dma_wait3A_571 = tpu.memref_squeeze %dma_wait3A_570 : memref<1x4096xi32, #tpu.memory_space<vmem>> -> memref<4096xi32, #tpu.memory_space<vmem>>
      %dma_wait3A_572 = arith.constant 0 : i32
      %dma_wait3A_573 = tpu.memref_slice %arg8[%select_n3A_253, %dma_wait3A_567, %dma_wait3A_572] : memref<2x8x4096xi32, #tpu.memory_space<vmem_shared>> -> memref<1x1x4096xi32, #tpu.memory_space<vmem_shared>>
      %dma_wait3A_574 = tpu.memref_squeeze %dma_wait3A_573 : memref<1x1x4096xi32, #tpu.memory_space<vmem_shared>> -> memref<4096xi32, #tpu.memory_space<vmem_shared>>
      %dma_wait3A_575 = arith.constant 0 : i32
      %dma_wait3A_576 = tpu.memref_slice %arg6[%dma_wait3A_568, %dma_wait3A_575] : memref<2x4096xi32, #tpu.memory_space<vmem>> -> memref<1x4096xi32, #tpu.memory_space<vmem>>
      %dma_wait3A_577 = tpu.memref_squeeze %dma_wait3A_576 : memref<1x4096xi32, #tpu.memory_space<vmem>> -> memref<4096xi32, #tpu.memory_space<vmem>>
      %dma_wait3A_578 = arith.constant 0 : i32
      %dma_wait3A_579 = tpu.memref_slice %arg8[%select_n3A_253, %dma_wait3A_567, %dma_wait3A_578] : memref<2x8x4096xi32, #tpu.memory_space<vmem_shared>> -> memref<1x1x4096xi32, #tpu.memory_space<vmem_shared>>
      %dma_wait3A_580 = tpu.memref_squeeze %dma_wait3A_579 : memref<1x1x4096xi32, #tpu.memory_space<vmem_shared>> -> memref<4096xi32, #tpu.memory_space<vmem_shared>>
      tpu.wait_dma2 semaphore(%arg10 : memref<!tpu.dma_semaphore, #tpu.memory_space<semaphore_mem>>) src(%dma_wait3A_580 : memref<4096xi32, #tpu.memory_space<vmem_shared>>) dst(%dma_wait3A_577 : memref<4096xi32, #tpu.memory_space<vmem>>)
      %ge3A_581 = arith.constant 4 : i32
      %ge3A_582 = arith.cmpi sge, %add3A_566, %ge3A_581 : i32
      %convert_element_type3A_583 = arith.extui %ge3A_582 : i1 to i32
      %cond3A_584 = arith.constant 0 : i32
      %cond3A_585 = arith.cmpi ne, %convert_element_type3A_583, %cond3A_584 : i32
      scf.if %cond3A_585 {
        %dma_wait3A_717 = arith.constant 1 : i32
        %dma_wait3A_718 = arith.constant 0 : i32
        %dma_wait3A_719 = arith.constant 0 : i32
        %dma_wait3A_720 = arith.constant 0 : i32
        %dma_wait3A_721 = arith.constant 0 : i32
        %dma_wait3A_722 = arith.constant 0 : i32
        %dma_wait3A_723 = tpu.memref_slice %arg7[%dma_wait3A_717, %dma_wait3A_721, %dma_wait3A_722] : memref<4x32x128xf32, #tpu.memory_space<vmem>> -> memref<1x32x128xf32, #tpu.memory_space<vmem>>
        %dma_wait3A_724 = tpu.memref_squeeze %dma_wait3A_723 : memref<1x32x128xf32, #tpu.memory_space<vmem>> -> memref<32x128xf32, #tpu.memory_space<vmem>>
        %dma_wait3A_725 = arith.constant 0 : i32
        %dma_wait3A_726 = arith.constant 0 : i32
        %dma_wait3A_727 = tpu.memref_slice %arg4[%dma_wait3A_718, %dma_wait3A_719, %dma_wait3A_725, %dma_wait3A_720, %dma_wait3A_726] : memref<200x8x32x8x128xf32, #tpu.memory_space<hbm>> -> memref<1x1x32x1x128xf32, #tpu.memory_space<hbm>>
        %dma_wait3A_728 = tpu.memref_squeeze %dma_wait3A_727 : memref<1x1x32x1x128xf32, #tpu.memory_space<hbm>> -> memref<32x128xf32, #tpu.memory_space<hbm>>
        %dma_wait3A_729 = arith.constant 0 : i32
        %dma_wait3A_730 = arith.constant 0 : i32
        %dma_wait3A_731 = tpu.memref_slice %arg4[%dma_wait3A_718, %dma_wait3A_719, %dma_wait3A_729, %dma_wait3A_720, %dma_wait3A_730] : memref<200x8x32x8x128xf32, #tpu.memory_space<hbm>> -> memref<1x1x32x1x128xf32, #tpu.memory_space<hbm>>
        %dma_wait3A_732 = tpu.memref_squeeze %dma_wait3A_731 : memref<1x1x32x1x128xf32, #tpu.memory_space<hbm>> -> memref<32x128xf32, #tpu.memory_space<hbm>>
        %dma_wait3A_733 = arith.constant 0 : i32
        %dma_wait3A_734 = arith.constant 0 : i32
        %dma_wait3A_735 = tpu.memref_slice %arg7[%dma_wait3A_717, %dma_wait3A_733, %dma_wait3A_734] : memref<4x32x128xf32, #tpu.memory_space<vmem>> -> memref<1x32x128xf32, #tpu.memory_space<vmem>>
        %dma_wait3A_736 = tpu.memref_squeeze %dma_wait3A_735 : memref<1x32x128xf32, #tpu.memory_space<vmem>> -> memref<32x128xf32, #tpu.memory_space<vmem>>
        tpu.wait_dma2 semaphore(%arg12 : memref<!tpu.dma_semaphore, #tpu.memory_space<semaphore_mem>>) src(%dma_wait3A_736 : memref<32x128xf32, #tpu.memory_space<vmem>>) dst(%dma_wait3A_732 : memref<32x128xf32, #tpu.memory_space<hbm>>)
      } else {
      }
      %parallel_loop3A_586 = arith.constant 0 : i32
      %parallel_loop3A_587 = arith.constant 256 : i32
      %parallel_loop3A_588 = arith.constant 1 : i32
      scf.for %parallel_loop3A_717 = %parallel_loop3A_586 to %parallel_loop3A_587 step %parallel_loop3A_588  : i32 {
        %parallel_loop3A_718 = arith.constant 16 : i32
        %parallel_loop3A_719 = arith.muli %parallel_loop3A_717, %parallel_loop3A_718 : i32
        %parallel_loop3A_720 = arith.constant 1 : i32
        %parallel_loop3A_721 = arith.index_cast %parallel_loop3A_720 : i32 to index
        %parallel_loop3A_722 = arith.index_cast %parallel_loop3A_719 : i32 to index
        %parallel_loop3A_723 = tpu.vector_load %arg6[%parallel_loop3A_721, %parallel_loop3A_722] {strides = array<i32>} : memref<2x4096xi32, #tpu.memory_space<vmem>>, vector<16xi32>,
        %parallel_loop3A_724 = tpu.vector_load_idx %arg5[%parallel_loop3A_723] : memref<100000xf32, #tpu.memory_space<vmem>>[vector<16xi32>], vector<16xf32>,
        %parallel_loop3A_725 = arith.constant 8 : i32
        %parallel_loop3A_726 = arith.divsi %parallel_loop3A_717, %parallel_loop3A_725 : i32
        %parallel_loop3A_727 = arith.constant 0 : i32
        %parallel_loop3A_728 = arith.cmpi sgt, %parallel_loop3A_717, %parallel_loop3A_727 : i32
        %parallel_loop3A_729 = arith.extui %parallel_loop3A_728 : i1 to i32
        %parallel_loop3A_730 = arith.constant 0 : i32
        %parallel_loop3A_731 = arith.cmpi slt, %parallel_loop3A_717, %parallel_loop3A_730 : i32
        %parallel_loop3A_732 = arith.extui %parallel_loop3A_731 : i1 to i32
        %parallel_loop3A_733 = arith.subi %parallel_loop3A_729, %parallel_loop3A_732 : i32
        %parallel_loop3A_734 = arith.constant 0 : i32
        %parallel_loop3A_735 = arith.cmpi sgt, %parallel_loop3A_725, %parallel_loop3A_734 : i32
        %parallel_loop3A_736 = arith.extui %parallel_loop3A_735 : i1 to i32
        %parallel_loop3A_737 = arith.constant 0 : i32
        %parallel_loop3A_738 = arith.cmpi slt, %parallel_loop3A_725, %parallel_loop3A_737 : i32
        %parallel_loop3A_739 = arith.extui %parallel_loop3A_738 : i1 to i32
        %parallel_loop3A_740 = arith.subi %parallel_loop3A_736, %parallel_loop3A_739 : i32
        %parallel_loop3A_741 = arith.cmpi ne, %parallel_loop3A_733, %parallel_loop3A_740 : i32
        %parallel_loop3A_742 = arith.remsi %parallel_loop3A_717, %parallel_loop3A_725 : i32
        %parallel_loop3A_743 = arith.constant 0 : i32
        %parallel_loop3A_744 = arith.cmpi ne, %parallel_loop3A_742, %parallel_loop3A_743 : i32
        %parallel_loop3A_745 = arith.andi %parallel_loop3A_741, %parallel_loop3A_744 : i1
        %parallel_loop3A_746 = arith.constant 1 : i32
        %parallel_loop3A_747 = arith.subi %parallel_loop3A_726, %parallel_loop3A_746 : i32
        %parallel_loop3A_748 = arith.select %parallel_loop3A_745, %parallel_loop3A_747, %parallel_loop3A_726 : i32
        %parallel_loop3A_749 = arith.constant 8 : i32
        %parallel_loop3A_750 = arith.constant 0 : i32
        %parallel_loop3A_751 = arith.cmpi eq, %parallel_loop3A_749, %parallel_loop3A_750 : i32
        %parallel_loop3A_752 = arith.constant 1 : i32
        %parallel_loop3A_753 = arith.select %parallel_loop3A_751, %parallel_loop3A_752, %parallel_loop3A_749 : i32
        %parallel_loop3A_754 = arith.remsi %parallel_loop3A_717, %parallel_loop3A_753 : i32
        %parallel_loop3A_755 = arith.constant 0 : i32
        %parallel_loop3A_756 = arith.cmpi ne, %parallel_loop3A_754, %parallel_loop3A_755 : i32
        %parallel_loop3A_757 = arith.constant 0 : i32
        %parallel_loop3A_758 = arith.cmpi slt, %parallel_loop3A_754, %parallel_loop3A_757 : i32
        %parallel_loop3A_759 = arith.constant 0 : i32
        %parallel_loop3A_760 = arith.cmpi slt, %parallel_loop3A_753, %parallel_loop3A_759 : i32
        %parallel_loop3A_761 = arith.xori %parallel_loop3A_758, %parallel_loop3A_760 : i1
        %parallel_loop3A_762 = arith.andi %parallel_loop3A_761, %parallel_loop3A_756 : i1
        %parallel_loop3A_763 = arith.addi %parallel_loop3A_754, %parallel_loop3A_753 : i32
        %parallel_loop3A_764 = arith.select %parallel_loop3A_762, %parallel_loop3A_763, %parallel_loop3A_754 : i32
        %parallel_loop3A_765 = arith.constant 16 : i32
        %parallel_loop3A_766 = arith.muli %parallel_loop3A_764, %parallel_loop3A_765 : i32
        %parallel_loop3A_767 = arith.constant 1 : i32
        %parallel_loop3A_768 = arith.index_cast %parallel_loop3A_767 : i32 to index
        %parallel_loop3A_769 = arith.index_cast %parallel_loop3A_748 : i32 to index
        %parallel_loop3A_770 = arith.index_cast %parallel_loop3A_766 : i32 to index
        %parallel_loop3A_771 = tpu.vector_load %arg7[%parallel_loop3A_768, %parallel_loop3A_769, %parallel_loop3A_770] {strides = array<i32>} : memref<4x32x128xf32, #tpu.memory_space<vmem>>, vector<16xf32>,
        tpu.vector_store %arg7[%parallel_loop3A_768, %parallel_loop3A_769, %parallel_loop3A_770], %parallel_loop3A_724 {strides = array<i32>} : memref<4x32x128xf32, #tpu.memory_space<vmem>>, vector<16xf32>,
      } {sc.loop_unroll_factor = 32 : i64, sc.parallel_access}
      %dma_start3A_589 = arith.constant 1 : i32
      %dma_start3A_590 = arith.constant 0 : i32
      %dma_start3A_591 = arith.constant 0 : i32
      %dma_start3A_592 = tpu.memref_slice %arg7[%dma_start3A_589, %dma_start3A_590, %dma_start3A_591] : memref<4x32x128xf32, #tpu.memory_space<vmem>> -> memref<1x32x128xf32, #tpu.memory_space<vmem>>
      %dma_start3A_593 = tpu.memref_squeeze %dma_start3A_592 : memref<1x32x128xf32, #tpu.memory_space<vmem>> -> memref<32x128xf32, #tpu.memory_space<vmem>>
      %dma_start3A_594 = arith.constant 0 : i32
      %dma_start3A_595 = arith.constant 0 : i32
      %dma_start3A_596 = tpu.memref_slice %arg4[%add3A_566, %select_n3A, %dma_start3A_594, %select_n3A_36, %dma_start3A_595] : memref<200x8x32x8x128xf32, #tpu.memory_space<hbm>> -> memref<1x1x32x1x128xf32, #tpu.memory_space<hbm>>
      %dma_start3A_597 = tpu.memref_squeeze %dma_start3A_596 : memref<1x1x32x1x128xf32, #tpu.memory_space<hbm>> -> memref<32x128xf32, #tpu.memory_space<hbm>>
      %dma_start3A_598 = arith.constant 0 : i32
      %dma_start3A_599 = arith.constant 0 : i32
      %dma_start3A_600 = tpu.memref_slice %arg4[%add3A_566, %select_n3A, %dma_start3A_598, %select_n3A_36, %dma_start3A_599] : memref<200x8x32x8x128xf32, #tpu.memory_space<hbm>> -> memref<1x1x32x1x128xf32, #tpu.memory_space<hbm>>
      %dma_start3A_601 = tpu.memref_squeeze %dma_start3A_600 : memref<1x1x32x1x128xf32, #tpu.memory_space<hbm>> -> memref<32x128xf32, #tpu.memory_space<hbm>>
      %dma_start3A_602 = arith.constant 0 : i32
      %dma_start3A_603 = arith.constant 0 : i32
      %dma_start3A_604 = tpu.memref_slice %arg7[%dma_start3A_589, %dma_start3A_602, %dma_start3A_603] : memref<4x32x128xf32, #tpu.memory_space<vmem>> -> memref<1x32x128xf32, #tpu.memory_space<vmem>>
      %dma_start3A_605 = tpu.memref_squeeze %dma_start3A_604 : memref<1x32x128xf32, #tpu.memory_space<vmem>> -> memref<32x128xf32, #tpu.memory_space<vmem>>
      tpu.enqueue_dma source(%dma_start3A_605 : memref<32x128xf32, #tpu.memory_space<vmem>>) target(%dma_start3A_601 : memref<32x128xf32, #tpu.memory_space<hbm>>) target_semaphore(%arg12 : memref<!tpu.dma_semaphore, #tpu.memory_space<semaphore_mem>>)
      %dma_start3A_606 = arith.constant 7 : i32
      %dma_start3A_607 = arith.constant 1 : i32
      %dma_start3A_608 = arith.constant 0 : i32
      %dma_start3A_609 = tpu.memref_slice %arg6[%dma_start3A_607, %dma_start3A_608] : memref<2x4096xi32, #tpu.memory_space<vmem>> -> memref<1x4096xi32, #tpu.memory_space<vmem>>
      %dma_start3A_610 = tpu.memref_squeeze %dma_start3A_609 : memref<1x4096xi32, #tpu.memory_space<vmem>> -> memref<4096xi32, #tpu.memory_space<vmem>>
      %dma_start3A_611 = arith.constant 0 : i32
      %dma_start3A_612 = tpu.memref_slice %arg8[%select_n3A_253, %dma_start3A_606, %dma_start3A_611] : memref<2x8x4096xi32, #tpu.memory_space<vmem_shared>> -> memref<1x1x4096xi32, #tpu.memory_space<vmem_shared>>
      %dma_start3A_613 = tpu.memref_squeeze %dma_start3A_612 : memref<1x1x4096xi32, #tpu.memory_space<vmem_shared>> -> memref<4096xi32, #tpu.memory_space<vmem_shared>>
      %dma_start3A_614 = arith.constant 0 : i32
      %dma_start3A_615 = tpu.memref_slice %arg6[%dma_start3A_607, %dma_start3A_614] : memref<2x4096xi32, #tpu.memory_space<vmem>> -> memref<1x4096xi32, #tpu.memory_space<vmem>>
      %dma_start3A_616 = tpu.memref_squeeze %dma_start3A_615 : memref<1x4096xi32, #tpu.memory_space<vmem>> -> memref<4096xi32, #tpu.memory_space<vmem>>
      %dma_start3A_617 = arith.constant 0 : i32
      %dma_start3A_618 = tpu.memref_slice %arg8[%select_n3A_253, %dma_start3A_606, %dma_start3A_617] : memref<2x8x4096xi32, #tpu.memory_space<vmem_shared>> -> memref<1x1x4096xi32, #tpu.memory_space<vmem_shared>>
      %dma_start3A_619 = tpu.memref_squeeze %dma_start3A_618 : memref<1x1x4096xi32, #tpu.memory_space<vmem_shared>> -> memref<4096xi32, #tpu.memory_space<vmem_shared>>
      tpu.enqueue_dma source(%dma_start3A_619 : memref<4096xi32, #tpu.memory_space<vmem_shared>>) target(%dma_start3A_616 : memref<4096xi32, #tpu.memory_space<vmem>>) target_semaphore(%arg10 : memref<!tpu.dma_semaphore, #tpu.memory_space<semaphore_mem>>)
      %mul3A_620 = arith.constant 8 : i32
      %mul3A_621 = arith.muli %add3A_237, %mul3A_620 : i32
      %add3A_622 = arith.constant 6 : i32
      %add3A_623 = arith.addi %mul3A_621, %add3A_622 : i32
      %dma_wait3A_624 = arith.constant 6 : i32
      %dma_wait3A_625 = arith.constant 0 : i32
      %dma_wait3A_626 = arith.constant 0 : i32
      %dma_wait3A_627 = tpu.memref_slice %arg6[%dma_wait3A_625, %dma_wait3A_626] : memref<2x4096xi32, #tpu.memory_space<vmem>> -> memref<1x4096xi32, #tpu.memory_space<vmem>>
      %dma_wait3A_628 = tpu.memref_squeeze %dma_wait3A_627 : memref<1x4096xi32, #tpu.memory_space<vmem>> -> memref<4096xi32, #tpu.memory_space<vmem>>
      %dma_wait3A_629 = arith.constant 0 : i32
      %dma_wait3A_630 = tpu.memref_slice %arg8[%select_n3A_253, %dma_wait3A_624, %dma_wait3A_629] : memref<2x8x4096xi32, #tpu.memory_space<vmem_shared>> -> memref<1x1x4096xi32, #tpu.memory_space<vmem_shared>>
      %dma_wait3A_631 = tpu.memref_squeeze %dma_wait3A_630 : memref<1x1x4096xi32, #tpu.memory_space<vmem_shared>> -> memref<4096xi32, #tpu.memory_space<vmem_shared>>
      %dma_wait3A_632 = arith.constant 0 : i32
      %dma_wait3A_633 = tpu.memref_slice %arg6[%dma_wait3A_625, %dma_wait3A_632] : memref<2x4096xi32, #tpu.memory_space<vmem>> -> memref<1x4096xi32, #tpu.memory_space<vmem>>
      %dma_wait3A_634 = tpu.memref_squeeze %dma_wait3A_633 : memref<1x4096xi32, #tpu.memory_space<vmem>> -> memref<4096xi32, #tpu.memory_space<vmem>>
      %dma_wait3A_635 = arith.constant 0 : i32
      %dma_wait3A_636 = tpu.memref_slice %arg8[%select_n3A_253, %dma_wait3A_624, %dma_wait3A_635] : memref<2x8x4096xi32, #tpu.memory_space<vmem_shared>> -> memref<1x1x4096xi32, #tpu.memory_space<vmem_shared>>
      %dma_wait3A_637 = tpu.memref_squeeze %dma_wait3A_636 : memref<1x1x4096xi32, #tpu.memory_space<vmem_shared>> -> memref<4096xi32, #tpu.memory_space<vmem_shared>>
      tpu.wait_dma2 semaphore(%arg9 : memref<!tpu.dma_semaphore, #tpu.memory_space<semaphore_mem>>) src(%dma_wait3A_637 : memref<4096xi32, #tpu.memory_space<vmem_shared>>) dst(%dma_wait3A_634 : memref<4096xi32, #tpu.memory_space<vmem>>)
      %ge3A_638 = arith.constant 4 : i32
      %ge3A_639 = arith.cmpi sge, %add3A_623, %ge3A_638 : i32
      %convert_element_type3A_640 = arith.extui %ge3A_639 : i1 to i32
      %cond3A_641 = arith.constant 0 : i32
      %cond3A_642 = arith.cmpi ne, %convert_element_type3A_640, %cond3A_641 : i32
      scf.if %cond3A_642 {
        %dma_wait3A_717 = arith.constant 2 : i32
        %dma_wait3A_718 = arith.constant 0 : i32
        %dma_wait3A_719 = arith.constant 0 : i32
        %dma_wait3A_720 = arith.constant 0 : i32
        %dma_wait3A_721 = arith.constant 0 : i32
        %dma_wait3A_722 = arith.constant 0 : i32
        %dma_wait3A_723 = tpu.memref_slice %arg7[%dma_wait3A_717, %dma_wait3A_721, %dma_wait3A_722] : memref<4x32x128xf32, #tpu.memory_space<vmem>> -> memref<1x32x128xf32, #tpu.memory_space<vmem>>
        %dma_wait3A_724 = tpu.memref_squeeze %dma_wait3A_723 : memref<1x32x128xf32, #tpu.memory_space<vmem>> -> memref<32x128xf32, #tpu.memory_space<vmem>>
        %dma_wait3A_725 = arith.constant 0 : i32
        %dma_wait3A_726 = arith.constant 0 : i32
        %dma_wait3A_727 = tpu.memref_slice %arg4[%dma_wait3A_718, %dma_wait3A_719, %dma_wait3A_725, %dma_wait3A_720, %dma_wait3A_726] : memref<200x8x32x8x128xf32, #tpu.memory_space<hbm>> -> memref<1x1x32x1x128xf32, #tpu.memory_space<hbm>>
        %dma_wait3A_728 = tpu.memref_squeeze %dma_wait3A_727 : memref<1x1x32x1x128xf32, #tpu.memory_space<hbm>> -> memref<32x128xf32, #tpu.memory_space<hbm>>
        %dma_wait3A_729 = arith.constant 0 : i32
        %dma_wait3A_730 = arith.constant 0 : i32
        %dma_wait3A_731 = tpu.memref_slice %arg4[%dma_wait3A_718, %dma_wait3A_719, %dma_wait3A_729, %dma_wait3A_720, %dma_wait3A_730] : memref<200x8x32x8x128xf32, #tpu.memory_space<hbm>> -> memref<1x1x32x1x128xf32, #tpu.memory_space<hbm>>
        %dma_wait3A_732 = tpu.memref_squeeze %dma_wait3A_731 : memref<1x1x32x1x128xf32, #tpu.memory_space<hbm>> -> memref<32x128xf32, #tpu.memory_space<hbm>>
        %dma_wait3A_733 = arith.constant 0 : i32
        %dma_wait3A_734 = arith.constant 0 : i32
        %dma_wait3A_735 = tpu.memref_slice %arg7[%dma_wait3A_717, %dma_wait3A_733, %dma_wait3A_734] : memref<4x32x128xf32, #tpu.memory_space<vmem>> -> memref<1x32x128xf32, #tpu.memory_space<vmem>>
        %dma_wait3A_736 = tpu.memref_squeeze %dma_wait3A_735 : memref<1x32x128xf32, #tpu.memory_space<vmem>> -> memref<32x128xf32, #tpu.memory_space<vmem>>
        tpu.wait_dma2 semaphore(%arg13 : memref<!tpu.dma_semaphore, #tpu.memory_space<semaphore_mem>>) src(%dma_wait3A_736 : memref<32x128xf32, #tpu.memory_space<vmem>>) dst(%dma_wait3A_732 : memref<32x128xf32, #tpu.memory_space<hbm>>)
      } else {
      }
      %parallel_loop3A_643 = arith.constant 0 : i32
      %parallel_loop3A_644 = arith.constant 256 : i32
      %parallel_loop3A_645 = arith.constant 1 : i32
      scf.for %parallel_loop3A_717 = %parallel_loop3A_643 to %parallel_loop3A_644 step %parallel_loop3A_645  : i32 {
        %parallel_loop3A_718 = arith.constant 16 : i32
        %parallel_loop3A_719 = arith.muli %parallel_loop3A_717, %parallel_loop3A_718 : i32
        %parallel_loop3A_720 = arith.constant 0 : i32
        %parallel_loop3A_721 = arith.index_cast %parallel_loop3A_720 : i32 to index
        %parallel_loop3A_722 = arith.index_cast %parallel_loop3A_719 : i32 to index
        %parallel_loop3A_723 = tpu.vector_load %arg6[%parallel_loop3A_721, %parallel_loop3A_722] {strides = array<i32>} : memref<2x4096xi32, #tpu.memory_space<vmem>>, vector<16xi32>,
        %parallel_loop3A_724 = tpu.vector_load_idx %arg5[%parallel_loop3A_723] : memref<100000xf32, #tpu.memory_space<vmem>>[vector<16xi32>], vector<16xf32>,
        %parallel_loop3A_725 = arith.constant 8 : i32
        %parallel_loop3A_726 = arith.divsi %parallel_loop3A_717, %parallel_loop3A_725 : i32
        %parallel_loop3A_727 = arith.constant 0 : i32
        %parallel_loop3A_728 = arith.cmpi sgt, %parallel_loop3A_717, %parallel_loop3A_727 : i32
        %parallel_loop3A_729 = arith.extui %parallel_loop3A_728 : i1 to i32
        %parallel_loop3A_730 = arith.constant 0 : i32
        %parallel_loop3A_731 = arith.cmpi slt, %parallel_loop3A_717, %parallel_loop3A_730 : i32
        %parallel_loop3A_732 = arith.extui %parallel_loop3A_731 : i1 to i32
        %parallel_loop3A_733 = arith.subi %parallel_loop3A_729, %parallel_loop3A_732 : i32
        %parallel_loop3A_734 = arith.constant 0 : i32
        %parallel_loop3A_735 = arith.cmpi sgt, %parallel_loop3A_725, %parallel_loop3A_734 : i32
        %parallel_loop3A_736 = arith.extui %parallel_loop3A_735 : i1 to i32
        %parallel_loop3A_737 = arith.constant 0 : i32
        %parallel_loop3A_738 = arith.cmpi slt, %parallel_loop3A_725, %parallel_loop3A_737 : i32
        %parallel_loop3A_739 = arith.extui %parallel_loop3A_738 : i1 to i32
        %parallel_loop3A_740 = arith.subi %parallel_loop3A_736, %parallel_loop3A_739 : i32
        %parallel_loop3A_741 = arith.cmpi ne, %parallel_loop3A_733, %parallel_loop3A_740 : i32
        %parallel_loop3A_742 = arith.remsi %parallel_loop3A_717, %parallel_loop3A_725 : i32
        %parallel_loop3A_743 = arith.constant 0 : i32
        %parallel_loop3A_744 = arith.cmpi ne, %parallel_loop3A_742, %parallel_loop3A_743 : i32
        %parallel_loop3A_745 = arith.andi %parallel_loop3A_741, %parallel_loop3A_744 : i1
        %parallel_loop3A_746 = arith.constant 1 : i32
        %parallel_loop3A_747 = arith.subi %parallel_loop3A_726, %parallel_loop3A_746 : i32
        %parallel_loop3A_748 = arith.select %parallel_loop3A_745, %parallel_loop3A_747, %parallel_loop3A_726 : i32
        %parallel_loop3A_749 = arith.constant 8 : i32
        %parallel_loop3A_750 = arith.constant 0 : i32
        %parallel_loop3A_751 = arith.cmpi eq, %parallel_loop3A_749, %parallel_loop3A_750 : i32
        %parallel_loop3A_752 = arith.constant 1 : i32
        %parallel_loop3A_753 = arith.select %parallel_loop3A_751, %parallel_loop3A_752, %parallel_loop3A_749 : i32
        %parallel_loop3A_754 = arith.remsi %parallel_loop3A_717, %parallel_loop3A_753 : i32
        %parallel_loop3A_755 = arith.constant 0 : i32
        %parallel_loop3A_756 = arith.cmpi ne, %parallel_loop3A_754, %parallel_loop3A_755 : i32
        %parallel_loop3A_757 = arith.constant 0 : i32
        %parallel_loop3A_758 = arith.cmpi slt, %parallel_loop3A_754, %parallel_loop3A_757 : i32
        %parallel_loop3A_759 = arith.constant 0 : i32
        %parallel_loop3A_760 = arith.cmpi slt, %parallel_loop3A_753, %parallel_loop3A_759 : i32
        %parallel_loop3A_761 = arith.xori %parallel_loop3A_758, %parallel_loop3A_760 : i1
        %parallel_loop3A_762 = arith.andi %parallel_loop3A_761, %parallel_loop3A_756 : i1
        %parallel_loop3A_763 = arith.addi %parallel_loop3A_754, %parallel_loop3A_753 : i32
        %parallel_loop3A_764 = arith.select %parallel_loop3A_762, %parallel_loop3A_763, %parallel_loop3A_754 : i32
        %parallel_loop3A_765 = arith.constant 16 : i32
        %parallel_loop3A_766 = arith.muli %parallel_loop3A_764, %parallel_loop3A_765 : i32
        %parallel_loop3A_767 = arith.constant 2 : i32
        %parallel_loop3A_768 = arith.index_cast %parallel_loop3A_767 : i32 to index
        %parallel_loop3A_769 = arith.index_cast %parallel_loop3A_748 : i32 to index
        %parallel_loop3A_770 = arith.index_cast %parallel_loop3A_766 : i32 to index
        %parallel_loop3A_771 = tpu.vector_load %arg7[%parallel_loop3A_768, %parallel_loop3A_769, %parallel_loop3A_770] {strides = array<i32>} : memref<4x32x128xf32, #tpu.memory_space<vmem>>, vector<16xf32>,
        tpu.vector_store %arg7[%parallel_loop3A_768, %parallel_loop3A_769, %parallel_loop3A_770], %parallel_loop3A_724 {strides = array<i32>} : memref<4x32x128xf32, #tpu.memory_space<vmem>>, vector<16xf32>,
      } {sc.loop_unroll_factor = 32 : i64, sc.parallel_access}
      %dma_start3A_646 = arith.constant 2 : i32
      %dma_start3A_647 = arith.constant 0 : i32
      %dma_start3A_648 = arith.constant 0 : i32
      %dma_start3A_649 = tpu.memref_slice %arg7[%dma_start3A_646, %dma_start3A_647, %dma_start3A_648] : memref<4x32x128xf32, #tpu.memory_space<vmem>> -> memref<1x32x128xf32, #tpu.memory_space<vmem>>
      %dma_start3A_650 = tpu.memref_squeeze %dma_start3A_649 : memref<1x32x128xf32, #tpu.memory_space<vmem>> -> memref<32x128xf32, #tpu.memory_space<vmem>>
      %dma_start3A_651 = arith.constant 0 : i32
      %dma_start3A_652 = arith.constant 0 : i32
      %dma_start3A_653 = tpu.memref_slice %arg4[%add3A_623, %select_n3A, %dma_start3A_651, %select_n3A_36, %dma_start3A_652] : memref<200x8x32x8x128xf32, #tpu.memory_space<hbm>> -> memref<1x1x32x1x128xf32, #tpu.memory_space<hbm>>
      %dma_start3A_654 = tpu.memref_squeeze %dma_start3A_653 : memref<1x1x32x1x128xf32, #tpu.memory_space<hbm>> -> memref<32x128xf32, #tpu.memory_space<hbm>>
      %dma_start3A_655 = arith.constant 0 : i32
      %dma_start3A_656 = arith.constant 0 : i32
      %dma_start3A_657 = tpu.memref_slice %arg4[%add3A_623, %select_n3A, %dma_start3A_655, %select_n3A_36, %dma_start3A_656] : memref<200x8x32x8x128xf32, #tpu.memory_space<hbm>> -> memref<1x1x32x1x128xf32, #tpu.memory_space<hbm>>
      %dma_start3A_658 = tpu.memref_squeeze %dma_start3A_657 : memref<1x1x32x1x128xf32, #tpu.memory_space<hbm>> -> memref<32x128xf32, #tpu.memory_space<hbm>>
      %dma_start3A_659 = arith.constant 0 : i32
      %dma_start3A_660 = arith.constant 0 : i32
      %dma_start3A_661 = tpu.memref_slice %arg7[%dma_start3A_646, %dma_start3A_659, %dma_start3A_660] : memref<4x32x128xf32, #tpu.memory_space<vmem>> -> memref<1x32x128xf32, #tpu.memory_space<vmem>>
      %dma_start3A_662 = tpu.memref_squeeze %dma_start3A_661 : memref<1x32x128xf32, #tpu.memory_space<vmem>> -> memref<32x128xf32, #tpu.memory_space<vmem>>
      tpu.enqueue_dma source(%dma_start3A_662 : memref<32x128xf32, #tpu.memory_space<vmem>>) target(%dma_start3A_658 : memref<32x128xf32, #tpu.memory_space<hbm>>) target_semaphore(%arg13 : memref<!tpu.dma_semaphore, #tpu.memory_space<semaphore_mem>>)
      %mul3A_663 = arith.constant 8 : i32
      %mul3A_664 = arith.muli %add3A_237, %mul3A_663 : i32
      %add3A_665 = arith.constant 7 : i32
      %add3A_666 = arith.addi %mul3A_664, %add3A_665 : i32
      %dma_wait3A_667 = arith.constant 7 : i32
      %dma_wait3A_668 = arith.constant 1 : i32
      %dma_wait3A_669 = arith.constant 0 : i32
      %dma_wait3A_670 = tpu.memref_slice %arg6[%dma_wait3A_668, %dma_wait3A_669] : memref<2x4096xi32, #tpu.memory_space<vmem>> -> memref<1x4096xi32, #tpu.memory_space<vmem>>
      %dma_wait3A_671 = tpu.memref_squeeze %dma_wait3A_670 : memref<1x4096xi32, #tpu.memory_space<vmem>> -> memref<4096xi32, #tpu.memory_space<vmem>>
      %dma_wait3A_672 = arith.constant 0 : i32
      %dma_wait3A_673 = tpu.memref_slice %arg8[%select_n3A_253, %dma_wait3A_667, %dma_wait3A_672] : memref<2x8x4096xi32, #tpu.memory_space<vmem_shared>> -> memref<1x1x4096xi32, #tpu.memory_space<vmem_shared>>
      %dma_wait3A_674 = tpu.memref_squeeze %dma_wait3A_673 : memref<1x1x4096xi32, #tpu.memory_space<vmem_shared>> -> memref<4096xi32, #tpu.memory_space<vmem_shared>>
      %dma_wait3A_675 = arith.constant 0 : i32
      %dma_wait3A_676 = tpu.memref_slice %arg6[%dma_wait3A_668, %dma_wait3A_675] : memref<2x4096xi32, #tpu.memory_space<vmem>> -> memref<1x4096xi32, #tpu.memory_space<vmem>>
      %dma_wait3A_677 = tpu.memref_squeeze %dma_wait3A_676 : memref<1x4096xi32, #tpu.memory_space<vmem>> -> memref<4096xi32, #tpu.memory_space<vmem>>
      %dma_wait3A_678 = arith.constant 0 : i32
      %dma_wait3A_679 = tpu.memref_slice %arg8[%select_n3A_253, %dma_wait3A_667, %dma_wait3A_678] : memref<2x8x4096xi32, #tpu.memory_space<vmem_shared>> -> memref<1x1x4096xi32, #tpu.memory_space<vmem_shared>>
      %dma_wait3A_680 = tpu.memref_squeeze %dma_wait3A_679 : memref<1x1x4096xi32, #tpu.memory_space<vmem_shared>> -> memref<4096xi32, #tpu.memory_space<vmem_shared>>
      tpu.wait_dma2 semaphore(%arg10 : memref<!tpu.dma_semaphore, #tpu.memory_space<semaphore_mem>>) src(%dma_wait3A_680 : memref<4096xi32, #tpu.memory_space<vmem_shared>>) dst(%dma_wait3A_677 : memref<4096xi32, #tpu.memory_space<vmem>>)
      %ge3A_681 = arith.constant 4 : i32
      %ge3A_682 = arith.cmpi sge, %add3A_666, %ge3A_681 : i32
      %convert_element_type3A_683 = arith.extui %ge3A_682 : i1 to i32
      %cond3A_684 = arith.constant 0 : i32
      %cond3A_685 = arith.cmpi ne, %convert_element_type3A_683, %cond3A_684 : i32
      scf.if %cond3A_685 {
        %dma_wait3A_717 = arith.constant 3 : i32
        %dma_wait3A_718 = arith.constant 0 : i32
        %dma_wait3A_719 = arith.constant 0 : i32
        %dma_wait3A_720 = arith.constant 0 : i32
        %dma_wait3A_721 = arith.constant 0 : i32
        %dma_wait3A_722 = arith.constant 0 : i32
        %dma_wait3A_723 = tpu.memref_slice %arg7[%dma_wait3A_717, %dma_wait3A_721, %dma_wait3A_722] : memref<4x32x128xf32, #tpu.memory_space<vmem>> -> memref<1x32x128xf32, #tpu.memory_space<vmem>>
        %dma_wait3A_724 = tpu.memref_squeeze %dma_wait3A_723 : memref<1x32x128xf32, #tpu.memory_space<vmem>> -> memref<32x128xf32, #tpu.memory_space<vmem>>
        %dma_wait3A_725 = arith.constant 0 : i32
        %dma_wait3A_726 = arith.constant 0 : i32
        %dma_wait3A_727 = tpu.memref_slice %arg4[%dma_wait3A_718, %dma_wait3A_719, %dma_wait3A_725, %dma_wait3A_720, %dma_wait3A_726] : memref<200x8x32x8x128xf32, #tpu.memory_space<hbm>> -> memref<1x1x32x1x128xf32, #tpu.memory_space<hbm>>
        %dma_wait3A_728 = tpu.memref_squeeze %dma_wait3A_727 : memref<1x1x32x1x128xf32, #tpu.memory_space<hbm>> -> memref<32x128xf32, #tpu.memory_space<hbm>>
        %dma_wait3A_729 = arith.constant 0 : i32
        %dma_wait3A_730 = arith.constant 0 : i32
        %dma_wait3A_731 = tpu.memref_slice %arg4[%dma_wait3A_718, %dma_wait3A_719, %dma_wait3A_729, %dma_wait3A_720, %dma_wait3A_730] : memref<200x8x32x8x128xf32, #tpu.memory_space<hbm>> -> memref<1x1x32x1x128xf32, #tpu.memory_space<hbm>>
        %dma_wait3A_732 = tpu.memref_squeeze %dma_wait3A_731 : memref<1x1x32x1x128xf32, #tpu.memory_space<hbm>> -> memref<32x128xf32, #tpu.memory_space<hbm>>
        %dma_wait3A_733 = arith.constant 0 : i32
        %dma_wait3A_734 = arith.constant 0 : i32
        %dma_wait3A_735 = tpu.memref_slice %arg7[%dma_wait3A_717, %dma_wait3A_733, %dma_wait3A_734] : memref<4x32x128xf32, #tpu.memory_space<vmem>> -> memref<1x32x128xf32, #tpu.memory_space<vmem>>
        %dma_wait3A_736 = tpu.memref_squeeze %dma_wait3A_735 : memref<1x32x128xf32, #tpu.memory_space<vmem>> -> memref<32x128xf32, #tpu.memory_space<vmem>>
        tpu.wait_dma2 semaphore(%arg14 : memref<!tpu.dma_semaphore, #tpu.memory_space<semaphore_mem>>) src(%dma_wait3A_736 : memref<32x128xf32, #tpu.memory_space<vmem>>) dst(%dma_wait3A_732 : memref<32x128xf32, #tpu.memory_space<hbm>>)
      } else {
      }
      %parallel_loop3A_686 = arith.constant 0 : i32
      %parallel_loop3A_687 = arith.constant 256 : i32
      %parallel_loop3A_688 = arith.constant 1 : i32
      scf.for %parallel_loop3A_717 = %parallel_loop3A_686 to %parallel_loop3A_687 step %parallel_loop3A_688  : i32 {
        %parallel_loop3A_718 = arith.constant 16 : i32
        %parallel_loop3A_719 = arith.muli %parallel_loop3A_717, %parallel_loop3A_718 : i32
        %parallel_loop3A_720 = arith.constant 1 : i32
        %parallel_loop3A_721 = arith.index_cast %parallel_loop3A_720 : i32 to index
        %parallel_loop3A_722 = arith.index_cast %parallel_loop3A_719 : i32 to index
        %parallel_loop3A_723 = tpu.vector_load %arg6[%parallel_loop3A_721, %parallel_loop3A_722] {strides = array<i32>} : memref<2x4096xi32, #tpu.memory_space<vmem>>, vector<16xi32>,
        %parallel_loop3A_724 = tpu.vector_load_idx %arg5[%parallel_loop3A_723] : memref<100000xf32, #tpu.memory_space<vmem>>[vector<16xi32>], vector<16xf32>,
        %parallel_loop3A_725 = arith.constant 8 : i32
        %parallel_loop3A_726 = arith.divsi %parallel_loop3A_717, %parallel_loop3A_725 : i32
        %parallel_loop3A_727 = arith.constant 0 : i32
        %parallel_loop3A_728 = arith.cmpi sgt, %parallel_loop3A_717, %parallel_loop3A_727 : i32
        %parallel_loop3A_729 = arith.extui %parallel_loop3A_728 : i1 to i32
        %parallel_loop3A_730 = arith.constant 0 : i32
        %parallel_loop3A_731 = arith.cmpi slt, %parallel_loop3A_717, %parallel_loop3A_730 : i32
        %parallel_loop3A_732 = arith.extui %parallel_loop3A_731 : i1 to i32
        %parallel_loop3A_733 = arith.subi %parallel_loop3A_729, %parallel_loop3A_732 : i32
        %parallel_loop3A_734 = arith.constant 0 : i32
        %parallel_loop3A_735 = arith.cmpi sgt, %parallel_loop3A_725, %parallel_loop3A_734 : i32
        %parallel_loop3A_736 = arith.extui %parallel_loop3A_735 : i1 to i32
        %parallel_loop3A_737 = arith.constant 0 : i32
        %parallel_loop3A_738 = arith.cmpi slt, %parallel_loop3A_725, %parallel_loop3A_737 : i32
        %parallel_loop3A_739 = arith.extui %parallel_loop3A_738 : i1 to i32
        %parallel_loop3A_740 = arith.subi %parallel_loop3A_736, %parallel_loop3A_739 : i32
        %parallel_loop3A_741 = arith.cmpi ne, %parallel_loop3A_733, %parallel_loop3A_740 : i32
        %parallel_loop3A_742 = arith.remsi %parallel_loop3A_717, %parallel_loop3A_725 : i32
        %parallel_loop3A_743 = arith.constant 0 : i32
        %parallel_loop3A_744 = arith.cmpi ne, %parallel_loop3A_742, %parallel_loop3A_743 : i32
        %parallel_loop3A_745 = arith.andi %parallel_loop3A_741, %parallel_loop3A_744 : i1
        %parallel_loop3A_746 = arith.constant 1 : i32
        %parallel_loop3A_747 = arith.subi %parallel_loop3A_726, %parallel_loop3A_746 : i32
        %parallel_loop3A_748 = arith.select %parallel_loop3A_745, %parallel_loop3A_747, %parallel_loop3A_726 : i32
        %parallel_loop3A_749 = arith.constant 8 : i32
        %parallel_loop3A_750 = arith.constant 0 : i32
        %parallel_loop3A_751 = arith.cmpi eq, %parallel_loop3A_749, %parallel_loop3A_750 : i32
        %parallel_loop3A_752 = arith.constant 1 : i32
        %parallel_loop3A_753 = arith.select %parallel_loop3A_751, %parallel_loop3A_752, %parallel_loop3A_749 : i32
        %parallel_loop3A_754 = arith.remsi %parallel_loop3A_717, %parallel_loop3A_753 : i32
        %parallel_loop3A_755 = arith.constant 0 : i32
        %parallel_loop3A_756 = arith.cmpi ne, %parallel_loop3A_754, %parallel_loop3A_755 : i32
        %parallel_loop3A_757 = arith.constant 0 : i32
        %parallel_loop3A_758 = arith.cmpi slt, %parallel_loop3A_754, %parallel_loop3A_757 : i32
        %parallel_loop3A_759 = arith.constant 0 : i32
        %parallel_loop3A_760 = arith.cmpi slt, %parallel_loop3A_753, %parallel_loop3A_759 : i32
        %parallel_loop3A_761 = arith.xori %parallel_loop3A_758, %parallel_loop3A_760 : i1
        %parallel_loop3A_762 = arith.andi %parallel_loop3A_761, %parallel_loop3A_756 : i1
        %parallel_loop3A_763 = arith.addi %parallel_loop3A_754, %parallel_loop3A_753 : i32
        %parallel_loop3A_764 = arith.select %parallel_loop3A_762, %parallel_loop3A_763, %parallel_loop3A_754 : i32
        %parallel_loop3A_765 = arith.constant 16 : i32
        %parallel_loop3A_766 = arith.muli %parallel_loop3A_764, %parallel_loop3A_765 : i32
        %parallel_loop3A_767 = arith.constant 3 : i32
        %parallel_loop3A_768 = arith.index_cast %parallel_loop3A_767 : i32 to index
        %parallel_loop3A_769 = arith.index_cast %parallel_loop3A_748 : i32 to index
        %parallel_loop3A_770 = arith.index_cast %parallel_loop3A_766 : i32 to index
        %parallel_loop3A_771 = tpu.vector_load %arg7[%parallel_loop3A_768, %parallel_loop3A_769, %parallel_loop3A_770] {strides = array<i32>} : memref<4x32x128xf32, #tpu.memory_space<vmem>>, vector<16xf32>,
        tpu.vector_store %arg7[%parallel_loop3A_768, %parallel_loop3A_769, %parallel_loop3A_770], %parallel_loop3A_724 {strides = array<i32>} : memref<4x32x128xf32, #tpu.memory_space<vmem>>, vector<16xf32>,
      } {sc.loop_unroll_factor = 32 : i64, sc.parallel_access}
      %dma_start3A_689 = arith.constant 3 : i32
      %dma_start3A_690 = arith.constant 0 : i32
      %dma_start3A_691 = arith.constant 0 : i32
      %dma_start3A_692 = tpu.memref_slice %arg7[%dma_start3A_689, %dma_start3A_690, %dma_start3A_691] : memref<4x32x128xf32, #tpu.memory_space<vmem>> -> memref<1x32x128xf32, #tpu.memory_space<vmem>>
      %dma_start3A_693 = tpu.memref_squeeze %dma_start3A_692 : memref<1x32x128xf32, #tpu.memory_space<vmem>> -> memref<32x128xf32, #tpu.memory_space<vmem>>
      %dma_start3A_694 = arith.constant 0 : i32
      %dma_start3A_695 = arith.constant 0 : i32
      %dma_start3A_696 = tpu.memref_slice %arg4[%add3A_666, %select_n3A, %dma_start3A_694, %select_n3A_36, %dma_start3A_695] : memref<200x8x32x8x128xf32, #tpu.memory_space<hbm>> -> memref<1x1x32x1x128xf32, #tpu.memory_space<hbm>>
      %dma_start3A_697 = tpu.memref_squeeze %dma_start3A_696 : memref<1x1x32x1x128xf32, #tpu.memory_space<hbm>> -> memref<32x128xf32, #tpu.memory_space<hbm>>
      %dma_start3A_698 = arith.constant 0 : i32
      %dma_start3A_699 = arith.constant 0 : i32
      %dma_start3A_700 = tpu.memref_slice %arg4[%add3A_666, %select_n3A, %dma_start3A_698, %select_n3A_36, %dma_start3A_699] : memref<200x8x32x8x128xf32, #tpu.memory_space<hbm>> -> memref<1x1x32x1x128xf32, #tpu.memory_space<hbm>>
      %dma_start3A_701 = tpu.memref_squeeze %dma_start3A_700 : memref<1x1x32x1x128xf32, #tpu.memory_space<hbm>> -> memref<32x128xf32, #tpu.memory_space<hbm>>
      %dma_start3A_702 = arith.constant 0 : i32
      %dma_start3A_703 = arith.constant 0 : i32
      %dma_start3A_704 = tpu.memref_slice %arg7[%dma_start3A_689, %dma_start3A_702, %dma_start3A_703] : memref<4x32x128xf32, #tpu.memory_space<vmem>> -> memref<1x32x128xf32, #tpu.memory_space<vmem>>
      %dma_start3A_705 = tpu.memref_squeeze %dma_start3A_704 : memref<1x32x128xf32, #tpu.memory_space<vmem>> -> memref<32x128xf32, #tpu.memory_space<vmem>>
      tpu.enqueue_dma source(%dma_start3A_705 : memref<32x128xf32, #tpu.memory_space<vmem>>) target(%dma_start3A_701 : memref<32x128xf32, #tpu.memory_space<hbm>>) target_semaphore(%arg14 : memref<!tpu.dma_semaphore, #tpu.memory_space<semaphore_mem>>)
      %and3A_706 = arith.andi %eq3A_1, %lt3A_275 : i1
      %convert_element_type3A_707 = arith.extui %and3A_706 : i1 to i32
      %cond3A_708 = arith.constant 0 : i32
      %cond3A_709 = arith.cmpi ne, %convert_element_type3A_707, %cond3A_708 : i32
      scf.if %cond3A_709 {
        %dma_wait3A_717 = arith.constant 0 : i32
        %dma_wait3A_718 = arith.constant 0 : i32
        %dma_wait3A_719 = tpu.memref_slice %arg8[%select_n3A_271, %dma_wait3A_717, %dma_wait3A_718] : memref<2x8x4096xi32, #tpu.memory_space<vmem_shared>> -> memref<1x8x4096xi32, #tpu.memory_space<vmem_shared>>
        %dma_wait3A_720 = tpu.memref_squeeze %dma_wait3A_719 : memref<1x8x4096xi32, #tpu.memory_space<vmem_shared>> -> memref<8x4096xi32, #tpu.memory_space<vmem_shared>>
        %dma_wait3A_721 = arith.constant 0 : i32
        %dma_wait3A_722 = arith.constant 0 : i32
        %dma_wait3A_723 = tpu.memref_slice %arg2[%dma_wait3A_721, %dma_wait3A_722] : memref<200x4096xi32, #tpu.memory_space<hbm>> -> memref<8x4096xi32, #tpu.memory_space<hbm>>
        tpu.wait_dma2 semaphore(%arg15 : memref<!tpu.dma_semaphore, #tpu.memory_space<semaphore_mem>>) src(%dma_wait3A_723 : memref<8x4096xi32, #tpu.memory_space<hbm>>) dst(%dma_wait3A_720 : memref<8x4096xi32, #tpu.memory_space<vmem_shared>>)
      } else {
      }
      %barrier3A_710 = arith.constant 0 : index
      tpu.barrier barrier_id(%barrier3A_710)
      %convert_element_type3A_711 = arith.extui %lt3A_275 : i1 to i32
      %cond3A_712 = arith.constant 0 : i32
      %cond3A_713 = arith.cmpi ne, %convert_element_type3A_711, %cond3A_712 : i32
      scf.if %cond3A_713 {
        %dma_start3A_717 = arith.constant 0 : i32
        %dma_start3A_718 = arith.constant 0 : i32
        %dma_start3A_719 = arith.constant 0 : i32
        %dma_start3A_720 = tpu.memref_slice %arg6[%dma_start3A_718, %dma_start3A_719] : memref<2x4096xi32, #tpu.memory_space<vmem>> -> memref<1x4096xi32, #tpu.memory_space<vmem>>
        %dma_start3A_721 = tpu.memref_squeeze %dma_start3A_720 : memref<1x4096xi32, #tpu.memory_space<vmem>> -> memref<4096xi32, #tpu.memory_space<vmem>>
        %dma_start3A_722 = arith.constant 0 : i32
        %dma_start3A_723 = tpu.memref_slice %arg8[%select_n3A_271, %dma_start3A_717, %dma_start3A_722] : memref<2x8x4096xi32, #tpu.memory_space<vmem_shared>> -> memref<1x1x4096xi32, #tpu.memory_space<vmem_shared>>
        %dma_start3A_724 = tpu.memref_squeeze %dma_start3A_723 : memref<1x1x4096xi32, #tpu.memory_space<vmem_shared>> -> memref<4096xi32, #tpu.memory_space<vmem_shared>>
        %dma_start3A_725 = arith.constant 0 : i32
        %dma_start3A_726 = tpu.memref_slice %arg6[%dma_start3A_718, %dma_start3A_725] : memref<2x4096xi32, #tpu.memory_space<vmem>> -> memref<1x4096xi32, #tpu.memory_space<vmem>>
        %dma_start3A_727 = tpu.memref_squeeze %dma_start3A_726 : memref<1x4096xi32, #tpu.memory_space<vmem>> -> memref<4096xi32, #tpu.memory_space<vmem>>
        %dma_start3A_728 = arith.constant 0 : i32
        %dma_start3A_729 = tpu.memref_slice %arg8[%select_n3A_271, %dma_start3A_717, %dma_start3A_728] : memref<2x8x4096xi32, #tpu.memory_space<vmem_shared>> -> memref<1x1x4096xi32, #tpu.memory_space<vmem_shared>>
        %dma_start3A_730 = tpu.memref_squeeze %dma_start3A_729 : memref<1x1x4096xi32, #tpu.memory_space<vmem_shared>> -> memref<4096xi32, #tpu.memory_space<vmem_shared>>
        tpu.enqueue_dma source(%dma_start3A_730 : memref<4096xi32, #tpu.memory_space<vmem_shared>>) target(%dma_start3A_727 : memref<4096xi32, #tpu.memory_space<vmem>>) target_semaphore(%arg9 : memref<!tpu.dma_semaphore, #tpu.memory_space<semaphore_mem>>)
      } else {
      }
      %convert_element_type3A_714 = arith.extui %lt3A_275 : i1 to i32
      %cond3A_715 = arith.constant 0 : i32
      %cond3A_716 = arith.cmpi ne, %convert_element_type3A_714, %cond3A_715 : i32
      scf.if %cond3A_716 {
        %dma_start3A_717 = arith.constant 1 : i32
        %dma_start3A_718 = arith.constant 1 : i32
        %dma_start3A_719 = arith.constant 0 : i32
        %dma_start3A_720 = tpu.memref_slice %arg6[%dma_start3A_718, %dma_start3A_719] : memref<2x4096xi32, #tpu.memory_space<vmem>> -> memref<1x4096xi32, #tpu.memory_space<vmem>>
        %dma_start3A_721 = tpu.memref_squeeze %dma_start3A_720 : memref<1x4096xi32, #tpu.memory_space<vmem>> -> memref<4096xi32, #tpu.memory_space<vmem>>
        %dma_start3A_722 = arith.constant 0 : i32
        %dma_start3A_723 = tpu.memref_slice %arg8[%select_n3A_271, %dma_start3A_717, %dma_start3A_722] : memref<2x8x4096xi32, #tpu.memory_space<vmem_shared>> -> memref<1x1x4096xi32, #tpu.memory_space<vmem_shared>>
        %dma_start3A_724 = tpu.memref_squeeze %dma_start3A_723 : memref<1x1x4096xi32, #tpu.memory_space<vmem_shared>> -> memref<4096xi32, #tpu.memory_space<vmem_shared>>
        %dma_start3A_725 = arith.constant 0 : i32
        %dma_start3A_726 = tpu.memref_slice %arg6[%dma_start3A_718, %dma_start3A_725] : memref<2x4096xi32, #tpu.memory_space<vmem>> -> memref<1x4096xi32, #tpu.memory_space<vmem>>
        %dma_start3A_727 = tpu.memref_squeeze %dma_start3A_726 : memref<1x4096xi32, #tpu.memory_space<vmem>> -> memref<4096xi32, #tpu.memory_space<vmem>>
        %dma_start3A_728 = arith.constant 0 : i32
        %dma_start3A_729 = tpu.memref_slice %arg8[%select_n3A_271, %dma_start3A_717, %dma_start3A_728] : memref<2x8x4096xi32, #tpu.memory_space<vmem_shared>> -> memref<1x1x4096xi32, #tpu.memory_space<vmem_shared>>
        %dma_start3A_730 = tpu.memref_squeeze %dma_start3A_729 : memref<1x1x4096xi32, #tpu.memory_space<vmem_shared>> -> memref<4096xi32, #tpu.memory_space<vmem_shared>>
        tpu.enqueue_dma source(%dma_start3A_730 : memref<4096xi32, #tpu.memory_space<vmem_shared>>) target(%dma_start3A_727 : memref<4096xi32, #tpu.memory_space<vmem>>) target_semaphore(%arg10 : memref<!tpu.dma_semaphore, #tpu.memory_space<semaphore_mem>>)
      } else {
      }
    }
    %scan3A_70 = arith.constant 25 : i32
    %mul3A_71 = arith.constant 2 : i32
    %mul3A_72 = arith.muli %add3A, %mul3A_71 : i32
    %add3A_73 = arith.constant 1 : i32
    %add3A_74 = arith.addi %mul3A_72, %add3A_73 : i32
    %jit3A_75 = arith.constant 8 : i32
    %div3A_76 = arith.divsi %add3A_74, %jit3A_75 : i32
    %sign3A_77 = arith.constant 0 : i32
    %sign3A_78 = arith.cmpi sgt, %add3A_74, %sign3A_77 : i32
    %sign3A_79 = arith.extui %sign3A_78 : i1 to i32
    %sign3A_80 = arith.constant 0 : i32
    %sign3A_81 = arith.cmpi slt, %add3A_74, %sign3A_80 : i32
    %sign3A_82 = arith.extui %sign3A_81 : i1 to i32
    %sign3A_83 = arith.subi %sign3A_79, %sign3A_82 : i32
    %sign3A_84 = arith.constant 0 : i32
    %sign3A_85 = arith.cmpi sgt, %jit3A_75, %sign3A_84 : i32
    %sign3A_86 = arith.extui %sign3A_85 : i1 to i32
    %sign3A_87 = arith.constant 0 : i32
    %sign3A_88 = arith.cmpi slt, %jit3A_75, %sign3A_87 : i32
    %sign3A_89 = arith.extui %sign3A_88 : i1 to i32
    %sign3A_90 = arith.subi %sign3A_86, %sign3A_89 : i32
    %ne3A_91 = arith.cmpi ne, %sign3A_83, %sign3A_90 : i32
    %rem3A_92 = arith.remsi %add3A_74, %jit3A_75 : i32
    %ne3A_93 = arith.constant 0 : i32
    %ne3A_94 = arith.cmpi ne, %rem3A_92, %ne3A_93 : i32
    %and3A_95 = arith.andi %ne3A_91, %ne3A_94 : i1
    %sub3A_96 = arith.constant 1 : i32
    %sub3A_97 = arith.subi %div3A_76, %sub3A_96 : i32
    %select_n3A_98 = arith.select %and3A_95, %sub3A_97, %div3A_76 : i32
    %jit3A_99 = arith.constant 8 : i32
    %eq3A_100 = arith.constant 0 : i32
    %eq3A_101 = arith.cmpi eq, %jit3A_99, %eq3A_100 : i32
    %jit3A_102 = arith.constant 1 : i32
    %select_n3A_103 = arith.select %eq3A_101, %jit3A_102, %jit3A_99 : i32
    %rem3A_104 = arith.remsi %add3A_74, %select_n3A_103 : i32
    %ne3A_105 = arith.constant 0 : i32
    %ne3A_106 = arith.cmpi ne, %rem3A_104, %ne3A_105 : i32
    %lt3A_107 = arith.constant 0 : i32
    %lt3A_108 = arith.cmpi slt, %rem3A_104, %lt3A_107 : i32
    %lt3A_109 = arith.constant 0 : i32
    %lt3A_110 = arith.cmpi slt, %select_n3A_103, %lt3A_109 : i32
    %ne3A_111 = arith.xori %lt3A_108, %lt3A_110 : i1
    %and3A_112 = arith.andi %ne3A_111, %ne3A_106 : i1
    %add3A_113 = arith.addi %rem3A_104, %select_n3A_103 : i32
    %select_n3A_114 = arith.select %and3A_112, %add3A_113, %rem3A_104 : i32
    "tpu.region"() ({
      %run_scoped3A = tpu.sem_alloc : memref<!tpu.dma_semaphore, #tpu.memory_space<semaphore_mem>>
      %dma_start3A_233 = arith.constant 0 : i32
      %dma_start3A_234 = tpu.memref_slice %arg3[%add3A_74, %dma_start3A_233] : memref<64x100000xf32, #tpu.memory_space<hbm>> -> memref<1x100000xf32, #tpu.memory_space<hbm>>
      %dma_start3A_235 = tpu.memref_squeeze %dma_start3A_234 : memref<1x100000xf32, #tpu.memory_space<hbm>> -> memref<100000xf32, #tpu.memory_space<hbm>>
      %dma_start3A_236 = arith.constant 0 : i32
      %dma_start3A_237 = tpu.memref_slice %arg3[%add3A_74, %dma_start3A_236] : memref<64x100000xf32, #tpu.memory_space<hbm>> -> memref<1x100000xf32, #tpu.memory_space<hbm>>
      %dma_start3A_238 = tpu.memref_squeeze %dma_start3A_237 : memref<1x100000xf32, #tpu.memory_space<hbm>> -> memref<100000xf32, #tpu.memory_space<hbm>>
      tpu.enqueue_dma source(%dma_start3A_238 : memref<100000xf32, #tpu.memory_space<hbm>>) target(%arg5 : memref<100000xf32, #tpu.memory_space<vmem>>) target_semaphore(%run_scoped3A : memref<!tpu.dma_semaphore, #tpu.memory_space<semaphore_mem>>)
      %dma_wait3A_239 = arith.constant 0 : i32
      %dma_wait3A_240 = tpu.memref_slice %arg3[%add3A_74, %dma_wait3A_239] : memref<64x100000xf32, #tpu.memory_space<hbm>> -> memref<1x100000xf32, #tpu.memory_space<hbm>>
      %dma_wait3A_241 = tpu.memref_squeeze %dma_wait3A_240 : memref<1x100000xf32, #tpu.memory_space<hbm>> -> memref<100000xf32, #tpu.memory_space<hbm>>
      %dma_wait3A_242 = arith.constant 0 : i32
      %dma_wait3A_243 = tpu.memref_slice %arg3[%add3A_74, %dma_wait3A_242] : memref<64x100000xf32, #tpu.memory_space<hbm>> -> memref<1x100000xf32, #tpu.memory_space<hbm>>
      %dma_wait3A_244 = tpu.memref_squeeze %dma_wait3A_243 : memref<1x100000xf32, #tpu.memory_space<hbm>> -> memref<100000xf32, #tpu.memory_space<hbm>>
      tpu.wait_dma2 semaphore(%run_scoped3A : memref<!tpu.dma_semaphore, #tpu.memory_space<semaphore_mem>>) src(%dma_wait3A_244 : memref<100000xf32, #tpu.memory_space<hbm>>) dst(%arg5 : memref<100000xf32, #tpu.memory_space<vmem>>)
      tpu.yield
    }) : () -> ()
    %convert_element_type3A_115 = arith.extui %eq3A_1 : i1 to i32
    %cond3A_116 = arith.constant 0 : i32
    %cond3A_117 = arith.cmpi ne, %convert_element_type3A_115, %cond3A_116 : i32
    scf.if %cond3A_117 {
      %run_scoped3A = arith.constant 0 : i32
      "tpu.region"() ({
        %run_scoped3A_233 = tpu.sem_alloc : memref<!tpu.dma_semaphore, #tpu.memory_space<semaphore_mem>>
        %dma_start3A_234 = arith.constant 0 : i32
        %dma_start3A_235 = arith.constant 0 : i32
        %dma_start3A_236 = tpu.memref_slice %arg8[%run_scoped3A, %dma_start3A_234, %dma_start3A_235] : memref<2x8x4096xi32, #tpu.memory_space<vmem_shared>> -> memref<1x8x4096xi32, #tpu.memory_space<vmem_shared>>
        %dma_start3A_237 = tpu.memref_squeeze %dma_start3A_236 : memref<1x8x4096xi32, #tpu.memory_space<vmem_shared>> -> memref<8x4096xi32, #tpu.memory_space<vmem_shared>>
        %dma_start3A_238 = arith.constant 0 : i32
        %dma_start3A_239 = arith.constant 0 : i32
        %dma_start3A_240 = tpu.memref_slice %arg2[%dma_start3A_238, %dma_start3A_239] : memref<200x4096xi32, #tpu.memory_space<hbm>> -> memref<8x4096xi32, #tpu.memory_space<hbm>>
        tpu.enqueue_dma source(%dma_start3A_240 : memref<8x4096xi32, #tpu.memory_space<hbm>>) target(%dma_start3A_237 : memref<8x4096xi32, #tpu.memory_space<vmem_shared>>) target_semaphore(%run_scoped3A_233 : memref<!tpu.dma_semaphore, #tpu.memory_space<semaphore_mem>>)
        %dma_wait3A_241 = arith.constant 0 : i32
        %dma_wait3A_242 = arith.constant 0 : i32
        %dma_wait3A_243 = tpu.memref_slice %arg8[%run_scoped3A, %dma_wait3A_241, %dma_wait3A_242] : memref<2x8x4096xi32, #tpu.memory_space<vmem_shared>> -> memref<1x8x4096xi32, #tpu.memory_space<vmem_shared>>
        %dma_wait3A_244 = tpu.memref_squeeze %dma_wait3A_243 : memref<1x8x4096xi32, #tpu.memory_space<vmem_shared>> -> memref<8x4096xi32, #tpu.memory_space<vmem_shared>>
        %dma_wait3A_245 = arith.constant 0 : i32
        %dma_wait3A_246 = arith.constant 0 : i32
        %dma_wait3A_247 = tpu.memref_slice %arg2[%dma_wait3A_245, %dma_wait3A_246] : memref<200x4096xi32, #tpu.memory_space<hbm>> -> memref<8x4096xi32, #tpu.memory_space<hbm>>
        tpu.wait_dma2 semaphore(%run_scoped3A_233 : memref<!tpu.dma_semaphore, #tpu.memory_space<semaphore_mem>>) src(%dma_wait3A_247 : memref<8x4096xi32, #tpu.memory_space<hbm>>) dst(%dma_wait3A_244 : memref<8x4096xi32, #tpu.memory_space<vmem_shared>>)
        tpu.yield
      }) : () -> ()
    } else {
    }
    %barrier3A_118 = arith.constant 0 : index
    tpu.barrier barrier_id(%barrier3A_118)
    %dma_start3A_119 = arith.constant 0 : i32
    %dma_start3A_120 = arith.constant 0 : i32
    %dma_start3A_121 = arith.constant 0 : i32
    %dma_start3A_122 = arith.constant 0 : i32
    %dma_start3A_123 = tpu.memref_slice %arg6[%dma_start3A_121, %dma_start3A_122] : memref<2x4096xi32, #tpu.memory_space<vmem>> -> memref<1x4096xi32, #tpu.memory_space<vmem>>
    %dma_start3A_124 = tpu.memref_squeeze %dma_start3A_123 : memref<1x4096xi32, #tpu.memory_space<vmem>> -> memref<4096xi32, #tpu.memory_space<vmem>>
    %dma_start3A_125 = arith.constant 0 : i32
    %dma_start3A_126 = tpu.memref_slice %arg8[%dma_start3A_119, %dma_start3A_120, %dma_start3A_125] : memref<2x8x4096xi32, #tpu.memory_space<vmem_shared>> -> memref<1x1x4096xi32, #tpu.memory_space<vmem_shared>>
    %dma_start3A_127 = tpu.memref_squeeze %dma_start3A_126 : memref<1x1x4096xi32, #tpu.memory_space<vmem_shared>> -> memref<4096xi32, #tpu.memory_space<vmem_shared>>
    %dma_start3A_128 = arith.constant 0 : i32
    %dma_start3A_129 = tpu.memref_slice %arg6[%dma_start3A_121, %dma_start3A_128] : memref<2x4096xi32, #tpu.memory_space<vmem>> -> memref<1x4096xi32, #tpu.memory_space<vmem>>
    %dma_start3A_130 = tpu.memref_squeeze %dma_start3A_129 : memref<1x4096xi32, #tpu.memory_space<vmem>> -> memref<4096xi32, #tpu.memory_space<vmem>>
    %dma_start3A_131 = arith.constant 0 : i32
    %dma_start3A_132 = tpu.memref_slice %arg8[%dma_start3A_119, %dma_start3A_120, %dma_start3A_131] : memref<2x8x4096xi32, #tpu.memory_space<vmem_shared>> -> memref<1x1x4096xi32, #tpu.memory_space<vmem_shared>>
    %dma_start3A_133 = tpu.memref_squeeze %dma_start3A_132 : memref<1x1x4096xi32, #tpu.memory_space<vmem_shared>> -> memref<4096xi32, #tpu.memory_space<vmem_shared>>
    tpu.enqueue_dma source(%dma_start3A_133 : memref<4096xi32, #tpu.memory_space<vmem_shared>>) target(%dma_start3A_130 : memref<4096xi32, #tpu.memory_space<vmem>>) target_semaphore(%arg9 : memref<!tpu.dma_semaphore, #tpu.memory_space<semaphore_mem>>)
    %dma_start3A_134 = arith.constant 0 : i32
    %dma_start3A_135 = arith.constant 1 : i32
    %dma_start3A_136 = arith.constant 1 : i32
    %dma_start3A_137 = arith.constant 0 : i32
    %dma_start3A_138 = tpu.memref_slice %arg6[%dma_start3A_136, %dma_start3A_137] : memref<2x4096xi32, #tpu.memory_space<vmem>> -> memref<1x4096xi32, #tpu.memory_space<vmem>>
    %dma_start3A_139 = tpu.memref_squeeze %dma_start3A_138 : memref<1x4096xi32, #tpu.memory_space<vmem>> -> memref<4096xi32, #tpu.memory_space<vmem>>
    %dma_start3A_140 = arith.constant 0 : i32
    %dma_start3A_141 = tpu.memref_slice %arg8[%dma_start3A_134, %dma_start3A_135, %dma_start3A_140] : memref<2x8x4096xi32, #tpu.memory_space<vmem_shared>> -> memref<1x1x4096xi32, #tpu.memory_space<vmem_shared>>
    %dma_start3A_142 = tpu.memref_squeeze %dma_start3A_141 : memref<1x1x4096xi32, #tpu.memory_space<vmem_shared>> -> memref<4096xi32, #tpu.memory_space<vmem_shared>>
    %dma_start3A_143 = arith.constant 0 : i32
    %dma_start3A_144 = tpu.memref_slice %arg6[%dma_start3A_136, %dma_start3A_143] : memref<2x4096xi32, #tpu.memory_space<vmem>> -> memref<1x4096xi32, #tpu.memory_space<vmem>>
    %dma_start3A_145 = tpu.memref_squeeze %dma_start3A_144 : memref<1x4096xi32, #tpu.memory_space<vmem>> -> memref<4096xi32, #tpu.memory_space<vmem>>
    %dma_start3A_146 = arith.constant 0 : i32
    %dma_start3A_147 = tpu.memref_slice %arg8[%dma_start3A_134, %dma_start3A_135, %dma_start3A_146] : memref<2x8x4096xi32, #tpu.memory_space<vmem_shared>> -> memref<1x1x4096xi32, #tpu.memory_space<vmem_shared>>
    %dma_start3A_148 = tpu.memref_squeeze %dma_start3A_147 : memref<1x1x4096xi32, #tpu.memory_space<vmem_shared>> -> memref<4096xi32, #tpu.memory_space<vmem_shared>>
    tpu.enqueue_dma source(%dma_start3A_148 : memref<4096xi32, #tpu.memory_space<vmem_shared>>) target(%dma_start3A_145 : memref<4096xi32, #tpu.memory_space<vmem>>) target_semaphore(%arg10 : memref<!tpu.dma_semaphore, #tpu.memory_space<semaphore_mem>>)
    %scan3A_149 = arith.constant 0 : i32
    %scan3A_150 = arith.constant 25 : i32
    %scan3A_151 = arith.addi %scan3A_149, %scan3A_150 : i32
    %scan3A_152 = arith.constant 1 : i32
    scf.for %scan3A_233 = %scan3A_149 to %scan3A_151 step %scan3A_152  : i32 {
      %mul3A_234 = arith.constant 1 : i32
      %mul3A_235 = arith.muli %scan3A_233, %mul3A_234 : i32
      %add3A_236 = arith.constant 0 : i32
      %add3A_237 = arith.addi %add3A_236, %mul3A_235 : i32
      %jit3A_238 = arith.constant 2 : i32
      %eq3A_239 = arith.constant 0 : i32
      %eq3A_240 = arith.cmpi eq, %jit3A_238, %eq3A_239 : i32
      %jit3A_241 = arith.constant 1 : i32
      %select_n3A_242 = arith.select %eq3A_240, %jit3A_241, %jit3A_238 : i32
      %rem3A_243 = arith.remsi %add3A_237, %select_n3A_242 : i32
      %ne3A_244 = arith.constant 0 : i32
      %ne3A_245 = arith.cmpi ne, %rem3A_243, %ne3A_244 : i32
      %lt3A_246 = arith.constant 0 : i32
      %lt3A_247 = arith.cmpi slt, %rem3A_243, %lt3A_246 : i32
      %lt3A_248 = arith.constant 0 : i32
      %lt3A_249 = arith.cmpi slt, %select_n3A_242, %lt3A_248 : i32
      %ne3A_250 = arith.xori %lt3A_247, %lt3A_249 : i1
      %and3A_251 = arith.andi %ne3A_250, %ne3A_245 : i1
      %add3A_252 = arith.addi %rem3A_243, %select_n3A_242 : i32
      %select_n3A_253 = arith.select %and3A_251, %add3A_252, %rem3A_243 : i32
      %add3A_254 = arith.constant 1 : i32
      %add3A_255 = arith.addi %add3A_237, %add3A_254 : i32
      %jit3A_256 = arith.constant 2 : i32
      %eq3A_257 = arith.constant 0 : i32
      %eq3A_258 = arith.cmpi eq, %jit3A_256, %eq3A_257 : i32
      %jit3A_259 = arith.constant 1 : i32
      %select_n3A_260 = arith.select %eq3A_258, %jit3A_259, %jit3A_256 : i32
      %rem3A_261 = arith.remsi %add3A_255, %select_n3A_260 : i32
      %ne3A_262 = arith.constant 0 : i32
      %ne3A_263 = arith.cmpi ne, %rem3A_261, %ne3A_262 : i32
      %lt3A_264 = arith.constant 0 : i32
      %lt3A_265 = arith.cmpi slt, %rem3A_261, %lt3A_264 : i32
      %lt3A_266 = arith.constant 0 : i32
      %lt3A_267 = arith.cmpi slt, %select_n3A_260, %lt3A_266 : i32
      %ne3A_268 = arith.xori %lt3A_265, %lt3A_267 : i1
      %and3A_269 = arith.andi %ne3A_268, %ne3A_263 : i1
      %add3A_270 = arith.addi %rem3A_261, %select_n3A_260 : i32
      %select_n3A_271 = arith.select %and3A_269, %add3A_270, %rem3A_261 : i32
      %add3A_272 = arith.constant 1 : i32
      %add3A_273 = arith.addi %add3A_237, %add3A_272 : i32
      %lt3A_274 = arith.constant 25 : i32
      %lt3A_275 = arith.cmpi slt, %add3A_273, %lt3A_274 : i32
      %and3A_276 = arith.andi %eq3A_1, %lt3A_275 : i1
      %convert_element_type3A_277 = arith.extui %and3A_276 : i1 to i32
      %cond3A_278 = arith.constant 0 : i32
      %cond3A_279 = arith.cmpi ne, %convert_element_type3A_277, %cond3A_278 : i32
      scf.if %cond3A_279 {
        %add3A_838 = arith.constant 1 : i32
        %add3A_839 = arith.addi %add3A_237, %add3A_838 : i32
        %mul3A_840 = arith.constant 8 : i32
        %mul3A_841 = arith.muli %add3A_839, %mul3A_840 : i32
        %dma_start3A_842 = arith.constant 0 : i32
        %dma_start3A_843 = arith.constant 0 : i32
        %dma_start3A_844 = tpu.memref_slice %arg8[%select_n3A_271, %dma_start3A_842, %dma_start3A_843] : memref<2x8x4096xi32, #tpu.memory_space<vmem_shared>> -> memref<1x8x4096xi32, #tpu.memory_space<vmem_shared>>
        %dma_start3A_845 = tpu.memref_squeeze %dma_start3A_844 : memref<1x8x4096xi32, #tpu.memory_space<vmem_shared>> -> memref<8x4096xi32, #tpu.memory_space<vmem_shared>>
        %dma_start3A_846 = arith.constant 0 : i32
        %dma_start3A_847 = tpu.memref_slice %arg2[%mul3A_841, %dma_start3A_846] : memref<200x4096xi32, #tpu.memory_space<hbm>> -> memref<8x4096xi32, #tpu.memory_space<hbm>>
        tpu.enqueue_dma source(%dma_start3A_847 : memref<8x4096xi32, #tpu.memory_space<hbm>>) target(%dma_start3A_845 : memref<8x4096xi32, #tpu.memory_space<vmem_shared>>) target_semaphore(%arg15 : memref<!tpu.dma_semaphore, #tpu.memory_space<semaphore_mem>>)
      } else {
      }
      %mul3A_280 = arith.constant 8 : i32
      %mul3A_281 = arith.muli %add3A_237, %mul3A_280 : i32
      %add3A_282 = arith.constant 0 : i32
      %add3A_283 = arith.addi %mul3A_281, %add3A_282 : i32
      %dma_wait3A_284 = arith.constant 0 : i32
      %dma_wait3A_285 = arith.constant 0 : i32
      %dma_wait3A_286 = arith.constant 0 : i32
      %dma_wait3A_287 = tpu.memref_slice %arg6[%dma_wait3A_285, %dma_wait3A_286] : memref<2x4096xi32, #tpu.memory_space<vmem>> -> memref<1x4096xi32, #tpu.memory_space<vmem>>
      %dma_wait3A_288 = tpu.memref_squeeze %dma_wait3A_287 : memref<1x4096xi32, #tpu.memory_space<vmem>> -> memref<4096xi32, #tpu.memory_space<vmem>>
      %dma_wait3A_289 = arith.constant 0 : i32
      %dma_wait3A_290 = tpu.memref_slice %arg8[%select_n3A_253, %dma_wait3A_284, %dma_wait3A_289] : memref<2x8x4096xi32, #tpu.memory_space<vmem_shared>> -> memref<1x1x4096xi32, #tpu.memory_space<vmem_shared>>
      %dma_wait3A_291 = tpu.memref_squeeze %dma_wait3A_290 : memref<1x1x4096xi32, #tpu.memory_space<vmem_shared>> -> memref<4096xi32, #tpu.memory_space<vmem_shared>>
      %dma_wait3A_292 = arith.constant 0 : i32
      %dma_wait3A_293 = tpu.memref_slice %arg6[%dma_wait3A_285, %dma_wait3A_292] : memref<2x4096xi32, #tpu.memory_space<vmem>> -> memref<1x4096xi32, #tpu.memory_space<vmem>>
      %dma_wait3A_294 = tpu.memref_squeeze %dma_wait3A_293 : memref<1x4096xi32, #tpu.memory_space<vmem>> -> memref<4096xi32, #tpu.memory_space<vmem>>
      %dma_wait3A_295 = arith.constant 0 : i32
      %dma_wait3A_296 = tpu.memref_slice %arg8[%select_n3A_253, %dma_wait3A_284, %dma_wait3A_295] : memref<2x8x4096xi32, #tpu.memory_space<vmem_shared>> -> memref<1x1x4096xi32, #tpu.memory_space<vmem_shared>>
      %dma_wait3A_297 = tpu.memref_squeeze %dma_wait3A_296 : memref<1x1x4096xi32, #tpu.memory_space<vmem_shared>> -> memref<4096xi32, #tpu.memory_space<vmem_shared>>
      tpu.wait_dma2 semaphore(%arg9 : memref<!tpu.dma_semaphore, #tpu.memory_space<semaphore_mem>>) src(%dma_wait3A_297 : memref<4096xi32, #tpu.memory_space<vmem_shared>>) dst(%dma_wait3A_294 : memref<4096xi32, #tpu.memory_space<vmem>>)
      %dma_wait3A_298 = arith.constant 0 : i32
      %dma_wait3A_299 = arith.constant 0 : i32
      %dma_wait3A_300 = arith.constant 0 : i32
      %dma_wait3A_301 = arith.constant 0 : i32
      %dma_wait3A_302 = arith.constant 0 : i32
      %dma_wait3A_303 = arith.constant 0 : i32
      %dma_wait3A_304 = tpu.memref_slice %arg7[%dma_wait3A_298, %dma_wait3A_302, %dma_wait3A_303] : memref<4x32x128xf32, #tpu.memory_space<vmem>> -> memref<1x32x128xf32, #tpu.memory_space<vmem>>
      %dma_wait3A_305 = tpu.memref_squeeze %dma_wait3A_304 : memref<1x32x128xf32, #tpu.memory_space<vmem>> -> memref<32x128xf32, #tpu.memory_space<vmem>>
      %dma_wait3A_306 = arith.constant 0 : i32
      %dma_wait3A_307 = arith.constant 0 : i32
      %dma_wait3A_308 = tpu.memref_slice %arg4[%dma_wait3A_299, %dma_wait3A_300, %dma_wait3A_306, %dma_wait3A_301, %dma_wait3A_307] : memref<200x8x32x8x128xf32, #tpu.memory_space<hbm>> -> memref<1x1x32x1x128xf32, #tpu.memory_space<hbm>>
      %dma_wait3A_309 = tpu.memref_squeeze %dma_wait3A_308 : memref<1x1x32x1x128xf32, #tpu.memory_space<hbm>> -> memref<32x128xf32, #tpu.memory_space<hbm>>
      %dma_wait3A_310 = arith.constant 0 : i32
      %dma_wait3A_311 = arith.constant 0 : i32
      %dma_wait3A_312 = tpu.memref_slice %arg4[%dma_wait3A_299, %dma_wait3A_300, %dma_wait3A_310, %dma_wait3A_301, %dma_wait3A_311] : memref<200x8x32x8x128xf32, #tpu.memory_space<hbm>> -> memref<1x1x32x1x128xf32, #tpu.memory_space<hbm>>
      %dma_wait3A_313 = tpu.memref_squeeze %dma_wait3A_312 : memref<1x1x32x1x128xf32, #tpu.memory_space<hbm>> -> memref<32x128xf32, #tpu.memory_space<hbm>>
      %dma_wait3A_314 = arith.constant 0 : i32
      %dma_wait3A_315 = arith.constant 0 : i32
      %dma_wait3A_316 = tpu.memref_slice %arg7[%dma_wait3A_298, %dma_wait3A_314, %dma_wait3A_315] : memref<4x32x128xf32, #tpu.memory_space<vmem>> -> memref<1x32x128xf32, #tpu.memory_space<vmem>>
      %dma_wait3A_317 = tpu.memref_squeeze %dma_wait3A_316 : memref<1x32x128xf32, #tpu.memory_space<vmem>> -> memref<32x128xf32, #tpu.memory_space<vmem>>
      tpu.wait_dma2 semaphore(%arg11 : memref<!tpu.dma_semaphore, #tpu.memory_space<semaphore_mem>>) src(%dma_wait3A_317 : memref<32x128xf32, #tpu.memory_space<vmem>>) dst(%dma_wait3A_313 : memref<32x128xf32, #tpu.memory_space<hbm>>)
      %parallel_loop3A = arith.constant 0 : i32
      %parallel_loop3A_318 = arith.constant 256 : i32
      %parallel_loop3A_319 = arith.constant 1 : i32
      scf.for %parallel_loop3A_838 = %parallel_loop3A to %parallel_loop3A_318 step %parallel_loop3A_319  : i32 {
        %parallel_loop3A_839 = arith.constant 16 : i32
        %parallel_loop3A_840 = arith.muli %parallel_loop3A_838, %parallel_loop3A_839 : i32
        %parallel_loop3A_841 = arith.constant 0 : i32
        %parallel_loop3A_842 = arith.index_cast %parallel_loop3A_841 : i32 to index
        %parallel_loop3A_843 = arith.index_cast %parallel_loop3A_840 : i32 to index
        %parallel_loop3A_844 = tpu.vector_load %arg6[%parallel_loop3A_842, %parallel_loop3A_843] {strides = array<i32>} : memref<2x4096xi32, #tpu.memory_space<vmem>>, vector<16xi32>,
        %parallel_loop3A_845 = tpu.vector_load_idx %arg5[%parallel_loop3A_844] : memref<100000xf32, #tpu.memory_space<vmem>>[vector<16xi32>], vector<16xf32>,
        %parallel_loop3A_846 = arith.constant 8 : i32
        %parallel_loop3A_847 = arith.divsi %parallel_loop3A_838, %parallel_loop3A_846 : i32
        %parallel_loop3A_848 = arith.constant 0 : i32
        %parallel_loop3A_849 = arith.cmpi sgt, %parallel_loop3A_838, %parallel_loop3A_848 : i32
        %parallel_loop3A_850 = arith.extui %parallel_loop3A_849 : i1 to i32
        %parallel_loop3A_851 = arith.constant 0 : i32
        %parallel_loop3A_852 = arith.cmpi slt, %parallel_loop3A_838, %parallel_loop3A_851 : i32
        %parallel_loop3A_853 = arith.extui %parallel_loop3A_852 : i1 to i32
        %parallel_loop3A_854 = arith.subi %parallel_loop3A_850, %parallel_loop3A_853 : i32
        %parallel_loop3A_855 = arith.constant 0 : i32
        %parallel_loop3A_856 = arith.cmpi sgt, %parallel_loop3A_846, %parallel_loop3A_855 : i32
        %parallel_loop3A_857 = arith.extui %parallel_loop3A_856 : i1 to i32
        %parallel_loop3A_858 = arith.constant 0 : i32
        %parallel_loop3A_859 = arith.cmpi slt, %parallel_loop3A_846, %parallel_loop3A_858 : i32
        %parallel_loop3A_860 = arith.extui %parallel_loop3A_859 : i1 to i32
        %parallel_loop3A_861 = arith.subi %parallel_loop3A_857, %parallel_loop3A_860 : i32
        %parallel_loop3A_862 = arith.cmpi ne, %parallel_loop3A_854, %parallel_loop3A_861 : i32
        %parallel_loop3A_863 = arith.remsi %parallel_loop3A_838, %parallel_loop3A_846 : i32
        %parallel_loop3A_864 = arith.constant 0 : i32
        %parallel_loop3A_865 = arith.cmpi ne, %parallel_loop3A_863, %parallel_loop3A_864 : i32
        %parallel_loop3A_866 = arith.andi %parallel_loop3A_862, %parallel_loop3A_865 : i1
        %parallel_loop3A_867 = arith.constant 1 : i32
        %parallel_loop3A_868 = arith.subi %parallel_loop3A_847, %parallel_loop3A_867 : i32
        %parallel_loop3A_869 = arith.select %parallel_loop3A_866, %parallel_loop3A_868, %parallel_loop3A_847 : i32
        %parallel_loop3A_870 = arith.constant 8 : i32
        %parallel_loop3A_871 = arith.constant 0 : i32
        %parallel_loop3A_872 = arith.cmpi eq, %parallel_loop3A_870, %parallel_loop3A_871 : i32
        %parallel_loop3A_873 = arith.constant 1 : i32
        %parallel_loop3A_874 = arith.select %parallel_loop3A_872, %parallel_loop3A_873, %parallel_loop3A_870 : i32
        %parallel_loop3A_875 = arith.remsi %parallel_loop3A_838, %parallel_loop3A_874 : i32
        %parallel_loop3A_876 = arith.constant 0 : i32
        %parallel_loop3A_877 = arith.cmpi ne, %parallel_loop3A_875, %parallel_loop3A_876 : i32
        %parallel_loop3A_878 = arith.constant 0 : i32
        %parallel_loop3A_879 = arith.cmpi slt, %parallel_loop3A_875, %parallel_loop3A_878 : i32
        %parallel_loop3A_880 = arith.constant 0 : i32
        %parallel_loop3A_881 = arith.cmpi slt, %parallel_loop3A_874, %parallel_loop3A_880 : i32
        %parallel_loop3A_882 = arith.xori %parallel_loop3A_879, %parallel_loop3A_881 : i1
        %parallel_loop3A_883 = arith.andi %parallel_loop3A_882, %parallel_loop3A_877 : i1
        %parallel_loop3A_884 = arith.addi %parallel_loop3A_875, %parallel_loop3A_874 : i32
        %parallel_loop3A_885 = arith.select %parallel_loop3A_883, %parallel_loop3A_884, %parallel_loop3A_875 : i32
        %parallel_loop3A_886 = arith.constant 16 : i32
        %parallel_loop3A_887 = arith.muli %parallel_loop3A_885, %parallel_loop3A_886 : i32
        %parallel_loop3A_888 = arith.constant 0 : i32
        %parallel_loop3A_889 = arith.index_cast %parallel_loop3A_888 : i32 to index
        %parallel_loop3A_890 = arith.index_cast %parallel_loop3A_869 : i32 to index
        %parallel_loop3A_891 = arith.index_cast %parallel_loop3A_887 : i32 to index
        %parallel_loop3A_892 = tpu.vector_load %arg7[%parallel_loop3A_889, %parallel_loop3A_890, %parallel_loop3A_891] {strides = array<i32>} : memref<4x32x128xf32, #tpu.memory_space<vmem>>, vector<16xf32>,
        tpu.vector_store %arg7[%parallel_loop3A_889, %parallel_loop3A_890, %parallel_loop3A_891], %parallel_loop3A_845 {strides = array<i32>} : memref<4x32x128xf32, #tpu.memory_space<vmem>>, vector<16xf32>,
      } {sc.loop_unroll_factor = 32 : i64, sc.parallel_access}
      %dma_start3A_320 = arith.constant 0 : i32
      %dma_start3A_321 = arith.constant 0 : i32
      %dma_start3A_322 = arith.constant 0 : i32
      %dma_start3A_323 = tpu.memref_slice %arg7[%dma_start3A_320, %dma_start3A_321, %dma_start3A_322] : memref<4x32x128xf32, #tpu.memory_space<vmem>> -> memref<1x32x128xf32, #tpu.memory_space<vmem>>
      %dma_start3A_324 = tpu.memref_squeeze %dma_start3A_323 : memref<1x32x128xf32, #tpu.memory_space<vmem>> -> memref<32x128xf32, #tpu.memory_space<vmem>>
      %dma_start3A_325 = arith.constant 0 : i32
      %dma_start3A_326 = arith.constant 0 : i32
      %dma_start3A_327 = tpu.memref_slice %arg4[%add3A_283, %select_n3A_98, %dma_start3A_325, %select_n3A_114, %dma_start3A_326] : memref<200x8x32x8x128xf32, #tpu.memory_space<hbm>> -> memref<1x1x32x1x128xf32, #tpu.memory_space<hbm>>
      %dma_start3A_328 = tpu.memref_squeeze %dma_start3A_327 : memref<1x1x32x1x128xf32, #tpu.memory_space<hbm>> -> memref<32x128xf32, #tpu.memory_space<hbm>>
      %dma_start3A_329 = arith.constant 0 : i32
      %dma_start3A_330 = arith.constant 0 : i32
      %dma_start3A_331 = tpu.memref_slice %arg4[%add3A_283, %select_n3A_98, %dma_start3A_329, %select_n3A_114, %dma_start3A_330] : memref<200x8x32x8x128xf32, #tpu.memory_space<hbm>> -> memref<1x1x32x1x128xf32, #tpu.memory_space<hbm>>
      %dma_start3A_332 = tpu.memref_squeeze %dma_start3A_331 : memref<1x1x32x1x128xf32, #tpu.memory_space<hbm>> -> memref<32x128xf32, #tpu.memory_space<hbm>>
      %dma_start3A_333 = arith.constant 0 : i32
      %dma_start3A_334 = arith.constant 0 : i32
      %dma_start3A_335 = tpu.memref_slice %arg7[%dma_start3A_320, %dma_start3A_333, %dma_start3A_334] : memref<4x32x128xf32, #tpu.memory_space<vmem>> -> memref<1x32x128xf32, #tpu.memory_space<vmem>>
      %dma_start3A_336 = tpu.memref_squeeze %dma_start3A_335 : memref<1x32x128xf32, #tpu.memory_space<vmem>> -> memref<32x128xf32, #tpu.memory_space<vmem>>
      tpu.enqueue_dma source(%dma_start3A_336 : memref<32x128xf32, #tpu.memory_space<vmem>>) target(%dma_start3A_332 : memref<32x128xf32, #tpu.memory_space<hbm>>) target_semaphore(%arg11 : memref<!tpu.dma_semaphore, #tpu.memory_space<semaphore_mem>>)
      %dma_start3A_337 = arith.constant 2 : i32
      %dma_start3A_338 = arith.constant 0 : i32
      %dma_start3A_339 = arith.constant 0 : i32
      %dma_start3A_340 = tpu.memref_slice %arg6[%dma_start3A_338, %dma_start3A_339] : memref<2x4096xi32, #tpu.memory_space<vmem>> -> memref<1x4096xi32, #tpu.memory_space<vmem>>
      %dma_start3A_341 = tpu.memref_squeeze %dma_start3A_340 : memref<1x4096xi32, #tpu.memory_space<vmem>> -> memref<4096xi32, #tpu.memory_space<vmem>>
      %dma_start3A_342 = arith.constant 0 : i32
      %dma_start3A_343 = tpu.memref_slice %arg8[%select_n3A_253, %dma_start3A_337, %dma_start3A_342] : memref<2x8x4096xi32, #tpu.memory_space<vmem_shared>> -> memref<1x1x4096xi32, #tpu.memory_space<vmem_shared>>
      %dma_start3A_344 = tpu.memref_squeeze %dma_start3A_343 : memref<1x1x4096xi32, #tpu.memory_space<vmem_shared>> -> memref<4096xi32, #tpu.memory_space<vmem_shared>>
      %dma_start3A_345 = arith.constant 0 : i32
      %dma_start3A_346 = tpu.memref_slice %arg6[%dma_start3A_338, %dma_start3A_345] : memref<2x4096xi32, #tpu.memory_space<vmem>> -> memref<1x4096xi32, #tpu.memory_space<vmem>>
      %dma_start3A_347 = tpu.memref_squeeze %dma_start3A_346 : memref<1x4096xi32, #tpu.memory_space<vmem>> -> memref<4096xi32, #tpu.memory_space<vmem>>
      %dma_start3A_348 = arith.constant 0 : i32
      %dma_start3A_349 = tpu.memref_slice %arg8[%select_n3A_253, %dma_start3A_337, %dma_start3A_348] : memref<2x8x4096xi32, #tpu.memory_space<vmem_shared>> -> memref<1x1x4096xi32, #tpu.memory_space<vmem_shared>>
      %dma_start3A_350 = tpu.memref_squeeze %dma_start3A_349 : memref<1x1x4096xi32, #tpu.memory_space<vmem_shared>> -> memref<4096xi32, #tpu.memory_space<vmem_shared>>
      tpu.enqueue_dma source(%dma_start3A_350 : memref<4096xi32, #tpu.memory_space<vmem_shared>>) target(%dma_start3A_347 : memref<4096xi32, #tpu.memory_space<vmem>>) target_semaphore(%arg9 : memref<!tpu.dma_semaphore, #tpu.memory_space<semaphore_mem>>)
      %mul3A_351 = arith.constant 8 : i32
      %mul3A_352 = arith.muli %add3A_237, %mul3A_351 : i32
      %add3A_353 = arith.constant 1 : i32
      %add3A_354 = arith.addi %mul3A_352, %add3A_353 : i32
      %dma_wait3A_355 = arith.constant 1 : i32
      %dma_wait3A_356 = arith.constant 1 : i32
      %dma_wait3A_357 = arith.constant 0 : i32
      %dma_wait3A_358 = tpu.memref_slice %arg6[%dma_wait3A_356, %dma_wait3A_357] : memref<2x4096xi32, #tpu.memory_space<vmem>> -> memref<1x4096xi32, #tpu.memory_space<vmem>>
      %dma_wait3A_359 = tpu.memref_squeeze %dma_wait3A_358 : memref<1x4096xi32, #tpu.memory_space<vmem>> -> memref<4096xi32, #tpu.memory_space<vmem>>
      %dma_wait3A_360 = arith.constant 0 : i32
      %dma_wait3A_361 = tpu.memref_slice %arg8[%select_n3A_253, %dma_wait3A_355, %dma_wait3A_360] : memref<2x8x4096xi32, #tpu.memory_space<vmem_shared>> -> memref<1x1x4096xi32, #tpu.memory_space<vmem_shared>>
      %dma_wait3A_362 = tpu.memref_squeeze %dma_wait3A_361 : memref<1x1x4096xi32, #tpu.memory_space<vmem_shared>> -> memref<4096xi32, #tpu.memory_space<vmem_shared>>
      %dma_wait3A_363 = arith.constant 0 : i32
      %dma_wait3A_364 = tpu.memref_slice %arg6[%dma_wait3A_356, %dma_wait3A_363] : memref<2x4096xi32, #tpu.memory_space<vmem>> -> memref<1x4096xi32, #tpu.memory_space<vmem>>
      %dma_wait3A_365 = tpu.memref_squeeze %dma_wait3A_364 : memref<1x4096xi32, #tpu.memory_space<vmem>> -> memref<4096xi32, #tpu.memory_space<vmem>>
      %dma_wait3A_366 = arith.constant 0 : i32
      %dma_wait3A_367 = tpu.memref_slice %arg8[%select_n3A_253, %dma_wait3A_355, %dma_wait3A_366] : memref<2x8x4096xi32, #tpu.memory_space<vmem_shared>> -> memref<1x1x4096xi32, #tpu.memory_space<vmem_shared>>
      %dma_wait3A_368 = tpu.memref_squeeze %dma_wait3A_367 : memref<1x1x4096xi32, #tpu.memory_space<vmem_shared>> -> memref<4096xi32, #tpu.memory_space<vmem_shared>>
      tpu.wait_dma2 semaphore(%arg10 : memref<!tpu.dma_semaphore, #tpu.memory_space<semaphore_mem>>) src(%dma_wait3A_368 : memref<4096xi32, #tpu.memory_space<vmem_shared>>) dst(%dma_wait3A_365 : memref<4096xi32, #tpu.memory_space<vmem>>)
      %dma_wait3A_369 = arith.constant 1 : i32
      %dma_wait3A_370 = arith.constant 0 : i32
      %dma_wait3A_371 = arith.constant 0 : i32
      %dma_wait3A_372 = arith.constant 0 : i32
      %dma_wait3A_373 = arith.constant 0 : i32
      %dma_wait3A_374 = arith.constant 0 : i32
      %dma_wait3A_375 = tpu.memref_slice %arg7[%dma_wait3A_369, %dma_wait3A_373, %dma_wait3A_374] : memref<4x32x128xf32, #tpu.memory_space<vmem>> -> memref<1x32x128xf32, #tpu.memory_space<vmem>>
      %dma_wait3A_376 = tpu.memref_squeeze %dma_wait3A_375 : memref<1x32x128xf32, #tpu.memory_space<vmem>> -> memref<32x128xf32, #tpu.memory_space<vmem>>
      %dma_wait3A_377 = arith.constant 0 : i32
      %dma_wait3A_378 = arith.constant 0 : i32
      %dma_wait3A_379 = tpu.memref_slice %arg4[%dma_wait3A_370, %dma_wait3A_371, %dma_wait3A_377, %dma_wait3A_372, %dma_wait3A_378] : memref<200x8x32x8x128xf32, #tpu.memory_space<hbm>> -> memref<1x1x32x1x128xf32, #tpu.memory_space<hbm>>
      %dma_wait3A_380 = tpu.memref_squeeze %dma_wait3A_379 : memref<1x1x32x1x128xf32, #tpu.memory_space<hbm>> -> memref<32x128xf32, #tpu.memory_space<hbm>>
      %dma_wait3A_381 = arith.constant 0 : i32
      %dma_wait3A_382 = arith.constant 0 : i32
      %dma_wait3A_383 = tpu.memref_slice %arg4[%dma_wait3A_370, %dma_wait3A_371, %dma_wait3A_381, %dma_wait3A_372, %dma_wait3A_382] : memref<200x8x32x8x128xf32, #tpu.memory_space<hbm>> -> memref<1x1x32x1x128xf32, #tpu.memory_space<hbm>>
      %dma_wait3A_384 = tpu.memref_squeeze %dma_wait3A_383 : memref<1x1x32x1x128xf32, #tpu.memory_space<hbm>> -> memref<32x128xf32, #tpu.memory_space<hbm>>
      %dma_wait3A_385 = arith.constant 0 : i32
      %dma_wait3A_386 = arith.constant 0 : i32
      %dma_wait3A_387 = tpu.memref_slice %arg7[%dma_wait3A_369, %dma_wait3A_385, %dma_wait3A_386] : memref<4x32x128xf32, #tpu.memory_space<vmem>> -> memref<1x32x128xf32, #tpu.memory_space<vmem>>
      %dma_wait3A_388 = tpu.memref_squeeze %dma_wait3A_387 : memref<1x32x128xf32, #tpu.memory_space<vmem>> -> memref<32x128xf32, #tpu.memory_space<vmem>>
      tpu.wait_dma2 semaphore(%arg12 : memref<!tpu.dma_semaphore, #tpu.memory_space<semaphore_mem>>) src(%dma_wait3A_388 : memref<32x128xf32, #tpu.memory_space<vmem>>) dst(%dma_wait3A_384 : memref<32x128xf32, #tpu.memory_space<hbm>>)
      %parallel_loop3A_389 = arith.constant 0 : i32
      %parallel_loop3A_390 = arith.constant 256 : i32
      %parallel_loop3A_391 = arith.constant 1 : i32
      scf.for %parallel_loop3A_838 = %parallel_loop3A_389 to %parallel_loop3A_390 step %parallel_loop3A_391  : i32 {
        %parallel_loop3A_839 = arith.constant 16 : i32
        %parallel_loop3A_840 = arith.muli %parallel_loop3A_838, %parallel_loop3A_839 : i32
        %parallel_loop3A_841 = arith.constant 1 : i32
        %parallel_loop3A_842 = arith.index_cast %parallel_loop3A_841 : i32 to index
        %parallel_loop3A_843 = arith.index_cast %parallel_loop3A_840 : i32 to index
        %parallel_loop3A_844 = tpu.vector_load %arg6[%parallel_loop3A_842, %parallel_loop3A_843] {strides = array<i32>} : memref<2x4096xi32, #tpu.memory_space<vmem>>, vector<16xi32>,
        %parallel_loop3A_845 = tpu.vector_load_idx %arg5[%parallel_loop3A_844] : memref<100000xf32, #tpu.memory_space<vmem>>[vector<16xi32>], vector<16xf32>,
        %parallel_loop3A_846 = arith.constant 8 : i32
        %parallel_loop3A_847 = arith.divsi %parallel_loop3A_838, %parallel_loop3A_846 : i32
        %parallel_loop3A_848 = arith.constant 0 : i32
        %parallel_loop3A_849 = arith.cmpi sgt, %parallel_loop3A_838, %parallel_loop3A_848 : i32
        %parallel_loop3A_850 = arith.extui %parallel_loop3A_849 : i1 to i32
        %parallel_loop3A_851 = arith.constant 0 : i32
        %parallel_loop3A_852 = arith.cmpi slt, %parallel_loop3A_838, %parallel_loop3A_851 : i32
        %parallel_loop3A_853 = arith.extui %parallel_loop3A_852 : i1 to i32
        %parallel_loop3A_854 = arith.subi %parallel_loop3A_850, %parallel_loop3A_853 : i32
        %parallel_loop3A_855 = arith.constant 0 : i32
        %parallel_loop3A_856 = arith.cmpi sgt, %parallel_loop3A_846, %parallel_loop3A_855 : i32
        %parallel_loop3A_857 = arith.extui %parallel_loop3A_856 : i1 to i32
        %parallel_loop3A_858 = arith.constant 0 : i32
        %parallel_loop3A_859 = arith.cmpi slt, %parallel_loop3A_846, %parallel_loop3A_858 : i32
        %parallel_loop3A_860 = arith.extui %parallel_loop3A_859 : i1 to i32
        %parallel_loop3A_861 = arith.subi %parallel_loop3A_857, %parallel_loop3A_860 : i32
        %parallel_loop3A_862 = arith.cmpi ne, %parallel_loop3A_854, %parallel_loop3A_861 : i32
        %parallel_loop3A_863 = arith.remsi %parallel_loop3A_838, %parallel_loop3A_846 : i32
        %parallel_loop3A_864 = arith.constant 0 : i32
        %parallel_loop3A_865 = arith.cmpi ne, %parallel_loop3A_863, %parallel_loop3A_864 : i32
        %parallel_loop3A_866 = arith.andi %parallel_loop3A_862, %parallel_loop3A_865 : i1
        %parallel_loop3A_867 = arith.constant 1 : i32
        %parallel_loop3A_868 = arith.subi %parallel_loop3A_847, %parallel_loop3A_867 : i32
        %parallel_loop3A_869 = arith.select %parallel_loop3A_866, %parallel_loop3A_868, %parallel_loop3A_847 : i32
        %parallel_loop3A_870 = arith.constant 8 : i32
        %parallel_loop3A_871 = arith.constant 0 : i32
        %parallel_loop3A_872 = arith.cmpi eq, %parallel_loop3A_870, %parallel_loop3A_871 : i32
        %parallel_loop3A_873 = arith.constant 1 : i32
        %parallel_loop3A_874 = arith.select %parallel_loop3A_872, %parallel_loop3A_873, %parallel_loop3A_870 : i32
        %parallel_loop3A_875 = arith.remsi %parallel_loop3A_838, %parallel_loop3A_874 : i32
        %parallel_loop3A_876 = arith.constant 0 : i32
        %parallel_loop3A_877 = arith.cmpi ne, %parallel_loop3A_875, %parallel_loop3A_876 : i32
        %parallel_loop3A_878 = arith.constant 0 : i32
        %parallel_loop3A_879 = arith.cmpi slt, %parallel_loop3A_875, %parallel_loop3A_878 : i32
        %parallel_loop3A_880 = arith.constant 0 : i32
        %parallel_loop3A_881 = arith.cmpi slt, %parallel_loop3A_874, %parallel_loop3A_880 : i32
        %parallel_loop3A_882 = arith.xori %parallel_loop3A_879, %parallel_loop3A_881 : i1
        %parallel_loop3A_883 = arith.andi %parallel_loop3A_882, %parallel_loop3A_877 : i1
        %parallel_loop3A_884 = arith.addi %parallel_loop3A_875, %parallel_loop3A_874 : i32
        %parallel_loop3A_885 = arith.select %parallel_loop3A_883, %parallel_loop3A_884, %parallel_loop3A_875 : i32
        %parallel_loop3A_886 = arith.constant 16 : i32
        %parallel_loop3A_887 = arith.muli %parallel_loop3A_885, %parallel_loop3A_886 : i32
        %parallel_loop3A_888 = arith.constant 1 : i32
        %parallel_loop3A_889 = arith.index_cast %parallel_loop3A_888 : i32 to index
        %parallel_loop3A_890 = arith.index_cast %parallel_loop3A_869 : i32 to index
        %parallel_loop3A_891 = arith.index_cast %parallel_loop3A_887 : i32 to index
        %parallel_loop3A_892 = tpu.vector_load %arg7[%parallel_loop3A_889, %parallel_loop3A_890, %parallel_loop3A_891] {strides = array<i32>} : memref<4x32x128xf32, #tpu.memory_space<vmem>>, vector<16xf32>,
        tpu.vector_store %arg7[%parallel_loop3A_889, %parallel_loop3A_890, %parallel_loop3A_891], %parallel_loop3A_845 {strides = array<i32>} : memref<4x32x128xf32, #tpu.memory_space<vmem>>, vector<16xf32>,
      } {sc.loop_unroll_factor = 32 : i64, sc.parallel_access}
      %dma_start3A_392 = arith.constant 1 : i32
      %dma_start3A_393 = arith.constant 0 : i32
      %dma_start3A_394 = arith.constant 0 : i32
      %dma_start3A_395 = tpu.memref_slice %arg7[%dma_start3A_392, %dma_start3A_393, %dma_start3A_394] : memref<4x32x128xf32, #tpu.memory_space<vmem>> -> memref<1x32x128xf32, #tpu.memory_space<vmem>>
      %dma_start3A_396 = tpu.memref_squeeze %dma_start3A_395 : memref<1x32x128xf32, #tpu.memory_space<vmem>> -> memref<32x128xf32, #tpu.memory_space<vmem>>
      %dma_start3A_397 = arith.constant 0 : i32
      %dma_start3A_398 = arith.constant 0 : i32
      %dma_start3A_399 = tpu.memref_slice %arg4[%add3A_354, %select_n3A_98, %dma_start3A_397, %select_n3A_114, %dma_start3A_398] : memref<200x8x32x8x128xf32, #tpu.memory_space<hbm>> -> memref<1x1x32x1x128xf32, #tpu.memory_space<hbm>>
      %dma_start3A_400 = tpu.memref_squeeze %dma_start3A_399 : memref<1x1x32x1x128xf32, #tpu.memory_space<hbm>> -> memref<32x128xf32, #tpu.memory_space<hbm>>
      %dma_start3A_401 = arith.constant 0 : i32
      %dma_start3A_402 = arith.constant 0 : i32
      %dma_start3A_403 = tpu.memref_slice %arg4[%add3A_354, %select_n3A_98, %dma_start3A_401, %select_n3A_114, %dma_start3A_402] : memref<200x8x32x8x128xf32, #tpu.memory_space<hbm>> -> memref<1x1x32x1x128xf32, #tpu.memory_space<hbm>>
      %dma_start3A_404 = tpu.memref_squeeze %dma_start3A_403 : memref<1x1x32x1x128xf32, #tpu.memory_space<hbm>> -> memref<32x128xf32, #tpu.memory_space<hbm>>
      %dma_start3A_405 = arith.constant 0 : i32
      %dma_start3A_406 = arith.constant 0 : i32
      %dma_start3A_407 = tpu.memref_slice %arg7[%dma_start3A_392, %dma_start3A_405, %dma_start3A_406] : memref<4x32x128xf32, #tpu.memory_space<vmem>> -> memref<1x32x128xf32, #tpu.memory_space<vmem>>
      %dma_start3A_408 = tpu.memref_squeeze %dma_start3A_407 : memref<1x32x128xf32, #tpu.memory_space<vmem>> -> memref<32x128xf32, #tpu.memory_space<vmem>>
      tpu.enqueue_dma source(%dma_start3A_408 : memref<32x128xf32, #tpu.memory_space<vmem>>) target(%dma_start3A_404 : memref<32x128xf32, #tpu.memory_space<hbm>>) target_semaphore(%arg12 : memref<!tpu.dma_semaphore, #tpu.memory_space<semaphore_mem>>)
      %dma_start3A_409 = arith.constant 3 : i32
      %dma_start3A_410 = arith.constant 1 : i32
      %dma_start3A_411 = arith.constant 0 : i32
      %dma_start3A_412 = tpu.memref_slice %arg6[%dma_start3A_410, %dma_start3A_411] : memref<2x4096xi32, #tpu.memory_space<vmem>> -> memref<1x4096xi32, #tpu.memory_space<vmem>>
      %dma_start3A_413 = tpu.memref_squeeze %dma_start3A_412 : memref<1x4096xi32, #tpu.memory_space<vmem>> -> memref<4096xi32, #tpu.memory_space<vmem>>
      %dma_start3A_414 = arith.constant 0 : i32
      %dma_start3A_415 = tpu.memref_slice %arg8[%select_n3A_253, %dma_start3A_409, %dma_start3A_414] : memref<2x8x4096xi32, #tpu.memory_space<vmem_shared>> -> memref<1x1x4096xi32, #tpu.memory_space<vmem_shared>>
      %dma_start3A_416 = tpu.memref_squeeze %dma_start3A_415 : memref<1x1x4096xi32, #tpu.memory_space<vmem_shared>> -> memref<4096xi32, #tpu.memory_space<vmem_shared>>
      %dma_start3A_417 = arith.constant 0 : i32
      %dma_start3A_418 = tpu.memref_slice %arg6[%dma_start3A_410, %dma_start3A_417] : memref<2x4096xi32, #tpu.memory_space<vmem>> -> memref<1x4096xi32, #tpu.memory_space<vmem>>
      %dma_start3A_419 = tpu.memref_squeeze %dma_start3A_418 : memref<1x4096xi32, #tpu.memory_space<vmem>> -> memref<4096xi32, #tpu.memory_space<vmem>>
      %dma_start3A_420 = arith.constant 0 : i32
      %dma_start3A_421 = tpu.memref_slice %arg8[%select_n3A_253, %dma_start3A_409, %dma_start3A_420] : memref<2x8x4096xi32, #tpu.memory_space<vmem_shared>> -> memref<1x1x4096xi32, #tpu.memory_space<vmem_shared>>
      %dma_start3A_422 = tpu.memref_squeeze %dma_start3A_421 : memref<1x1x4096xi32, #tpu.memory_space<vmem_shared>> -> memref<4096xi32, #tpu.memory_space<vmem_shared>>
      tpu.enqueue_dma source(%dma_start3A_422 : memref<4096xi32, #tpu.memory_space<vmem_shared>>) target(%dma_start3A_419 : memref<4096xi32, #tpu.memory_space<vmem>>) target_semaphore(%arg10 : memref<!tpu.dma_semaphore, #tpu.memory_space<semaphore_mem>>)
      %mul3A_423 = arith.constant 8 : i32
      %mul3A_424 = arith.muli %add3A_237, %mul3A_423 : i32
      %add3A_425 = arith.constant 2 : i32
      %add3A_426 = arith.addi %mul3A_424, %add3A_425 : i32
      %dma_wait3A_427 = arith.constant 2 : i32
      %dma_wait3A_428 = arith.constant 0 : i32
      %dma_wait3A_429 = arith.constant 0 : i32
      %dma_wait3A_430 = tpu.memref_slice %arg6[%dma_wait3A_428, %dma_wait3A_429] : memref<2x4096xi32, #tpu.memory_space<vmem>> -> memref<1x4096xi32, #tpu.memory_space<vmem>>
      %dma_wait3A_431 = tpu.memref_squeeze %dma_wait3A_430 : memref<1x4096xi32, #tpu.memory_space<vmem>> -> memref<4096xi32, #tpu.memory_space<vmem>>
      %dma_wait3A_432 = arith.constant 0 : i32
      %dma_wait3A_433 = tpu.memref_slice %arg8[%select_n3A_253, %dma_wait3A_427, %dma_wait3A_432] : memref<2x8x4096xi32, #tpu.memory_space<vmem_shared>> -> memref<1x1x4096xi32, #tpu.memory_space<vmem_shared>>
      %dma_wait3A_434 = tpu.memref_squeeze %dma_wait3A_433 : memref<1x1x4096xi32, #tpu.memory_space<vmem_shared>> -> memref<4096xi32, #tpu.memory_space<vmem_shared>>
      %dma_wait3A_435 = arith.constant 0 : i32
      %dma_wait3A_436 = tpu.memref_slice %arg6[%dma_wait3A_428, %dma_wait3A_435] : memref<2x4096xi32, #tpu.memory_space<vmem>> -> memref<1x4096xi32, #tpu.memory_space<vmem>>
      %dma_wait3A_437 = tpu.memref_squeeze %dma_wait3A_436 : memref<1x4096xi32, #tpu.memory_space<vmem>> -> memref<4096xi32, #tpu.memory_space<vmem>>
      %dma_wait3A_438 = arith.constant 0 : i32
      %dma_wait3A_439 = tpu.memref_slice %arg8[%select_n3A_253, %dma_wait3A_427, %dma_wait3A_438] : memref<2x8x4096xi32, #tpu.memory_space<vmem_shared>> -> memref<1x1x4096xi32, #tpu.memory_space<vmem_shared>>
      %dma_wait3A_440 = tpu.memref_squeeze %dma_wait3A_439 : memref<1x1x4096xi32, #tpu.memory_space<vmem_shared>> -> memref<4096xi32, #tpu.memory_space<vmem_shared>>
      tpu.wait_dma2 semaphore(%arg9 : memref<!tpu.dma_semaphore, #tpu.memory_space<semaphore_mem>>) src(%dma_wait3A_440 : memref<4096xi32, #tpu.memory_space<vmem_shared>>) dst(%dma_wait3A_437 : memref<4096xi32, #tpu.memory_space<vmem>>)
      %dma_wait3A_441 = arith.constant 2 : i32
      %dma_wait3A_442 = arith.constant 0 : i32
      %dma_wait3A_443 = arith.constant 0 : i32
      %dma_wait3A_444 = arith.constant 0 : i32
      %dma_wait3A_445 = arith.constant 0 : i32
      %dma_wait3A_446 = arith.constant 0 : i32
      %dma_wait3A_447 = tpu.memref_slice %arg7[%dma_wait3A_441, %dma_wait3A_445, %dma_wait3A_446] : memref<4x32x128xf32, #tpu.memory_space<vmem>> -> memref<1x32x128xf32, #tpu.memory_space<vmem>>
      %dma_wait3A_448 = tpu.memref_squeeze %dma_wait3A_447 : memref<1x32x128xf32, #tpu.memory_space<vmem>> -> memref<32x128xf32, #tpu.memory_space<vmem>>
      %dma_wait3A_449 = arith.constant 0 : i32
      %dma_wait3A_450 = arith.constant 0 : i32
      %dma_wait3A_451 = tpu.memref_slice %arg4[%dma_wait3A_442, %dma_wait3A_443, %dma_wait3A_449, %dma_wait3A_444, %dma_wait3A_450] : memref<200x8x32x8x128xf32, #tpu.memory_space<hbm>> -> memref<1x1x32x1x128xf32, #tpu.memory_space<hbm>>
      %dma_wait3A_452 = tpu.memref_squeeze %dma_wait3A_451 : memref<1x1x32x1x128xf32, #tpu.memory_space<hbm>> -> memref<32x128xf32, #tpu.memory_space<hbm>>
      %dma_wait3A_453 = arith.constant 0 : i32
      %dma_wait3A_454 = arith.constant 0 : i32
      %dma_wait3A_455 = tpu.memref_slice %arg4[%dma_wait3A_442, %dma_wait3A_443, %dma_wait3A_453, %dma_wait3A_444, %dma_wait3A_454] : memref<200x8x32x8x128xf32, #tpu.memory_space<hbm>> -> memref<1x1x32x1x128xf32, #tpu.memory_space<hbm>>
      %dma_wait3A_456 = tpu.memref_squeeze %dma_wait3A_455 : memref<1x1x32x1x128xf32, #tpu.memory_space<hbm>> -> memref<32x128xf32, #tpu.memory_space<hbm>>
      %dma_wait3A_457 = arith.constant 0 : i32
      %dma_wait3A_458 = arith.constant 0 : i32
      %dma_wait3A_459 = tpu.memref_slice %arg7[%dma_wait3A_441, %dma_wait3A_457, %dma_wait3A_458] : memref<4x32x128xf32, #tpu.memory_space<vmem>> -> memref<1x32x128xf32, #tpu.memory_space<vmem>>
      %dma_wait3A_460 = tpu.memref_squeeze %dma_wait3A_459 : memref<1x32x128xf32, #tpu.memory_space<vmem>> -> memref<32x128xf32, #tpu.memory_space<vmem>>
      tpu.wait_dma2 semaphore(%arg13 : memref<!tpu.dma_semaphore, #tpu.memory_space<semaphore_mem>>) src(%dma_wait3A_460 : memref<32x128xf32, #tpu.memory_space<vmem>>) dst(%dma_wait3A_456 : memref<32x128xf32, #tpu.memory_space<hbm>>)
      %parallel_loop3A_461 = arith.constant 0 : i32
      %parallel_loop3A_462 = arith.constant 256 : i32
      %parallel_loop3A_463 = arith.constant 1 : i32
      scf.for %parallel_loop3A_838 = %parallel_loop3A_461 to %parallel_loop3A_462 step %parallel_loop3A_463  : i32 {
        %parallel_loop3A_839 = arith.constant 16 : i32
        %parallel_loop3A_840 = arith.muli %parallel_loop3A_838, %parallel_loop3A_839 : i32
        %parallel_loop3A_841 = arith.constant 0 : i32
        %parallel_loop3A_842 = arith.index_cast %parallel_loop3A_841 : i32 to index
        %parallel_loop3A_843 = arith.index_cast %parallel_loop3A_840 : i32 to index
        %parallel_loop3A_844 = tpu.vector_load %arg6[%parallel_loop3A_842, %parallel_loop3A_843] {strides = array<i32>} : memref<2x4096xi32, #tpu.memory_space<vmem>>, vector<16xi32>,
        %parallel_loop3A_845 = tpu.vector_load_idx %arg5[%parallel_loop3A_844] : memref<100000xf32, #tpu.memory_space<vmem>>[vector<16xi32>], vector<16xf32>,
        %parallel_loop3A_846 = arith.constant 8 : i32
        %parallel_loop3A_847 = arith.divsi %parallel_loop3A_838, %parallel_loop3A_846 : i32
        %parallel_loop3A_848 = arith.constant 0 : i32
        %parallel_loop3A_849 = arith.cmpi sgt, %parallel_loop3A_838, %parallel_loop3A_848 : i32
        %parallel_loop3A_850 = arith.extui %parallel_loop3A_849 : i1 to i32
        %parallel_loop3A_851 = arith.constant 0 : i32
        %parallel_loop3A_852 = arith.cmpi slt, %parallel_loop3A_838, %parallel_loop3A_851 : i32
        %parallel_loop3A_853 = arith.extui %parallel_loop3A_852 : i1 to i32
        %parallel_loop3A_854 = arith.subi %parallel_loop3A_850, %parallel_loop3A_853 : i32
        %parallel_loop3A_855 = arith.constant 0 : i32
        %parallel_loop3A_856 = arith.cmpi sgt, %parallel_loop3A_846, %parallel_loop3A_855 : i32
        %parallel_loop3A_857 = arith.extui %parallel_loop3A_856 : i1 to i32
        %parallel_loop3A_858 = arith.constant 0 : i32
        %parallel_loop3A_859 = arith.cmpi slt, %parallel_loop3A_846, %parallel_loop3A_858 : i32
        %parallel_loop3A_860 = arith.extui %parallel_loop3A_859 : i1 to i32
        %parallel_loop3A_861 = arith.subi %parallel_loop3A_857, %parallel_loop3A_860 : i32
        %parallel_loop3A_862 = arith.cmpi ne, %parallel_loop3A_854, %parallel_loop3A_861 : i32
        %parallel_loop3A_863 = arith.remsi %parallel_loop3A_838, %parallel_loop3A_846 : i32
        %parallel_loop3A_864 = arith.constant 0 : i32
        %parallel_loop3A_865 = arith.cmpi ne, %parallel_loop3A_863, %parallel_loop3A_864 : i32
        %parallel_loop3A_866 = arith.andi %parallel_loop3A_862, %parallel_loop3A_865 : i1
        %parallel_loop3A_867 = arith.constant 1 : i32
        %parallel_loop3A_868 = arith.subi %parallel_loop3A_847, %parallel_loop3A_867 : i32
        %parallel_loop3A_869 = arith.select %parallel_loop3A_866, %parallel_loop3A_868, %parallel_loop3A_847 : i32
        %parallel_loop3A_870 = arith.constant 8 : i32
        %parallel_loop3A_871 = arith.constant 0 : i32
        %parallel_loop3A_872 = arith.cmpi eq, %parallel_loop3A_870, %parallel_loop3A_871 : i32
        %parallel_loop3A_873 = arith.constant 1 : i32
        %parallel_loop3A_874 = arith.select %parallel_loop3A_872, %parallel_loop3A_873, %parallel_loop3A_870 : i32
        %parallel_loop3A_875 = arith.remsi %parallel_loop3A_838, %parallel_loop3A_874 : i32
        %parallel_loop3A_876 = arith.constant 0 : i32
        %parallel_loop3A_877 = arith.cmpi ne, %parallel_loop3A_875, %parallel_loop3A_876 : i32
        %parallel_loop3A_878 = arith.constant 0 : i32
        %parallel_loop3A_879 = arith.cmpi slt, %parallel_loop3A_875, %parallel_loop3A_878 : i32
        %parallel_loop3A_880 = arith.constant 0 : i32
        %parallel_loop3A_881 = arith.cmpi slt, %parallel_loop3A_874, %parallel_loop3A_880 : i32
        %parallel_loop3A_882 = arith.xori %parallel_loop3A_879, %parallel_loop3A_881 : i1
        %parallel_loop3A_883 = arith.andi %parallel_loop3A_882, %parallel_loop3A_877 : i1
        %parallel_loop3A_884 = arith.addi %parallel_loop3A_875, %parallel_loop3A_874 : i32
        %parallel_loop3A_885 = arith.select %parallel_loop3A_883, %parallel_loop3A_884, %parallel_loop3A_875 : i32
        %parallel_loop3A_886 = arith.constant 16 : i32
        %parallel_loop3A_887 = arith.muli %parallel_loop3A_885, %parallel_loop3A_886 : i32
        %parallel_loop3A_888 = arith.constant 2 : i32
        %parallel_loop3A_889 = arith.index_cast %parallel_loop3A_888 : i32 to index
        %parallel_loop3A_890 = arith.index_cast %parallel_loop3A_869 : i32 to index
        %parallel_loop3A_891 = arith.index_cast %parallel_loop3A_887 : i32 to index
        %parallel_loop3A_892 = tpu.vector_load %arg7[%parallel_loop3A_889, %parallel_loop3A_890, %parallel_loop3A_891] {strides = array<i32>} : memref<4x32x128xf32, #tpu.memory_space<vmem>>, vector<16xf32>,
        tpu.vector_store %arg7[%parallel_loop3A_889, %parallel_loop3A_890, %parallel_loop3A_891], %parallel_loop3A_845 {strides = array<i32>} : memref<4x32x128xf32, #tpu.memory_space<vmem>>, vector<16xf32>,
      } {sc.loop_unroll_factor = 32 : i64, sc.parallel_access}
      %dma_start3A_464 = arith.constant 2 : i32
      %dma_start3A_465 = arith.constant 0 : i32
      %dma_start3A_466 = arith.constant 0 : i32
      %dma_start3A_467 = tpu.memref_slice %arg7[%dma_start3A_464, %dma_start3A_465, %dma_start3A_466] : memref<4x32x128xf32, #tpu.memory_space<vmem>> -> memref<1x32x128xf32, #tpu.memory_space<vmem>>
      %dma_start3A_468 = tpu.memref_squeeze %dma_start3A_467 : memref<1x32x128xf32, #tpu.memory_space<vmem>> -> memref<32x128xf32, #tpu.memory_space<vmem>>
      %dma_start3A_469 = arith.constant 0 : i32
      %dma_start3A_470 = arith.constant 0 : i32
      %dma_start3A_471 = tpu.memref_slice %arg4[%add3A_426, %select_n3A_98, %dma_start3A_469, %select_n3A_114, %dma_start3A_470] : memref<200x8x32x8x128xf32, #tpu.memory_space<hbm>> -> memref<1x1x32x1x128xf32, #tpu.memory_space<hbm>>
      %dma_start3A_472 = tpu.memref_squeeze %dma_start3A_471 : memref<1x1x32x1x128xf32, #tpu.memory_space<hbm>> -> memref<32x128xf32, #tpu.memory_space<hbm>>
      %dma_start3A_473 = arith.constant 0 : i32
      %dma_start3A_474 = arith.constant 0 : i32
      %dma_start3A_475 = tpu.memref_slice %arg4[%add3A_426, %select_n3A_98, %dma_start3A_473, %select_n3A_114, %dma_start3A_474] : memref<200x8x32x8x128xf32, #tpu.memory_space<hbm>> -> memref<1x1x32x1x128xf32, #tpu.memory_space<hbm>>
      %dma_start3A_476 = tpu.memref_squeeze %dma_start3A_475 : memref<1x1x32x1x128xf32, #tpu.memory_space<hbm>> -> memref<32x128xf32, #tpu.memory_space<hbm>>
      %dma_start3A_477 = arith.constant 0 : i32
      %dma_start3A_478 = arith.constant 0 : i32
      %dma_start3A_479 = tpu.memref_slice %arg7[%dma_start3A_464, %dma_start3A_477, %dma_start3A_478] : memref<4x32x128xf32, #tpu.memory_space<vmem>> -> memref<1x32x128xf32, #tpu.memory_space<vmem>>
      %dma_start3A_480 = tpu.memref_squeeze %dma_start3A_479 : memref<1x32x128xf32, #tpu.memory_space<vmem>> -> memref<32x128xf32, #tpu.memory_space<vmem>>
      tpu.enqueue_dma source(%dma_start3A_480 : memref<32x128xf32, #tpu.memory_space<vmem>>) target(%dma_start3A_476 : memref<32x128xf32, #tpu.memory_space<hbm>>) target_semaphore(%arg13 : memref<!tpu.dma_semaphore, #tpu.memory_space<semaphore_mem>>)
      %dma_start3A_481 = arith.constant 4 : i32
      %dma_start3A_482 = arith.constant 0 : i32
      %dma_start3A_483 = arith.constant 0 : i32
      %dma_start3A_484 = tpu.memref_slice %arg6[%dma_start3A_482, %dma_start3A_483] : memref<2x4096xi32, #tpu.memory_space<vmem>> -> memref<1x4096xi32, #tpu.memory_space<vmem>>
      %dma_start3A_485 = tpu.memref_squeeze %dma_start3A_484 : memref<1x4096xi32, #tpu.memory_space<vmem>> -> memref<4096xi32, #tpu.memory_space<vmem>>
      %dma_start3A_486 = arith.constant 0 : i32
      %dma_start3A_487 = tpu.memref_slice %arg8[%select_n3A_253, %dma_start3A_481, %dma_start3A_486] : memref<2x8x4096xi32, #tpu.memory_space<vmem_shared>> -> memref<1x1x4096xi32, #tpu.memory_space<vmem_shared>>
      %dma_start3A_488 = tpu.memref_squeeze %dma_start3A_487 : memref<1x1x4096xi32, #tpu.memory_space<vmem_shared>> -> memref<4096xi32, #tpu.memory_space<vmem_shared>>
      %dma_start3A_489 = arith.constant 0 : i32
      %dma_start3A_490 = tpu.memref_slice %arg6[%dma_start3A_482, %dma_start3A_489] : memref<2x4096xi32, #tpu.memory_space<vmem>> -> memref<1x4096xi32, #tpu.memory_space<vmem>>
      %dma_start3A_491 = tpu.memref_squeeze %dma_start3A_490 : memref<1x4096xi32, #tpu.memory_space<vmem>> -> memref<4096xi32, #tpu.memory_space<vmem>>
      %dma_start3A_492 = arith.constant 0 : i32
      %dma_start3A_493 = tpu.memref_slice %arg8[%select_n3A_253, %dma_start3A_481, %dma_start3A_492] : memref<2x8x4096xi32, #tpu.memory_space<vmem_shared>> -> memref<1x1x4096xi32, #tpu.memory_space<vmem_shared>>
      %dma_start3A_494 = tpu.memref_squeeze %dma_start3A_493 : memref<1x1x4096xi32, #tpu.memory_space<vmem_shared>> -> memref<4096xi32, #tpu.memory_space<vmem_shared>>
      tpu.enqueue_dma source(%dma_start3A_494 : memref<4096xi32, #tpu.memory_space<vmem_shared>>) target(%dma_start3A_491 : memref<4096xi32, #tpu.memory_space<vmem>>) target_semaphore(%arg9 : memref<!tpu.dma_semaphore, #tpu.memory_space<semaphore_mem>>)
      %mul3A_495 = arith.constant 8 : i32
      %mul3A_496 = arith.muli %add3A_237, %mul3A_495 : i32
      %add3A_497 = arith.constant 3 : i32
      %add3A_498 = arith.addi %mul3A_496, %add3A_497 : i32
      %dma_wait3A_499 = arith.constant 3 : i32
      %dma_wait3A_500 = arith.constant 1 : i32
      %dma_wait3A_501 = arith.constant 0 : i32
      %dma_wait3A_502 = tpu.memref_slice %arg6[%dma_wait3A_500, %dma_wait3A_501] : memref<2x4096xi32, #tpu.memory_space<vmem>> -> memref<1x4096xi32, #tpu.memory_space<vmem>>
      %dma_wait3A_503 = tpu.memref_squeeze %dma_wait3A_502 : memref<1x4096xi32, #tpu.memory_space<vmem>> -> memref<4096xi32, #tpu.memory_space<vmem>>
      %dma_wait3A_504 = arith.constant 0 : i32
      %dma_wait3A_505 = tpu.memref_slice %arg8[%select_n3A_253, %dma_wait3A_499, %dma_wait3A_504] : memref<2x8x4096xi32, #tpu.memory_space<vmem_shared>> -> memref<1x1x4096xi32, #tpu.memory_space<vmem_shared>>
      %dma_wait3A_506 = tpu.memref_squeeze %dma_wait3A_505 : memref<1x1x4096xi32, #tpu.memory_space<vmem_shared>> -> memref<4096xi32, #tpu.memory_space<vmem_shared>>
      %dma_wait3A_507 = arith.constant 0 : i32
      %dma_wait3A_508 = tpu.memref_slice %arg6[%dma_wait3A_500, %dma_wait3A_507] : memref<2x4096xi32, #tpu.memory_space<vmem>> -> memref<1x4096xi32, #tpu.memory_space<vmem>>
      %dma_wait3A_509 = tpu.memref_squeeze %dma_wait3A_508 : memref<1x4096xi32, #tpu.memory_space<vmem>> -> memref<4096xi32, #tpu.memory_space<vmem>>
      %dma_wait3A_510 = arith.constant 0 : i32
      %dma_wait3A_511 = tpu.memref_slice %arg8[%select_n3A_253, %dma_wait3A_499, %dma_wait3A_510] : memref<2x8x4096xi32, #tpu.memory_space<vmem_shared>> -> memref<1x1x4096xi32, #tpu.memory_space<vmem_shared>>
      %dma_wait3A_512 = tpu.memref_squeeze %dma_wait3A_511 : memref<1x1x4096xi32, #tpu.memory_space<vmem_shared>> -> memref<4096xi32, #tpu.memory_space<vmem_shared>>
      tpu.wait_dma2 semaphore(%arg10 : memref<!tpu.dma_semaphore, #tpu.memory_space<semaphore_mem>>) src(%dma_wait3A_512 : memref<4096xi32, #tpu.memory_space<vmem_shared>>) dst(%dma_wait3A_509 : memref<4096xi32, #tpu.memory_space<vmem>>)
      %dma_wait3A_513 = arith.constant 3 : i32
      %dma_wait3A_514 = arith.constant 0 : i32
      %dma_wait3A_515 = arith.constant 0 : i32
      %dma_wait3A_516 = arith.constant 0 : i32
      %dma_wait3A_517 = arith.constant 0 : i32
      %dma_wait3A_518 = arith.constant 0 : i32
      %dma_wait3A_519 = tpu.memref_slice %arg7[%dma_wait3A_513, %dma_wait3A_517, %dma_wait3A_518] : memref<4x32x128xf32, #tpu.memory_space<vmem>> -> memref<1x32x128xf32, #tpu.memory_space<vmem>>
      %dma_wait3A_520 = tpu.memref_squeeze %dma_wait3A_519 : memref<1x32x128xf32, #tpu.memory_space<vmem>> -> memref<32x128xf32, #tpu.memory_space<vmem>>
      %dma_wait3A_521 = arith.constant 0 : i32
      %dma_wait3A_522 = arith.constant 0 : i32
      %dma_wait3A_523 = tpu.memref_slice %arg4[%dma_wait3A_514, %dma_wait3A_515, %dma_wait3A_521, %dma_wait3A_516, %dma_wait3A_522] : memref<200x8x32x8x128xf32, #tpu.memory_space<hbm>> -> memref<1x1x32x1x128xf32, #tpu.memory_space<hbm>>
      %dma_wait3A_524 = tpu.memref_squeeze %dma_wait3A_523 : memref<1x1x32x1x128xf32, #tpu.memory_space<hbm>> -> memref<32x128xf32, #tpu.memory_space<hbm>>
      %dma_wait3A_525 = arith.constant 0 : i32
      %dma_wait3A_526 = arith.constant 0 : i32
      %dma_wait3A_527 = tpu.memref_slice %arg4[%dma_wait3A_514, %dma_wait3A_515, %dma_wait3A_525, %dma_wait3A_516, %dma_wait3A_526] : memref<200x8x32x8x128xf32, #tpu.memory_space<hbm>> -> memref<1x1x32x1x128xf32, #tpu.memory_space<hbm>>
      %dma_wait3A_528 = tpu.memref_squeeze %dma_wait3A_527 : memref<1x1x32x1x128xf32, #tpu.memory_space<hbm>> -> memref<32x128xf32, #tpu.memory_space<hbm>>
      %dma_wait3A_529 = arith.constant 0 : i32
      %dma_wait3A_530 = arith.constant 0 : i32
      %dma_wait3A_531 = tpu.memref_slice %arg7[%dma_wait3A_513, %dma_wait3A_529, %dma_wait3A_530] : memref<4x32x128xf32, #tpu.memory_space<vmem>> -> memref<1x32x128xf32, #tpu.memory_space<vmem>>
      %dma_wait3A_532 = tpu.memref_squeeze %dma_wait3A_531 : memref<1x32x128xf32, #tpu.memory_space<vmem>> -> memref<32x128xf32, #tpu.memory_space<vmem>>
      tpu.wait_dma2 semaphore(%arg14 : memref<!tpu.dma_semaphore, #tpu.memory_space<semaphore_mem>>) src(%dma_wait3A_532 : memref<32x128xf32, #tpu.memory_space<vmem>>) dst(%dma_wait3A_528 : memref<32x128xf32, #tpu.memory_space<hbm>>)
      %parallel_loop3A_533 = arith.constant 0 : i32
      %parallel_loop3A_534 = arith.constant 256 : i32
      %parallel_loop3A_535 = arith.constant 1 : i32
      scf.for %parallel_loop3A_838 = %parallel_loop3A_533 to %parallel_loop3A_534 step %parallel_loop3A_535  : i32 {
        %parallel_loop3A_839 = arith.constant 16 : i32
        %parallel_loop3A_840 = arith.muli %parallel_loop3A_838, %parallel_loop3A_839 : i32
        %parallel_loop3A_841 = arith.constant 1 : i32
        %parallel_loop3A_842 = arith.index_cast %parallel_loop3A_841 : i32 to index
        %parallel_loop3A_843 = arith.index_cast %parallel_loop3A_840 : i32 to index
        %parallel_loop3A_844 = tpu.vector_load %arg6[%parallel_loop3A_842, %parallel_loop3A_843] {strides = array<i32>} : memref<2x4096xi32, #tpu.memory_space<vmem>>, vector<16xi32>,
        %parallel_loop3A_845 = tpu.vector_load_idx %arg5[%parallel_loop3A_844] : memref<100000xf32, #tpu.memory_space<vmem>>[vector<16xi32>], vector<16xf32>,
        %parallel_loop3A_846 = arith.constant 8 : i32
        %parallel_loop3A_847 = arith.divsi %parallel_loop3A_838, %parallel_loop3A_846 : i32
        %parallel_loop3A_848 = arith.constant 0 : i32
        %parallel_loop3A_849 = arith.cmpi sgt, %parallel_loop3A_838, %parallel_loop3A_848 : i32
        %parallel_loop3A_850 = arith.extui %parallel_loop3A_849 : i1 to i32
        %parallel_loop3A_851 = arith.constant 0 : i32
        %parallel_loop3A_852 = arith.cmpi slt, %parallel_loop3A_838, %parallel_loop3A_851 : i32
        %parallel_loop3A_853 = arith.extui %parallel_loop3A_852 : i1 to i32
        %parallel_loop3A_854 = arith.subi %parallel_loop3A_850, %parallel_loop3A_853 : i32
        %parallel_loop3A_855 = arith.constant 0 : i32
        %parallel_loop3A_856 = arith.cmpi sgt, %parallel_loop3A_846, %parallel_loop3A_855 : i32
        %parallel_loop3A_857 = arith.extui %parallel_loop3A_856 : i1 to i32
        %parallel_loop3A_858 = arith.constant 0 : i32
        %parallel_loop3A_859 = arith.cmpi slt, %parallel_loop3A_846, %parallel_loop3A_858 : i32
        %parallel_loop3A_860 = arith.extui %parallel_loop3A_859 : i1 to i32
        %parallel_loop3A_861 = arith.subi %parallel_loop3A_857, %parallel_loop3A_860 : i32
        %parallel_loop3A_862 = arith.cmpi ne, %parallel_loop3A_854, %parallel_loop3A_861 : i32
        %parallel_loop3A_863 = arith.remsi %parallel_loop3A_838, %parallel_loop3A_846 : i32
        %parallel_loop3A_864 = arith.constant 0 : i32
        %parallel_loop3A_865 = arith.cmpi ne, %parallel_loop3A_863, %parallel_loop3A_864 : i32
        %parallel_loop3A_866 = arith.andi %parallel_loop3A_862, %parallel_loop3A_865 : i1
        %parallel_loop3A_867 = arith.constant 1 : i32
        %parallel_loop3A_868 = arith.subi %parallel_loop3A_847, %parallel_loop3A_867 : i32
        %parallel_loop3A_869 = arith.select %parallel_loop3A_866, %parallel_loop3A_868, %parallel_loop3A_847 : i32
        %parallel_loop3A_870 = arith.constant 8 : i32
        %parallel_loop3A_871 = arith.constant 0 : i32
        %parallel_loop3A_872 = arith.cmpi eq, %parallel_loop3A_870, %parallel_loop3A_871 : i32
        %parallel_loop3A_873 = arith.constant 1 : i32
        %parallel_loop3A_874 = arith.select %parallel_loop3A_872, %parallel_loop3A_873, %parallel_loop3A_870 : i32
        %parallel_loop3A_875 = arith.remsi %parallel_loop3A_838, %parallel_loop3A_874 : i32
        %parallel_loop3A_876 = arith.constant 0 : i32
        %parallel_loop3A_877 = arith.cmpi ne, %parallel_loop3A_875, %parallel_loop3A_876 : i32
        %parallel_loop3A_878 = arith.constant 0 : i32
        %parallel_loop3A_879 = arith.cmpi slt, %parallel_loop3A_875, %parallel_loop3A_878 : i32
        %parallel_loop3A_880 = arith.constant 0 : i32
        %parallel_loop3A_881 = arith.cmpi slt, %parallel_loop3A_874, %parallel_loop3A_880 : i32
        %parallel_loop3A_882 = arith.xori %parallel_loop3A_879, %parallel_loop3A_881 : i1
        %parallel_loop3A_883 = arith.andi %parallel_loop3A_882, %parallel_loop3A_877 : i1
        %parallel_loop3A_884 = arith.addi %parallel_loop3A_875, %parallel_loop3A_874 : i32
        %parallel_loop3A_885 = arith.select %parallel_loop3A_883, %parallel_loop3A_884, %parallel_loop3A_875 : i32
        %parallel_loop3A_886 = arith.constant 16 : i32
        %parallel_loop3A_887 = arith.muli %parallel_loop3A_885, %parallel_loop3A_886 : i32
        %parallel_loop3A_888 = arith.constant 3 : i32
        %parallel_loop3A_889 = arith.index_cast %parallel_loop3A_888 : i32 to index
        %parallel_loop3A_890 = arith.index_cast %parallel_loop3A_869 : i32 to index
        %parallel_loop3A_891 = arith.index_cast %parallel_loop3A_887 : i32 to index
        %parallel_loop3A_892 = tpu.vector_load %arg7[%parallel_loop3A_889, %parallel_loop3A_890, %parallel_loop3A_891] {strides = array<i32>} : memref<4x32x128xf32, #tpu.memory_space<vmem>>, vector<16xf32>,
        tpu.vector_store %arg7[%parallel_loop3A_889, %parallel_loop3A_890, %parallel_loop3A_891], %parallel_loop3A_845 {strides = array<i32>} : memref<4x32x128xf32, #tpu.memory_space<vmem>>, vector<16xf32>,
      } {sc.loop_unroll_factor = 32 : i64, sc.parallel_access}
      %dma_start3A_536 = arith.constant 3 : i32
      %dma_start3A_537 = arith.constant 0 : i32
      %dma_start3A_538 = arith.constant 0 : i32
      %dma_start3A_539 = tpu.memref_slice %arg7[%dma_start3A_536, %dma_start3A_537, %dma_start3A_538] : memref<4x32x128xf32, #tpu.memory_space<vmem>> -> memref<1x32x128xf32, #tpu.memory_space<vmem>>
      %dma_start3A_540 = tpu.memref_squeeze %dma_start3A_539 : memref<1x32x128xf32, #tpu.memory_space<vmem>> -> memref<32x128xf32, #tpu.memory_space<vmem>>
      %dma_start3A_541 = arith.constant 0 : i32
      %dma_start3A_542 = arith.constant 0 : i32
      %dma_start3A_543 = tpu.memref_slice %arg4[%add3A_498, %select_n3A_98, %dma_start3A_541, %select_n3A_114, %dma_start3A_542] : memref<200x8x32x8x128xf32, #tpu.memory_space<hbm>> -> memref<1x1x32x1x128xf32, #tpu.memory_space<hbm>>
      %dma_start3A_544 = tpu.memref_squeeze %dma_start3A_543 : memref<1x1x32x1x128xf32, #tpu.memory_space<hbm>> -> memref<32x128xf32, #tpu.memory_space<hbm>>
      %dma_start3A_545 = arith.constant 0 : i32
      %dma_start3A_546 = arith.constant 0 : i32
      %dma_start3A_547 = tpu.memref_slice %arg4[%add3A_498, %select_n3A_98, %dma_start3A_545, %select_n3A_114, %dma_start3A_546] : memref<200x8x32x8x128xf32, #tpu.memory_space<hbm>> -> memref<1x1x32x1x128xf32, #tpu.memory_space<hbm>>
      %dma_start3A_548 = tpu.memref_squeeze %dma_start3A_547 : memref<1x1x32x1x128xf32, #tpu.memory_space<hbm>> -> memref<32x128xf32, #tpu.memory_space<hbm>>
      %dma_start3A_549 = arith.constant 0 : i32
      %dma_start3A_550 = arith.constant 0 : i32
      %dma_start3A_551 = tpu.memref_slice %arg7[%dma_start3A_536, %dma_start3A_549, %dma_start3A_550] : memref<4x32x128xf32, #tpu.memory_space<vmem>> -> memref<1x32x128xf32, #tpu.memory_space<vmem>>
      %dma_start3A_552 = tpu.memref_squeeze %dma_start3A_551 : memref<1x32x128xf32, #tpu.memory_space<vmem>> -> memref<32x128xf32, #tpu.memory_space<vmem>>
      tpu.enqueue_dma source(%dma_start3A_552 : memref<32x128xf32, #tpu.memory_space<vmem>>) target(%dma_start3A_548 : memref<32x128xf32, #tpu.memory_space<hbm>>) target_semaphore(%arg14 : memref<!tpu.dma_semaphore, #tpu.memory_space<semaphore_mem>>)
      %dma_start3A_553 = arith.constant 5 : i32
      %dma_start3A_554 = arith.constant 1 : i32
      %dma_start3A_555 = arith.constant 0 : i32
      %dma_start3A_556 = tpu.memref_slice %arg6[%dma_start3A_554, %dma_start3A_555] : memref<2x4096xi32, #tpu.memory_space<vmem>> -> memref<1x4096xi32, #tpu.memory_space<vmem>>
      %dma_start3A_557 = tpu.memref_squeeze %dma_start3A_556 : memref<1x4096xi32, #tpu.memory_space<vmem>> -> memref<4096xi32, #tpu.memory_space<vmem>>
      %dma_start3A_558 = arith.constant 0 : i32
      %dma_start3A_559 = tpu.memref_slice %arg8[%select_n3A_253, %dma_start3A_553, %dma_start3A_558] : memref<2x8x4096xi32, #tpu.memory_space<vmem_shared>> -> memref<1x1x4096xi32, #tpu.memory_space<vmem_shared>>
      %dma_start3A_560 = tpu.memref_squeeze %dma_start3A_559 : memref<1x1x4096xi32, #tpu.memory_space<vmem_shared>> -> memref<4096xi32, #tpu.memory_space<vmem_shared>>
      %dma_start3A_561 = arith.constant 0 : i32
      %dma_start3A_562 = tpu.memref_slice %arg6[%dma_start3A_554, %dma_start3A_561] : memref<2x4096xi32, #tpu.memory_space<vmem>> -> memref<1x4096xi32, #tpu.memory_space<vmem>>
      %dma_start3A_563 = tpu.memref_squeeze %dma_start3A_562 : memref<1x4096xi32, #tpu.memory_space<vmem>> -> memref<4096xi32, #tpu.memory_space<vmem>>
      %dma_start3A_564 = arith.constant 0 : i32
      %dma_start3A_565 = tpu.memref_slice %arg8[%select_n3A_253, %dma_start3A_553, %dma_start3A_564] : memref<2x8x4096xi32, #tpu.memory_space<vmem_shared>> -> memref<1x1x4096xi32, #tpu.memory_space<vmem_shared>>
      %dma_start3A_566 = tpu.memref_squeeze %dma_start3A_565 : memref<1x1x4096xi32, #tpu.memory_space<vmem_shared>> -> memref<4096xi32, #tpu.memory_space<vmem_shared>>
      tpu.enqueue_dma source(%dma_start3A_566 : memref<4096xi32, #tpu.memory_space<vmem_shared>>) target(%dma_start3A_563 : memref<4096xi32, #tpu.memory_space<vmem>>) target_semaphore(%arg10 : memref<!tpu.dma_semaphore, #tpu.memory_space<semaphore_mem>>)
      %mul3A_567 = arith.constant 8 : i32
      %mul3A_568 = arith.muli %add3A_237, %mul3A_567 : i32
      %add3A_569 = arith.constant 4 : i32
      %add3A_570 = arith.addi %mul3A_568, %add3A_569 : i32
      %dma_wait3A_571 = arith.constant 4 : i32
      %dma_wait3A_572 = arith.constant 0 : i32
      %dma_wait3A_573 = arith.constant 0 : i32
      %dma_wait3A_574 = tpu.memref_slice %arg6[%dma_wait3A_572, %dma_wait3A_573] : memref<2x4096xi32, #tpu.memory_space<vmem>> -> memref<1x4096xi32, #tpu.memory_space<vmem>>
      %dma_wait3A_575 = tpu.memref_squeeze %dma_wait3A_574 : memref<1x4096xi32, #tpu.memory_space<vmem>> -> memref<4096xi32, #tpu.memory_space<vmem>>
      %dma_wait3A_576 = arith.constant 0 : i32
      %dma_wait3A_577 = tpu.memref_slice %arg8[%select_n3A_253, %dma_wait3A_571, %dma_wait3A_576] : memref<2x8x4096xi32, #tpu.memory_space<vmem_shared>> -> memref<1x1x4096xi32, #tpu.memory_space<vmem_shared>>
      %dma_wait3A_578 = tpu.memref_squeeze %dma_wait3A_577 : memref<1x1x4096xi32, #tpu.memory_space<vmem_shared>> -> memref<4096xi32, #tpu.memory_space<vmem_shared>>
      %dma_wait3A_579 = arith.constant 0 : i32
      %dma_wait3A_580 = tpu.memref_slice %arg6[%dma_wait3A_572, %dma_wait3A_579] : memref<2x4096xi32, #tpu.memory_space<vmem>> -> memref<1x4096xi32, #tpu.memory_space<vmem>>
      %dma_wait3A_581 = tpu.memref_squeeze %dma_wait3A_580 : memref<1x4096xi32, #tpu.memory_space<vmem>> -> memref<4096xi32, #tpu.memory_space<vmem>>
      %dma_wait3A_582 = arith.constant 0 : i32
      %dma_wait3A_583 = tpu.memref_slice %arg8[%select_n3A_253, %dma_wait3A_571, %dma_wait3A_582] : memref<2x8x4096xi32, #tpu.memory_space<vmem_shared>> -> memref<1x1x4096xi32, #tpu.memory_space<vmem_shared>>
      %dma_wait3A_584 = tpu.memref_squeeze %dma_wait3A_583 : memref<1x1x4096xi32, #tpu.memory_space<vmem_shared>> -> memref<4096xi32, #tpu.memory_space<vmem_shared>>
      tpu.wait_dma2 semaphore(%arg9 : memref<!tpu.dma_semaphore, #tpu.memory_space<semaphore_mem>>) src(%dma_wait3A_584 : memref<4096xi32, #tpu.memory_space<vmem_shared>>) dst(%dma_wait3A_581 : memref<4096xi32, #tpu.memory_space<vmem>>)
      %dma_wait3A_585 = arith.constant 0 : i32
      %dma_wait3A_586 = arith.constant 0 : i32
      %dma_wait3A_587 = arith.constant 0 : i32
      %dma_wait3A_588 = arith.constant 0 : i32
      %dma_wait3A_589 = arith.constant 0 : i32
      %dma_wait3A_590 = arith.constant 0 : i32
      %dma_wait3A_591 = tpu.memref_slice %arg7[%dma_wait3A_585, %dma_wait3A_589, %dma_wait3A_590] : memref<4x32x128xf32, #tpu.memory_space<vmem>> -> memref<1x32x128xf32, #tpu.memory_space<vmem>>
      %dma_wait3A_592 = tpu.memref_squeeze %dma_wait3A_591 : memref<1x32x128xf32, #tpu.memory_space<vmem>> -> memref<32x128xf32, #tpu.memory_space<vmem>>
      %dma_wait3A_593 = arith.constant 0 : i32
      %dma_wait3A_594 = arith.constant 0 : i32
      %dma_wait3A_595 = tpu.memref_slice %arg4[%dma_wait3A_586, %dma_wait3A_587, %dma_wait3A_593, %dma_wait3A_588, %dma_wait3A_594] : memref<200x8x32x8x128xf32, #tpu.memory_space<hbm>> -> memref<1x1x32x1x128xf32, #tpu.memory_space<hbm>>
      %dma_wait3A_596 = tpu.memref_squeeze %dma_wait3A_595 : memref<1x1x32x1x128xf32, #tpu.memory_space<hbm>> -> memref<32x128xf32, #tpu.memory_space<hbm>>
      %dma_wait3A_597 = arith.constant 0 : i32
      %dma_wait3A_598 = arith.constant 0 : i32
      %dma_wait3A_599 = tpu.memref_slice %arg4[%dma_wait3A_586, %dma_wait3A_587, %dma_wait3A_597, %dma_wait3A_588, %dma_wait3A_598] : memref<200x8x32x8x128xf32, #tpu.memory_space<hbm>> -> memref<1x1x32x1x128xf32, #tpu.memory_space<hbm>>
      %dma_wait3A_600 = tpu.memref_squeeze %dma_wait3A_599 : memref<1x1x32x1x128xf32, #tpu.memory_space<hbm>> -> memref<32x128xf32, #tpu.memory_space<hbm>>
      %dma_wait3A_601 = arith.constant 0 : i32
      %dma_wait3A_602 = arith.constant 0 : i32
      %dma_wait3A_603 = tpu.memref_slice %arg7[%dma_wait3A_585, %dma_wait3A_601, %dma_wait3A_602] : memref<4x32x128xf32, #tpu.memory_space<vmem>> -> memref<1x32x128xf32, #tpu.memory_space<vmem>>
      %dma_wait3A_604 = tpu.memref_squeeze %dma_wait3A_603 : memref<1x32x128xf32, #tpu.memory_space<vmem>> -> memref<32x128xf32, #tpu.memory_space<vmem>>
      tpu.wait_dma2 semaphore(%arg11 : memref<!tpu.dma_semaphore, #tpu.memory_space<semaphore_mem>>) src(%dma_wait3A_604 : memref<32x128xf32, #tpu.memory_space<vmem>>) dst(%dma_wait3A_600 : memref<32x128xf32, #tpu.memory_space<hbm>>)
      %parallel_loop3A_605 = arith.constant 0 : i32
      %parallel_loop3A_606 = arith.constant 256 : i32
      %parallel_loop3A_607 = arith.constant 1 : i32
      scf.for %parallel_loop3A_838 = %parallel_loop3A_605 to %parallel_loop3A_606 step %parallel_loop3A_607  : i32 {
        %parallel_loop3A_839 = arith.constant 16 : i32
        %parallel_loop3A_840 = arith.muli %parallel_loop3A_838, %parallel_loop3A_839 : i32
        %parallel_loop3A_841 = arith.constant 0 : i32
        %parallel_loop3A_842 = arith.index_cast %parallel_loop3A_841 : i32 to index
        %parallel_loop3A_843 = arith.index_cast %parallel_loop3A_840 : i32 to index
        %parallel_loop3A_844 = tpu.vector_load %arg6[%parallel_loop3A_842, %parallel_loop3A_843] {strides = array<i32>} : memref<2x4096xi32, #tpu.memory_space<vmem>>, vector<16xi32>,
        %parallel_loop3A_845 = tpu.vector_load_idx %arg5[%parallel_loop3A_844] : memref<100000xf32, #tpu.memory_space<vmem>>[vector<16xi32>], vector<16xf32>,
        %parallel_loop3A_846 = arith.constant 8 : i32
        %parallel_loop3A_847 = arith.divsi %parallel_loop3A_838, %parallel_loop3A_846 : i32
        %parallel_loop3A_848 = arith.constant 0 : i32
        %parallel_loop3A_849 = arith.cmpi sgt, %parallel_loop3A_838, %parallel_loop3A_848 : i32
        %parallel_loop3A_850 = arith.extui %parallel_loop3A_849 : i1 to i32
        %parallel_loop3A_851 = arith.constant 0 : i32
        %parallel_loop3A_852 = arith.cmpi slt, %parallel_loop3A_838, %parallel_loop3A_851 : i32
        %parallel_loop3A_853 = arith.extui %parallel_loop3A_852 : i1 to i32
        %parallel_loop3A_854 = arith.subi %parallel_loop3A_850, %parallel_loop3A_853 : i32
        %parallel_loop3A_855 = arith.constant 0 : i32
        %parallel_loop3A_856 = arith.cmpi sgt, %parallel_loop3A_846, %parallel_loop3A_855 : i32
        %parallel_loop3A_857 = arith.extui %parallel_loop3A_856 : i1 to i32
        %parallel_loop3A_858 = arith.constant 0 : i32
        %parallel_loop3A_859 = arith.cmpi slt, %parallel_loop3A_846, %parallel_loop3A_858 : i32
        %parallel_loop3A_860 = arith.extui %parallel_loop3A_859 : i1 to i32
        %parallel_loop3A_861 = arith.subi %parallel_loop3A_857, %parallel_loop3A_860 : i32
        %parallel_loop3A_862 = arith.cmpi ne, %parallel_loop3A_854, %parallel_loop3A_861 : i32
        %parallel_loop3A_863 = arith.remsi %parallel_loop3A_838, %parallel_loop3A_846 : i32
        %parallel_loop3A_864 = arith.constant 0 : i32
        %parallel_loop3A_865 = arith.cmpi ne, %parallel_loop3A_863, %parallel_loop3A_864 : i32
        %parallel_loop3A_866 = arith.andi %parallel_loop3A_862, %parallel_loop3A_865 : i1
        %parallel_loop3A_867 = arith.constant 1 : i32
        %parallel_loop3A_868 = arith.subi %parallel_loop3A_847, %parallel_loop3A_867 : i32
        %parallel_loop3A_869 = arith.select %parallel_loop3A_866, %parallel_loop3A_868, %parallel_loop3A_847 : i32
        %parallel_loop3A_870 = arith.constant 8 : i32
        %parallel_loop3A_871 = arith.constant 0 : i32
        %parallel_loop3A_872 = arith.cmpi eq, %parallel_loop3A_870, %parallel_loop3A_871 : i32
        %parallel_loop3A_873 = arith.constant 1 : i32
        %parallel_loop3A_874 = arith.select %parallel_loop3A_872, %parallel_loop3A_873, %parallel_loop3A_870 : i32
        %parallel_loop3A_875 = arith.remsi %parallel_loop3A_838, %parallel_loop3A_874 : i32
        %parallel_loop3A_876 = arith.constant 0 : i32
        %parallel_loop3A_877 = arith.cmpi ne, %parallel_loop3A_875, %parallel_loop3A_876 : i32
        %parallel_loop3A_878 = arith.constant 0 : i32
        %parallel_loop3A_879 = arith.cmpi slt, %parallel_loop3A_875, %parallel_loop3A_878 : i32
        %parallel_loop3A_880 = arith.constant 0 : i32
        %parallel_loop3A_881 = arith.cmpi slt, %parallel_loop3A_874, %parallel_loop3A_880 : i32
        %parallel_loop3A_882 = arith.xori %parallel_loop3A_879, %parallel_loop3A_881 : i1
        %parallel_loop3A_883 = arith.andi %parallel_loop3A_882, %parallel_loop3A_877 : i1
        %parallel_loop3A_884 = arith.addi %parallel_loop3A_875, %parallel_loop3A_874 : i32
        %parallel_loop3A_885 = arith.select %parallel_loop3A_883, %parallel_loop3A_884, %parallel_loop3A_875 : i32
        %parallel_loop3A_886 = arith.constant 16 : i32
        %parallel_loop3A_887 = arith.muli %parallel_loop3A_885, %parallel_loop3A_886 : i32
        %parallel_loop3A_888 = arith.constant 0 : i32
        %parallel_loop3A_889 = arith.index_cast %parallel_loop3A_888 : i32 to index
        %parallel_loop3A_890 = arith.index_cast %parallel_loop3A_869 : i32 to index
        %parallel_loop3A_891 = arith.index_cast %parallel_loop3A_887 : i32 to index
        %parallel_loop3A_892 = tpu.vector_load %arg7[%parallel_loop3A_889, %parallel_loop3A_890, %parallel_loop3A_891] {strides = array<i32>} : memref<4x32x128xf32, #tpu.memory_space<vmem>>, vector<16xf32>,
        tpu.vector_store %arg7[%parallel_loop3A_889, %parallel_loop3A_890, %parallel_loop3A_891], %parallel_loop3A_845 {strides = array<i32>} : memref<4x32x128xf32, #tpu.memory_space<vmem>>, vector<16xf32>,
      } {sc.loop_unroll_factor = 32 : i64, sc.parallel_access}
      %dma_start3A_608 = arith.constant 0 : i32
      %dma_start3A_609 = arith.constant 0 : i32
      %dma_start3A_610 = arith.constant 0 : i32
      %dma_start3A_611 = tpu.memref_slice %arg7[%dma_start3A_608, %dma_start3A_609, %dma_start3A_610] : memref<4x32x128xf32, #tpu.memory_space<vmem>> -> memref<1x32x128xf32, #tpu.memory_space<vmem>>
      %dma_start3A_612 = tpu.memref_squeeze %dma_start3A_611 : memref<1x32x128xf32, #tpu.memory_space<vmem>> -> memref<32x128xf32, #tpu.memory_space<vmem>>
      %dma_start3A_613 = arith.constant 0 : i32
      %dma_start3A_614 = arith.constant 0 : i32
      %dma_start3A_615 = tpu.memref_slice %arg4[%add3A_570, %select_n3A_98, %dma_start3A_613, %select_n3A_114, %dma_start3A_614] : memref<200x8x32x8x128xf32, #tpu.memory_space<hbm>> -> memref<1x1x32x1x128xf32, #tpu.memory_space<hbm>>
      %dma_start3A_616 = tpu.memref_squeeze %dma_start3A_615 : memref<1x1x32x1x128xf32, #tpu.memory_space<hbm>> -> memref<32x128xf32, #tpu.memory_space<hbm>>
      %dma_start3A_617 = arith.constant 0 : i32
      %dma_start3A_618 = arith.constant 0 : i32
      %dma_start3A_619 = tpu.memref_slice %arg4[%add3A_570, %select_n3A_98, %dma_start3A_617, %select_n3A_114, %dma_start3A_618] : memref<200x8x32x8x128xf32, #tpu.memory_space<hbm>> -> memref<1x1x32x1x128xf32, #tpu.memory_space<hbm>>
      %dma_start3A_620 = tpu.memref_squeeze %dma_start3A_619 : memref<1x1x32x1x128xf32, #tpu.memory_space<hbm>> -> memref<32x128xf32, #tpu.memory_space<hbm>>
      %dma_start3A_621 = arith.constant 0 : i32
      %dma_start3A_622 = arith.constant 0 : i32
      %dma_start3A_623 = tpu.memref_slice %arg7[%dma_start3A_608, %dma_start3A_621, %dma_start3A_622] : memref<4x32x128xf32, #tpu.memory_space<vmem>> -> memref<1x32x128xf32, #tpu.memory_space<vmem>>
      %dma_start3A_624 = tpu.memref_squeeze %dma_start3A_623 : memref<1x32x128xf32, #tpu.memory_space<vmem>> -> memref<32x128xf32, #tpu.memory_space<vmem>>
      tpu.enqueue_dma source(%dma_start3A_624 : memref<32x128xf32, #tpu.memory_space<vmem>>) target(%dma_start3A_620 : memref<32x128xf32, #tpu.memory_space<hbm>>) target_semaphore(%arg11 : memref<!tpu.dma_semaphore, #tpu.memory_space<semaphore_mem>>)
      %dma_start3A_625 = arith.constant 6 : i32
      %dma_start3A_626 = arith.constant 0 : i32
      %dma_start3A_627 = arith.constant 0 : i32
      %dma_start3A_628 = tpu.memref_slice %arg6[%dma_start3A_626, %dma_start3A_627] : memref<2x4096xi32, #tpu.memory_space<vmem>> -> memref<1x4096xi32, #tpu.memory_space<vmem>>
      %dma_start3A_629 = tpu.memref_squeeze %dma_start3A_628 : memref<1x4096xi32, #tpu.memory_space<vmem>> -> memref<4096xi32, #tpu.memory_space<vmem>>
      %dma_start3A_630 = arith.constant 0 : i32
      %dma_start3A_631 = tpu.memref_slice %arg8[%select_n3A_253, %dma_start3A_625, %dma_start3A_630] : memref<2x8x4096xi32, #tpu.memory_space<vmem_shared>> -> memref<1x1x4096xi32, #tpu.memory_space<vmem_shared>>
      %dma_start3A_632 = tpu.memref_squeeze %dma_start3A_631 : memref<1x1x4096xi32, #tpu.memory_space<vmem_shared>> -> memref<4096xi32, #tpu.memory_space<vmem_shared>>
      %dma_start3A_633 = arith.constant 0 : i32
      %dma_start3A_634 = tpu.memref_slice %arg6[%dma_start3A_626, %dma_start3A_633] : memref<2x4096xi32, #tpu.memory_space<vmem>> -> memref<1x4096xi32, #tpu.memory_space<vmem>>
      %dma_start3A_635 = tpu.memref_squeeze %dma_start3A_634 : memref<1x4096xi32, #tpu.memory_space<vmem>> -> memref<4096xi32, #tpu.memory_space<vmem>>
      %dma_start3A_636 = arith.constant 0 : i32
      %dma_start3A_637 = tpu.memref_slice %arg8[%select_n3A_253, %dma_start3A_625, %dma_start3A_636] : memref<2x8x4096xi32, #tpu.memory_space<vmem_shared>> -> memref<1x1x4096xi32, #tpu.memory_space<vmem_shared>>
      %dma_start3A_638 = tpu.memref_squeeze %dma_start3A_637 : memref<1x1x4096xi32, #tpu.memory_space<vmem_shared>> -> memref<4096xi32, #tpu.memory_space<vmem_shared>>
      tpu.enqueue_dma source(%dma_start3A_638 : memref<4096xi32, #tpu.memory_space<vmem_shared>>) target(%dma_start3A_635 : memref<4096xi32, #tpu.memory_space<vmem>>) target_semaphore(%arg9 : memref<!tpu.dma_semaphore, #tpu.memory_space<semaphore_mem>>)
      %mul3A_639 = arith.constant 8 : i32
      %mul3A_640 = arith.muli %add3A_237, %mul3A_639 : i32
      %add3A_641 = arith.constant 5 : i32
      %add3A_642 = arith.addi %mul3A_640, %add3A_641 : i32
      %dma_wait3A_643 = arith.constant 5 : i32
      %dma_wait3A_644 = arith.constant 1 : i32
      %dma_wait3A_645 = arith.constant 0 : i32
      %dma_wait3A_646 = tpu.memref_slice %arg6[%dma_wait3A_644, %dma_wait3A_645] : memref<2x4096xi32, #tpu.memory_space<vmem>> -> memref<1x4096xi32, #tpu.memory_space<vmem>>
      %dma_wait3A_647 = tpu.memref_squeeze %dma_wait3A_646 : memref<1x4096xi32, #tpu.memory_space<vmem>> -> memref<4096xi32, #tpu.memory_space<vmem>>
      %dma_wait3A_648 = arith.constant 0 : i32
      %dma_wait3A_649 = tpu.memref_slice %arg8[%select_n3A_253, %dma_wait3A_643, %dma_wait3A_648] : memref<2x8x4096xi32, #tpu.memory_space<vmem_shared>> -> memref<1x1x4096xi32, #tpu.memory_space<vmem_shared>>
      %dma_wait3A_650 = tpu.memref_squeeze %dma_wait3A_649 : memref<1x1x4096xi32, #tpu.memory_space<vmem_shared>> -> memref<4096xi32, #tpu.memory_space<vmem_shared>>
      %dma_wait3A_651 = arith.constant 0 : i32
      %dma_wait3A_652 = tpu.memref_slice %arg6[%dma_wait3A_644, %dma_wait3A_651] : memref<2x4096xi32, #tpu.memory_space<vmem>> -> memref<1x4096xi32, #tpu.memory_space<vmem>>
      %dma_wait3A_653 = tpu.memref_squeeze %dma_wait3A_652 : memref<1x4096xi32, #tpu.memory_space<vmem>> -> memref<4096xi32, #tpu.memory_space<vmem>>
      %dma_wait3A_654 = arith.constant 0 : i32
      %dma_wait3A_655 = tpu.memref_slice %arg8[%select_n3A_253, %dma_wait3A_643, %dma_wait3A_654] : memref<2x8x4096xi32, #tpu.memory_space<vmem_shared>> -> memref<1x1x4096xi32, #tpu.memory_space<vmem_shared>>
      %dma_wait3A_656 = tpu.memref_squeeze %dma_wait3A_655 : memref<1x1x4096xi32, #tpu.memory_space<vmem_shared>> -> memref<4096xi32, #tpu.memory_space<vmem_shared>>
      tpu.wait_dma2 semaphore(%arg10 : memref<!tpu.dma_semaphore, #tpu.memory_space<semaphore_mem>>) src(%dma_wait3A_656 : memref<4096xi32, #tpu.memory_space<vmem_shared>>) dst(%dma_wait3A_653 : memref<4096xi32, #tpu.memory_space<vmem>>)
      %dma_wait3A_657 = arith.constant 1 : i32
      %dma_wait3A_658 = arith.constant 0 : i32
      %dma_wait3A_659 = arith.constant 0 : i32
      %dma_wait3A_660 = arith.constant 0 : i32
      %dma_wait3A_661 = arith.constant 0 : i32
      %dma_wait3A_662 = arith.constant 0 : i32
      %dma_wait3A_663 = tpu.memref_slice %arg7[%dma_wait3A_657, %dma_wait3A_661, %dma_wait3A_662] : memref<4x32x128xf32, #tpu.memory_space<vmem>> -> memref<1x32x128xf32, #tpu.memory_space<vmem>>
      %dma_wait3A_664 = tpu.memref_squeeze %dma_wait3A_663 : memref<1x32x128xf32, #tpu.memory_space<vmem>> -> memref<32x128xf32, #tpu.memory_space<vmem>>
      %dma_wait3A_665 = arith.constant 0 : i32
      %dma_wait3A_666 = arith.constant 0 : i32
      %dma_wait3A_667 = tpu.memref_slice %arg4[%dma_wait3A_658, %dma_wait3A_659, %dma_wait3A_665, %dma_wait3A_660, %dma_wait3A_666] : memref<200x8x32x8x128xf32, #tpu.memory_space<hbm>> -> memref<1x1x32x1x128xf32, #tpu.memory_space<hbm>>
      %dma_wait3A_668 = tpu.memref_squeeze %dma_wait3A_667 : memref<1x1x32x1x128xf32, #tpu.memory_space<hbm>> -> memref<32x128xf32, #tpu.memory_space<hbm>>
      %dma_wait3A_669 = arith.constant 0 : i32
      %dma_wait3A_670 = arith.constant 0 : i32
      %dma_wait3A_671 = tpu.memref_slice %arg4[%dma_wait3A_658, %dma_wait3A_659, %dma_wait3A_669, %dma_wait3A_660, %dma_wait3A_670] : memref<200x8x32x8x128xf32, #tpu.memory_space<hbm>> -> memref<1x1x32x1x128xf32, #tpu.memory_space<hbm>>
      %dma_wait3A_672 = tpu.memref_squeeze %dma_wait3A_671 : memref<1x1x32x1x128xf32, #tpu.memory_space<hbm>> -> memref<32x128xf32, #tpu.memory_space<hbm>>
      %dma_wait3A_673 = arith.constant 0 : i32
      %dma_wait3A_674 = arith.constant 0 : i32
      %dma_wait3A_675 = tpu.memref_slice %arg7[%dma_wait3A_657, %dma_wait3A_673, %dma_wait3A_674] : memref<4x32x128xf32, #tpu.memory_space<vmem>> -> memref<1x32x128xf32, #tpu.memory_space<vmem>>
      %dma_wait3A_676 = tpu.memref_squeeze %dma_wait3A_675 : memref<1x32x128xf32, #tpu.memory_space<vmem>> -> memref<32x128xf32, #tpu.memory_space<vmem>>
      tpu.wait_dma2 semaphore(%arg12 : memref<!tpu.dma_semaphore, #tpu.memory_space<semaphore_mem>>) src(%dma_wait3A_676 : memref<32x128xf32, #tpu.memory_space<vmem>>) dst(%dma_wait3A_672 : memref<32x128xf32, #tpu.memory_space<hbm>>)
      %parallel_loop3A_677 = arith.constant 0 : i32
      %parallel_loop3A_678 = arith.constant 256 : i32
      %parallel_loop3A_679 = arith.constant 1 : i32
      scf.for %parallel_loop3A_838 = %parallel_loop3A_677 to %parallel_loop3A_678 step %parallel_loop3A_679  : i32 {
        %parallel_loop3A_839 = arith.constant 16 : i32
        %parallel_loop3A_840 = arith.muli %parallel_loop3A_838, %parallel_loop3A_839 : i32
        %parallel_loop3A_841 = arith.constant 1 : i32
        %parallel_loop3A_842 = arith.index_cast %parallel_loop3A_841 : i32 to index
        %parallel_loop3A_843 = arith.index_cast %parallel_loop3A_840 : i32 to index
        %parallel_loop3A_844 = tpu.vector_load %arg6[%parallel_loop3A_842, %parallel_loop3A_843] {strides = array<i32>} : memref<2x4096xi32, #tpu.memory_space<vmem>>, vector<16xi32>,
        %parallel_loop3A_845 = tpu.vector_load_idx %arg5[%parallel_loop3A_844] : memref<100000xf32, #tpu.memory_space<vmem>>[vector<16xi32>], vector<16xf32>,
        %parallel_loop3A_846 = arith.constant 8 : i32
        %parallel_loop3A_847 = arith.divsi %parallel_loop3A_838, %parallel_loop3A_846 : i32
        %parallel_loop3A_848 = arith.constant 0 : i32
        %parallel_loop3A_849 = arith.cmpi sgt, %parallel_loop3A_838, %parallel_loop3A_848 : i32
        %parallel_loop3A_850 = arith.extui %parallel_loop3A_849 : i1 to i32
        %parallel_loop3A_851 = arith.constant 0 : i32
        %parallel_loop3A_852 = arith.cmpi slt, %parallel_loop3A_838, %parallel_loop3A_851 : i32
        %parallel_loop3A_853 = arith.extui %parallel_loop3A_852 : i1 to i32
        %parallel_loop3A_854 = arith.subi %parallel_loop3A_850, %parallel_loop3A_853 : i32
        %parallel_loop3A_855 = arith.constant 0 : i32
        %parallel_loop3A_856 = arith.cmpi sgt, %parallel_loop3A_846, %parallel_loop3A_855 : i32
        %parallel_loop3A_857 = arith.extui %parallel_loop3A_856 : i1 to i32
        %parallel_loop3A_858 = arith.constant 0 : i32
        %parallel_loop3A_859 = arith.cmpi slt, %parallel_loop3A_846, %parallel_loop3A_858 : i32
        %parallel_loop3A_860 = arith.extui %parallel_loop3A_859 : i1 to i32
        %parallel_loop3A_861 = arith.subi %parallel_loop3A_857, %parallel_loop3A_860 : i32
        %parallel_loop3A_862 = arith.cmpi ne, %parallel_loop3A_854, %parallel_loop3A_861 : i32
        %parallel_loop3A_863 = arith.remsi %parallel_loop3A_838, %parallel_loop3A_846 : i32
        %parallel_loop3A_864 = arith.constant 0 : i32
        %parallel_loop3A_865 = arith.cmpi ne, %parallel_loop3A_863, %parallel_loop3A_864 : i32
        %parallel_loop3A_866 = arith.andi %parallel_loop3A_862, %parallel_loop3A_865 : i1
        %parallel_loop3A_867 = arith.constant 1 : i32
        %parallel_loop3A_868 = arith.subi %parallel_loop3A_847, %parallel_loop3A_867 : i32
        %parallel_loop3A_869 = arith.select %parallel_loop3A_866, %parallel_loop3A_868, %parallel_loop3A_847 : i32
        %parallel_loop3A_870 = arith.constant 8 : i32
        %parallel_loop3A_871 = arith.constant 0 : i32
        %parallel_loop3A_872 = arith.cmpi eq, %parallel_loop3A_870, %parallel_loop3A_871 : i32
        %parallel_loop3A_873 = arith.constant 1 : i32
        %parallel_loop3A_874 = arith.select %parallel_loop3A_872, %parallel_loop3A_873, %parallel_loop3A_870 : i32
        %parallel_loop3A_875 = arith.remsi %parallel_loop3A_838, %parallel_loop3A_874 : i32
        %parallel_loop3A_876 = arith.constant 0 : i32
        %parallel_loop3A_877 = arith.cmpi ne, %parallel_loop3A_875, %parallel_loop3A_876 : i32
        %parallel_loop3A_878 = arith.constant 0 : i32
        %parallel_loop3A_879 = arith.cmpi slt, %parallel_loop3A_875, %parallel_loop3A_878 : i32
        %parallel_loop3A_880 = arith.constant 0 : i32
        %parallel_loop3A_881 = arith.cmpi slt, %parallel_loop3A_874, %parallel_loop3A_880 : i32
        %parallel_loop3A_882 = arith.xori %parallel_loop3A_879, %parallel_loop3A_881 : i1
        %parallel_loop3A_883 = arith.andi %parallel_loop3A_882, %parallel_loop3A_877 : i1
        %parallel_loop3A_884 = arith.addi %parallel_loop3A_875, %parallel_loop3A_874 : i32
        %parallel_loop3A_885 = arith.select %parallel_loop3A_883, %parallel_loop3A_884, %parallel_loop3A_875 : i32
        %parallel_loop3A_886 = arith.constant 16 : i32
        %parallel_loop3A_887 = arith.muli %parallel_loop3A_885, %parallel_loop3A_886 : i32
        %parallel_loop3A_888 = arith.constant 1 : i32
        %parallel_loop3A_889 = arith.index_cast %parallel_loop3A_888 : i32 to index
        %parallel_loop3A_890 = arith.index_cast %parallel_loop3A_869 : i32 to index
        %parallel_loop3A_891 = arith.index_cast %parallel_loop3A_887 : i32 to index
        %parallel_loop3A_892 = tpu.vector_load %arg7[%parallel_loop3A_889, %parallel_loop3A_890, %parallel_loop3A_891] {strides = array<i32>} : memref<4x32x128xf32, #tpu.memory_space<vmem>>, vector<16xf32>,
        tpu.vector_store %arg7[%parallel_loop3A_889, %parallel_loop3A_890, %parallel_loop3A_891], %parallel_loop3A_845 {strides = array<i32>} : memref<4x32x128xf32, #tpu.memory_space<vmem>>, vector<16xf32>,
      } {sc.loop_unroll_factor = 32 : i64, sc.parallel_access}
      %dma_start3A_680 = arith.constant 1 : i32
      %dma_start3A_681 = arith.constant 0 : i32
      %dma_start3A_682 = arith.constant 0 : i32
      %dma_start3A_683 = tpu.memref_slice %arg7[%dma_start3A_680, %dma_start3A_681, %dma_start3A_682] : memref<4x32x128xf32, #tpu.memory_space<vmem>> -> memref<1x32x128xf32, #tpu.memory_space<vmem>>
      %dma_start3A_684 = tpu.memref_squeeze %dma_start3A_683 : memref<1x32x128xf32, #tpu.memory_space<vmem>> -> memref<32x128xf32, #tpu.memory_space<vmem>>
      %dma_start3A_685 = arith.constant 0 : i32
      %dma_start3A_686 = arith.constant 0 : i32
      %dma_start3A_687 = tpu.memref_slice %arg4[%add3A_642, %select_n3A_98, %dma_start3A_685, %select_n3A_114, %dma_start3A_686] : memref<200x8x32x8x128xf32, #tpu.memory_space<hbm>> -> memref<1x1x32x1x128xf32, #tpu.memory_space<hbm>>
      %dma_start3A_688 = tpu.memref_squeeze %dma_start3A_687 : memref<1x1x32x1x128xf32, #tpu.memory_space<hbm>> -> memref<32x128xf32, #tpu.memory_space<hbm>>
      %dma_start3A_689 = arith.constant 0 : i32
      %dma_start3A_690 = arith.constant 0 : i32
      %dma_start3A_691 = tpu.memref_slice %arg4[%add3A_642, %select_n3A_98, %dma_start3A_689, %select_n3A_114, %dma_start3A_690] : memref<200x8x32x8x128xf32, #tpu.memory_space<hbm>> -> memref<1x1x32x1x128xf32, #tpu.memory_space<hbm>>
      %dma_start3A_692 = tpu.memref_squeeze %dma_start3A_691 : memref<1x1x32x1x128xf32, #tpu.memory_space<hbm>> -> memref<32x128xf32, #tpu.memory_space<hbm>>
      %dma_start3A_693 = arith.constant 0 : i32
      %dma_start3A_694 = arith.constant 0 : i32
      %dma_start3A_695 = tpu.memref_slice %arg7[%dma_start3A_680, %dma_start3A_693, %dma_start3A_694] : memref<4x32x128xf32, #tpu.memory_space<vmem>> -> memref<1x32x128xf32, #tpu.memory_space<vmem>>
      %dma_start3A_696 = tpu.memref_squeeze %dma_start3A_695 : memref<1x32x128xf32, #tpu.memory_space<vmem>> -> memref<32x128xf32, #tpu.memory_space<vmem>>
      tpu.enqueue_dma source(%dma_start3A_696 : memref<32x128xf32, #tpu.memory_space<vmem>>) target(%dma_start3A_692 : memref<32x128xf32, #tpu.memory_space<hbm>>) target_semaphore(%arg12 : memref<!tpu.dma_semaphore, #tpu.memory_space<semaphore_mem>>)
      %dma_start3A_697 = arith.constant 7 : i32
      %dma_start3A_698 = arith.constant 1 : i32
      %dma_start3A_699 = arith.constant 0 : i32
      %dma_start3A_700 = tpu.memref_slice %arg6[%dma_start3A_698, %dma_start3A_699] : memref<2x4096xi32, #tpu.memory_space<vmem>> -> memref<1x4096xi32, #tpu.memory_space<vmem>>
      %dma_start3A_701 = tpu.memref_squeeze %dma_start3A_700 : memref<1x4096xi32, #tpu.memory_space<vmem>> -> memref<4096xi32, #tpu.memory_space<vmem>>
      %dma_start3A_702 = arith.constant 0 : i32
      %dma_start3A_703 = tpu.memref_slice %arg8[%select_n3A_253, %dma_start3A_697, %dma_start3A_702] : memref<2x8x4096xi32, #tpu.memory_space<vmem_shared>> -> memref<1x1x4096xi32, #tpu.memory_space<vmem_shared>>
      %dma_start3A_704 = tpu.memref_squeeze %dma_start3A_703 : memref<1x1x4096xi32, #tpu.memory_space<vmem_shared>> -> memref<4096xi32, #tpu.memory_space<vmem_shared>>
      %dma_start3A_705 = arith.constant 0 : i32
      %dma_start3A_706 = tpu.memref_slice %arg6[%dma_start3A_698, %dma_start3A_705] : memref<2x4096xi32, #tpu.memory_space<vmem>> -> memref<1x4096xi32, #tpu.memory_space<vmem>>
      %dma_start3A_707 = tpu.memref_squeeze %dma_start3A_706 : memref<1x4096xi32, #tpu.memory_space<vmem>> -> memref<4096xi32, #tpu.memory_space<vmem>>
      %dma_start3A_708 = arith.constant 0 : i32
      %dma_start3A_709 = tpu.memref_slice %arg8[%select_n3A_253, %dma_start3A_697, %dma_start3A_708] : memref<2x8x4096xi32, #tpu.memory_space<vmem_shared>> -> memref<1x1x4096xi32, #tpu.memory_space<vmem_shared>>
      %dma_start3A_710 = tpu.memref_squeeze %dma_start3A_709 : memref<1x1x4096xi32, #tpu.memory_space<vmem_shared>> -> memref<4096xi32, #tpu.memory_space<vmem_shared>>
      tpu.enqueue_dma source(%dma_start3A_710 : memref<4096xi32, #tpu.memory_space<vmem_shared>>) target(%dma_start3A_707 : memref<4096xi32, #tpu.memory_space<vmem>>) target_semaphore(%arg10 : memref<!tpu.dma_semaphore, #tpu.memory_space<semaphore_mem>>)
      %mul3A_711 = arith.constant 8 : i32
      %mul3A_712 = arith.muli %add3A_237, %mul3A_711 : i32
      %add3A_713 = arith.constant 6 : i32
      %add3A_714 = arith.addi %mul3A_712, %add3A_713 : i32
      %dma_wait3A_715 = arith.constant 6 : i32
      %dma_wait3A_716 = arith.constant 0 : i32
      %dma_wait3A_717 = arith.constant 0 : i32
      %dma_wait3A_718 = tpu.memref_slice %arg6[%dma_wait3A_716, %dma_wait3A_717] : memref<2x4096xi32, #tpu.memory_space<vmem>> -> memref<1x4096xi32, #tpu.memory_space<vmem>>
      %dma_wait3A_719 = tpu.memref_squeeze %dma_wait3A_718 : memref<1x4096xi32, #tpu.memory_space<vmem>> -> memref<4096xi32, #tpu.memory_space<vmem>>
      %dma_wait3A_720 = arith.constant 0 : i32
      %dma_wait3A_721 = tpu.memref_slice %arg8[%select_n3A_253, %dma_wait3A_715, %dma_wait3A_720] : memref<2x8x4096xi32, #tpu.memory_space<vmem_shared>> -> memref<1x1x4096xi32, #tpu.memory_space<vmem_shared>>
      %dma_wait3A_722 = tpu.memref_squeeze %dma_wait3A_721 : memref<1x1x4096xi32, #tpu.memory_space<vmem_shared>> -> memref<4096xi32, #tpu.memory_space<vmem_shared>>
      %dma_wait3A_723 = arith.constant 0 : i32
      %dma_wait3A_724 = tpu.memref_slice %arg6[%dma_wait3A_716, %dma_wait3A_723] : memref<2x4096xi32, #tpu.memory_space<vmem>> -> memref<1x4096xi32, #tpu.memory_space<vmem>>
      %dma_wait3A_725 = tpu.memref_squeeze %dma_wait3A_724 : memref<1x4096xi32, #tpu.memory_space<vmem>> -> memref<4096xi32, #tpu.memory_space<vmem>>
      %dma_wait3A_726 = arith.constant 0 : i32
      %dma_wait3A_727 = tpu.memref_slice %arg8[%select_n3A_253, %dma_wait3A_715, %dma_wait3A_726] : memref<2x8x4096xi32, #tpu.memory_space<vmem_shared>> -> memref<1x1x4096xi32, #tpu.memory_space<vmem_shared>>
      %dma_wait3A_728 = tpu.memref_squeeze %dma_wait3A_727 : memref<1x1x4096xi32, #tpu.memory_space<vmem_shared>> -> memref<4096xi32, #tpu.memory_space<vmem_shared>>
      tpu.wait_dma2 semaphore(%arg9 : memref<!tpu.dma_semaphore, #tpu.memory_space<semaphore_mem>>) src(%dma_wait3A_728 : memref<4096xi32, #tpu.memory_space<vmem_shared>>) dst(%dma_wait3A_725 : memref<4096xi32, #tpu.memory_space<vmem>>)
      %dma_wait3A_729 = arith.constant 2 : i32
      %dma_wait3A_730 = arith.constant 0 : i32
      %dma_wait3A_731 = arith.constant 0 : i32
      %dma_wait3A_732 = arith.constant 0 : i32
      %dma_wait3A_733 = arith.constant 0 : i32
      %dma_wait3A_734 = arith.constant 0 : i32
      %dma_wait3A_735 = tpu.memref_slice %arg7[%dma_wait3A_729, %dma_wait3A_733, %dma_wait3A_734] : memref<4x32x128xf32, #tpu.memory_space<vmem>> -> memref<1x32x128xf32, #tpu.memory_space<vmem>>
      %dma_wait3A_736 = tpu.memref_squeeze %dma_wait3A_735 : memref<1x32x128xf32, #tpu.memory_space<vmem>> -> memref<32x128xf32, #tpu.memory_space<vmem>>
      %dma_wait3A_737 = arith.constant 0 : i32
      %dma_wait3A_738 = arith.constant 0 : i32
      %dma_wait3A_739 = tpu.memref_slice %arg4[%dma_wait3A_730, %dma_wait3A_731, %dma_wait3A_737, %dma_wait3A_732, %dma_wait3A_738] : memref<200x8x32x8x128xf32, #tpu.memory_space<hbm>> -> memref<1x1x32x1x128xf32, #tpu.memory_space<hbm>>
      %dma_wait3A_740 = tpu.memref_squeeze %dma_wait3A_739 : memref<1x1x32x1x128xf32, #tpu.memory_space<hbm>> -> memref<32x128xf32, #tpu.memory_space<hbm>>
      %dma_wait3A_741 = arith.constant 0 : i32
      %dma_wait3A_742 = arith.constant 0 : i32
      %dma_wait3A_743 = tpu.memref_slice %arg4[%dma_wait3A_730, %dma_wait3A_731, %dma_wait3A_741, %dma_wait3A_732, %dma_wait3A_742] : memref<200x8x32x8x128xf32, #tpu.memory_space<hbm>> -> memref<1x1x32x1x128xf32, #tpu.memory_space<hbm>>
      %dma_wait3A_744 = tpu.memref_squeeze %dma_wait3A_743 : memref<1x1x32x1x128xf32, #tpu.memory_space<hbm>> -> memref<32x128xf32, #tpu.memory_space<hbm>>
      %dma_wait3A_745 = arith.constant 0 : i32
      %dma_wait3A_746 = arith.constant 0 : i32
      %dma_wait3A_747 = tpu.memref_slice %arg7[%dma_wait3A_729, %dma_wait3A_745, %dma_wait3A_746] : memref<4x32x128xf32, #tpu.memory_space<vmem>> -> memref<1x32x128xf32, #tpu.memory_space<vmem>>
      %dma_wait3A_748 = tpu.memref_squeeze %dma_wait3A_747 : memref<1x32x128xf32, #tpu.memory_space<vmem>> -> memref<32x128xf32, #tpu.memory_space<vmem>>
      tpu.wait_dma2 semaphore(%arg13 : memref<!tpu.dma_semaphore, #tpu.memory_space<semaphore_mem>>) src(%dma_wait3A_748 : memref<32x128xf32, #tpu.memory_space<vmem>>) dst(%dma_wait3A_744 : memref<32x128xf32, #tpu.memory_space<hbm>>)
      %parallel_loop3A_749 = arith.constant 0 : i32
      %parallel_loop3A_750 = arith.constant 256 : i32
      %parallel_loop3A_751 = arith.constant 1 : i32
      scf.for %parallel_loop3A_838 = %parallel_loop3A_749 to %parallel_loop3A_750 step %parallel_loop3A_751  : i32 {
        %parallel_loop3A_839 = arith.constant 16 : i32
        %parallel_loop3A_840 = arith.muli %parallel_loop3A_838, %parallel_loop3A_839 : i32
        %parallel_loop3A_841 = arith.constant 0 : i32
        %parallel_loop3A_842 = arith.index_cast %parallel_loop3A_841 : i32 to index
        %parallel_loop3A_843 = arith.index_cast %parallel_loop3A_840 : i32 to index
        %parallel_loop3A_844 = tpu.vector_load %arg6[%parallel_loop3A_842, %parallel_loop3A_843] {strides = array<i32>} : memref<2x4096xi32, #tpu.memory_space<vmem>>, vector<16xi32>,
        %parallel_loop3A_845 = tpu.vector_load_idx %arg5[%parallel_loop3A_844] : memref<100000xf32, #tpu.memory_space<vmem>>[vector<16xi32>], vector<16xf32>,
        %parallel_loop3A_846 = arith.constant 8 : i32
        %parallel_loop3A_847 = arith.divsi %parallel_loop3A_838, %parallel_loop3A_846 : i32
        %parallel_loop3A_848 = arith.constant 0 : i32
        %parallel_loop3A_849 = arith.cmpi sgt, %parallel_loop3A_838, %parallel_loop3A_848 : i32
        %parallel_loop3A_850 = arith.extui %parallel_loop3A_849 : i1 to i32
        %parallel_loop3A_851 = arith.constant 0 : i32
        %parallel_loop3A_852 = arith.cmpi slt, %parallel_loop3A_838, %parallel_loop3A_851 : i32
        %parallel_loop3A_853 = arith.extui %parallel_loop3A_852 : i1 to i32
        %parallel_loop3A_854 = arith.subi %parallel_loop3A_850, %parallel_loop3A_853 : i32
        %parallel_loop3A_855 = arith.constant 0 : i32
        %parallel_loop3A_856 = arith.cmpi sgt, %parallel_loop3A_846, %parallel_loop3A_855 : i32
        %parallel_loop3A_857 = arith.extui %parallel_loop3A_856 : i1 to i32
        %parallel_loop3A_858 = arith.constant 0 : i32
        %parallel_loop3A_859 = arith.cmpi slt, %parallel_loop3A_846, %parallel_loop3A_858 : i32
        %parallel_loop3A_860 = arith.extui %parallel_loop3A_859 : i1 to i32
        %parallel_loop3A_861 = arith.subi %parallel_loop3A_857, %parallel_loop3A_860 : i32
        %parallel_loop3A_862 = arith.cmpi ne, %parallel_loop3A_854, %parallel_loop3A_861 : i32
        %parallel_loop3A_863 = arith.remsi %parallel_loop3A_838, %parallel_loop3A_846 : i32
        %parallel_loop3A_864 = arith.constant 0 : i32
        %parallel_loop3A_865 = arith.cmpi ne, %parallel_loop3A_863, %parallel_loop3A_864 : i32
        %parallel_loop3A_866 = arith.andi %parallel_loop3A_862, %parallel_loop3A_865 : i1
        %parallel_loop3A_867 = arith.constant 1 : i32
        %parallel_loop3A_868 = arith.subi %parallel_loop3A_847, %parallel_loop3A_867 : i32
        %parallel_loop3A_869 = arith.select %parallel_loop3A_866, %parallel_loop3A_868, %parallel_loop3A_847 : i32
        %parallel_loop3A_870 = arith.constant 8 : i32
        %parallel_loop3A_871 = arith.constant 0 : i32
        %parallel_loop3A_872 = arith.cmpi eq, %parallel_loop3A_870, %parallel_loop3A_871 : i32
        %parallel_loop3A_873 = arith.constant 1 : i32
        %parallel_loop3A_874 = arith.select %parallel_loop3A_872, %parallel_loop3A_873, %parallel_loop3A_870 : i32
        %parallel_loop3A_875 = arith.remsi %parallel_loop3A_838, %parallel_loop3A_874 : i32
        %parallel_loop3A_876 = arith.constant 0 : i32
        %parallel_loop3A_877 = arith.cmpi ne, %parallel_loop3A_875, %parallel_loop3A_876 : i32
        %parallel_loop3A_878 = arith.constant 0 : i32
        %parallel_loop3A_879 = arith.cmpi slt, %parallel_loop3A_875, %parallel_loop3A_878 : i32
        %parallel_loop3A_880 = arith.constant 0 : i32
        %parallel_loop3A_881 = arith.cmpi slt, %parallel_loop3A_874, %parallel_loop3A_880 : i32
        %parallel_loop3A_882 = arith.xori %parallel_loop3A_879, %parallel_loop3A_881 : i1
        %parallel_loop3A_883 = arith.andi %parallel_loop3A_882, %parallel_loop3A_877 : i1
        %parallel_loop3A_884 = arith.addi %parallel_loop3A_875, %parallel_loop3A_874 : i32
        %parallel_loop3A_885 = arith.select %parallel_loop3A_883, %parallel_loop3A_884, %parallel_loop3A_875 : i32
        %parallel_loop3A_886 = arith.constant 16 : i32
        %parallel_loop3A_887 = arith.muli %parallel_loop3A_885, %parallel_loop3A_886 : i32
        %parallel_loop3A_888 = arith.constant 2 : i32
        %parallel_loop3A_889 = arith.index_cast %parallel_loop3A_888 : i32 to index
        %parallel_loop3A_890 = arith.index_cast %parallel_loop3A_869 : i32 to index
        %parallel_loop3A_891 = arith.index_cast %parallel_loop3A_887 : i32 to index
        %parallel_loop3A_892 = tpu.vector_load %arg7[%parallel_loop3A_889, %parallel_loop3A_890, %parallel_loop3A_891] {strides = array<i32>} : memref<4x32x128xf32, #tpu.memory_space<vmem>>, vector<16xf32>,
        tpu.vector_store %arg7[%parallel_loop3A_889, %parallel_loop3A_890, %parallel_loop3A_891], %parallel_loop3A_845 {strides = array<i32>} : memref<4x32x128xf32, #tpu.memory_space<vmem>>, vector<16xf32>,
      } {sc.loop_unroll_factor = 32 : i64, sc.parallel_access}
      %dma_start3A_752 = arith.constant 2 : i32
      %dma_start3A_753 = arith.constant 0 : i32
      %dma_start3A_754 = arith.constant 0 : i32
      %dma_start3A_755 = tpu.memref_slice %arg7[%dma_start3A_752, %dma_start3A_753, %dma_start3A_754] : memref<4x32x128xf32, #tpu.memory_space<vmem>> -> memref<1x32x128xf32, #tpu.memory_space<vmem>>
      %dma_start3A_756 = tpu.memref_squeeze %dma_start3A_755 : memref<1x32x128xf32, #tpu.memory_space<vmem>> -> memref<32x128xf32, #tpu.memory_space<vmem>>
      %dma_start3A_757 = arith.constant 0 : i32
      %dma_start3A_758 = arith.constant 0 : i32
      %dma_start3A_759 = tpu.memref_slice %arg4[%add3A_714, %select_n3A_98, %dma_start3A_757, %select_n3A_114, %dma_start3A_758] : memref<200x8x32x8x128xf32, #tpu.memory_space<hbm>> -> memref<1x1x32x1x128xf32, #tpu.memory_space<hbm>>
      %dma_start3A_760 = tpu.memref_squeeze %dma_start3A_759 : memref<1x1x32x1x128xf32, #tpu.memory_space<hbm>> -> memref<32x128xf32, #tpu.memory_space<hbm>>
      %dma_start3A_761 = arith.constant 0 : i32
      %dma_start3A_762 = arith.constant 0 : i32
      %dma_start3A_763 = tpu.memref_slice %arg4[%add3A_714, %select_n3A_98, %dma_start3A_761, %select_n3A_114, %dma_start3A_762] : memref<200x8x32x8x128xf32, #tpu.memory_space<hbm>> -> memref<1x1x32x1x128xf32, #tpu.memory_space<hbm>>
      %dma_start3A_764 = tpu.memref_squeeze %dma_start3A_763 : memref<1x1x32x1x128xf32, #tpu.memory_space<hbm>> -> memref<32x128xf32, #tpu.memory_space<hbm>>
      %dma_start3A_765 = arith.constant 0 : i32
      %dma_start3A_766 = arith.constant 0 : i32
      %dma_start3A_767 = tpu.memref_slice %arg7[%dma_start3A_752, %dma_start3A_765, %dma_start3A_766] : memref<4x32x128xf32, #tpu.memory_space<vmem>> -> memref<1x32x128xf32, #tpu.memory_space<vmem>>
      %dma_start3A_768 = tpu.memref_squeeze %dma_start3A_767 : memref<1x32x128xf32, #tpu.memory_space<vmem>> -> memref<32x128xf32, #tpu.memory_space<vmem>>
      tpu.enqueue_dma source(%dma_start3A_768 : memref<32x128xf32, #tpu.memory_space<vmem>>) target(%dma_start3A_764 : memref<32x128xf32, #tpu.memory_space<hbm>>) target_semaphore(%arg13 : memref<!tpu.dma_semaphore, #tpu.memory_space<semaphore_mem>>)
      %mul3A_769 = arith.constant 8 : i32
      %mul3A_770 = arith.muli %add3A_237, %mul3A_769 : i32
      %add3A_771 = arith.constant 7 : i32
      %add3A_772 = arith.addi %mul3A_770, %add3A_771 : i32
      %dma_wait3A_773 = arith.constant 7 : i32
      %dma_wait3A_774 = arith.constant 1 : i32
      %dma_wait3A_775 = arith.constant 0 : i32
      %dma_wait3A_776 = tpu.memref_slice %arg6[%dma_wait3A_774, %dma_wait3A_775] : memref<2x4096xi32, #tpu.memory_space<vmem>> -> memref<1x4096xi32, #tpu.memory_space<vmem>>
      %dma_wait3A_777 = tpu.memref_squeeze %dma_wait3A_776 : memref<1x4096xi32, #tpu.memory_space<vmem>> -> memref<4096xi32, #tpu.memory_space<vmem>>
      %dma_wait3A_778 = arith.constant 0 : i32
      %dma_wait3A_779 = tpu.memref_slice %arg8[%select_n3A_253, %dma_wait3A_773, %dma_wait3A_778] : memref<2x8x4096xi32, #tpu.memory_space<vmem_shared>> -> memref<1x1x4096xi32, #tpu.memory_space<vmem_shared>>
      %dma_wait3A_780 = tpu.memref_squeeze %dma_wait3A_779 : memref<1x1x4096xi32, #tpu.memory_space<vmem_shared>> -> memref<4096xi32, #tpu.memory_space<vmem_shared>>
      %dma_wait3A_781 = arith.constant 0 : i32
      %dma_wait3A_782 = tpu.memref_slice %arg6[%dma_wait3A_774, %dma_wait3A_781] : memref<2x4096xi32, #tpu.memory_space<vmem>> -> memref<1x4096xi32, #tpu.memory_space<vmem>>
      %dma_wait3A_783 = tpu.memref_squeeze %dma_wait3A_782 : memref<1x4096xi32, #tpu.memory_space<vmem>> -> memref<4096xi32, #tpu.memory_space<vmem>>
      %dma_wait3A_784 = arith.constant 0 : i32
      %dma_wait3A_785 = tpu.memref_slice %arg8[%select_n3A_253, %dma_wait3A_773, %dma_wait3A_784] : memref<2x8x4096xi32, #tpu.memory_space<vmem_shared>> -> memref<1x1x4096xi32, #tpu.memory_space<vmem_shared>>
      %dma_wait3A_786 = tpu.memref_squeeze %dma_wait3A_785 : memref<1x1x4096xi32, #tpu.memory_space<vmem_shared>> -> memref<4096xi32, #tpu.memory_space<vmem_shared>>
      tpu.wait_dma2 semaphore(%arg10 : memref<!tpu.dma_semaphore, #tpu.memory_space<semaphore_mem>>) src(%dma_wait3A_786 : memref<4096xi32, #tpu.memory_space<vmem_shared>>) dst(%dma_wait3A_783 : memref<4096xi32, #tpu.memory_space<vmem>>)
      %dma_wait3A_787 = arith.constant 3 : i32
      %dma_wait3A_788 = arith.constant 0 : i32
      %dma_wait3A_789 = arith.constant 0 : i32
      %dma_wait3A_790 = arith.constant 0 : i32
      %dma_wait3A_791 = arith.constant 0 : i32
      %dma_wait3A_792 = arith.constant 0 : i32
      %dma_wait3A_793 = tpu.memref_slice %arg7[%dma_wait3A_787, %dma_wait3A_791, %dma_wait3A_792] : memref<4x32x128xf32, #tpu.memory_space<vmem>> -> memref<1x32x128xf32, #tpu.memory_space<vmem>>
      %dma_wait3A_794 = tpu.memref_squeeze %dma_wait3A_793 : memref<1x32x128xf32, #tpu.memory_space<vmem>> -> memref<32x128xf32, #tpu.memory_space<vmem>>
      %dma_wait3A_795 = arith.constant 0 : i32
      %dma_wait3A_796 = arith.constant 0 : i32
      %dma_wait3A_797 = tpu.memref_slice %arg4[%dma_wait3A_788, %dma_wait3A_789, %dma_wait3A_795, %dma_wait3A_790, %dma_wait3A_796] : memref<200x8x32x8x128xf32, #tpu.memory_space<hbm>> -> memref<1x1x32x1x128xf32, #tpu.memory_space<hbm>>
      %dma_wait3A_798 = tpu.memref_squeeze %dma_wait3A_797 : memref<1x1x32x1x128xf32, #tpu.memory_space<hbm>> -> memref<32x128xf32, #tpu.memory_space<hbm>>
      %dma_wait3A_799 = arith.constant 0 : i32
      %dma_wait3A_800 = arith.constant 0 : i32
      %dma_wait3A_801 = tpu.memref_slice %arg4[%dma_wait3A_788, %dma_wait3A_789, %dma_wait3A_799, %dma_wait3A_790, %dma_wait3A_800] : memref<200x8x32x8x128xf32, #tpu.memory_space<hbm>> -> memref<1x1x32x1x128xf32, #tpu.memory_space<hbm>>
      %dma_wait3A_802 = tpu.memref_squeeze %dma_wait3A_801 : memref<1x1x32x1x128xf32, #tpu.memory_space<hbm>> -> memref<32x128xf32, #tpu.memory_space<hbm>>
      %dma_wait3A_803 = arith.constant 0 : i32
      %dma_wait3A_804 = arith.constant 0 : i32
      %dma_wait3A_805 = tpu.memref_slice %arg7[%dma_wait3A_787, %dma_wait3A_803, %dma_wait3A_804] : memref<4x32x128xf32, #tpu.memory_space<vmem>> -> memref<1x32x128xf32, #tpu.memory_space<vmem>>
      %dma_wait3A_806 = tpu.memref_squeeze %dma_wait3A_805 : memref<1x32x128xf32, #tpu.memory_space<vmem>> -> memref<32x128xf32, #tpu.memory_space<vmem>>
      tpu.wait_dma2 semaphore(%arg14 : memref<!tpu.dma_semaphore, #tpu.memory_space<semaphore_mem>>) src(%dma_wait3A_806 : memref<32x128xf32, #tpu.memory_space<vmem>>) dst(%dma_wait3A_802 : memref<32x128xf32, #tpu.memory_space<hbm>>)
      %parallel_loop3A_807 = arith.constant 0 : i32
      %parallel_loop3A_808 = arith.constant 256 : i32
      %parallel_loop3A_809 = arith.constant 1 : i32
      scf.for %parallel_loop3A_838 = %parallel_loop3A_807 to %parallel_loop3A_808 step %parallel_loop3A_809  : i32 {
        %parallel_loop3A_839 = arith.constant 16 : i32
        %parallel_loop3A_840 = arith.muli %parallel_loop3A_838, %parallel_loop3A_839 : i32
        %parallel_loop3A_841 = arith.constant 1 : i32
        %parallel_loop3A_842 = arith.index_cast %parallel_loop3A_841 : i32 to index
        %parallel_loop3A_843 = arith.index_cast %parallel_loop3A_840 : i32 to index
        %parallel_loop3A_844 = tpu.vector_load %arg6[%parallel_loop3A_842, %parallel_loop3A_843] {strides = array<i32>} : memref<2x4096xi32, #tpu.memory_space<vmem>>, vector<16xi32>,
        %parallel_loop3A_845 = tpu.vector_load_idx %arg5[%parallel_loop3A_844] : memref<100000xf32, #tpu.memory_space<vmem>>[vector<16xi32>], vector<16xf32>,
        %parallel_loop3A_846 = arith.constant 8 : i32
        %parallel_loop3A_847 = arith.divsi %parallel_loop3A_838, %parallel_loop3A_846 : i32
        %parallel_loop3A_848 = arith.constant 0 : i32
        %parallel_loop3A_849 = arith.cmpi sgt, %parallel_loop3A_838, %parallel_loop3A_848 : i32
        %parallel_loop3A_850 = arith.extui %parallel_loop3A_849 : i1 to i32
        %parallel_loop3A_851 = arith.constant 0 : i32
        %parallel_loop3A_852 = arith.cmpi slt, %parallel_loop3A_838, %parallel_loop3A_851 : i32
        %parallel_loop3A_853 = arith.extui %parallel_loop3A_852 : i1 to i32
        %parallel_loop3A_854 = arith.subi %parallel_loop3A_850, %parallel_loop3A_853 : i32
        %parallel_loop3A_855 = arith.constant 0 : i32
        %parallel_loop3A_856 = arith.cmpi sgt, %parallel_loop3A_846, %parallel_loop3A_855 : i32
        %parallel_loop3A_857 = arith.extui %parallel_loop3A_856 : i1 to i32
        %parallel_loop3A_858 = arith.constant 0 : i32
        %parallel_loop3A_859 = arith.cmpi slt, %parallel_loop3A_846, %parallel_loop3A_858 : i32
        %parallel_loop3A_860 = arith.extui %parallel_loop3A_859 : i1 to i32
        %parallel_loop3A_861 = arith.subi %parallel_loop3A_857, %parallel_loop3A_860 : i32
        %parallel_loop3A_862 = arith.cmpi ne, %parallel_loop3A_854, %parallel_loop3A_861 : i32
        %parallel_loop3A_863 = arith.remsi %parallel_loop3A_838, %parallel_loop3A_846 : i32
        %parallel_loop3A_864 = arith.constant 0 : i32
        %parallel_loop3A_865 = arith.cmpi ne, %parallel_loop3A_863, %parallel_loop3A_864 : i32
        %parallel_loop3A_866 = arith.andi %parallel_loop3A_862, %parallel_loop3A_865 : i1
        %parallel_loop3A_867 = arith.constant 1 : i32
        %parallel_loop3A_868 = arith.subi %parallel_loop3A_847, %parallel_loop3A_867 : i32
        %parallel_loop3A_869 = arith.select %parallel_loop3A_866, %parallel_loop3A_868, %parallel_loop3A_847 : i32
        %parallel_loop3A_870 = arith.constant 8 : i32
        %parallel_loop3A_871 = arith.constant 0 : i32
        %parallel_loop3A_872 = arith.cmpi eq, %parallel_loop3A_870, %parallel_loop3A_871 : i32
        %parallel_loop3A_873 = arith.constant 1 : i32
        %parallel_loop3A_874 = arith.select %parallel_loop3A_872, %parallel_loop3A_873, %parallel_loop3A_870 : i32
        %parallel_loop3A_875 = arith.remsi %parallel_loop3A_838, %parallel_loop3A_874 : i32
        %parallel_loop3A_876 = arith.constant 0 : i32
        %parallel_loop3A_877 = arith.cmpi ne, %parallel_loop3A_875, %parallel_loop3A_876 : i32
        %parallel_loop3A_878 = arith.constant 0 : i32
        %parallel_loop3A_879 = arith.cmpi slt, %parallel_loop3A_875, %parallel_loop3A_878 : i32
        %parallel_loop3A_880 = arith.constant 0 : i32
        %parallel_loop3A_881 = arith.cmpi slt, %parallel_loop3A_874, %parallel_loop3A_880 : i32
        %parallel_loop3A_882 = arith.xori %parallel_loop3A_879, %parallel_loop3A_881 : i1
        %parallel_loop3A_883 = arith.andi %parallel_loop3A_882, %parallel_loop3A_877 : i1
        %parallel_loop3A_884 = arith.addi %parallel_loop3A_875, %parallel_loop3A_874 : i32
        %parallel_loop3A_885 = arith.select %parallel_loop3A_883, %parallel_loop3A_884, %parallel_loop3A_875 : i32
        %parallel_loop3A_886 = arith.constant 16 : i32
        %parallel_loop3A_887 = arith.muli %parallel_loop3A_885, %parallel_loop3A_886 : i32
        %parallel_loop3A_888 = arith.constant 3 : i32
        %parallel_loop3A_889 = arith.index_cast %parallel_loop3A_888 : i32 to index
        %parallel_loop3A_890 = arith.index_cast %parallel_loop3A_869 : i32 to index
        %parallel_loop3A_891 = arith.index_cast %parallel_loop3A_887 : i32 to index
        %parallel_loop3A_892 = tpu.vector_load %arg7[%parallel_loop3A_889, %parallel_loop3A_890, %parallel_loop3A_891] {strides = array<i32>} : memref<4x32x128xf32, #tpu.memory_space<vmem>>, vector<16xf32>,
        tpu.vector_store %arg7[%parallel_loop3A_889, %parallel_loop3A_890, %parallel_loop3A_891], %parallel_loop3A_845 {strides = array<i32>} : memref<4x32x128xf32, #tpu.memory_space<vmem>>, vector<16xf32>,
      } {sc.loop_unroll_factor = 32 : i64, sc.parallel_access}
      %dma_start3A_810 = arith.constant 3 : i32
      %dma_start3A_811 = arith.constant 0 : i32
      %dma_start3A_812 = arith.constant 0 : i32
      %dma_start3A_813 = tpu.memref_slice %arg7[%dma_start3A_810, %dma_start3A_811, %dma_start3A_812] : memref<4x32x128xf32, #tpu.memory_space<vmem>> -> memref<1x32x128xf32, #tpu.memory_space<vmem>>
      %dma_start3A_814 = tpu.memref_squeeze %dma_start3A_813 : memref<1x32x128xf32, #tpu.memory_space<vmem>> -> memref<32x128xf32, #tpu.memory_space<vmem>>
      %dma_start3A_815 = arith.constant 0 : i32
      %dma_start3A_816 = arith.constant 0 : i32
      %dma_start3A_817 = tpu.memref_slice %arg4[%add3A_772, %select_n3A_98, %dma_start3A_815, %select_n3A_114, %dma_start3A_816] : memref<200x8x32x8x128xf32, #tpu.memory_space<hbm>> -> memref<1x1x32x1x128xf32, #tpu.memory_space<hbm>>
      %dma_start3A_818 = tpu.memref_squeeze %dma_start3A_817 : memref<1x1x32x1x128xf32, #tpu.memory_space<hbm>> -> memref<32x128xf32, #tpu.memory_space<hbm>>
      %dma_start3A_819 = arith.constant 0 : i32
      %dma_start3A_820 = arith.constant 0 : i32
      %dma_start3A_821 = tpu.memref_slice %arg4[%add3A_772, %select_n3A_98, %dma_start3A_819, %select_n3A_114, %dma_start3A_820] : memref<200x8x32x8x128xf32, #tpu.memory_space<hbm>> -> memref<1x1x32x1x128xf32, #tpu.memory_space<hbm>>
      %dma_start3A_822 = tpu.memref_squeeze %dma_start3A_821 : memref<1x1x32x1x128xf32, #tpu.memory_space<hbm>> -> memref<32x128xf32, #tpu.memory_space<hbm>>
      %dma_start3A_823 = arith.constant 0 : i32
      %dma_start3A_824 = arith.constant 0 : i32
      %dma_start3A_825 = tpu.memref_slice %arg7[%dma_start3A_810, %dma_start3A_823, %dma_start3A_824] : memref<4x32x128xf32, #tpu.memory_space<vmem>> -> memref<1x32x128xf32, #tpu.memory_space<vmem>>
      %dma_start3A_826 = tpu.memref_squeeze %dma_start3A_825 : memref<1x32x128xf32, #tpu.memory_space<vmem>> -> memref<32x128xf32, #tpu.memory_space<vmem>>
      tpu.enqueue_dma source(%dma_start3A_826 : memref<32x128xf32, #tpu.memory_space<vmem>>) target(%dma_start3A_822 : memref<32x128xf32, #tpu.memory_space<hbm>>) target_semaphore(%arg14 : memref<!tpu.dma_semaphore, #tpu.memory_space<semaphore_mem>>)
      %and3A_827 = arith.andi %eq3A_1, %lt3A_275 : i1
      %convert_element_type3A_828 = arith.extui %and3A_827 : i1 to i32
      %cond3A_829 = arith.constant 0 : i32
      %cond3A_830 = arith.cmpi ne, %convert_element_type3A_828, %cond3A_829 : i32
      scf.if %cond3A_830 {
        %dma_wait3A_838 = arith.constant 0 : i32
        %dma_wait3A_839 = arith.constant 0 : i32
        %dma_wait3A_840 = tpu.memref_slice %arg8[%select_n3A_271, %dma_wait3A_838, %dma_wait3A_839] : memref<2x8x4096xi32, #tpu.memory_space<vmem_shared>> -> memref<1x8x4096xi32, #tpu.memory_space<vmem_shared>>
        %dma_wait3A_841 = tpu.memref_squeeze %dma_wait3A_840 : memref<1x8x4096xi32, #tpu.memory_space<vmem_shared>> -> memref<8x4096xi32, #tpu.memory_space<vmem_shared>>
        %dma_wait3A_842 = arith.constant 0 : i32
        %dma_wait3A_843 = arith.constant 0 : i32
        %dma_wait3A_844 = tpu.memref_slice %arg2[%dma_wait3A_842, %dma_wait3A_843] : memref<200x4096xi32, #tpu.memory_space<hbm>> -> memref<8x4096xi32, #tpu.memory_space<hbm>>
        tpu.wait_dma2 semaphore(%arg15 : memref<!tpu.dma_semaphore, #tpu.memory_space<semaphore_mem>>) src(%dma_wait3A_844 : memref<8x4096xi32, #tpu.memory_space<hbm>>) dst(%dma_wait3A_841 : memref<8x4096xi32, #tpu.memory_space<vmem_shared>>)
      } else {
      }
      %barrier3A_831 = arith.constant 0 : index
      tpu.barrier barrier_id(%barrier3A_831)
      %convert_element_type3A_832 = arith.extui %lt3A_275 : i1 to i32
      %cond3A_833 = arith.constant 0 : i32
      %cond3A_834 = arith.cmpi ne, %convert_element_type3A_832, %cond3A_833 : i32
      scf.if %cond3A_834 {
        %dma_start3A_838 = arith.constant 0 : i32
        %dma_start3A_839 = arith.constant 0 : i32
        %dma_start3A_840 = arith.constant 0 : i32
        %dma_start3A_841 = tpu.memref_slice %arg6[%dma_start3A_839, %dma_start3A_840] : memref<2x4096xi32, #tpu.memory_space<vmem>> -> memref<1x4096xi32, #tpu.memory_space<vmem>>
        %dma_start3A_842 = tpu.memref_squeeze %dma_start3A_841 : memref<1x4096xi32, #tpu.memory_space<vmem>> -> memref<4096xi32, #tpu.memory_space<vmem>>
        %dma_start3A_843 = arith.constant 0 : i32
        %dma_start3A_844 = tpu.memref_slice %arg8[%select_n3A_271, %dma_start3A_838, %dma_start3A_843] : memref<2x8x4096xi32, #tpu.memory_space<vmem_shared>> -> memref<1x1x4096xi32, #tpu.memory_space<vmem_shared>>
        %dma_start3A_845 = tpu.memref_squeeze %dma_start3A_844 : memref<1x1x4096xi32, #tpu.memory_space<vmem_shared>> -> memref<4096xi32, #tpu.memory_space<vmem_shared>>
        %dma_start3A_846 = arith.constant 0 : i32
        %dma_start3A_847 = tpu.memref_slice %arg6[%dma_start3A_839, %dma_start3A_846] : memref<2x4096xi32, #tpu.memory_space<vmem>> -> memref<1x4096xi32, #tpu.memory_space<vmem>>
        %dma_start3A_848 = tpu.memref_squeeze %dma_start3A_847 : memref<1x4096xi32, #tpu.memory_space<vmem>> -> memref<4096xi32, #tpu.memory_space<vmem>>
        %dma_start3A_849 = arith.constant 0 : i32
        %dma_start3A_850 = tpu.memref_slice %arg8[%select_n3A_271, %dma_start3A_838, %dma_start3A_849] : memref<2x8x4096xi32, #tpu.memory_space<vmem_shared>> -> memref<1x1x4096xi32, #tpu.memory_space<vmem_shared>>
        %dma_start3A_851 = tpu.memref_squeeze %dma_start3A_850 : memref<1x1x4096xi32, #tpu.memory_space<vmem_shared>> -> memref<4096xi32, #tpu.memory_space<vmem_shared>>
        tpu.enqueue_dma source(%dma_start3A_851 : memref<4096xi32, #tpu.memory_space<vmem_shared>>) target(%dma_start3A_848 : memref<4096xi32, #tpu.memory_space<vmem>>) target_semaphore(%arg9 : memref<!tpu.dma_semaphore, #tpu.memory_space<semaphore_mem>>)
      } else {
      }
      %convert_element_type3A_835 = arith.extui %lt3A_275 : i1 to i32
      %cond3A_836 = arith.constant 0 : i32
      %cond3A_837 = arith.cmpi ne, %convert_element_type3A_835, %cond3A_836 : i32
      scf.if %cond3A_837 {
        %dma_start3A_838 = arith.constant 1 : i32
        %dma_start3A_839 = arith.constant 1 : i32
        %dma_start3A_840 = arith.constant 0 : i32
        %dma_start3A_841 = tpu.memref_slice %arg6[%dma_start3A_839, %dma_start3A_840] : memref<2x4096xi32, #tpu.memory_space<vmem>> -> memref<1x4096xi32, #tpu.memory_space<vmem>>
        %dma_start3A_842 = tpu.memref_squeeze %dma_start3A_841 : memref<1x4096xi32, #tpu.memory_space<vmem>> -> memref<4096xi32, #tpu.memory_space<vmem>>
        %dma_start3A_843 = arith.constant 0 : i32
        %dma_start3A_844 = tpu.memref_slice %arg8[%select_n3A_271, %dma_start3A_838, %dma_start3A_843] : memref<2x8x4096xi32, #tpu.memory_space<vmem_shared>> -> memref<1x1x4096xi32, #tpu.memory_space<vmem_shared>>
        %dma_start3A_845 = tpu.memref_squeeze %dma_start3A_844 : memref<1x1x4096xi32, #tpu.memory_space<vmem_shared>> -> memref<4096xi32, #tpu.memory_space<vmem_shared>>
        %dma_start3A_846 = arith.constant 0 : i32
        %dma_start3A_847 = tpu.memref_slice %arg6[%dma_start3A_839, %dma_start3A_846] : memref<2x4096xi32, #tpu.memory_space<vmem>> -> memref<1x4096xi32, #tpu.memory_space<vmem>>
        %dma_start3A_848 = tpu.memref_squeeze %dma_start3A_847 : memref<1x4096xi32, #tpu.memory_space<vmem>> -> memref<4096xi32, #tpu.memory_space<vmem>>
        %dma_start3A_849 = arith.constant 0 : i32
        %dma_start3A_850 = tpu.memref_slice %arg8[%select_n3A_271, %dma_start3A_838, %dma_start3A_849] : memref<2x8x4096xi32, #tpu.memory_space<vmem_shared>> -> memref<1x1x4096xi32, #tpu.memory_space<vmem_shared>>
        %dma_start3A_851 = tpu.memref_squeeze %dma_start3A_850 : memref<1x1x4096xi32, #tpu.memory_space<vmem_shared>> -> memref<4096xi32, #tpu.memory_space<vmem_shared>>
        tpu.enqueue_dma source(%dma_start3A_851 : memref<4096xi32, #tpu.memory_space<vmem_shared>>) target(%dma_start3A_848 : memref<4096xi32, #tpu.memory_space<vmem>>) target_semaphore(%arg10 : memref<!tpu.dma_semaphore, #tpu.memory_space<semaphore_mem>>)
      } else {
      }
    }
    %scan3A_153 = arith.constant 25 : i32
    %dma_wait3A = arith.constant 0 : i32
    %dma_wait3A_154 = arith.constant 0 : i32
    %dma_wait3A_155 = arith.constant 0 : i32
    %dma_wait3A_156 = arith.constant 0 : i32
    %dma_wait3A_157 = arith.constant 0 : i32
    %dma_wait3A_158 = arith.constant 0 : i32
    %dma_wait3A_159 = tpu.memref_slice %arg7[%dma_wait3A, %dma_wait3A_157, %dma_wait3A_158] : memref<4x32x128xf32, #tpu.memory_space<vmem>> -> memref<1x32x128xf32, #tpu.memory_space<vmem>>
    %dma_wait3A_160 = tpu.memref_squeeze %dma_wait3A_159 : memref<1x32x128xf32, #tpu.memory_space<vmem>> -> memref<32x128xf32, #tpu.memory_space<vmem>>
    %dma_wait3A_161 = arith.constant 0 : i32
    %dma_wait3A_162 = arith.constant 0 : i32
    %dma_wait3A_163 = tpu.memref_slice %arg4[%dma_wait3A_154, %dma_wait3A_155, %dma_wait3A_161, %dma_wait3A_156, %dma_wait3A_162] : memref<200x8x32x8x128xf32, #tpu.memory_space<hbm>> -> memref<1x1x32x1x128xf32, #tpu.memory_space<hbm>>
    %dma_wait3A_164 = tpu.memref_squeeze %dma_wait3A_163 : memref<1x1x32x1x128xf32, #tpu.memory_space<hbm>> -> memref<32x128xf32, #tpu.memory_space<hbm>>
    %dma_wait3A_165 = arith.constant 0 : i32
    %dma_wait3A_166 = arith.constant 0 : i32
    %dma_wait3A_167 = tpu.memref_slice %arg4[%dma_wait3A_154, %dma_wait3A_155, %dma_wait3A_165, %dma_wait3A_156, %dma_wait3A_166] : memref<200x8x32x8x128xf32, #tpu.memory_space<hbm>> -> memref<1x1x32x1x128xf32, #tpu.memory_space<hbm>>
    %dma_wait3A_168 = tpu.memref_squeeze %dma_wait3A_167 : memref<1x1x32x1x128xf32, #tpu.memory_space<hbm>> -> memref<32x128xf32, #tpu.memory_space<hbm>>
    %dma_wait3A_169 = arith.constant 0 : i32
    %dma_wait3A_170 = arith.constant 0 : i32
    %dma_wait3A_171 = tpu.memref_slice %arg7[%dma_wait3A, %dma_wait3A_169, %dma_wait3A_170] : memref<4x32x128xf32, #tpu.memory_space<vmem>> -> memref<1x32x128xf32, #tpu.memory_space<vmem>>
    %dma_wait3A_172 = tpu.memref_squeeze %dma_wait3A_171 : memref<1x32x128xf32, #tpu.memory_space<vmem>> -> memref<32x128xf32, #tpu.memory_space<vmem>>
    tpu.wait_dma2 semaphore(%arg11 : memref<!tpu.dma_semaphore, #tpu.memory_space<semaphore_mem>>) src(%dma_wait3A_172 : memref<32x128xf32, #tpu.memory_space<vmem>>) dst(%dma_wait3A_168 : memref<32x128xf32, #tpu.memory_space<hbm>>)
    %dma_wait3A_173 = arith.constant 1 : i32
    %dma_wait3A_174 = arith.constant 0 : i32
    %dma_wait3A_175 = arith.constant 0 : i32
    %dma_wait3A_176 = arith.constant 0 : i32
    %dma_wait3A_177 = arith.constant 0 : i32
    %dma_wait3A_178 = arith.constant 0 : i32
    %dma_wait3A_179 = tpu.memref_slice %arg7[%dma_wait3A_173, %dma_wait3A_177, %dma_wait3A_178] : memref<4x32x128xf32, #tpu.memory_space<vmem>> -> memref<1x32x128xf32, #tpu.memory_space<vmem>>
    %dma_wait3A_180 = tpu.memref_squeeze %dma_wait3A_179 : memref<1x32x128xf32, #tpu.memory_space<vmem>> -> memref<32x128xf32, #tpu.memory_space<vmem>>
    %dma_wait3A_181 = arith.constant 0 : i32
    %dma_wait3A_182 = arith.constant 0 : i32
    %dma_wait3A_183 = tpu.memref_slice %arg4[%dma_wait3A_174, %dma_wait3A_175, %dma_wait3A_181, %dma_wait3A_176, %dma_wait3A_182] : memref<200x8x32x8x128xf32, #tpu.memory_space<hbm>> -> memref<1x1x32x1x128xf32, #tpu.memory_space<hbm>>
    %dma_wait3A_184 = tpu.memref_squeeze %dma_wait3A_183 : memref<1x1x32x1x128xf32, #tpu.memory_space<hbm>> -> memref<32x128xf32, #tpu.memory_space<hbm>>
    %dma_wait3A_185 = arith.constant 0 : i32
    %dma_wait3A_186 = arith.constant 0 : i32
    %dma_wait3A_187 = tpu.memref_slice %arg4[%dma_wait3A_174, %dma_wait3A_175, %dma_wait3A_185, %dma_wait3A_176, %dma_wait3A_186] : memref<200x8x32x8x128xf32, #tpu.memory_space<hbm>> -> memref<1x1x32x1x128xf32, #tpu.memory_space<hbm>>
    %dma_wait3A_188 = tpu.memref_squeeze %dma_wait3A_187 : memref<1x1x32x1x128xf32, #tpu.memory_space<hbm>> -> memref<32x128xf32, #tpu.memory_space<hbm>>
    %dma_wait3A_189 = arith.constant 0 : i32
    %dma_wait3A_190 = arith.constant 0 : i32
    %dma_wait3A_191 = tpu.memref_slice %arg7[%dma_wait3A_173, %dma_wait3A_189, %dma_wait3A_190] : memref<4x32x128xf32, #tpu.memory_space<vmem>> -> memref<1x32x128xf32, #tpu.memory_space<vmem>>
    %dma_wait3A_192 = tpu.memref_squeeze %dma_wait3A_191 : memref<1x32x128xf32, #tpu.memory_space<vmem>> -> memref<32x128xf32, #tpu.memory_space<vmem>>
    tpu.wait_dma2 semaphore(%arg12 : memref<!tpu.dma_semaphore, #tpu.memory_space<semaphore_mem>>) src(%dma_wait3A_192 : memref<32x128xf32, #tpu.memory_space<vmem>>) dst(%dma_wait3A_188 : memref<32x128xf32, #tpu.memory_space<hbm>>)
    %dma_wait3A_193 = arith.constant 2 : i32
    %dma_wait3A_194 = arith.constant 0 : i32
    %dma_wait3A_195 = arith.constant 0 : i32
    %dma_wait3A_196 = arith.constant 0 : i32
    %dma_wait3A_197 = arith.constant 0 : i32
    %dma_wait3A_198 = arith.constant 0 : i32
    %dma_wait3A_199 = tpu.memref_slice %arg7[%dma_wait3A_193, %dma_wait3A_197, %dma_wait3A_198] : memref<4x32x128xf32, #tpu.memory_space<vmem>> -> memref<1x32x128xf32, #tpu.memory_space<vmem>>
    %dma_wait3A_200 = tpu.memref_squeeze %dma_wait3A_199 : memref<1x32x128xf32, #tpu.memory_space<vmem>> -> memref<32x128xf32, #tpu.memory_space<vmem>>
    %dma_wait3A_201 = arith.constant 0 : i32
    %dma_wait3A_202 = arith.constant 0 : i32
    %dma_wait3A_203 = tpu.memref_slice %arg4[%dma_wait3A_194, %dma_wait3A_195, %dma_wait3A_201, %dma_wait3A_196, %dma_wait3A_202] : memref<200x8x32x8x128xf32, #tpu.memory_space<hbm>> -> memref<1x1x32x1x128xf32, #tpu.memory_space<hbm>>
    %dma_wait3A_204 = tpu.memref_squeeze %dma_wait3A_203 : memref<1x1x32x1x128xf32, #tpu.memory_space<hbm>> -> memref<32x128xf32, #tpu.memory_space<hbm>>
    %dma_wait3A_205 = arith.constant 0 : i32
    %dma_wait3A_206 = arith.constant 0 : i32
    %dma_wait3A_207 = tpu.memref_slice %arg4[%dma_wait3A_194, %dma_wait3A_195, %dma_wait3A_205, %dma_wait3A_196, %dma_wait3A_206] : memref<200x8x32x8x128xf32, #tpu.memory_space<hbm>> -> memref<1x1x32x1x128xf32, #tpu.memory_space<hbm>>
    %dma_wait3A_208 = tpu.memref_squeeze %dma_wait3A_207 : memref<1x1x32x1x128xf32, #tpu.memory_space<hbm>> -> memref<32x128xf32, #tpu.memory_space<hbm>>
    %dma_wait3A_209 = arith.constant 0 : i32
    %dma_wait3A_210 = arith.constant 0 : i32
    %dma_wait3A_211 = tpu.memref_slice %arg7[%dma_wait3A_193, %dma_wait3A_209, %dma_wait3A_210] : memref<4x32x128xf32, #tpu.memory_space<vmem>> -> memref<1x32x128xf32, #tpu.memory_space<vmem>>
    %dma_wait3A_212 = tpu.memref_squeeze %dma_wait3A_211 : memref<1x32x128xf32, #tpu.memory_space<vmem>> -> memref<32x128xf32, #tpu.memory_space<vmem>>
    tpu.wait_dma2 semaphore(%arg13 : memref<!tpu.dma_semaphore, #tpu.memory_space<semaphore_mem>>) src(%dma_wait3A_212 : memref<32x128xf32, #tpu.memory_space<vmem>>) dst(%dma_wait3A_208 : memref<32x128xf32, #tpu.memory_space<hbm>>)
    %dma_wait3A_213 = arith.constant 3 : i32
    %dma_wait3A_214 = arith.constant 0 : i32
    %dma_wait3A_215 = arith.constant 0 : i32
    %dma_wait3A_216 = arith.constant 0 : i32
    %dma_wait3A_217 = arith.constant 0 : i32
    %dma_wait3A_218 = arith.constant 0 : i32
    %dma_wait3A_219 = tpu.memref_slice %arg7[%dma_wait3A_213, %dma_wait3A_217, %dma_wait3A_218] : memref<4x32x128xf32, #tpu.memory_space<vmem>> -> memref<1x32x128xf32, #tpu.memory_space<vmem>>
    %dma_wait3A_220 = tpu.memref_squeeze %dma_wait3A_219 : memref<1x32x128xf32, #tpu.memory_space<vmem>> -> memref<32x128xf32, #tpu.memory_space<vmem>>
    %dma_wait3A_221 = arith.constant 0 : i32
    %dma_wait3A_222 = arith.constant 0 : i32
    %dma_wait3A_223 = tpu.memref_slice %arg4[%dma_wait3A_214, %dma_wait3A_215, %dma_wait3A_221, %dma_wait3A_216, %dma_wait3A_222] : memref<200x8x32x8x128xf32, #tpu.memory_space<hbm>> -> memref<1x1x32x1x128xf32, #tpu.memory_space<hbm>>
    %dma_wait3A_224 = tpu.memref_squeeze %dma_wait3A_223 : memref<1x1x32x1x128xf32, #tpu.memory_space<hbm>> -> memref<32x128xf32, #tpu.memory_space<hbm>>
    %dma_wait3A_225 = arith.constant 0 : i32
    %dma_wait3A_226 = arith.constant 0 : i32
    %dma_wait3A_227 = tpu.memref_slice %arg4[%dma_wait3A_214, %dma_wait3A_215, %dma_wait3A_225, %dma_wait3A_216, %dma_wait3A_226] : memref<200x8x32x8x128xf32, #tpu.memory_space<hbm>> -> memref<1x1x32x1x128xf32, #tpu.memory_space<hbm>>
    %dma_wait3A_228 = tpu.memref_squeeze %dma_wait3A_227 : memref<1x1x32x1x128xf32, #tpu.memory_space<hbm>> -> memref<32x128xf32, #tpu.memory_space<hbm>>
    %dma_wait3A_229 = arith.constant 0 : i32
    %dma_wait3A_230 = arith.constant 0 : i32
    %dma_wait3A_231 = tpu.memref_slice %arg7[%dma_wait3A_213, %dma_wait3A_229, %dma_wait3A_230] : memref<4x32x128xf32, #tpu.memory_space<vmem>> -> memref<1x32x128xf32, #tpu.memory_space<vmem>>
    %dma_wait3A_232 = tpu.memref_squeeze %dma_wait3A_231 : memref<1x32x128xf32, #tpu.memory_space<vmem>> -> memref<32x128xf32, #tpu.memory_space<vmem>>
    tpu.wait_dma2 semaphore(%arg14 : memref<!tpu.dma_semaphore, #tpu.memory_space<semaphore_mem>>) src(%dma_wait3A_232 : memref<32x128xf32, #tpu.memory_space<vmem>>) dst(%dma_wait3A_228 : memref<32x128xf32, #tpu.memory_space<hbm>>)
    return
  }
}

</mosaic_0001>

<sc_bundles>
// kernel: kernel.3.cloned.1.call-start
scs
__scs_entry_jumppad:
0x0: {  	(pc) =	sbr.rel $0x88, $3  }
0x1: {  	(tag) =	ssettag $0x0;
	lr =	simm.s32 $0x1  }
0x2: {  	[smem:$0x3F9F] =	sst lr;
	_ =	strace $0xD0000000  }
0x3: {  	_ = 	snop  }
0x4: {  	_ = 	snop  }
0x5: {  	_ = 	snop  }
0x6: {  	_ = 	snop  }
0x7: {  	_ = 	snop  }
__scs_overlays_trampoline_lowered:
0x8: {  	[smem:$0x3FAE] =	sst s0  }
0x9: {  	[smem:$0x3FAF] =	sst s1  }
0xa: {  	[smem:$0x3FB0] =	sst s2  }
0xb: {  	[smem:$0x3FB1] =	sst s3  }
0xc: {  	[smem:$0x3FB2] =	sst s4  }
0xd: {  	[smem:$0x3FB3] =	sst s5  }
0xe: {  	[smem:$0x3FB4] =	sst s6  }
0xf: {  	[smem:$0x3FB5] =	sst s7  }
0x10: {  	[smem:$0x3FB6] =	sst s8  }
0x11: {  	[smem:$0x3FB7] =	sst s9;
	s0 =	simm.s32 @!p0 $0x0  }
0x12: {  	s1 =	sld [smem:$0x3F9D];
	s0 =	simm.s32 @p0 $0x1  }
0x13: {  	[smem:$0x3FB8] =	sst s0;
	s0 =	simm.s32 @!p1 $0x0  }
0x14: {  	s2 =	sld [smem:$0x3F9C];
	s0 =	simm.s32 @p1 $0x1  }
0x15: {  	[smem:$0x3FB9] =	sst s0;
	s0 =	simm.s32 @!p2 $0x0  }
0x16: {  	s3 =	sld [smem:$0x3FDB];
	s0 =	simm.s32 @p2 $0x1  }
0x17: {  	s4 =	simm.s32 $0x1BF5;
	[smem:$0x3FBB] =	sst s0  }
0x18: {  	s0 =	sld [smem:$0x3F9E];
	_ =	swait.ge [sflag:s4], $0x0  }
0x19: {  	s7 =	sld [smem:$0x3F9F]  }
0x1a: {  	s8 =	sadd.s32 $0xFFFFE003, lr  }
0x1b: {  	s9 =	sadd.s32 $0xFFFFFEF7, lr;
	s5 =	simm.s32 $0xFFFFFFFF;
	p2 =	slt.u32 s8, $0xFFFFF086  }
0x1c: {  	p1 =	slt.u32 s9, $0xF7A;
	s5 =	simm.s32 @!p2 $0x0  }
0x1d: {  	s5 =	simm.s32 @p1 $0x1;
	p0 =	seq.s32 s7, s2  }
0x1e: {  	s7 =	smul.u32 @!p0 $0xF7A, s2;
	p2 =	seq.s32 @!p0 s5, $0x0  }
0x1f: {  	s9 =	smul.u32 $0xF7A, s1;
	s8 =	simm.s32 @!p0 $0x1BF5;
	p2 =	por !p2, p0  }
0x20: {  	[sflag:s8] =	ssyncset.s32 @!p0 $0xFFFFF086;
	s6 =	sadd.s32 @!p0 s3, s7;
	s7 =	simm.s32 @!p0 $0x108  }
0x21: {  	s3 =	sadd.s32 s3, s9;
	s6 =	sadd.s32 @!p0 $0x88, s6;
	s7 =	simm.s32 @p2 $0x1082  }
0x22: {  	[simem:s7], [sflag:s8] =	dma.local @!p0 [hbm:s6], $0xF7A  }
0x23: {  	s9 =	sor.u32 $0xD0000000, s2;
	s6 =	simm.s32 $0x108;
	_ =	swait.ge @!p0 [sflag:s8], $0x0  }
0x24: {  	s3 =	sadd.s32 $0x88, s3;
	s6 =	simm.s32 @!p1 $0x1082;
	[sflag:s4] =	ssyncset.s32 $0xFFFFF086  }
0x25: {  	[simem:s6], [sflag:s4] =	dma.local [hbm:s3], $0xF7A  }
0x26: {  	[smem:$0x3F9F] =	sst s1;
	(tag) =	ssettag s2;
	_ =	strace s9  }
0x27: {  	s1 =	sld [smem:$0x3FAF]  }
0x28: {  	s2 =	sld [smem:$0x3FB0]  }
0x29: {  	s4 =	sld [smem:$0x3FB2]  }
0x2a: {  	p0 =	seq.s32 s5, $0x0;
	s5 =	sld [smem:$0x3FB3]  }
0x2b: {  	s6 =	sld [smem:$0x3FB4]  }
0x2c: {  	s7 =	sld [smem:$0x3FB5]  }
0x2d: {  	s3 =	simm.s32 $0x108;
	s8 =	sld [smem:$0x3FB6]  }
0x2e: {  	s3 =	simm.s32 @!p0 $0x1082;
	s9 =	sld [smem:$0x3FB7]  }
0x2f: {  	lr =	sadd.s32 s0, s3;
	s0 =	sld [smem:$0x3FAE]  }
0x30: {  	s3 =	sld [smem:$0x3FB1]  }
0x31: {  	[smem:$0x3FBA] =	sst s10  }
0x32: {  	s10 =	sld [smem:$0x3FB8];
	_ =	sdelay $0x3  }
0x33: {  	p0 =	seq.s32 s10, $0x1;
	s10 =	sld [smem:$0x3FBA];
	_ =	sdelay $0x3  }
0x34: {  	[smem:$0x3FBA] =	sst s10  }
0x35: {  	s10 =	sld [smem:$0x3FB9];
	_ =	sdelay $0x3  }
0x36: {  	p1 =	seq.s32 s10, $0x1;
	s10 =	sld [smem:$0x3FBA];
	_ =	sdelay $0x3  }
0x37: {  	[smem:$0x3FBA] =	sst s10  }
0x38: {  	s10 =	sld [smem:$0x3FBB]  }
0x39: {  	_ = 	snop;
	(pc) =	sbr.ind lr, $3  }
0x3a: {  	_ = 	snop  }
0x3b: {  	_ = 	snop  }
0x3c: {  	p2 =	seq.s32 s10, $0x1;
	s10 =	sld [smem:$0x3FBA]  }
0x3d: {  	_ =	shalt  }
0x3e: {  	_ =	shalt  }
0x3f: {  	_ =	shalt  }
0x40: {  	_ =	shalt  }
0x41: {  	_ =	shalt  }
0x42: {  	_ =	shalt  }
0x43: {  	_ =	shalt  }
0x44: {  	_ =	shalt  }
0x45: {  	_ =	shalt  }
0x46: {  	_ =	shalt  }
0x47: {  	_ =	shalt  }
0x48: {  	_ =	shalt  }
0x49: {  	_ =	shalt  }
0x4a: {  	_ =	shalt  }
0x4b: {  	_ =	shalt  }
0x4c: {  	_ =	shalt  }
0x4d: {  	_ =	shalt  }
0x4e: {  	_ =	shalt  }
0x4f: {  	_ =	shalt  }
0x50: {  	_ =	shalt  }
0x51: {  	_ =	shalt  }
0x52: {  	_ =	shalt  }
0x53: {  	_ =	shalt  }
0x54: {  	_ =	shalt  }
0x55: {  	_ =	shalt  }
0x56: {  	_ =	shalt  }
0x57: {  	_ =	shalt  }
0x58: {  	_ =	shalt  }
0x59: {  	_ =	shalt  }
0x5a: {  	_ =	shalt  }
0x5b: {  	_ =	shalt  }
0x5c: {  	_ =	shalt  }
0x5d: {  	_ =	shalt  }
0x5e: {  	_ =	shalt  }
0x5f: {  	_ =	shalt  }
0x60: {  	_ =	shalt  }
0x61: {  	_ =	shalt  }
0x62: {  	_ =	shalt  }
0x63: {  	_ =	shalt  }
0x64: {  	_ =	shalt  }
0x65: {  	_ =	shalt  }
0x66: {  	_ =	shalt  }
0x67: {  	_ =	shalt  }
0x68: {  	_ =	shalt  }
0x69: {  	_ =	shalt  }
0x6a: {  	_ =	shalt  }
0x6b: {  	_ =	shalt  }
0x6c: {  	_ =	shalt  }
0x6d: {  	_ =	shalt  }
0x6e: {  	_ =	shalt  }
0x6f: {  	_ =	shalt  }
0x70: {  	_ =	shalt  }
0x71: {  	_ =	shalt  }
0x72: {  	_ =	shalt  }
0x73: {  	_ =	shalt  }
0x74: {  	_ =	shalt  }
0x75: {  	_ =	shalt  }
0x76: {  	_ =	shalt  }
0x77: {  	_ =	shalt  }
0x78: {  	_ =	shalt  }
0x79: {  	_ =	shalt  }
0x7a: {  	_ =	shalt  }
0x7b: {  	_ =	shalt  }
0x7c: {  	_ =	shalt  }
0x7d: {  	_ =	shalt  }
0x7e: {  	_ =	shalt  }
0x7f: {  	_ =	shalt  }
0x80: {  	_ =	shalt  }
0x81: {  	_ =	shalt  }
0x82: {  	_ =	shalt  }
0x83: {  	_ =	shalt  }
0x84: {  	_ =	shalt  }
0x85: {  	_ =	shalt  }
0x86: {  	_ =	shalt  }
0x87: {  	_ =	shalt  }
.Lfunc_end0:
.L_simem_size_0:
called_computation_lowered:
.L_overlay_start_0:
0x88: {  	s2 =	sld [smem:$0x3FD9]  }
0x89: {  	s3 =	sld [smem:$0x3FFE];
	_ =	sdelay $0x1  }
0x8a: {  	s1 =	srdreg.scid  }
0x8b: {  	s0 =	sand.u32 $0x1, s1  }
0x8c: {  	s17 =	sshll.u32 s0, $0xA;
	s2 =	sadd.s32 s3, s2  }
0x8d: {  	s2 =	sadd.s32 s2, s17  }
0x8e: {  	[smem:$0x3FC6] =	sst s2  }
0x8f: {  	_ = 	snop  }
0x90: {  	s2 =	sld [smem:$0x3FD0];
	(tm) =	ssettm $0x1  }
0x91: {  	s18 =	sld [smem:$0x3FFB];
	_ =	sdelay $0x3  }
0x92: {  	_ =	strace s18  }
0x93: {  	s3 =	sld [smem:$0x3FFC];
	_ =	sdelay $0x3  }
0x94: {  	_ =	strace s3  }
0x95: {  	s3 =	sld [smem:$0x3FFD];
	_ =	sdelay $0x3  }
0x96: {  	_ =	strace s3  }
0x97: {  	_ =	strace $0x8FFFFFFF  }
0x98: {  	s19 =	sld [smem:$0x3FDB];
	_ =	sdelay $0x1  }
0x99: {  	s4 =	simm.s32 $_scs_section_size  }
0x9a: {  	s5 =	simm.s32 $_size__tile_overlayer_lowered;
	s6 =	simm.s32 $_tile_overlayer_lowered  }
0x9b: {  	s22 =	simm.s32 $0x1BFF;
	s21 =	sshll.u32 s6, $0x1;
	s3 =	sadd.s32 s4, s19  }
0x9c: {  	s7 =	simm.s32 $0x0;
	s20 =	sshll.u32 s5, $0x1;
	s5 =	sadd.s32 s21, s3  }
0x9d: {  	[timem:s7], [sflag:s22] =	dma.local [hbm:s5], s20  }
0x9e: {  	_ =	swait.ge [sflag:s22], s20  }
0x9f: {  	s4 =	ssub.s32 $0x0, s20;
	[sflag:s22] =	ssyncset.done $0x0  }
0xa0: {  	[sflag:s22] =	ssyncadd.s32 s4;
	_ =	sdelay $0x1  }
0xa1: {  	s23 =	simm.s32 $0x1B8B  }
0xa2: {  	_ =	swait.ge [sflag:s23], $0x1  }
0xa3: {  	[sflag:s23] =	ssyncset.done $0x0  }
0xa4: {  	s25 =	simm.s32 $0x1B8E;
	s24 =	sld [smem:$0x3FFE];
	[sflag:s23] =	ssyncadd.s32 $0xFFFFFFFF  }
0xa5: {  	s26 =	simm.s32 $execute0_lowered;
	[smem:$0x3FD2] =	sst s25  }
0xa6: {  	s5 =	sshll.u32 s26, $0x1;
	_ =	strace $0x80000046;
	[dreg:$0x1] =	wrdreg $0xFFFFFFFF  }
0xa7: {  	s28 =	simm.s32 $_size_execute0_lowered;
	s3 =	sadd.s32 s3, s5;
	[dreg:$0x0] =	wrdreg $0x0  }
0xa8: {  	s5 =	sshll.u32 s28, $0x1;
	[dreg:$0x2] =	wrdreg s3  }
0xa9: {  	[dreg:$0x3] =	wrdreg s5  }
0xaa: {  	[dreg:$0x4] =	wrdreg $0xC0  }
0xab: {  	_ =	task [dreg:s7], $0x5FFFF  }
0xac: {  	[dreg:$0x1] =	wrdreg $0xFFFFFFFF  }
0xad: {  	[dreg:$0x0] =	wrdreg $0x60  }
0xae: {  	[dreg:$0x2] =	wrdreg s24  }
0xaf: {  	[dreg:$0x3] =	wrdreg s2  }
0xb0: {  	[dreg:$0x4] =	wrdreg $0x1E6A00  }
0xb1: {  	[dreg:$0x5] =	wrdreg $0x9  }
0xb2: {  	_ =	task.clear_ibuf [dreg:s7], $0x6FFFF;
	_ =	strace $0x90000046  }
0xb3: {  	s29 =	simm.s32 $0x9;
	_ =	strace $0x80000048  }
0xb4: {  	_ =	swait.ge [sflag:s29], $0x1  }
0xb5: {  	[sflag:s29] =	ssyncadd.s32 $0xFFFFFFFF  }
0xb6: {  	_ =	strace $0x90000048  }
0xb7: {  	_ =	sfence  }
0xb8: {  	s30 =	sld [smem:$0x0];
	_ =	sdelay $0x2  }
0xb9: {  	s31 =	sshll.u32 s1, $0xD;
	s1 =	sshrl.u32 s1, $0x2  }
0xba: {  	s3 =	sand.u32 $0x4000, s31;
	s1 =	sadd.s32 s1, s30  }
0xbb: {  	s0 =	sor.u32 s3, s0;
	s1 =	sshll.u32 s1, $0x11  }
0xbc: {  	s0 =	sor.u32 s1, s0  }
0xbd: {  	s0 =	sadd.s32 $0x8F2B, s0  }
0xbe: {  	[sflag:s0] =	ssyncadd.remote.s32 $0x1  }
0xbf: {  	_ =	sfence.sel $0xFFFF  }
0xc0: {  	[dreg:$0x0] =	wrdreg $0xFFFFFFFF;
	(pc) =	sbr.abs _section_cstart, $3  }
0xc1: {  	[dreg:$0x1] =	wrdreg $0xFFFFFFFF  }
0xc2: {  	_ =	task.clear_ibuf [dreg:s7], $0x2FFFF;
	_ =	strace $0x9FFFFFFF  }
0xc3: {  	(tm) =	ssettm $0x7FFFFFFF  }
tec
execute0_lowered:
.L_overlay_start_1:
0x0: {  	(tag) =	ssettag $0x1  }
0x1: {  	s0 =	rddreg [dreg:$0x0]  }
0x2: {  	s9 =	rddreg [dreg:$0x1]  }
0x3: {  	s2 =	rddreg [dreg:$0x2]  }
0x4: {  	s1 =	srdreg.scid;
	s5 =	stileid.u32  }
0x5: {  	s3 =	simm.s32 $0x0;
	s28 =	simm.s32 $0x2;
	s29 =	simm.s32 $0x1B6A0  }
0x6: {  	s30 =	simm.s32 $0x1C6A0;
	s31 =	simm.s32 $0x1D6A0;
	s16 =	simm.s32 $0x5  }
0x7: {  	s18 =	simm.s32 $0x6;
	s1 =	sand.u32 $0x1, s1;
	s4 =	sshll.u32 s5, $0x2  }
0x8: {  	[smem:$0x7FF] =	sst s3;
	s20 =	sshll.u32 s5, $0xB;
	s10 =	sadd.s32 $0x1000, s2  }
0x9: {  	s23 =	sadd.s32 $0x8000, s9;
	s11 =	sadd.s32 $0x18000, s9;
	s12 =	sadd.s32 $0x20000, s9  }
0xa: {  	s13 =	sadd.s32 $0x28000, s9;
	s14 =	sadd.s32 $0x30000, s9;
	s15 =	sadd.s32 $0x38000, s9  }
0xb: {  	p0 =	sne.s32 s5, $0x0;
	p1 =	seq.s32 s5, $0x0;
	s5 =	simm.s32 $0x4  }
0xc: {  	s6 =	sshll.u32 s1, $0x1;
	_ =	strace $0x80000047;
	[dreg:$0x5] =	wrdreg s10  }
0xd: {  	s1 =	ssub.s32 $0x2, s1;
	[dreg:$0x8] =	wrdreg s23;
	s10 =	sadd.s32 $0x10000, s9  }
0xe: {  	s23 =	simm.s32 $0x1;
	s6 =	sor.u32 s6, s4;
	s7 =	sshrl.u32 s1, $0x1  }
0xf: {  	s4 =	sadd.s32 $0x400, s0;
	s0 =	sadd.s32 $0x19400, s0;
	s8 =	smul.u32 $0x30D4, s6  }
0x10: {  	s1 =	ssub.s32 s1, s7;
	s21 =	sshll.u32 s6, $0x4;
	s7 =	sand.u32 $0x7000, s20  }
0x11: {  	s6 =	sor.u32 $0x1, s6;
	[dreg:$0x6] =	wrdreg s7;
	s22 =	sand.u32 $0x60, s21  }
0x12: {  	s24 =	smul.u32 $0x30D4, s6;
	s6 =	sshll.u32 s6, $0x4;
	s26 =	smax.u32 s1, $0x1  }
0x13: {  	s21 =	simm.s32 $0x186A0;
	s19 =	sadd.s32 s0, s8;
	[dreg:$0x7] =	wrdreg s22  }
.Ltmp0:
0x14: {  	s25 =	sand.u32 $0x70, s6;
	[dreg:$0xb] =	wrdreg s26;
	(pc) =	sbr.rel .LBB2_1-.Ltmp0, $4  }
0x15: {  	s22 =	simm.s32 $0x196A0;
	s26 =	simm.s32 $0x1A6A0;
	[dreg:$0x4] =	wrdreg s19  }
0x16: {  	s6 =	simm.s32 $0x0;
	s0 =	sadd.s32 s0, s24;
	[dreg:$0xa] =	wrdreg s25  }
0x17: {  	s24 =	simm.s32 $0x80;
	[dreg:$0x9] =	wrdreg s0;
	s0 =	sshrl.u32 @!p0 s2, $0x3  }
0x18: {  	s25 =	simm.s32 $0x400;
	[dreg:$0xc] =	wrdreg s0;
	s0 =	simm.s32 $0x3  }
.LBB2_43:
0x19: {  	_ =	swait.ge [sflag:s0], $0x1000  }
0x1a: {  	[sflag:s0] =	ssyncset.done $0x0  }
0x1b: {  	[sflag:s0] =	ssyncadd.s32 $0xFFFFF000  }
0x1c: {  	_ =	swait.ge [sflag:s5], $0x1000  }
0x1d: {  	[sflag:s5] =	ssyncset.done $0x0  }
0x1e: {  	[sflag:s5] =	ssyncadd.s32 $0xFFFFF000  }
0x1f: {  	_ =	swait.ge [sflag:s16], $0x1000  }
0x20: {  	[sflag:s16] =	ssyncset.done $0x0  }
0x21: {  	[sflag:s16] =	ssyncadd.s32 $0xFFFFF000  }
0x22: {  	_ =	swait.ge [sflag:s18], $0x1000  }
0x23: {  	s6 =	rddreg [dreg:$0xd]  }
0x24: {  	s1 =	rddreg [dreg:$0xb];
	s6 =	sadd.s32 $0x1, s6  }
0x25: {  	p2 =	sne.s32 s6, s1  }
.Ltmp1:
0x26: {  	_ = 	snop;
	(pc) =	sbr.rel @!p2 .LBB2_44-.Ltmp1, $3  }
0x27: {  	_ =	sdelay $0x1  }
0x28: {  	[sflag:s18] =	ssyncset.done $0x0  }
0x29: {  	[sflag:s18] =	ssyncadd.s32 $0xFFFFF000  }
.LBB2_1:
0x2a: {  	[dreg:$0xd] =	wrdreg s6  }
0x2b: {  	s1 =	rddreg [dreg:$0x4];
	s19 =	simm.s32 $0x8  }
0x2c: {  	[tilespmem:s3], [sflag:$0x8] =	stream.linear.gather [hbm4b:s1+s3], $0x186A0, $0x38;
	[tilespmem:$0x1F6A0] =	vst v63  }
0x2d: {  	_ =	swait.ge [sflag:s19], $0x186A0  }
0x2e: {  	[sflag:s19] =	ssyncset.done $0x0  }
0x2f: {  	s1 =	simm.s32 @!p0 $0x1C08;
	s6 =	rddreg [dreg:$0xc];
	[sflag:s19] =	ssyncadd.s32 $0xFFFE7960  }
0x30: {  	[spmem:s6], [sflag:s1] =	dma.local @!p0 [hbm:s4], $0x1000  }
0x31: {  	s1 =	simm.s32 @!p0 $0x8  }
0x32: {  	_ =	swait.ge @!p0 [sflag:s1], $0x1000  }
0x33: {  	[sflag:s1] =	ssyncset.done @!p0 $0x0  }
.Ltmp2:
0x34: {  	[sflag:s1] =	ssyncadd.s32 @!p0 $0xFFFFF000;
	(pc) =	sbr.rel .LBB2_2-.Ltmp2, $4  }
0x35: {  	[bflag:$0x0] =	sbarrier.arrive $0xFFFF  }
0x36: {  	[tilespmem:s21], [sflag:$0x1] =	stream.linear.gather [spmem:s2], $0x1000, $0x38;
	[tilespmem:$0x1F6A0] =	vst v63  }
0x37: {  	s1 =	simm.s32 $0x0;
	s20 =	rddreg [dreg:$0x5]  }
0x38: {  	[tilespmem:s22], [sflag:$0x2] =	stream.linear.gather [spmem:s20], $0x1000, $0x38;
	[tilespmem:$0x1F6A0] =	vst v63  }
.LBB2_19:
0x39: {  	s6 =	simm.s32 $0x7  }
0x3a: {  	_ =	swait.ge [sflag:s6], $0x1000  }
0x3b: {  	[sflag:s6] =	ssyncset.done $0x0  }
0x3c: {  	[sflag:s6] =	ssyncadd.s32 $0xFFFFF000  }
0x3d: {  	[bflag:$0x0] =	sbarrier.arrive $0xFFFF  }
.LBB2_21:
0x3e: {  	p2 =	sne.s32 s1, $0x19  }
.Ltmp3:
0x3f: {  	s6 =	sshll.u32 s20, $0xF;
	(pc) =	sbr.rel @!p2 .LBB2_22-.Ltmp3, $4  }
0x40: {  	s6 =	sadd.s32 s6, s2  }
0x41: {  	[tilespmem:s21], [sflag:$0x1] =	stream.linear.gather [spmem:s6], $0x1000, $0x38;
	[tilespmem:$0x1F6A0] =	vst v63  }
0x42: {  	s6 =	sadd.s32 $0x1000, s6  }
0x43: {  	[tilespmem:s22], [sflag:$0x2] =	stream.linear.gather [spmem:s6], $0x1000, $0x38;
	[tilespmem:$0x1F6A0] =	vst v63  }
.LBB2_2:
0x44: {  	p2 =	sne.s32 s1, $0x18  }
0x45: {  	s19 =	smov.u32 s1;
	s1 =	sadd.s32 $0x1, s1;
	p2 =	por !p1, !p2  }
0x46: {  	s20 =	sand.u32 $0x1, s1;
	p2 =	por !p2, !p2  }
0x47: {  	s6 =	sshll.u32 @p2 s20, $0xF  }
0x48: {  	s7 =	sshll.u32 @p2 s1, $0xC;
	s6 =	sadd.s32 @p2 s6, s2  }
0x49: {  	s8 =	simm.s32 @p2 $0x1C07;
	s7 =	sadd.s32 @p2 s4, s7;
	s6 =	sshrl.u32 @p2 s6, $0x3  }
0x4a: {  	[spmem:s6], [sflag:s8] =	dma.local @p2 [hbm:s7], $0x1000  }
0x4b: {  	_ =	swait.ge [sflag:s23], $0x1000  }
0x4c: {  	p3 =	seq.s32 s19, $0x0;
	[sflag:s23] =	ssyncset.done $0x0  }
0x4d: {  	s6 =	simm.s32 @!p3 $0x3;
	[sflag:s23] =	ssyncadd.s32 $0xFFFFF000  }
0x4e: {  	_ =	swait.ge @!p3 [sflag:s6], $0x1000  }
0x4f: {  	[sflag:s6] =	ssyncset.done @!p3 $0x0  }
0x50: {  	s17 =	simm.s32 $0x187A0;
	[sflag:s6] =	ssyncadd.s32 @!p3 $0xFFFFF000  }
0x51: {  	v0 =	vld [tilespmem:s17+$0xF0]  }
0x52: {  	v1 =	vld [tilespmem:s17+$0xFFFFFF10]  }
0x53: {  	v2 =	vld [tilespmem:s17+$0xFFFFFF20]  }
0x54: {  	v3 =	vld [tilespmem:s17+$0xFFFFFF30]  }
0x55: {  	v4 =	vld [tilespmem:s17+$0xFFFFFF40]  }
0x56: {  	v5 =	vld [tilespmem:s17+$0xFFFFFF50]  }
0x57: {  	v6 =	vld [tilespmem:s17+$0xFFFFFF60]  }
0x58: {  	v7 =	vld [tilespmem:s17+$0xFFFFFF70]  }
0x59: {  	v8 =	vld [tilespmem:s17+$0xFFFFFF80]  }
0x5a: {  	v9 =	vld [tilespmem:s17+$0xFFFFFF90]  }
0x5b: {  	v10 =	vld [tilespmem:s17+$0xFFFFFFA0]  }
0x5c: {  	v11 =	vld [tilespmem:s17+$0xFFFFFFB0]  }
0x5d: {  	v12 =	vld [tilespmem:s17+$0xFFFFFFC0]  }
0x5e: {  	v13 =	vld [tilespmem:s17+$0xFFFFFFD0]  }
0x5f: {  	v14 =	vld [tilespmem:s17+$0xFFFFFFE0]  }
0x60: {  	v15 =	vld [tilespmem:s17+$0xFFFFFFF0]  }
0x61: {  	v16 =	vld [tilespmem:s17+$0x0]  }
0x62: {  	v17 =	vld [tilespmem:s17+$0x10]  }
0x63: {  	v18 =	vld [tilespmem:s17+$0x20]  }
0x64: {  	v19 =	vld [tilespmem:s17+$0x30]  }
0x65: {  	v20 =	vld [tilespmem:s17+$0x40]  }
0x66: {  	v21 =	vld [tilespmem:s17+$0x50]  }
0x67: {  	v22 =	vld [tilespmem:s17+$0x60]  }
0x68: {  	v23 =	vld [tilespmem:s17+$0x70]  }
0x69: {  	v24 =	vld [tilespmem:s17+$0x80]  }
0x6a: {  	v25 =	vld [tilespmem:s17+$0x90]  }
0x6b: {  	v26 =	vld [tilespmem:s17+$0xA0]  }
0x6c: {  	v27 =	vld [tilespmem:s17+$0xB0]  }
0x6d: {  	v28 =	vld [tilespmem:s17+$0xC0]  }
0x6e: {  	v29 =	vld [tilespmem:s17+$0xD0]  }
0x6f: {  	v30 =	vld [tilespmem:s17+$0xE0]  }
0x70: {  	v31 =	vld [tilespmem:s17+$0xFFFFFF00]  }
0x71: {  	v0 =	vld.idx.msk [tilespmem:v0+s3+$0x0], $0xffff  }
0x72: {  	v1 =	vld.idx.msk [tilespmem:v1+s3+$0x0], $0xffff  }
0x73: {  	v2 =	vld.idx.msk [tilespmem:v2+s3+$0x0], $0xffff  }
0x74: {  	v3 =	vld.idx.msk [tilespmem:v3+s3+$0x0], $0xffff  }
0x75: {  	v4 =	vld.idx.msk [tilespmem:v4+s3+$0x0], $0xffff  }
0x76: {  	s17 =	simm.s32 $0x1A7A0;
	v5 =	vld.idx.msk [tilespmem:v5+s3+$0x0], $0xffff  }
0x77: {  	[tilespmem:s17+$0xF0] =	vst v0;
	v0 =	vld.idx.msk [tilespmem:v6+s3+$0x0], $0xffff  }
0x78: {  	[tilespmem:s17+$0xFFFFFF10] =	vst v1;
	v1 =	vld.idx.msk [tilespmem:v7+s3+$0x0], $0xffff  }
0x79: {  	v6 =	vld.idx.msk [tilespmem:v31+s3+$0x0], $0xffff;
	[tilespmem:s17+$0xFFFFFF20] =	vst v2  }
0x7a: {  	[tilespmem:s17+$0xFFFFFF30] =	vst v3;
	v2 =	vld.idx.msk [tilespmem:v8+s3+$0x0], $0xffff  }
0x7b: {  	[tilespmem:s17+$0xFFFFFF40] =	vst v4;
	v3 =	vld.idx.msk [tilespmem:v9+s3+$0x0], $0xffff  }
0x7c: {  	[tilespmem:s17+$0xFFFFFF50] =	vst v5;
	v4 =	vld.idx.msk [tilespmem:v10+s3+$0x0], $0xffff  }
0x7d: {  	v5 =	vld.idx.msk [tilespmem:v13+s3+$0x0], $0xffff;
	[tilespmem:s17+$0xFFFFFF60] =	vst v0  }
0x7e: {  	v7 =	vld.idx.msk [tilespmem:v24+s3+$0x0], $0xffff;
	[tilespmem:s17+$0xFFFFFF70] =	vst v1  }
0x7f: {  	v0 =	vld.idx.msk [tilespmem:v11+s3+$0x0], $0xffff;
	[tilespmem:s17+$0xFFFFFF00] =	vst v6  }
0x80: {  	v1 =	vld.idx.msk [tilespmem:v12+s3+$0x0], $0xffff;
	[tilespmem:s17+$0xFFFFFF80] =	vst v2  }
0x81: {  	v2 =	vld.idx.msk [tilespmem:v14+s3+$0x0], $0xffff;
	[tilespmem:s17+$0xFFFFFF90] =	vst v3  }
0x82: {  	v3 =	vld.idx.msk [tilespmem:v15+s3+$0x0], $0xffff;
	[tilespmem:s17+$0xFFFFFFA0] =	vst v4  }
0x83: {  	v4 =	vld.idx.msk [tilespmem:v16+s3+$0x0], $0xffff;
	[tilespmem:s17+$0xFFFFFFD0] =	vst v5  }
0x84: {  	v5 =	vld.idx.msk [tilespmem:v19+s3+$0x0], $0xffff;
	[tilespmem:s17+$0x80] =	vst v7  }
0x85: {  	v6 =	vld.idx.msk [tilespmem:v23+s3+$0x0], $0xffff;
	[tilespmem:s17+$0xFFFFFFB0] =	vst v0  }
0x86: {  	v0 =	vld.idx.msk [tilespmem:v17+s3+$0x0], $0xffff;
	[tilespmem:s17+$0xFFFFFFC0] =	vst v1  }
0x87: {  	v1 =	vld.idx.msk [tilespmem:v18+s3+$0x0], $0xffff;
	[tilespmem:s17+$0xFFFFFFE0] =	vst v2  }
0x88: {  	v2 =	vld.idx.msk [tilespmem:v20+s3+$0x0], $0xffff;
	[tilespmem:s17+$0xFFFFFFF0] =	vst v3  }
0x89: {  	v3 =	vld.idx.msk [tilespmem:v21+s3+$0x0], $0xffff;
	[tilespmem:s17+$0x0] =	vst v4  }
0x8a: {  	v4 =	vld.idx.msk [tilespmem:v22+s3+$0x0], $0xffff;
	[tilespmem:s17+$0x30] =	vst v5  }
0x8b: {  	[tilespmem:s17+$0x70] =	vst v6;
	v5 =	vld.idx.msk [tilespmem:v30+s3+$0x0], $0xffff  }
0x8c: {  	[tilespmem:s17+$0x10] =	vst v0;
	v0 =	vld.idx.msk [tilespmem:v25+s3+$0x0], $0xffff  }
0x8d: {  	[tilespmem:s17+$0x20] =	vst v1;
	v1 =	vld.idx.msk [tilespmem:v26+s3+$0x0], $0xffff  }
0x8e: {  	[tilespmem:s17+$0x40] =	vst v2;
	v2 =	vld.idx.msk [tilespmem:v27+s3+$0x0], $0xffff  }
0x8f: {  	[tilespmem:s17+$0x50] =	vst v3;
	v3 =	vld.idx.msk [tilespmem:v28+s3+$0x0], $0xffff  }
0x90: {  	s7 =	simm.s32 $0x189A0;
	s6 =	simm.s32 $0x0;
	[tilespmem:s17+$0x60] =	vst v4;
	v4 =	vld.idx.msk [tilespmem:v29+s3+$0x0], $0xffff  }
.LBB2_3:
0x91: {  	v6 =	vld [tilespmem:s7+$0xF0];
	s6 =	sadd.s32 $0x20, s6;
	[tilespmem:s17+$0x90] =	vst v0  }
0x92: {  	v0 =	vld [tilespmem:s7+$0xFFFFFF10];
	p4 =	slt.u32 s6, $0xE0;
	[tilespmem:s17+$0xA0] =	vst v1  }
0x93: {  	v1 =	vld [tilespmem:s7+$0xFFFFFF20];
	[tilespmem:s17+$0xB0] =	vst v2  }
0x94: {  	v2 =	vld [tilespmem:s7+$0xFFFFFF30];
	[tilespmem:s17+$0xC0] =	vst v3  }
0x95: {  	v3 =	vld [tilespmem:s7+$0xFFFFFF40];
	[tilespmem:s17+$0xD0] =	vst v4  }
0x96: {  	v4 =	vld [tilespmem:s7+$0xFFFFFF50];
	[tilespmem:s17+$0xE0] =	vst v5  }
0x97: {  	v5 =	vld [tilespmem:s7+$0xFFFFFF60]  }
0x98: {  	v7 =	vld [tilespmem:s7+$0xFFFFFF70]  }
0x99: {  	v6 =	vld.idx.msk [tilespmem:v6+s3+$0x0], $0xffff  }
0x9a: {  	v8 =	vld [tilespmem:s7+$0xFFFFFF80]  }
0x9b: {  	v9 =	vld [tilespmem:s7+$0xFFFFFF90]  }
0x9c: {  	v10 =	vld [tilespmem:s7+$0xFFFFFFA0]  }
0x9d: {  	v11 =	vld [tilespmem:s7+$0xFFFFFFB0]  }
0x9e: {  	s17 =	sadd.s32 $0x200, s17;
	v12 =	vld [tilespmem:s7+$0xFFFFFFC0]  }
0x9f: {  	v13 =	vld [tilespmem:s7+$0xFFFFFFD0];
	[tilespmem:s17+$0xF0] =	vst v6  }
0xa0: {  	v6 =	vld [tilespmem:s7+$0xFFFFFFE0]  }
0xa1: {  	v14 =	vld [tilespmem:s7+$0xFFFFFFF0]  }
0xa2: {  	v15 =	vld [tilespmem:s7+$0x0]  }
0xa3: {  	v16 =	vld [tilespmem:s7+$0x10]  }
0xa4: {  	v17 =	vld [tilespmem:s7+$0x20]  }
0xa5: {  	v18 =	vld [tilespmem:s7+$0x30]  }
0xa6: {  	v19 =	vld [tilespmem:s7+$0x40]  }
0xa7: {  	v20 =	vld [tilespmem:s7+$0x50]  }
0xa8: {  	v21 =	vld [tilespmem:s7+$0x60]  }
0xa9: {  	v22 =	vld [tilespmem:s7+$0x70]  }
0xaa: {  	v23 =	vld [tilespmem:s7+$0x80]  }
0xab: {  	v24 =	vld [tilespmem:s7+$0x90]  }
0xac: {  	v25 =	vld [tilespmem:s7+$0xA0]  }
0xad: {  	v26 =	vld [tilespmem:s7+$0xB0]  }
0xae: {  	v27 =	vld [tilespmem:s7+$0xC0]  }
0xaf: {  	v28 =	vld [tilespmem:s7+$0xD0]  }
0xb0: {  	v29 =	vld [tilespmem:s7+$0xE0]  }
0xb1: {  	v30 =	vld [tilespmem:s7+$0xFFFFFF00]  }
0xb2: {  	v0 =	vld.idx.msk [tilespmem:v0+s3+$0x0], $0xffff  }
0xb3: {  	v1 =	vld.idx.msk [tilespmem:v1+s3+$0x0], $0xffff  }
0xb4: {  	v2 =	vld.idx.msk [tilespmem:v2+s3+$0x0], $0xffff  }
0xb5: {  	v3 =	vld.idx.msk [tilespmem:v3+s3+$0x0], $0xffff  }
0xb6: {  	v4 =	vld.idx.msk [tilespmem:v4+s3+$0x0], $0xffff  }
0xb7: {  	v5 =	vld.idx.msk [tilespmem:v5+s3+$0x0], $0xffff  }
0xb8: {  	[tilespmem:s17+$0xFFFFFF10] =	vst v0;
	v0 =	vld.idx.msk [tilespmem:v7+s3+$0x0], $0xffff  }
0xb9: {  	v7 =	vld.idx.msk [tilespmem:v30+s3+$0x0], $0xffff;
	[tilespmem:s17+$0xFFFFFF20] =	vst v1  }
0xba: {  	[tilespmem:s17+$0xFFFFFF30] =	vst v2;
	v1 =	vld.idx.msk [tilespmem:v8+s3+$0x0], $0xffff  }
0xbb: {  	[tilespmem:s17+$0xFFFFFF40] =	vst v3;
	v2 =	vld.idx.msk [tilespmem:v9+s3+$0x0], $0xffff  }
0xbc: {  	[tilespmem:s17+$0xFFFFFF50] =	vst v4;
	v3 =	vld.idx.msk [tilespmem:v10+s3+$0x0], $0xffff  }
0xbd: {  	[tilespmem:s17+$0xFFFFFF60] =	vst v5;
	v4 =	vld.idx.msk [tilespmem:v11+s3+$0x0], $0xffff  }
0xbe: {  	[tilespmem:s17+$0xFFFFFF70] =	vst v0;
	v0 =	vld.idx.msk [tilespmem:v12+s3+$0x0], $0xffff  }
0xbf: {  	[tilespmem:s17+$0xFFFFFF00] =	vst v7;
	v5 =	vld.idx.msk [tilespmem:v13+s3+$0x0], $0xffff  }
0xc0: {  	[tilespmem:s17+$0xFFFFFF80] =	vst v1;
	v1 =	vld.idx.msk [tilespmem:v6+s3+$0x0], $0xffff  }
0xc1: {  	[tilespmem:s17+$0xFFFFFF90] =	vst v2;
	v2 =	vld.idx.msk [tilespmem:v14+s3+$0x0], $0xffff  }
0xc2: {  	[tilespmem:s17+$0xFFFFFFA0] =	vst v3;
	v3 =	vld.idx.msk [tilespmem:v15+s3+$0x0], $0xffff  }
0xc3: {  	[tilespmem:s17+$0xFFFFFFB0] =	vst v4;
	v4 =	vld.idx.msk [tilespmem:v16+s3+$0x0], $0xffff  }
0xc4: {  	[tilespmem:s17+$0xFFFFFFC0] =	vst v0;
	v0 =	vld.idx.msk [tilespmem:v17+s3+$0x0], $0xffff  }
0xc5: {  	[tilespmem:s17+$0xFFFFFFD0] =	vst v5;
	v5 =	vld.idx.msk [tilespmem:v18+s3+$0x0], $0xffff  }
0xc6: {  	[tilespmem:s17+$0xFFFFFFE0] =	vst v1;
	v1 =	vld.idx.msk [tilespmem:v19+s3+$0x0], $0xffff  }
0xc7: {  	[tilespmem:s17+$0xFFFFFFF0] =	vst v2;
	v2 =	vld.idx.msk [tilespmem:v20+s3+$0x0], $0xffff  }
0xc8: {  	[tilespmem:s17+$0x0] =	vst v3;
	v3 =	vld.idx.msk [tilespmem:v21+s3+$0x0], $0xffff  }
0xc9: {  	[tilespmem:s17+$0x10] =	vst v4;
	v4 =	vld.idx.msk [tilespmem:v22+s3+$0x0], $0xffff  }
0xca: {  	[tilespmem:s17+$0x20] =	vst v0;
	v6 =	vld.idx.msk [tilespmem:v23+s3+$0x0], $0xffff  }
0xcb: {  	[tilespmem:s17+$0x30] =	vst v5;
	v0 =	vld.idx.msk [tilespmem:v24+s3+$0x0], $0xffff  }
.Ltmp4:
0xcc: {  	[tilespmem:s17+$0x40] =	vst v1;
	v1 =	vld.idx.msk [tilespmem:v25+s3+$0x0], $0xffff;
	(pc) =	sbr.rel @p4 .LBB2_3-.Ltmp4, $4  }
0xcd: {  	[tilespmem:s17+$0x50] =	vst v2;
	v2 =	vld.idx.msk [tilespmem:v26+s3+$0x0], $0xffff  }
0xce: {  	[tilespmem:s17+$0x60] =	vst v3;
	v3 =	vld.idx.msk [tilespmem:v27+s3+$0x0], $0xffff  }
0xcf: {  	[tilespmem:s17+$0x70] =	vst v4;
	v4 =	vld.idx.msk [tilespmem:v28+s3+$0x0], $0xffff  }
0xd0: {  	s7 =	sadd.s32 $0x200, s7;
	[tilespmem:s17+$0x80] =	vst v6;
	v5 =	vld.idx.msk [tilespmem:v29+s3+$0x0], $0xffff  }
0xd1: {  	[tilespmem:s17+$0x90] =	vst v0  }
0xd2: {  	[tilespmem:s17+$0xA0] =	vst v1  }
0xd3: {  	[tilespmem:s17+$0xB0] =	vst v2  }
0xd4: {  	[tilespmem:s17+$0xC0] =	vst v3  }
0xd5: {  	s6 =	sshll.u32 s19, $0x12;
	s7 =	rddreg [dreg:$0x7];
	[tilespmem:s17+$0xD0] =	vst v4  }
0xd6: {  	s6 =	sor.u32 s6, s7;
	s9 =	rddreg [dreg:$0x6]  }
0xd7: {  	[tilespmem:s17+$0xE0] =	vst v5;
	s17 =	rddreg [dreg:$0x1];
	s8 =	sor.u32 s9, s6  }
0xd8: {  	s7 =	sshll.u32 s19, $0xF;
	s6 =	sadd.s32 s17, s8  }
0xd9: {  	[hbm4b:s6+s24] =	stream.strided.scatter [tilespmem:s26], [sflag:$0x3], $0x1000, s25, s24, $0x38;
	[tilespmem:$0x1F6A0] =	vst v63  }
0xda: {  	s6 =	sand.u32 $0x8000, s7  }
0xdb: {  	s17 =	sadd.s32 s6, s2  }
0xdc: {  	s6 =	sadd.s32 $0x2000, s17  }
0xdd: {  	[tilespmem:s21], [sflag:$0x1] =	stream.linear.gather [spmem:s6], $0x1000, $0x38;
	[tilespmem:$0x1F6A0] =	vst v63  }
0xde: {  	_ =	swait.ge [sflag:s28], $0x1000  }
0xdf: {  	[sflag:s28] =	ssyncset.done $0x0  }
0xe0: {  	s6 =	simm.s32 @!p3 $0x4;
	[sflag:s28] =	ssyncadd.s32 $0xFFFFF000  }
0xe1: {  	_ =	swait.ge @!p3 [sflag:s6], $0x1000  }
0xe2: {  	[sflag:s6] =	ssyncset.done @!p3 $0x0  }
0xe3: {  	s9 =	simm.s32 $0x19890;
	[sflag:s6] =	ssyncadd.s32 @!p3 $0xFFFFF000  }
0xe4: {  	v0 =	vld [tilespmem:s9+$0x0]  }
0xe5: {  	v1 =	vld [tilespmem:s9+$0xFFFFFE20]  }
0xe6: {  	v2 =	vld [tilespmem:s9+$0xFFFFFE30]  }
0xe7: {  	v3 =	vld [tilespmem:s9+$0xFFFFFE40]  }
0xe8: {  	v4 =	vld [tilespmem:s9+$0xFFFFFE50]  }
0xe9: {  	v5 =	vld [tilespmem:s9+$0xFFFFFE60]  }
0xea: {  	v6 =	vld [tilespmem:s9+$0xFFFFFE70]  }
0xeb: {  	v7 =	vld [tilespmem:s9+$0xFFFFFE80]  }
0xec: {  	v8 =	vld [tilespmem:s9+$0xFFFFFE90]  }
0xed: {  	v9 =	vld [tilespmem:s9+$0xFFFFFEA0]  }
0xee: {  	v10 =	vld [tilespmem:s9+$0xFFFFFEB0]  }
0xef: {  	v11 =	vld [tilespmem:s9+$0xFFFFFEC0]  }
0xf0: {  	v12 =	vld [tilespmem:s9+$0xFFFFFED0]  }
0xf1: {  	v13 =	vld [tilespmem:s9+$0xFFFFFEE0]  }
0xf2: {  	v14 =	vld [tilespmem:s9+$0xFFFFFEF0]  }
0xf3: {  	v15 =	vld [tilespmem:s9+$0xFFFFFF00]  }
0xf4: {  	v16 =	vld [tilespmem:s9+$0xFFFFFF10]  }
0xf5: {  	v17 =	vld [tilespmem:s9+$0xFFFFFF20]  }
0xf6: {  	v18 =	vld [tilespmem:s9+$0xFFFFFF30]  }
0xf7: {  	v19 =	vld [tilespmem:s9+$0xFFFFFF40]  }
0xf8: {  	v20 =	vld [tilespmem:s9+$0xFFFFFF50]  }
0xf9: {  	v21 =	vld [tilespmem:s9+$0xFFFFFF60]  }
0xfa: {  	v22 =	vld [tilespmem:s9+$0xFFFFFF70]  }
0xfb: {  	v23 =	vld [tilespmem:s9+$0xFFFFFF80]  }
0xfc: {  	v24 =	vld [tilespmem:s9+$0xFFFFFF90]  }
0xfd: {  	v25 =	vld [tilespmem:s9+$0xFFFFFFA0]  }
0xfe: {  	v26 =	vld [tilespmem:s9+$0xFFFFFFB0]  }
0xff: {  	v27 =	vld [tilespmem:s9+$0xFFFFFFC0]  }
0x100: {  	v28 =	vld [tilespmem:s9+$0xFFFFFFD0]  }
0x101: {  	v29 =	vld [tilespmem:s9+$0xFFFFFFE0]  }
0x102: {  	v30 =	vld [tilespmem:s9+$0xFFFFFFF0]  }
0x103: {  	v31 =	vld [tilespmem:s9+$0xFFFFFE10]  }
0x104: {  	v0 =	vld.idx.msk [tilespmem:v0+s3+$0x0], $0xffff  }
0x105: {  	v1 =	vld.idx.msk [tilespmem:v1+s3+$0x0], $0xffff  }
0x106: {  	v2 =	vld.idx.msk [tilespmem:v2+s3+$0x0], $0xffff  }
0x107: {  	v3 =	vld.idx.msk [tilespmem:v3+s3+$0x0], $0xffff  }
0x108: {  	v4 =	vld.idx.msk [tilespmem:v4+s3+$0x0], $0xffff  }
0x109: {  	s6 =	simm.s32 $0x1B890;
	v5 =	vld.idx.msk [tilespmem:v5+s3+$0x0], $0xffff  }
0x10a: {  	[tilespmem:s6+$0x0] =	vst v0;
	v0 =	vld.idx.msk [tilespmem:v6+s3+$0x0], $0xffff  }
0x10b: {  	[tilespmem:s6+$0xFFFFFE20] =	vst v1;
	v1 =	vld.idx.msk [tilespmem:v7+s3+$0x0], $0xffff  }
0x10c: {  	v6 =	vld.idx.msk [tilespmem:v31+s3+$0x0], $0xffff;
	[tilespmem:s6+$0xFFFFFE30] =	vst v2  }
0x10d: {  	[tilespmem:s6+$0xFFFFFE40] =	vst v3;
	v2 =	vld.idx.msk [tilespmem:v8+s3+$0x0], $0xffff  }
0x10e: {  	[tilespmem:s6+$0xFFFFFE50] =	vst v4;
	v3 =	vld.idx.msk [tilespmem:v9+s3+$0x0], $0xffff  }
0x10f: {  	[tilespmem:s6+$0xFFFFFE60] =	vst v5;
	v4 =	vld.idx.msk [tilespmem:v10+s3+$0x0], $0xffff  }
0x110: {  	v5 =	vld.idx.msk [tilespmem:v13+s3+$0x0], $0xffff;
	[tilespmem:s6+$0xFFFFFE70] =	vst v0  }
0x111: {  	v7 =	vld.idx.msk [tilespmem:v24+s3+$0x0], $0xffff;
	[tilespmem:s6+$0xFFFFFE80] =	vst v1  }
0x112: {  	v0 =	vld.idx.msk [tilespmem:v11+s3+$0x0], $0xffff;
	[tilespmem:s6+$0xFFFFFE10] =	vst v6  }
0x113: {  	v1 =	vld.idx.msk [tilespmem:v12+s3+$0x0], $0xffff;
	[tilespmem:s6+$0xFFFFFE90] =	vst v2  }
0x114: {  	v2 =	vld.idx.msk [tilespmem:v14+s3+$0x0], $0xffff;
	[tilespmem:s6+$0xFFFFFEA0] =	vst v3  }
0x115: {  	v3 =	vld.idx.msk [tilespmem:v15+s3+$0x0], $0xffff;
	[tilespmem:s6+$0xFFFFFEB0] =	vst v4  }
0x116: {  	v4 =	vld.idx.msk [tilespmem:v16+s3+$0x0], $0xffff;
	[tilespmem:s6+$0xFFFFFEE0] =	vst v5  }
0x117: {  	v5 =	vld.idx.msk [tilespmem:v19+s3+$0x0], $0xffff;
	[tilespmem:s6+$0xFFFFFF90] =	vst v7  }
0x118: {  	v6 =	vld.idx.msk [tilespmem:v23+s3+$0x0], $0xffff;
	[tilespmem:s6+$0xFFFFFEC0] =	vst v0  }
0x119: {  	v0 =	vld.idx.msk [tilespmem:v17+s3+$0x0], $0xffff;
	[tilespmem:s6+$0xFFFFFED0] =	vst v1  }
0x11a: {  	v1 =	vld.idx.msk [tilespmem:v18+s3+$0x0], $0xffff;
	[tilespmem:s6+$0xFFFFFEF0] =	vst v2  }
0x11b: {  	v2 =	vld.idx.msk [tilespmem:v20+s3+$0x0], $0xffff;
	[tilespmem:s6+$0xFFFFFF00] =	vst v3  }
0x11c: {  	v3 =	vld.idx.msk [tilespmem:v21+s3+$0x0], $0xffff;
	[tilespmem:s6+$0xFFFFFF10] =	vst v4  }
0x11d: {  	v4 =	vld.idx.msk [tilespmem:v22+s3+$0x0], $0xffff;
	[tilespmem:s6+$0xFFFFFF40] =	vst v5  }
0x11e: {  	[tilespmem:s6+$0xFFFFFF80] =	vst v6;
	v5 =	vld.idx.msk [tilespmem:v30+s3+$0x0], $0xffff  }
0x11f: {  	[tilespmem:s6+$0xFFFFFF20] =	vst v0;
	v0 =	vld.idx.msk [tilespmem:v25+s3+$0x0], $0xffff  }
0x120: {  	[tilespmem:s6+$0xFFFFFF30] =	vst v1;
	v1 =	vld.idx.msk [tilespmem:v26+s3+$0x0], $0xffff  }
0x121: {  	[tilespmem:s6+$0xFFFFFF50] =	vst v2;
	v2 =	vld.idx.msk [tilespmem:v27+s3+$0x0], $0xffff  }
0x122: {  	[tilespmem:s6+$0xFFFFFF60] =	vst v3;
	v3 =	vld.idx.msk [tilespmem:v28+s3+$0x0], $0xffff  }
0x123: {  	s7 =	simm.s32 $0x0;
	s9 =	simm.s32 $0x19A90;
	[tilespmem:s6+$0xFFFFFF70] =	vst v4;
	v4 =	vld.idx.msk [tilespmem:v29+s3+$0x0], $0xffff  }
.LBB2_5:
0x124: {  	v6 =	vld [tilespmem:s9+$0x0];
	s7 =	sadd.s32 $0x20, s7;
	[tilespmem:s6+$0xFFFFFFA0] =	vst v0  }
0x125: {  	v0 =	vld [tilespmem:s9+$0xFFFFFE20];
	p4 =	slt.u32 s7, $0xE0;
	[tilespmem:s6+$0xFFFFFFB0] =	vst v1  }
0x126: {  	v1 =	vld [tilespmem:s9+$0xFFFFFE30];
	[tilespmem:s6+$0xFFFFFFC0] =	vst v2  }
0x127: {  	v2 =	vld [tilespmem:s9+$0xFFFFFE40];
	[tilespmem:s6+$0xFFFFFFD0] =	vst v3  }
0x128: {  	v3 =	vld [tilespmem:s9+$0xFFFFFE50];
	[tilespmem:s6+$0xFFFFFFE0] =	vst v4  }
0x129: {  	v4 =	vld [tilespmem:s9+$0xFFFFFE60];
	[tilespmem:s6+$0xFFFFFFF0] =	vst v5  }
0x12a: {  	v5 =	vld [tilespmem:s9+$0xFFFFFE70]  }
0x12b: {  	v7 =	vld [tilespmem:s9+$0xFFFFFE80]  }
0x12c: {  	v6 =	vld.idx.msk [tilespmem:v6+s3+$0x0], $0xffff  }
0x12d: {  	v8 =	vld [tilespmem:s9+$0xFFFFFE90]  }
0x12e: {  	v9 =	vld [tilespmem:s9+$0xFFFFFEA0]  }
0x12f: {  	v10 =	vld [tilespmem:s9+$0xFFFFFEB0]  }
0x130: {  	v11 =	vld [tilespmem:s9+$0xFFFFFEC0]  }
0x131: {  	s6 =	sadd.s32 $0x200, s6;
	v12 =	vld [tilespmem:s9+$0xFFFFFED0]  }
0x132: {  	v13 =	vld [tilespmem:s9+$0xFFFFFEE0];
	[tilespmem:s6+$0x0] =	vst v6  }
0x133: {  	v6 =	vld [tilespmem:s9+$0xFFFFFEF0]  }
0x134: {  	v14 =	vld [tilespmem:s9+$0xFFFFFF00]  }
0x135: {  	v15 =	vld [tilespmem:s9+$0xFFFFFF10]  }
0x136: {  	v16 =	vld [tilespmem:s9+$0xFFFFFF20]  }
0x137: {  	v17 =	vld [tilespmem:s9+$0xFFFFFF30]  }
0x138: {  	v18 =	vld [tilespmem:s9+$0xFFFFFF40]  }
0x139: {  	v19 =	vld [tilespmem:s9+$0xFFFFFF50]  }
0x13a: {  	v20 =	vld [tilespmem:s9+$0xFFFFFF60]  }
0x13b: {  	v21 =	vld [tilespmem:s9+$0xFFFFFF70]  }
0x13c: {  	v22 =	vld [tilespmem:s9+$0xFFFFFF80]  }
0x13d: {  	v23 =	vld [tilespmem:s9+$0xFFFFFF90]  }
0x13e: {  	v24 =	vld [tilespmem:s9+$0xFFFFFFA0]  }
0x13f: {  	v25 =	vld [tilespmem:s9+$0xFFFFFFB0]  }
0x140: {  	v26 =	vld [tilespmem:s9+$0xFFFFFFC0]  }
0x141: {  	v27 =	vld [tilespmem:s9+$0xFFFFFFD0]  }
0x142: {  	v28 =	vld [tilespmem:s9+$0xFFFFFFE0]  }
0x143: {  	v29 =	vld [tilespmem:s9+$0xFFFFFFF0]  }
0x144: {  	v30 =	vld [tilespmem:s9+$0xFFFFFE10]  }
0x145: {  	v0 =	vld.idx.msk [tilespmem:v0+s3+$0x0], $0xffff  }
0x146: {  	v1 =	vld.idx.msk [tilespmem:v1+s3+$0x0], $0xffff  }
0x147: {  	v2 =	vld.idx.msk [tilespmem:v2+s3+$0x0], $0xffff  }
0x148: {  	v3 =	vld.idx.msk [tilespmem:v3+s3+$0x0], $0xffff  }
0x149: {  	v4 =	vld.idx.msk [tilespmem:v4+s3+$0x0], $0xffff  }
0x14a: {  	v5 =	vld.idx.msk [tilespmem:v5+s3+$0x0], $0xffff  }
0x14b: {  	[tilespmem:s6+$0xFFFFFE20] =	vst v0;
	v0 =	vld.idx.msk [tilespmem:v7+s3+$0x0], $0xffff  }
0x14c: {  	v7 =	vld.idx.msk [tilespmem:v30+s3+$0x0], $0xffff;
	[tilespmem:s6+$0xFFFFFE30] =	vst v1  }
0x14d: {  	[tilespmem:s6+$0xFFFFFE40] =	vst v2;
	v1 =	vld.idx.msk [tilespmem:v8+s3+$0x0], $0xffff  }
0x14e: {  	[tilespmem:s6+$0xFFFFFE50] =	vst v3;
	v2 =	vld.idx.msk [tilespmem:v9+s3+$0x0], $0xffff  }
0x14f: {  	[tilespmem:s6+$0xFFFFFE60] =	vst v4;
	v3 =	vld.idx.msk [tilespmem:v10+s3+$0x0], $0xffff  }
0x150: {  	[tilespmem:s6+$0xFFFFFE70] =	vst v5;
	v4 =	vld.idx.msk [tilespmem:v11+s3+$0x0], $0xffff  }
0x151: {  	[tilespmem:s6+$0xFFFFFE80] =	vst v0;
	v0 =	vld.idx.msk [tilespmem:v12+s3+$0x0], $0xffff  }
0x152: {  	[tilespmem:s6+$0xFFFFFE10] =	vst v7;
	v5 =	vld.idx.msk [tilespmem:v13+s3+$0x0], $0xffff  }
0x153: {  	[tilespmem:s6+$0xFFFFFE90] =	vst v1;
	v1 =	vld.idx.msk [tilespmem:v6+s3+$0x0], $0xffff  }
0x154: {  	[tilespmem:s6+$0xFFFFFEA0] =	vst v2;
	v2 =	vld.idx.msk [tilespmem:v14+s3+$0x0], $0xffff  }
0x155: {  	[tilespmem:s6+$0xFFFFFEB0] =	vst v3;
	v3 =	vld.idx.msk [tilespmem:v15+s3+$0x0], $0xffff  }
0x156: {  	[tilespmem:s6+$0xFFFFFEC0] =	vst v4;
	v4 =	vld.idx.msk [tilespmem:v16+s3+$0x0], $0xffff  }
0x157: {  	[tilespmem:s6+$0xFFFFFED0] =	vst v0;
	v0 =	vld.idx.msk [tilespmem:v17+s3+$0x0], $0xffff  }
0x158: {  	[tilespmem:s6+$0xFFFFFEE0] =	vst v5;
	v5 =	vld.idx.msk [tilespmem:v18+s3+$0x0], $0xffff  }
0x159: {  	[tilespmem:s6+$0xFFFFFEF0] =	vst v1;
	v1 =	vld.idx.msk [tilespmem:v19+s3+$0x0], $0xffff  }
0x15a: {  	[tilespmem:s6+$0xFFFFFF00] =	vst v2;
	v2 =	vld.idx.msk [tilespmem:v20+s3+$0x0], $0xffff  }
0x15b: {  	[tilespmem:s6+$0xFFFFFF10] =	vst v3;
	v3 =	vld.idx.msk [tilespmem:v21+s3+$0x0], $0xffff  }
0x15c: {  	[tilespmem:s6+$0xFFFFFF20] =	vst v4;
	v4 =	vld.idx.msk [tilespmem:v22+s3+$0x0], $0xffff  }
0x15d: {  	[tilespmem:s6+$0xFFFFFF30] =	vst v0;
	v6 =	vld.idx.msk [tilespmem:v23+s3+$0x0], $0xffff  }
0x15e: {  	[tilespmem:s6+$0xFFFFFF40] =	vst v5;
	v0 =	vld.idx.msk [tilespmem:v24+s3+$0x0], $0xffff  }
.Ltmp5:
0x15f: {  	[tilespmem:s6+$0xFFFFFF50] =	vst v1;
	v1 =	vld.idx.msk [tilespmem:v25+s3+$0x0], $0xffff;
	(pc) =	sbr.rel @p4 .LBB2_5-.Ltmp5, $4  }
0x160: {  	[tilespmem:s6+$0xFFFFFF60] =	vst v2;
	v2 =	vld.idx.msk [tilespmem:v26+s3+$0x0], $0xffff  }
0x161: {  	[tilespmem:s6+$0xFFFFFF70] =	vst v3;
	v3 =	vld.idx.msk [tilespmem:v27+s3+$0x0], $0xffff  }
0x162: {  	[tilespmem:s6+$0xFFFFFF80] =	vst v4;
	v4 =	vld.idx.msk [tilespmem:v28+s3+$0x0], $0xffff  }
0x163: {  	s9 =	sadd.s32 $0x200, s9;
	[tilespmem:s6+$0xFFFFFF90] =	vst v6;
	v5 =	vld.idx.msk [tilespmem:v29+s3+$0x0], $0xffff  }
0x164: {  	[tilespmem:s6+$0xFFFFFFA0] =	vst v0  }
0x165: {  	[tilespmem:s6+$0xFFFFFFB0] =	vst v1  }
0x166: {  	[tilespmem:s6+$0xFFFFFFC0] =	vst v2  }
0x167: {  	[tilespmem:s6+$0xFFFFFFD0] =	vst v3  }
0x168: {  	[tilespmem:s6+$0xFFFFFFE0] =	vst v4  }
0x169: {  	[tilespmem:s6+$0xFFFFFFF0] =	vst v5  }
0x16a: {  	s6 =	rddreg [dreg:$0x8]  }
0x16b: {  	s6 =	sadd.s32 s8, s6  }
0x16c: {  	[hbm4b:s6+s24] =	stream.strided.scatter [tilespmem:s29], [sflag:$0x4], $0x1000, s25, s24, $0x38;
	[tilespmem:$0x1F6A0] =	vst v63  }
0x16d: {  	s7 =	sadd.s32 $0x3000, s17  }
0x16e: {  	[tilespmem:s22], [sflag:$0x2] =	stream.linear.gather [spmem:s7], $0x1000, $0x38;
	[tilespmem:$0x1F6A0] =	vst v63  }
0x16f: {  	_ =	swait.ge [sflag:s23], $0x1000  }
0x170: {  	[sflag:s23] =	ssyncset.done $0x0  }
0x171: {  	s6 =	simm.s32 @!p3 $0x5;
	[sflag:s23] =	ssyncadd.s32 $0xFFFFF000  }
0x172: {  	_ =	swait.ge @!p3 [sflag:s6], $0x1000  }
0x173: {  	[sflag:s6] =	ssyncset.done @!p3 $0x0  }
0x174: {  	s9 =	simm.s32 $0x187A0;
	[sflag:s6] =	ssyncadd.s32 @!p3 $0xFFFFF000  }
0x175: {  	v0 =	vld [tilespmem:s9+$0xF0]  }
0x176: {  	v1 =	vld [tilespmem:s9+$0xFFFFFF10]  }
0x177: {  	v2 =	vld [tilespmem:s9+$0xFFFFFF20]  }
0x178: {  	v3 =	vld [tilespmem:s9+$0xFFFFFF30]  }
0x179: {  	v4 =	vld [tilespmem:s9+$0xFFFFFF40]  }
0x17a: {  	v5 =	vld [tilespmem:s9+$0xFFFFFF50]  }
0x17b: {  	v6 =	vld [tilespmem:s9+$0xFFFFFF60]  }
0x17c: {  	v7 =	vld [tilespmem:s9+$0xFFFFFF70]  }
0x17d: {  	v8 =	vld [tilespmem:s9+$0xFFFFFF80]  }
0x17e: {  	v9 =	vld [tilespmem:s9+$0xFFFFFF90]  }
0x17f: {  	v10 =	vld [tilespmem:s9+$0xFFFFFFA0]  }
0x180: {  	v11 =	vld [tilespmem:s9+$0xFFFFFFB0]  }
0x181: {  	v12 =	vld [tilespmem:s9+$0xFFFFFFC0]  }
0x182: {  	v13 =	vld [tilespmem:s9+$0xFFFFFFD0]  }
0x183: {  	v14 =	vld [tilespmem:s9+$0xFFFFFFE0]  }
0x184: {  	v15 =	vld [tilespmem:s9+$0xFFFFFFF0]  }
0x185: {  	v16 =	vld [tilespmem:s9+$0x0]  }
0x186: {  	v17 =	vld [tilespmem:s9+$0x10]  }
0x187: {  	v18 =	vld [tilespmem:s9+$0x20]  }
0x188: {  	v19 =	vld [tilespmem:s9+$0x30]  }
0x189: {  	v20 =	vld [tilespmem:s9+$0x40]  }
0x18a: {  	v21 =	vld [tilespmem:s9+$0x50]  }
0x18b: {  	v22 =	vld [tilespmem:s9+$0x60]  }
0x18c: {  	v23 =	vld [tilespmem:s9+$0x70]  }
0x18d: {  	v24 =	vld [tilespmem:s9+$0x80]  }
0x18e: {  	v25 =	vld [tilespmem:s9+$0x90]  }
0x18f: {  	v26 =	vld [tilespmem:s9+$0xA0]  }
0x190: {  	v27 =	vld [tilespmem:s9+$0xB0]  }
0x191: {  	v28 =	vld [tilespmem:s9+$0xC0]  }
0x192: {  	v29 =	vld [tilespmem:s9+$0xD0]  }
0x193: {  	v30 =	vld [tilespmem:s9+$0xE0]  }
0x194: {  	v31 =	vld [tilespmem:s9+$0xFFFFFF00]  }
0x195: {  	v0 =	vld.idx.msk [tilespmem:v0+s3+$0x0], $0xffff  }
0x196: {  	v1 =	vld.idx.msk [tilespmem:v1+s3+$0x0], $0xffff  }
0x197: {  	v2 =	vld.idx.msk [tilespmem:v2+s3+$0x0], $0xffff  }
0x198: {  	v3 =	vld.idx.msk [tilespmem:v3+s3+$0x0], $0xffff  }
0x199: {  	v4 =	vld.idx.msk [tilespmem:v4+s3+$0x0], $0xffff  }
0x19a: {  	s6 =	simm.s32 $0x1C890;
	v5 =	vld.idx.msk [tilespmem:v5+s3+$0x0], $0xffff  }
0x19b: {  	[tilespmem:s6+$0x0] =	vst v0;
	v0 =	vld.idx.msk [tilespmem:v6+s3+$0x0], $0xffff  }
0x19c: {  	[tilespmem:s6+$0xFFFFFE20] =	vst v1;
	v1 =	vld.idx.msk [tilespmem:v7+s3+$0x0], $0xffff  }
0x19d: {  	v6 =	vld.idx.msk [tilespmem:v31+s3+$0x0], $0xffff;
	[tilespmem:s6+$0xFFFFFE30] =	vst v2  }
0x19e: {  	[tilespmem:s6+$0xFFFFFE40] =	vst v3;
	v2 =	vld.idx.msk [tilespmem:v8+s3+$0x0], $0xffff  }
0x19f: {  	[tilespmem:s6+$0xFFFFFE50] =	vst v4;
	v3 =	vld.idx.msk [tilespmem:v9+s3+$0x0], $0xffff  }
0x1a0: {  	[tilespmem:s6+$0xFFFFFE60] =	vst v5;
	v4 =	vld.idx.msk [tilespmem:v10+s3+$0x0], $0xffff  }
0x1a1: {  	v5 =	vld.idx.msk [tilespmem:v13+s3+$0x0], $0xffff;
	[tilespmem:s6+$0xFFFFFE70] =	vst v0  }
0x1a2: {  	v7 =	vld.idx.msk [tilespmem:v24+s3+$0x0], $0xffff;
	[tilespmem:s6+$0xFFFFFE80] =	vst v1  }
0x1a3: {  	v0 =	vld.idx.msk [tilespmem:v11+s3+$0x0], $0xffff;
	[tilespmem:s6+$0xFFFFFE10] =	vst v6  }
0x1a4: {  	v1 =	vld.idx.msk [tilespmem:v12+s3+$0x0], $0xffff;
	[tilespmem:s6+$0xFFFFFE90] =	vst v2  }
0x1a5: {  	v2 =	vld.idx.msk [tilespmem:v14+s3+$0x0], $0xffff;
	[tilespmem:s6+$0xFFFFFEA0] =	vst v3  }
0x1a6: {  	v3 =	vld.idx.msk [tilespmem:v15+s3+$0x0], $0xffff;
	[tilespmem:s6+$0xFFFFFEB0] =	vst v4  }
0x1a7: {  	v4 =	vld.idx.msk [tilespmem:v16+s3+$0x0], $0xffff;
	[tilespmem:s6+$0xFFFFFEE0] =	vst v5  }
0x1a8: {  	v5 =	vld.idx.msk [tilespmem:v19+s3+$0x0], $0xffff;
	[tilespmem:s6+$0xFFFFFF90] =	vst v7  }
0x1a9: {  	v6 =	vld.idx.msk [tilespmem:v23+s3+$0x0], $0xffff;
	[tilespmem:s6+$0xFFFFFEC0] =	vst v0  }
0x1aa: {  	v0 =	vld.idx.msk [tilespmem:v17+s3+$0x0], $0xffff;
	[tilespmem:s6+$0xFFFFFED0] =	vst v1  }
0x1ab: {  	v1 =	vld.idx.msk [tilespmem:v18+s3+$0x0], $0xffff;
	[tilespmem:s6+$0xFFFFFEF0] =	vst v2  }
0x1ac: {  	v2 =	vld.idx.msk [tilespmem:v20+s3+$0x0], $0xffff;
	[tilespmem:s6+$0xFFFFFF00] =	vst v3  }
0x1ad: {  	v3 =	vld.idx.msk [tilespmem:v21+s3+$0x0], $0xffff;
	[tilespmem:s6+$0xFFFFFF10] =	vst v4  }
0x1ae: {  	v4 =	vld.idx.msk [tilespmem:v22+s3+$0x0], $0xffff;
	[tilespmem:s6+$0xFFFFFF40] =	vst v5  }
0x1af: {  	[tilespmem:s6+$0xFFFFFF80] =	vst v6;
	v5 =	vld.idx.msk [tilespmem:v30+s3+$0x0], $0xffff  }
0x1b0: {  	[tilespmem:s6+$0xFFFFFF20] =	vst v0;
	v0 =	vld.idx.msk [tilespmem:v25+s3+$0x0], $0xffff  }
0x1b1: {  	[tilespmem:s6+$0xFFFFFF30] =	vst v1;
	v1 =	vld.idx.msk [tilespmem:v26+s3+$0x0], $0xffff  }
0x1b2: {  	[tilespmem:s6+$0xFFFFFF50] =	vst v2;
	v2 =	vld.idx.msk [tilespmem:v27+s3+$0x0], $0xffff  }
0x1b3: {  	[tilespmem:s6+$0xFFFFFF60] =	vst v3;
	v3 =	vld.idx.msk [tilespmem:v28+s3+$0x0], $0xffff  }
0x1b4: {  	s7 =	simm.s32 $0x0;
	s9 =	simm.s32 $0x189A0;
	[tilespmem:s6+$0xFFFFFF70] =	vst v4;
	v4 =	vld.idx.msk [tilespmem:v29+s3+$0x0], $0xffff  }
.LBB2_7:
0x1b5: {  	v6 =	vld [tilespmem:s9+$0xF0];
	s7 =	sadd.s32 $0x20, s7;
	[tilespmem:s6+$0xFFFFFFA0] =	vst v0  }
0x1b6: {  	v0 =	vld [tilespmem:s9+$0xFFFFFF10];
	p4 =	slt.u32 s7, $0xE0;
	[tilespmem:s6+$0xFFFFFFB0] =	vst v1  }
0x1b7: {  	v1 =	vld [tilespmem:s9+$0xFFFFFF20];
	[tilespmem:s6+$0xFFFFFFC0] =	vst v2  }
0x1b8: {  	v2 =	vld [tilespmem:s9+$0xFFFFFF30];
	[tilespmem:s6+$0xFFFFFFD0] =	vst v3  }
0x1b9: {  	v3 =	vld [tilespmem:s9+$0xFFFFFF40];
	[tilespmem:s6+$0xFFFFFFE0] =	vst v4  }
0x1ba: {  	v4 =	vld [tilespmem:s9+$0xFFFFFF50];
	[tilespmem:s6+$0xFFFFFFF0] =	vst v5  }
0x1bb: {  	v5 =	vld [tilespmem:s9+$0xFFFFFF60]  }
0x1bc: {  	v7 =	vld [tilespmem:s9+$0xFFFFFF70]  }
0x1bd: {  	v6 =	vld.idx.msk [tilespmem:v6+s3+$0x0], $0xffff  }
0x1be: {  	v8 =	vld [tilespmem:s9+$0xFFFFFF80]  }
0x1bf: {  	v9 =	vld [tilespmem:s9+$0xFFFFFF90]  }
0x1c0: {  	v10 =	vld [tilespmem:s9+$0xFFFFFFA0]  }
0x1c1: {  	v11 =	vld [tilespmem:s9+$0xFFFFFFB0]  }
0x1c2: {  	s6 =	sadd.s32 $0x200, s6;
	v12 =	vld [tilespmem:s9+$0xFFFFFFC0]  }
0x1c3: {  	v13 =	vld [tilespmem:s9+$0xFFFFFFD0];
	[tilespmem:s6+$0x0] =	vst v6  }
0x1c4: {  	v6 =	vld [tilespmem:s9+$0xFFFFFFE0]  }
0x1c5: {  	v14 =	vld [tilespmem:s9+$0xFFFFFFF0]  }
0x1c6: {  	v15 =	vld [tilespmem:s9+$0x0]  }
0x1c7: {  	v16 =	vld [tilespmem:s9+$0x10]  }
0x1c8: {  	v17 =	vld [tilespmem:s9+$0x20]  }
0x1c9: {  	v18 =	vld [tilespmem:s9+$0x30]  }
0x1ca: {  	v19 =	vld [tilespmem:s9+$0x40]  }
0x1cb: {  	v20 =	vld [tilespmem:s9+$0x50]  }
0x1cc: {  	v21 =	vld [tilespmem:s9+$0x60]  }
0x1cd: {  	v22 =	vld [tilespmem:s9+$0x70]  }
0x1ce: {  	v23 =	vld [tilespmem:s9+$0x80]  }
0x1cf: {  	v24 =	vld [tilespmem:s9+$0x90]  }
0x1d0: {  	v25 =	vld [tilespmem:s9+$0xA0]  }
0x1d1: {  	v26 =	vld [tilespmem:s9+$0xB0]  }
0x1d2: {  	v27 =	vld [tilespmem:s9+$0xC0]  }
0x1d3: {  	v28 =	vld [tilespmem:s9+$0xD0]  }
0x1d4: {  	v29 =	vld [tilespmem:s9+$0xE0]  }
0x1d5: {  	v30 =	vld [tilespmem:s9+$0xFFFFFF00]  }
0x1d6: {  	v0 =	vld.idx.msk [tilespmem:v0+s3+$0x0], $0xffff  }
0x1d7: {  	v1 =	vld.idx.msk [tilespmem:v1+s3+$0x0], $0xffff  }
0x1d8: {  	v2 =	vld.idx.msk [tilespmem:v2+s3+$0x0], $0xffff  }
0x1d9: {  	v3 =	vld.idx.msk [tilespmem:v3+s3+$0x0], $0xffff  }
0x1da: {  	v4 =	vld.idx.msk [tilespmem:v4+s3+$0x0], $0xffff  }
0x1db: {  	v5 =	vld.idx.msk [tilespmem:v5+s3+$0x0], $0xffff  }
0x1dc: {  	[tilespmem:s6+$0xFFFFFE20] =	vst v0;
	v0 =	vld.idx.msk [tilespmem:v7+s3+$0x0], $0xffff  }
0x1dd: {  	v7 =	vld.idx.msk [tilespmem:v30+s3+$0x0], $0xffff;
	[tilespmem:s6+$0xFFFFFE30] =	vst v1  }
0x1de: {  	[tilespmem:s6+$0xFFFFFE40] =	vst v2;
	v1 =	vld.idx.msk [tilespmem:v8+s3+$0x0], $0xffff  }
0x1df: {  	[tilespmem:s6+$0xFFFFFE50] =	vst v3;
	v2 =	vld.idx.msk [tilespmem:v9+s3+$0x0], $0xffff  }
0x1e0: {  	[tilespmem:s6+$0xFFFFFE60] =	vst v4;
	v3 =	vld.idx.msk [tilespmem:v10+s3+$0x0], $0xffff  }
0x1e1: {  	[tilespmem:s6+$0xFFFFFE70] =	vst v5;
	v4 =	vld.idx.msk [tilespmem:v11+s3+$0x0], $0xffff  }
0x1e2: {  	[tilespmem:s6+$0xFFFFFE80] =	vst v0;
	v0 =	vld.idx.msk [tilespmem:v12+s3+$0x0], $0xffff  }
0x1e3: {  	[tilespmem:s6+$0xFFFFFE10] =	vst v7;
	v5 =	vld.idx.msk [tilespmem:v13+s3+$0x0], $0xffff  }
0x1e4: {  	[tilespmem:s6+$0xFFFFFE90] =	vst v1;
	v1 =	vld.idx.msk [tilespmem:v6+s3+$0x0], $0xffff  }
0x1e5: {  	[tilespmem:s6+$0xFFFFFEA0] =	vst v2;
	v2 =	vld.idx.msk [tilespmem:v14+s3+$0x0], $0xffff  }
0x1e6: {  	[tilespmem:s6+$0xFFFFFEB0] =	vst v3;
	v3 =	vld.idx.msk [tilespmem:v15+s3+$0x0], $0xffff  }
0x1e7: {  	[tilespmem:s6+$0xFFFFFEC0] =	vst v4;
	v4 =	vld.idx.msk [tilespmem:v16+s3+$0x0], $0xffff  }
0x1e8: {  	[tilespmem:s6+$0xFFFFFED0] =	vst v0;
	v0 =	vld.idx.msk [tilespmem:v17+s3+$0x0], $0xffff  }
0x1e9: {  	[tilespmem:s6+$0xFFFFFEE0] =	vst v5;
	v5 =	vld.idx.msk [tilespmem:v18+s3+$0x0], $0xffff  }
0x1ea: {  	[tilespmem:s6+$0xFFFFFEF0] =	vst v1;
	v1 =	vld.idx.msk [tilespmem:v19+s3+$0x0], $0xffff  }
0x1eb: {  	[tilespmem:s6+$0xFFFFFF00] =	vst v2;
	v2 =	vld.idx.msk [tilespmem:v20+s3+$0x0], $0xffff  }
0x1ec: {  	[tilespmem:s6+$0xFFFFFF10] =	vst v3;
	v3 =	vld.idx.msk [tilespmem:v21+s3+$0x0], $0xffff  }
0x1ed: {  	[tilespmem:s6+$0xFFFFFF20] =	vst v4;
	v4 =	vld.idx.msk [tilespmem:v22+s3+$0x0], $0xffff  }
0x1ee: {  	[tilespmem:s6+$0xFFFFFF30] =	vst v0;
	v6 =	vld.idx.msk [tilespmem:v23+s3+$0x0], $0xffff  }
0x1ef: {  	[tilespmem:s6+$0xFFFFFF40] =	vst v5;
	v0 =	vld.idx.msk [tilespmem:v24+s3+$0x0], $0xffff  }
.Ltmp6:
0x1f0: {  	[tilespmem:s6+$0xFFFFFF50] =	vst v1;
	v1 =	vld.idx.msk [tilespmem:v25+s3+$0x0], $0xffff;
	(pc) =	sbr.rel @p4 .LBB2_7-.Ltmp6, $4  }
0x1f1: {  	[tilespmem:s6+$0xFFFFFF60] =	vst v2;
	v2 =	vld.idx.msk [tilespmem:v26+s3+$0x0], $0xffff  }
0x1f2: {  	[tilespmem:s6+$0xFFFFFF70] =	vst v3;
	v3 =	vld.idx.msk [tilespmem:v27+s3+$0x0], $0xffff  }
0x1f3: {  	[tilespmem:s6+$0xFFFFFF80] =	vst v4;
	v4 =	vld.idx.msk [tilespmem:v28+s3+$0x0], $0xffff  }
0x1f4: {  	s9 =	sadd.s32 $0x200, s9;
	[tilespmem:s6+$0xFFFFFF90] =	vst v6;
	v5 =	vld.idx.msk [tilespmem:v29+s3+$0x0], $0xffff  }
0x1f5: {  	[tilespmem:s6+$0xFFFFFFA0] =	vst v0  }
0x1f6: {  	[tilespmem:s6+$0xFFFFFFB0] =	vst v1  }
0x1f7: {  	[tilespmem:s6+$0xFFFFFFC0] =	vst v2  }
0x1f8: {  	[tilespmem:s6+$0xFFFFFFD0] =	vst v3  }
0x1f9: {  	[tilespmem:s6+$0xFFFFFFE0] =	vst v4  }
0x1fa: {  	s9 =	sadd.s32 s8, s10;
	[tilespmem:s6+$0xFFFFFFF0] =	vst v5  }
0x1fb: {  	[hbm4b:s9+s24] =	stream.strided.scatter [tilespmem:s30], [sflag:$0x5], $0x1000, s25, s24, $0x38;
	[tilespmem:$0x1F6A0] =	vst v63  }
0x1fc: {  	s7 =	sadd.s32 $0x4000, s17  }
0x1fd: {  	[tilespmem:s21], [sflag:$0x1] =	stream.linear.gather [spmem:s7], $0x1000, $0x38;
	[tilespmem:$0x1F6A0] =	vst v63  }
0x1fe: {  	_ =	swait.ge [sflag:s28], $0x1000  }
0x1ff: {  	[sflag:s28] =	ssyncset.done $0x0  }
0x200: {  	s6 =	simm.s32 @!p3 $0x6;
	[sflag:s28] =	ssyncadd.s32 $0xFFFFF000  }
0x201: {  	_ =	swait.ge @!p3 [sflag:s6], $0x1000  }
0x202: {  	[sflag:s6] =	ssyncset.done @!p3 $0x0  }
0x203: {  	s9 =	simm.s32 $0x19890;
	[sflag:s6] =	ssyncadd.s32 @!p3 $0xFFFFF000  }
0x204: {  	v0 =	vld [tilespmem:s9+$0x0]  }
0x205: {  	v1 =	vld [tilespmem:s9+$0xFFFFFE20]  }
0x206: {  	v2 =	vld [tilespmem:s9+$0xFFFFFE30]  }
0x207: {  	v3 =	vld [tilespmem:s9+$0xFFFFFE40]  }
0x208: {  	v4 =	vld [tilespmem:s9+$0xFFFFFE50]  }
0x209: {  	v5 =	vld [tilespmem:s9+$0xFFFFFE60]  }
0x20a: {  	v6 =	vld [tilespmem:s9+$0xFFFFFE70]  }
0x20b: {  	v7 =	vld [tilespmem:s9+$0xFFFFFE80]  }
0x20c: {  	v8 =	vld [tilespmem:s9+$0xFFFFFE90]  }
0x20d: {  	v9 =	vld [tilespmem:s9+$0xFFFFFEA0]  }
0x20e: {  	v10 =	vld [tilespmem:s9+$0xFFFFFEB0]  }
0x20f: {  	v11 =	vld [tilespmem:s9+$0xFFFFFEC0]  }
0x210: {  	v12 =	vld [tilespmem:s9+$0xFFFFFED0]  }
0x211: {  	v13 =	vld [tilespmem:s9+$0xFFFFFEE0]  }
0x212: {  	v14 =	vld [tilespmem:s9+$0xFFFFFEF0]  }
0x213: {  	v15 =	vld [tilespmem:s9+$0xFFFFFF00]  }
0x214: {  	v16 =	vld [tilespmem:s9+$0xFFFFFF10]  }
0x215: {  	v17 =	vld [tilespmem:s9+$0xFFFFFF20]  }
0x216: {  	v18 =	vld [tilespmem:s9+$0xFFFFFF30]  }
0x217: {  	v19 =	vld [tilespmem:s9+$0xFFFFFF40]  }
0x218: {  	v20 =	vld [tilespmem:s9+$0xFFFFFF50]  }
0x219: {  	v21 =	vld [tilespmem:s9+$0xFFFFFF60]  }
0x21a: {  	v22 =	vld [tilespmem:s9+$0xFFFFFF70]  }
0x21b: {  	v23 =	vld [tilespmem:s9+$0xFFFFFF80]  }
0x21c: {  	v24 =	vld [tilespmem:s9+$0xFFFFFF90]  }
0x21d: {  	v25 =	vld [tilespmem:s9+$0xFFFFFFA0]  }
0x21e: {  	v26 =	vld [tilespmem:s9+$0xFFFFFFB0]  }
0x21f: {  	v27 =	vld [tilespmem:s9+$0xFFFFFFC0]  }
0x220: {  	v28 =	vld [tilespmem:s9+$0xFFFFFFD0]  }
0x221: {  	v29 =	vld [tilespmem:s9+$0xFFFFFFE0]  }
0x222: {  	v30 =	vld [tilespmem:s9+$0xFFFFFFF0]  }
0x223: {  	v31 =	vld [tilespmem:s9+$0xFFFFFE10]  }
0x224: {  	v0 =	vld.idx.msk [tilespmem:v0+s3+$0x0], $0xffff  }
0x225: {  	v1 =	vld.idx.msk [tilespmem:v1+s3+$0x0], $0xffff  }
0x226: {  	v2 =	vld.idx.msk [tilespmem:v2+s3+$0x0], $0xffff  }
0x227: {  	v3 =	vld.idx.msk [tilespmem:v3+s3+$0x0], $0xffff  }
0x228: {  	v4 =	vld.idx.msk [tilespmem:v4+s3+$0x0], $0xffff  }
0x229: {  	s6 =	simm.s32 $0x1D890;
	v5 =	vld.idx.msk [tilespmem:v5+s3+$0x0], $0xffff  }
0x22a: {  	[tilespmem:s6+$0x0] =	vst v0;
	v0 =	vld.idx.msk [tilespmem:v6+s3+$0x0], $0xffff  }
0x22b: {  	[tilespmem:s6+$0xFFFFFE20] =	vst v1;
	v1 =	vld.idx.msk [tilespmem:v7+s3+$0x0], $0xffff  }
0x22c: {  	v6 =	vld.idx.msk [tilespmem:v31+s3+$0x0], $0xffff;
	[tilespmem:s6+$0xFFFFFE30] =	vst v2  }
0x22d: {  	[tilespmem:s6+$0xFFFFFE40] =	vst v3;
	v2 =	vld.idx.msk [tilespmem:v8+s3+$0x0], $0xffff  }
0x22e: {  	[tilespmem:s6+$0xFFFFFE50] =	vst v4;
	v3 =	vld.idx.msk [tilespmem:v9+s3+$0x0], $0xffff  }
0x22f: {  	[tilespmem:s6+$0xFFFFFE60] =	vst v5;
	v4 =	vld.idx.msk [tilespmem:v10+s3+$0x0], $0xffff  }
0x230: {  	v5 =	vld.idx.msk [tilespmem:v13+s3+$0x0], $0xffff;
	[tilespmem:s6+$0xFFFFFE70] =	vst v0  }
0x231: {  	v7 =	vld.idx.msk [tilespmem:v24+s3+$0x0], $0xffff;
	[tilespmem:s6+$0xFFFFFE80] =	vst v1  }
0x232: {  	v0 =	vld.idx.msk [tilespmem:v11+s3+$0x0], $0xffff;
	[tilespmem:s6+$0xFFFFFE10] =	vst v6  }
0x233: {  	v1 =	vld.idx.msk [tilespmem:v12+s3+$0x0], $0xffff;
	[tilespmem:s6+$0xFFFFFE90] =	vst v2  }
0x234: {  	v2 =	vld.idx.msk [tilespmem:v14+s3+$0x0], $0xffff;
	[tilespmem:s6+$0xFFFFFEA0] =	vst v3  }
0x235: {  	v3 =	vld.idx.msk [tilespmem:v15+s3+$0x0], $0xffff;
	[tilespmem:s6+$0xFFFFFEB0] =	vst v4  }
0x236: {  	v4 =	vld.idx.msk [tilespmem:v16+s3+$0x0], $0xffff;
	[tilespmem:s6+$0xFFFFFEE0] =	vst v5  }
0x237: {  	v5 =	vld.idx.msk [tilespmem:v19+s3+$0x0], $0xffff;
	[tilespmem:s6+$0xFFFFFF90] =	vst v7  }
0x238: {  	v6 =	vld.idx.msk [tilespmem:v23+s3+$0x0], $0xffff;
	[tilespmem:s6+$0xFFFFFEC0] =	vst v0  }
0x239: {  	v0 =	vld.idx.msk [tilespmem:v17+s3+$0x0], $0xffff;
	[tilespmem:s6+$0xFFFFFED0] =	vst v1  }
0x23a: {  	v1 =	vld.idx.msk [tilespmem:v18+s3+$0x0], $0xffff;
	[tilespmem:s6+$0xFFFFFEF0] =	vst v2  }
0x23b: {  	v2 =	vld.idx.msk [tilespmem:v20+s3+$0x0], $0xffff;
	[tilespmem:s6+$0xFFFFFF00] =	vst v3  }
0x23c: {  	v3 =	vld.idx.msk [tilespmem:v21+s3+$0x0], $0xffff;
	[tilespmem:s6+$0xFFFFFF10] =	vst v4  }
0x23d: {  	v4 =	vld.idx.msk [tilespmem:v22+s3+$0x0], $0xffff;
	[tilespmem:s6+$0xFFFFFF40] =	vst v5  }
0x23e: {  	[tilespmem:s6+$0xFFFFFF80] =	vst v6;
	v5 =	vld.idx.msk [tilespmem:v30+s3+$0x0], $0xffff  }
0x23f: {  	[tilespmem:s6+$0xFFFFFF20] =	vst v0;
	v0 =	vld.idx.msk [tilespmem:v25+s3+$0x0], $0xffff  }
0x240: {  	[tilespmem:s6+$0xFFFFFF30] =	vst v1;
	v1 =	vld.idx.msk [tilespmem:v26+s3+$0x0], $0xffff  }
0x241: {  	[tilespmem:s6+$0xFFFFFF50] =	vst v2;
	v2 =	vld.idx.msk [tilespmem:v27+s3+$0x0], $0xffff  }
0x242: {  	[tilespmem:s6+$0xFFFFFF60] =	vst v3;
	v3 =	vld.idx.msk [tilespmem:v28+s3+$0x0], $0xffff  }
0x243: {  	s7 =	simm.s32 $0x0;
	s9 =	simm.s32 $0x19A90;
	[tilespmem:s6+$0xFFFFFF70] =	vst v4;
	v4 =	vld.idx.msk [tilespmem:v29+s3+$0x0], $0xffff  }
.LBB2_9:
0x244: {  	v6 =	vld [tilespmem:s9+$0x0];
	s7 =	sadd.s32 $0x20, s7;
	[tilespmem:s6+$0xFFFFFFA0] =	vst v0  }
0x245: {  	v0 =	vld [tilespmem:s9+$0xFFFFFE20];
	p3 =	slt.u32 s7, $0xE0;
	[tilespmem:s6+$0xFFFFFFB0] =	vst v1  }
0x246: {  	v1 =	vld [tilespmem:s9+$0xFFFFFE30];
	[tilespmem:s6+$0xFFFFFFC0] =	vst v2  }
0x247: {  	v2 =	vld [tilespmem:s9+$0xFFFFFE40];
	[tilespmem:s6+$0xFFFFFFD0] =	vst v3  }
0x248: {  	v3 =	vld [tilespmem:s9+$0xFFFFFE50];
	[tilespmem:s6+$0xFFFFFFE0] =	vst v4  }
0x249: {  	v4 =	vld [tilespmem:s9+$0xFFFFFE60];
	[tilespmem:s6+$0xFFFFFFF0] =	vst v5  }
0x24a: {  	v5 =	vld [tilespmem:s9+$0xFFFFFE70]  }
0x24b: {  	v7 =	vld [tilespmem:s9+$0xFFFFFE80]  }
0x24c: {  	v6 =	vld.idx.msk [tilespmem:v6+s3+$0x0], $0xffff  }
0x24d: {  	v8 =	vld [tilespmem:s9+$0xFFFFFE90]  }
0x24e: {  	v9 =	vld [tilespmem:s9+$0xFFFFFEA0]  }
0x24f: {  	v10 =	vld [tilespmem:s9+$0xFFFFFEB0]  }
0x250: {  	v11 =	vld [tilespmem:s9+$0xFFFFFEC0]  }
0x251: {  	s6 =	sadd.s32 $0x200, s6;
	v12 =	vld [tilespmem:s9+$0xFFFFFED0]  }
0x252: {  	v13 =	vld [tilespmem:s9+$0xFFFFFEE0];
	[tilespmem:s6+$0x0] =	vst v6  }
0x253: {  	v6 =	vld [tilespmem:s9+$0xFFFFFEF0]  }
0x254: {  	v14 =	vld [tilespmem:s9+$0xFFFFFF00]  }
0x255: {  	v15 =	vld [tilespmem:s9+$0xFFFFFF10]  }
0x256: {  	v16 =	vld [tilespmem:s9+$0xFFFFFF20]  }
0x257: {  	v17 =	vld [tilespmem:s9+$0xFFFFFF30]  }
0x258: {  	v18 =	vld [tilespmem:s9+$0xFFFFFF40]  }
0x259: {  	v19 =	vld [tilespmem:s9+$0xFFFFFF50]  }
0x25a: {  	v20 =	vld [tilespmem:s9+$0xFFFFFF60]  }
0x25b: {  	v21 =	vld [tilespmem:s9+$0xFFFFFF70]  }
0x25c: {  	v22 =	vld [tilespmem:s9+$0xFFFFFF80]  }
0x25d: {  	v23 =	vld [tilespmem:s9+$0xFFFFFF90]  }
0x25e: {  	v24 =	vld [tilespmem:s9+$0xFFFFFFA0]  }
0x25f: {  	v25 =	vld [tilespmem:s9+$0xFFFFFFB0]  }
0x260: {  	v26 =	vld [tilespmem:s9+$0xFFFFFFC0]  }
0x261: {  	v27 =	vld [tilespmem:s9+$0xFFFFFFD0]  }
0x262: {  	v28 =	vld [tilespmem:s9+$0xFFFFFFE0]  }
0x263: {  	v29 =	vld [tilespmem:s9+$0xFFFFFFF0]  }
0x264: {  	v30 =	vld [tilespmem:s9+$0xFFFFFE10]  }
0x265: {  	v0 =	vld.idx.msk [tilespmem:v0+s3+$0x0], $0xffff  }
0x266: {  	v1 =	vld.idx.msk [tilespmem:v1+s3+$0x0], $0xffff  }
0x267: {  	v2 =	vld.idx.msk [tilespmem:v2+s3+$0x0], $0xffff  }
0x268: {  	v3 =	vld.idx.msk [tilespmem:v3+s3+$0x0], $0xffff  }
0x269: {  	v4 =	vld.idx.msk [tilespmem:v4+s3+$0x0], $0xffff  }
0x26a: {  	v5 =	vld.idx.msk [tilespmem:v5+s3+$0x0], $0xffff  }
0x26b: {  	[tilespmem:s6+$0xFFFFFE20] =	vst v0;
	v0 =	vld.idx.msk [tilespmem:v7+s3+$0x0], $0xffff  }
0x26c: {  	v7 =	vld.idx.msk [tilespmem:v30+s3+$0x0], $0xffff;
	[tilespmem:s6+$0xFFFFFE30] =	vst v1  }
0x26d: {  	[tilespmem:s6+$0xFFFFFE40] =	vst v2;
	v1 =	vld.idx.msk [tilespmem:v8+s3+$0x0], $0xffff  }
0x26e: {  	[tilespmem:s6+$0xFFFFFE50] =	vst v3;
	v2 =	vld.idx.msk [tilespmem:v9+s3+$0x0], $0xffff  }
0x26f: {  	[tilespmem:s6+$0xFFFFFE60] =	vst v4;
	v3 =	vld.idx.msk [tilespmem:v10+s3+$0x0], $0xffff  }
0x270: {  	[tilespmem:s6+$0xFFFFFE70] =	vst v5;
	v4 =	vld.idx.msk [tilespmem:v11+s3+$0x0], $0xffff  }
0x271: {  	[tilespmem:s6+$0xFFFFFE80] =	vst v0;
	v0 =	vld.idx.msk [tilespmem:v12+s3+$0x0], $0xffff  }
0x272: {  	[tilespmem:s6+$0xFFFFFE10] =	vst v7;
	v5 =	vld.idx.msk [tilespmem:v13+s3+$0x0], $0xffff  }
0x273: {  	[tilespmem:s6+$0xFFFFFE90] =	vst v1;
	v1 =	vld.idx.msk [tilespmem:v6+s3+$0x0], $0xffff  }
0x274: {  	[tilespmem:s6+$0xFFFFFEA0] =	vst v2;
	v2 =	vld.idx.msk [tilespmem:v14+s3+$0x0], $0xffff  }
0x275: {  	[tilespmem:s6+$0xFFFFFEB0] =	vst v3;
	v3 =	vld.idx.msk [tilespmem:v15+s3+$0x0], $0xffff  }
0x276: {  	[tilespmem:s6+$0xFFFFFEC0] =	vst v4;
	v4 =	vld.idx.msk [tilespmem:v16+s3+$0x0], $0xffff  }
0x277: {  	[tilespmem:s6+$0xFFFFFED0] =	vst v0;
	v0 =	vld.idx.msk [tilespmem:v17+s3+$0x0], $0xffff  }
0x278: {  	[tilespmem:s6+$0xFFFFFEE0] =	vst v5;
	v5 =	vld.idx.msk [tilespmem:v18+s3+$0x0], $0xffff  }
0x279: {  	[tilespmem:s6+$0xFFFFFEF0] =	vst v1;
	v1 =	vld.idx.msk [tilespmem:v19+s3+$0x0], $0xffff  }
0x27a: {  	[tilespmem:s6+$0xFFFFFF00] =	vst v2;
	v2 =	vld.idx.msk [tilespmem:v20+s3+$0x0], $0xffff  }
0x27b: {  	[tilespmem:s6+$0xFFFFFF10] =	vst v3;
	v3 =	vld.idx.msk [tilespmem:v21+s3+$0x0], $0xffff  }
0x27c: {  	[tilespmem:s6+$0xFFFFFF20] =	vst v4;
	v4 =	vld.idx.msk [tilespmem:v22+s3+$0x0], $0xffff  }
0x27d: {  	[tilespmem:s6+$0xFFFFFF30] =	vst v0;
	v6 =	vld.idx.msk [tilespmem:v23+s3+$0x0], $0xffff  }
0x27e: {  	[tilespmem:s6+$0xFFFFFF40] =	vst v5;
	v0 =	vld.idx.msk [tilespmem:v24+s3+$0x0], $0xffff  }
.Ltmp7:
0x27f: {  	[tilespmem:s6+$0xFFFFFF50] =	vst v1;
	v1 =	vld.idx.msk [tilespmem:v25+s3+$0x0], $0xffff;
	(pc) =	sbr.rel @p3 .LBB2_9-.Ltmp7, $4  }
0x280: {  	[tilespmem:s6+$0xFFFFFF60] =	vst v2;
	v2 =	vld.idx.msk [tilespmem:v26+s3+$0x0], $0xffff  }
0x281: {  	[tilespmem:s6+$0xFFFFFF70] =	vst v3;
	v3 =	vld.idx.msk [tilespmem:v27+s3+$0x0], $0xffff  }
0x282: {  	[tilespmem:s6+$0xFFFFFF80] =	vst v4;
	v4 =	vld.idx.msk [tilespmem:v28+s3+$0x0], $0xffff  }
0x283: {  	s9 =	sadd.s32 $0x200, s9;
	[tilespmem:s6+$0xFFFFFF90] =	vst v6;
	v5 =	vld.idx.msk [tilespmem:v29+s3+$0x0], $0xffff  }
0x284: {  	[tilespmem:s6+$0xFFFFFFA0] =	vst v0  }
0x285: {  	[tilespmem:s6+$0xFFFFFFB0] =	vst v1  }
0x286: {  	[tilespmem:s6+$0xFFFFFFC0] =	vst v2  }
0x287: {  	[tilespmem:s6+$0xFFFFFFD0] =	vst v3  }
0x288: {  	[tilespmem:s6+$0xFFFFFFE0] =	vst v4  }
0x289: {  	s9 =	sadd.s32 s8, s11;
	[tilespmem:s6+$0xFFFFFFF0] =	vst v5  }
0x28a: {  	[hbm4b:s9+s24] =	stream.strided.scatter [tilespmem:s31], [sflag:$0x6], $0x1000, s25, s24, $0x38;
	[tilespmem:$0x1F6A0] =	vst v63  }
0x28b: {  	s7 =	sadd.s32 $0x5000, s17  }
0x28c: {  	[tilespmem:s22], [sflag:$0x2] =	stream.linear.gather [spmem:s7], $0x1000, $0x38;
	[tilespmem:$0x1F6A0] =	vst v63  }
0x28d: {  	_ =	swait.ge [sflag:s23], $0x1000  }
0x28e: {  	[sflag:s23] =	ssyncset.done $0x0  }
0x28f: {  	[sflag:s23] =	ssyncadd.s32 $0xFFFFF000  }
0x290: {  	_ =	swait.ge [sflag:s0], $0x1000  }
0x291: {  	[sflag:s0] =	ssyncset.done $0x0  }
0x292: {  	s9 =	simm.s32 $0x187A0;
	[sflag:s0] =	ssyncadd.s32 $0xFFFFF000  }
0x293: {  	v0 =	vld [tilespmem:s9+$0xF0]  }
0x294: {  	v1 =	vld [tilespmem:s9+$0xFFFFFF10]  }
0x295: {  	v2 =	vld [tilespmem:s9+$0xFFFFFF20]  }
0x296: {  	v3 =	vld [tilespmem:s9+$0xFFFFFF30]  }
0x297: {  	v4 =	vld [tilespmem:s9+$0xFFFFFF40]  }
0x298: {  	v5 =	vld [tilespmem:s9+$0xFFFFFF50]  }
0x299: {  	v6 =	vld [tilespmem:s9+$0xFFFFFF60]  }
0x29a: {  	v7 =	vld [tilespmem:s9+$0xFFFFFF70]  }
0x29b: {  	v8 =	vld [tilespmem:s9+$0xFFFFFF80]  }
0x29c: {  	v9 =	vld [tilespmem:s9+$0xFFFFFF90]  }
0x29d: {  	v10 =	vld [tilespmem:s9+$0xFFFFFFA0]  }
0x29e: {  	v11 =	vld [tilespmem:s9+$0xFFFFFFB0]  }
0x29f: {  	v12 =	vld [tilespmem:s9+$0xFFFFFFC0]  }
0x2a0: {  	v13 =	vld [tilespmem:s9+$0xFFFFFFD0]  }
0x2a1: {  	v14 =	vld [tilespmem:s9+$0xFFFFFFE0]  }
0x2a2: {  	v15 =	vld [tilespmem:s9+$0xFFFFFFF0]  }
0x2a3: {  	v16 =	vld [tilespmem:s9+$0x0]  }
0x2a4: {  	v17 =	vld [tilespmem:s9+$0x10]  }
0x2a5: {  	v18 =	vld [tilespmem:s9+$0x20]  }
0x2a6: {  	v19 =	vld [tilespmem:s9+$0x30]  }
0x2a7: {  	v20 =	vld [tilespmem:s9+$0x40]  }
0x2a8: {  	v21 =	vld [tilespmem:s9+$0x50]  }
0x2a9: {  	v22 =	vld [tilespmem:s9+$0x60]  }
0x2aa: {  	v23 =	vld [tilespmem:s9+$0x70]  }
0x2ab: {  	v24 =	vld [tilespmem:s9+$0x80]  }
0x2ac: {  	v25 =	vld [tilespmem:s9+$0x90]  }
0x2ad: {  	v26 =	vld [tilespmem:s9+$0xA0]  }
0x2ae: {  	v27 =	vld [tilespmem:s9+$0xB0]  }
0x2af: {  	v28 =	vld [tilespmem:s9+$0xC0]  }
0x2b0: {  	v29 =	vld [tilespmem:s9+$0xD0]  }
0x2b1: {  	v30 =	vld [tilespmem:s9+$0xE0]  }
0x2b2: {  	v31 =	vld [tilespmem:s9+$0xFFFFFF00]  }
0x2b3: {  	v0 =	vld.idx.msk [tilespmem:v0+s3+$0x0], $0xffff  }
0x2b4: {  	v1 =	vld.idx.msk [tilespmem:v1+s3+$0x0], $0xffff  }
0x2b5: {  	v2 =	vld.idx.msk [tilespmem:v2+s3+$0x0], $0xffff  }
0x2b6: {  	v3 =	vld.idx.msk [tilespmem:v3+s3+$0x0], $0xffff  }
0x2b7: {  	v4 =	vld.idx.msk [tilespmem:v4+s3+$0x0], $0xffff  }
0x2b8: {  	s6 =	simm.s32 $0x1A7A0;
	v5 =	vld.idx.msk [tilespmem:v5+s3+$0x0], $0xffff  }
0x2b9: {  	[tilespmem:s6+$0xF0] =	vst v0;
	v0 =	vld.idx.msk [tilespmem:v6+s3+$0x0], $0xffff  }
0x2ba: {  	[tilespmem:s6+$0xFFFFFF10] =	vst v1;
	v1 =	vld.idx.msk [tilespmem:v7+s3+$0x0], $0xffff  }
0x2bb: {  	v6 =	vld.idx.msk [tilespmem:v31+s3+$0x0], $0xffff;
	[tilespmem:s6+$0xFFFFFF20] =	vst v2  }
0x2bc: {  	[tilespmem:s6+$0xFFFFFF30] =	vst v3;
	v2 =	vld.idx.msk [tilespmem:v8+s3+$0x0], $0xffff  }
0x2bd: {  	[tilespmem:s6+$0xFFFFFF40] =	vst v4;
	v3 =	vld.idx.msk [tilespmem:v9+s3+$0x0], $0xffff  }
0x2be: {  	[tilespmem:s6+$0xFFFFFF50] =	vst v5;
	v4 =	vld.idx.msk [tilespmem:v10+s3+$0x0], $0xffff  }
0x2bf: {  	v5 =	vld.idx.msk [tilespmem:v13+s3+$0x0], $0xffff;
	[tilespmem:s6+$0xFFFFFF60] =	vst v0  }
0x2c0: {  	v7 =	vld.idx.msk [tilespmem:v24+s3+$0x0], $0xffff;
	[tilespmem:s6+$0xFFFFFF70] =	vst v1  }
0x2c1: {  	v0 =	vld.idx.msk [tilespmem:v11+s3+$0x0], $0xffff;
	[tilespmem:s6+$0xFFFFFF00] =	vst v6  }
0x2c2: {  	v1 =	vld.idx.msk [tilespmem:v12+s3+$0x0], $0xffff;
	[tilespmem:s6+$0xFFFFFF80] =	vst v2  }
0x2c3: {  	v2 =	vld.idx.msk [tilespmem:v14+s3+$0x0], $0xffff;
	[tilespmem:s6+$0xFFFFFF90] =	vst v3  }
0x2c4: {  	v3 =	vld.idx.msk [tilespmem:v15+s3+$0x0], $0xffff;
	[tilespmem:s6+$0xFFFFFFA0] =	vst v4  }
0x2c5: {  	v4 =	vld.idx.msk [tilespmem:v16+s3+$0x0], $0xffff;
	[tilespmem:s6+$0xFFFFFFD0] =	vst v5  }
0x2c6: {  	v5 =	vld.idx.msk [tilespmem:v19+s3+$0x0], $0xffff;
	[tilespmem:s6+$0x80] =	vst v7  }
0x2c7: {  	v6 =	vld.idx.msk [tilespmem:v23+s3+$0x0], $0xffff;
	[tilespmem:s6+$0xFFFFFFB0] =	vst v0  }
0x2c8: {  	v0 =	vld.idx.msk [tilespmem:v17+s3+$0x0], $0xffff;
	[tilespmem:s6+$0xFFFFFFC0] =	vst v1  }
0x2c9: {  	v1 =	vld.idx.msk [tilespmem:v18+s3+$0x0], $0xffff;
	[tilespmem:s6+$0xFFFFFFE0] =	vst v2  }
0x2ca: {  	v2 =	vld.idx.msk [tilespmem:v20+s3+$0x0], $0xffff;
	[tilespmem:s6+$0xFFFFFFF0] =	vst v3  }
0x2cb: {  	v3 =	vld.idx.msk [tilespmem:v21+s3+$0x0], $0xffff;
	[tilespmem:s6+$0x0] =	vst v4  }
0x2cc: {  	v4 =	vld.idx.msk [tilespmem:v22+s3+$0x0], $0xffff;
	[tilespmem:s6+$0x30] =	vst v5  }
0x2cd: {  	[tilespmem:s6+$0x70] =	vst v6;
	v5 =	vld.idx.msk [tilespmem:v30+s3+$0x0], $0xffff  }
0x2ce: {  	[tilespmem:s6+$0x10] =	vst v0;
	v0 =	vld.idx.msk [tilespmem:v25+s3+$0x0], $0xffff  }
0x2cf: {  	[tilespmem:s6+$0x20] =	vst v1;
	v1 =	vld.idx.msk [tilespmem:v26+s3+$0x0], $0xffff  }
0x2d0: {  	[tilespmem:s6+$0x40] =	vst v2;
	v2 =	vld.idx.msk [tilespmem:v27+s3+$0x0], $0xffff  }
0x2d1: {  	[tilespmem:s6+$0x50] =	vst v3;
	v3 =	vld.idx.msk [tilespmem:v28+s3+$0x0], $0xffff  }
0x2d2: {  	s7 =	simm.s32 $0x0;
	s9 =	simm.s32 $0x189A0;
	[tilespmem:s6+$0x60] =	vst v4;
	v4 =	vld.idx.msk [tilespmem:v29+s3+$0x0], $0xffff  }
.LBB2_11:
0x2d3: {  	v6 =	vld [tilespmem:s9+$0xF0];
	s7 =	sadd.s32 $0x20, s7;
	[tilespmem:s6+$0x90] =	vst v0  }
0x2d4: {  	v0 =	vld [tilespmem:s9+$0xFFFFFF10];
	p3 =	slt.u32 s7, $0xE0;
	[tilespmem:s6+$0xA0] =	vst v1  }
0x2d5: {  	v1 =	vld [tilespmem:s9+$0xFFFFFF20];
	[tilespmem:s6+$0xB0] =	vst v2  }
0x2d6: {  	v2 =	vld [tilespmem:s9+$0xFFFFFF30];
	[tilespmem:s6+$0xC0] =	vst v3  }
0x2d7: {  	v3 =	vld [tilespmem:s9+$0xFFFFFF40];
	[tilespmem:s6+$0xD0] =	vst v4  }
0x2d8: {  	v4 =	vld [tilespmem:s9+$0xFFFFFF50];
	[tilespmem:s6+$0xE0] =	vst v5  }
0x2d9: {  	v5 =	vld [tilespmem:s9+$0xFFFFFF60]  }
0x2da: {  	v7 =	vld [tilespmem:s9+$0xFFFFFF70]  }
0x2db: {  	v6 =	vld.idx.msk [tilespmem:v6+s3+$0x0], $0xffff  }
0x2dc: {  	v8 =	vld [tilespmem:s9+$0xFFFFFF80]  }
0x2dd: {  	v9 =	vld [tilespmem:s9+$0xFFFFFF90]  }
0x2de: {  	v10 =	vld [tilespmem:s9+$0xFFFFFFA0]  }
0x2df: {  	v11 =	vld [tilespmem:s9+$0xFFFFFFB0]  }
0x2e0: {  	s6 =	sadd.s32 $0x200, s6;
	v12 =	vld [tilespmem:s9+$0xFFFFFFC0]  }
0x2e1: {  	v13 =	vld [tilespmem:s9+$0xFFFFFFD0];
	[tilespmem:s6+$0xF0] =	vst v6  }
0x2e2: {  	v6 =	vld [tilespmem:s9+$0xFFFFFFE0]  }
0x2e3: {  	v14 =	vld [tilespmem:s9+$0xFFFFFFF0]  }
0x2e4: {  	v15 =	vld [tilespmem:s9+$0x0]  }
0x2e5: {  	v16 =	vld [tilespmem:s9+$0x10]  }
0x2e6: {  	v17 =	vld [tilespmem:s9+$0x20]  }
0x2e7: {  	v18 =	vld [tilespmem:s9+$0x30]  }
0x2e8: {  	v19 =	vld [tilespmem:s9+$0x40]  }
0x2e9: {  	v20 =	vld [tilespmem:s9+$0x50]  }
0x2ea: {  	v21 =	vld [tilespmem:s9+$0x60]  }
0x2eb: {  	v22 =	vld [tilespmem:s9+$0x70]  }
0x2ec: {  	v23 =	vld [tilespmem:s9+$0x80]  }
0x2ed: {  	v24 =	vld [tilespmem:s9+$0x90]  }
0x2ee: {  	v25 =	vld [tilespmem:s9+$0xA0]  }
0x2ef: {  	v26 =	vld [tilespmem:s9+$0xB0]  }
0x2f0: {  	v27 =	vld [tilespmem:s9+$0xC0]  }
0x2f1: {  	v28 =	vld [tilespmem:s9+$0xD0]  }
0x2f2: {  	v29 =	vld [tilespmem:s9+$0xE0]  }
0x2f3: {  	v30 =	vld [tilespmem:s9+$0xFFFFFF00]  }
0x2f4: {  	v0 =	vld.idx.msk [tilespmem:v0+s3+$0x0], $0xffff  }
0x2f5: {  	v1 =	vld.idx.msk [tilespmem:v1+s3+$0x0], $0xffff  }
0x2f6: {  	v2 =	vld.idx.msk [tilespmem:v2+s3+$0x0], $0xffff  }
0x2f7: {  	v3 =	vld.idx.msk [tilespmem:v3+s3+$0x0], $0xffff  }
0x2f8: {  	v4 =	vld.idx.msk [tilespmem:v4+s3+$0x0], $0xffff  }
0x2f9: {  	v5 =	vld.idx.msk [tilespmem:v5+s3+$0x0], $0xffff  }
0x2fa: {  	[tilespmem:s6+$0xFFFFFF10] =	vst v0;
	v0 =	vld.idx.msk [tilespmem:v7+s3+$0x0], $0xffff  }
0x2fb: {  	v7 =	vld.idx.msk [tilespmem:v30+s3+$0x0], $0xffff;
	[tilespmem:s6+$0xFFFFFF20] =	vst v1  }
0x2fc: {  	[tilespmem:s6+$0xFFFFFF30] =	vst v2;
	v1 =	vld.idx.msk [tilespmem:v8+s3+$0x0], $0xffff  }
0x2fd: {  	[tilespmem:s6+$0xFFFFFF40] =	vst v3;
	v2 =	vld.idx.msk [tilespmem:v9+s3+$0x0], $0xffff  }
0x2fe: {  	[tilespmem:s6+$0xFFFFFF50] =	vst v4;
	v3 =	vld.idx.msk [tilespmem:v10+s3+$0x0], $0xffff  }
0x2ff: {  	[tilespmem:s6+$0xFFFFFF60] =	vst v5;
	v4 =	vld.idx.msk [tilespmem:v11+s3+$0x0], $0xffff  }
0x300: {  	[tilespmem:s6+$0xFFFFFF70] =	vst v0;
	v0 =	vld.idx.msk [tilespmem:v12+s3+$0x0], $0xffff  }
0x301: {  	[tilespmem:s6+$0xFFFFFF00] =	vst v7;
	v5 =	vld.idx.msk [tilespmem:v13+s3+$0x0], $0xffff  }
0x302: {  	[tilespmem:s6+$0xFFFFFF80] =	vst v1;
	v1 =	vld.idx.msk [tilespmem:v6+s3+$0x0], $0xffff  }
0x303: {  	[tilespmem:s6+$0xFFFFFF90] =	vst v2;
	v2 =	vld.idx.msk [tilespmem:v14+s3+$0x0], $0xffff  }
0x304: {  	[tilespmem:s6+$0xFFFFFFA0] =	vst v3;
	v3 =	vld.idx.msk [tilespmem:v15+s3+$0x0], $0xffff  }
0x305: {  	[tilespmem:s6+$0xFFFFFFB0] =	vst v4;
	v4 =	vld.idx.msk [tilespmem:v16+s3+$0x0], $0xffff  }
0x306: {  	[tilespmem:s6+$0xFFFFFFC0] =	vst v0;
	v0 =	vld.idx.msk [tilespmem:v17+s3+$0x0], $0xffff  }
0x307: {  	[tilespmem:s6+$0xFFFFFFD0] =	vst v5;
	v5 =	vld.idx.msk [tilespmem:v18+s3+$0x0], $0xffff  }
0x308: {  	[tilespmem:s6+$0xFFFFFFE0] =	vst v1;
	v1 =	vld.idx.msk [tilespmem:v19+s3+$0x0], $0xffff  }
0x309: {  	[tilespmem:s6+$0xFFFFFFF0] =	vst v2;
	v2 =	vld.idx.msk [tilespmem:v20+s3+$0x0], $0xffff  }
0x30a: {  	[tilespmem:s6+$0x0] =	vst v3;
	v3 =	vld.idx.msk [tilespmem:v21+s3+$0x0], $0xffff  }
0x30b: {  	[tilespmem:s6+$0x10] =	vst v4;
	v4 =	vld.idx.msk [tilespmem:v22+s3+$0x0], $0xffff  }
0x30c: {  	[tilespmem:s6+$0x20] =	vst v0;
	v6 =	vld.idx.msk [tilespmem:v23+s3+$0x0], $0xffff  }
0x30d: {  	[tilespmem:s6+$0x30] =	vst v5;
	v0 =	vld.idx.msk [tilespmem:v24+s3+$0x0], $0xffff  }
.Ltmp8:
0x30e: {  	[tilespmem:s6+$0x40] =	vst v1;
	v1 =	vld.idx.msk [tilespmem:v25+s3+$0x0], $0xffff;
	(pc) =	sbr.rel @p3 .LBB2_11-.Ltmp8, $4  }
0x30f: {  	[tilespmem:s6+$0x50] =	vst v2;
	v2 =	vld.idx.msk [tilespmem:v26+s3+$0x0], $0xffff  }
0x310: {  	[tilespmem:s6+$0x60] =	vst v3;
	v3 =	vld.idx.msk [tilespmem:v27+s3+$0x0], $0xffff  }
0x311: {  	[tilespmem:s6+$0x70] =	vst v4;
	v4 =	vld.idx.msk [tilespmem:v28+s3+$0x0], $0xffff  }
0x312: {  	s9 =	sadd.s32 $0x200, s9;
	[tilespmem:s6+$0x80] =	vst v6;
	v5 =	vld.idx.msk [tilespmem:v29+s3+$0x0], $0xffff  }
0x313: {  	[tilespmem:s6+$0x90] =	vst v0  }
0x314: {  	[tilespmem:s6+$0xA0] =	vst v1  }
0x315: {  	[tilespmem:s6+$0xB0] =	vst v2  }
0x316: {  	[tilespmem:s6+$0xC0] =	vst v3  }
0x317: {  	[tilespmem:s6+$0xD0] =	vst v4  }
0x318: {  	s9 =	sadd.s32 s8, s12;
	[tilespmem:s6+$0xE0] =	vst v5  }
0x319: {  	[hbm4b:s9+s24] =	stream.strided.scatter [tilespmem:s26], [sflag:$0x3], $0x1000, s25, s24, $0x38;
	[tilespmem:$0x1F6A0] =	vst v63  }
0x31a: {  	s7 =	sadd.s32 $0x6000, s17  }
0x31b: {  	[tilespmem:s21], [sflag:$0x1] =	stream.linear.gather [spmem:s7], $0x1000, $0x38;
	[tilespmem:$0x1F6A0] =	vst v63  }
0x31c: {  	_ =	swait.ge [sflag:s28], $0x1000  }
0x31d: {  	[sflag:s28] =	ssyncset.done $0x0  }
0x31e: {  	[sflag:s28] =	ssyncadd.s32 $0xFFFFF000  }
0x31f: {  	_ =	swait.ge [sflag:s5], $0x1000  }
0x320: {  	[sflag:s5] =	ssyncset.done $0x0  }
0x321: {  	s9 =	simm.s32 $0x19890;
	[sflag:s5] =	ssyncadd.s32 $0xFFFFF000  }
0x322: {  	v0 =	vld [tilespmem:s9+$0x0]  }
0x323: {  	v1 =	vld [tilespmem:s9+$0xFFFFFE20]  }
0x324: {  	v2 =	vld [tilespmem:s9+$0xFFFFFE30]  }
0x325: {  	v3 =	vld [tilespmem:s9+$0xFFFFFE40]  }
0x326: {  	v4 =	vld [tilespmem:s9+$0xFFFFFE50]  }
0x327: {  	v5 =	vld [tilespmem:s9+$0xFFFFFE60]  }
0x328: {  	v6 =	vld [tilespmem:s9+$0xFFFFFE70]  }
0x329: {  	v7 =	vld [tilespmem:s9+$0xFFFFFE80]  }
0x32a: {  	v8 =	vld [tilespmem:s9+$0xFFFFFE90]  }
0x32b: {  	v9 =	vld [tilespmem:s9+$0xFFFFFEA0]  }
0x32c: {  	v10 =	vld [tilespmem:s9+$0xFFFFFEB0]  }
0x32d: {  	v11 =	vld [tilespmem:s9+$0xFFFFFEC0]  }
0x32e: {  	v12 =	vld [tilespmem:s9+$0xFFFFFED0]  }
0x32f: {  	v13 =	vld [tilespmem:s9+$0xFFFFFEE0]  }
0x330: {  	v14 =	vld [tilespmem:s9+$0xFFFFFEF0]  }
0x331: {  	v15 =	vld [tilespmem:s9+$0xFFFFFF00]  }
0x332: {  	v16 =	vld [tilespmem:s9+$0xFFFFFF10]  }
0x333: {  	v17 =	vld [tilespmem:s9+$0xFFFFFF20]  }
0x334: {  	v18 =	vld [tilespmem:s9+$0xFFFFFF30]  }
0x335: {  	v19 =	vld [tilespmem:s9+$0xFFFFFF40]  }
0x336: {  	v20 =	vld [tilespmem:s9+$0xFFFFFF50]  }
0x337: {  	v21 =	vld [tilespmem:s9+$0xFFFFFF60]  }
0x338: {  	v22 =	vld [tilespmem:s9+$0xFFFFFF70]  }
0x339: {  	v23 =	vld [tilespmem:s9+$0xFFFFFF80]  }
0x33a: {  	v24 =	vld [tilespmem:s9+$0xFFFFFF90]  }
0x33b: {  	v25 =	vld [tilespmem:s9+$0xFFFFFFA0]  }
0x33c: {  	v26 =	vld [tilespmem:s9+$0xFFFFFFB0]  }
0x33d: {  	v27 =	vld [tilespmem:s9+$0xFFFFFFC0]  }
0x33e: {  	v28 =	vld [tilespmem:s9+$0xFFFFFFD0]  }
0x33f: {  	v29 =	vld [tilespmem:s9+$0xFFFFFFE0]  }
0x340: {  	v30 =	vld [tilespmem:s9+$0xFFFFFFF0]  }
0x341: {  	v31 =	vld [tilespmem:s9+$0xFFFFFE10]  }
0x342: {  	v0 =	vld.idx.msk [tilespmem:v0+s3+$0x0], $0xffff  }
0x343: {  	v1 =	vld.idx.msk [tilespmem:v1+s3+$0x0], $0xffff  }
0x344: {  	v2 =	vld.idx.msk [tilespmem:v2+s3+$0x0], $0xffff  }
0x345: {  	v3 =	vld.idx.msk [tilespmem:v3+s3+$0x0], $0xffff  }
0x346: {  	v4 =	vld.idx.msk [tilespmem:v4+s3+$0x0], $0xffff  }
0x347: {  	s6 =	simm.s32 $0x1B890;
	v5 =	vld.idx.msk [tilespmem:v5+s3+$0x0], $0xffff  }
0x348: {  	[tilespmem:s6+$0x0] =	vst v0;
	v0 =	vld.idx.msk [tilespmem:v6+s3+$0x0], $0xffff  }
0x349: {  	[tilespmem:s6+$0xFFFFFE20] =	vst v1;
	v1 =	vld.idx.msk [tilespmem:v7+s3+$0x0], $0xffff  }
0x34a: {  	v6 =	vld.idx.msk [tilespmem:v31+s3+$0x0], $0xffff;
	[tilespmem:s6+$0xFFFFFE30] =	vst v2  }
0x34b: {  	[tilespmem:s6+$0xFFFFFE40] =	vst v3;
	v2 =	vld.idx.msk [tilespmem:v8+s3+$0x0], $0xffff  }
0x34c: {  	[tilespmem:s6+$0xFFFFFE50] =	vst v4;
	v3 =	vld.idx.msk [tilespmem:v9+s3+$0x0], $0xffff  }
0x34d: {  	[tilespmem:s6+$0xFFFFFE60] =	vst v5;
	v4 =	vld.idx.msk [tilespmem:v10+s3+$0x0], $0xffff  }
0x34e: {  	v5 =	vld.idx.msk [tilespmem:v13+s3+$0x0], $0xffff;
	[tilespmem:s6+$0xFFFFFE70] =	vst v0  }
0x34f: {  	v7 =	vld.idx.msk [tilespmem:v24+s3+$0x0], $0xffff;
	[tilespmem:s6+$0xFFFFFE80] =	vst v1  }
0x350: {  	v0 =	vld.idx.msk [tilespmem:v11+s3+$0x0], $0xffff;
	[tilespmem:s6+$0xFFFFFE10] =	vst v6  }
0x351: {  	v1 =	vld.idx.msk [tilespmem:v12+s3+$0x0], $0xffff;
	[tilespmem:s6+$0xFFFFFE90] =	vst v2  }
0x352: {  	v2 =	vld.idx.msk [tilespmem:v14+s3+$0x0], $0xffff;
	[tilespmem:s6+$0xFFFFFEA0] =	vst v3  }
0x353: {  	v3 =	vld.idx.msk [tilespmem:v15+s3+$0x0], $0xffff;
	[tilespmem:s6+$0xFFFFFEB0] =	vst v4  }
0x354: {  	v4 =	vld.idx.msk [tilespmem:v16+s3+$0x0], $0xffff;
	[tilespmem:s6+$0xFFFFFEE0] =	vst v5  }
0x355: {  	v5 =	vld.idx.msk [tilespmem:v19+s3+$0x0], $0xffff;
	[tilespmem:s6+$0xFFFFFF90] =	vst v7  }
0x356: {  	v6 =	vld.idx.msk [tilespmem:v23+s3+$0x0], $0xffff;
	[tilespmem:s6+$0xFFFFFEC0] =	vst v0  }
0x357: {  	v0 =	vld.idx.msk [tilespmem:v17+s3+$0x0], $0xffff;
	[tilespmem:s6+$0xFFFFFED0] =	vst v1  }
0x358: {  	v1 =	vld.idx.msk [tilespmem:v18+s3+$0x0], $0xffff;
	[tilespmem:s6+$0xFFFFFEF0] =	vst v2  }
0x359: {  	v2 =	vld.idx.msk [tilespmem:v20+s3+$0x0], $0xffff;
	[tilespmem:s6+$0xFFFFFF00] =	vst v3  }
0x35a: {  	v3 =	vld.idx.msk [tilespmem:v21+s3+$0x0], $0xffff;
	[tilespmem:s6+$0xFFFFFF10] =	vst v4  }
0x35b: {  	v4 =	vld.idx.msk [tilespmem:v22+s3+$0x0], $0xffff;
	[tilespmem:s6+$0xFFFFFF40] =	vst v5  }
0x35c: {  	[tilespmem:s6+$0xFFFFFF80] =	vst v6;
	v5 =	vld.idx.msk [tilespmem:v30+s3+$0x0], $0xffff  }
0x35d: {  	[tilespmem:s6+$0xFFFFFF20] =	vst v0;
	v0 =	vld.idx.msk [tilespmem:v25+s3+$0x0], $0xffff  }
0x35e: {  	[tilespmem:s6+$0xFFFFFF30] =	vst v1;
	v1 =	vld.idx.msk [tilespmem:v26+s3+$0x0], $0xffff  }
0x35f: {  	[tilespmem:s6+$0xFFFFFF50] =	vst v2;
	v2 =	vld.idx.msk [tilespmem:v27+s3+$0x0], $0xffff  }
0x360: {  	[tilespmem:s6+$0xFFFFFF60] =	vst v3;
	v3 =	vld.idx.msk [tilespmem:v28+s3+$0x0], $0xffff  }
0x361: {  	s7 =	simm.s32 $0x0;
	s9 =	simm.s32 $0x19A90;
	[tilespmem:s6+$0xFFFFFF70] =	vst v4;
	v4 =	vld.idx.msk [tilespmem:v29+s3+$0x0], $0xffff  }
.LBB2_13:
0x362: {  	v6 =	vld [tilespmem:s9+$0x0];
	s7 =	sadd.s32 $0x20, s7;
	[tilespmem:s6+$0xFFFFFFA0] =	vst v0  }
0x363: {  	v0 =	vld [tilespmem:s9+$0xFFFFFE20];
	p3 =	slt.u32 s7, $0xE0;
	[tilespmem:s6+$0xFFFFFFB0] =	vst v1  }
0x364: {  	v1 =	vld [tilespmem:s9+$0xFFFFFE30];
	[tilespmem:s6+$0xFFFFFFC0] =	vst v2  }
0x365: {  	v2 =	vld [tilespmem:s9+$0xFFFFFE40];
	[tilespmem:s6+$0xFFFFFFD0] =	vst v3  }
0x366: {  	v3 =	vld [tilespmem:s9+$0xFFFFFE50];
	[tilespmem:s6+$0xFFFFFFE0] =	vst v4  }
0x367: {  	v4 =	vld [tilespmem:s9+$0xFFFFFE60];
	[tilespmem:s6+$0xFFFFFFF0] =	vst v5  }
0x368: {  	v5 =	vld [tilespmem:s9+$0xFFFFFE70]  }
0x369: {  	v7 =	vld [tilespmem:s9+$0xFFFFFE80]  }
0x36a: {  	v6 =	vld.idx.msk [tilespmem:v6+s3+$0x0], $0xffff  }
0x36b: {  	v8 =	vld [tilespmem:s9+$0xFFFFFE90]  }
0x36c: {  	v9 =	vld [tilespmem:s9+$0xFFFFFEA0]  }
0x36d: {  	v10 =	vld [tilespmem:s9+$0xFFFFFEB0]  }
0x36e: {  	v11 =	vld [tilespmem:s9+$0xFFFFFEC0]  }
0x36f: {  	s6 =	sadd.s32 $0x200, s6;
	v12 =	vld [tilespmem:s9+$0xFFFFFED0]  }
0x370: {  	v13 =	vld [tilespmem:s9+$0xFFFFFEE0];
	[tilespmem:s6+$0x0] =	vst v6  }
0x371: {  	v6 =	vld [tilespmem:s9+$0xFFFFFEF0]  }
0x372: {  	v14 =	vld [tilespmem:s9+$0xFFFFFF00]  }
0x373: {  	v15 =	vld [tilespmem:s9+$0xFFFFFF10]  }
0x374: {  	v16 =	vld [tilespmem:s9+$0xFFFFFF20]  }
0x375: {  	v17 =	vld [tilespmem:s9+$0xFFFFFF30]  }
0x376: {  	v18 =	vld [tilespmem:s9+$0xFFFFFF40]  }
0x377: {  	v19 =	vld [tilespmem:s9+$0xFFFFFF50]  }
0x378: {  	v20 =	vld [tilespmem:s9+$0xFFFFFF60]  }
0x379: {  	v21 =	vld [tilespmem:s9+$0xFFFFFF70]  }
0x37a: {  	v22 =	vld [tilespmem:s9+$0xFFFFFF80]  }
0x37b: {  	v23 =	vld [tilespmem:s9+$0xFFFFFF90]  }
0x37c: {  	v24 =	vld [tilespmem:s9+$0xFFFFFFA0]  }
0x37d: {  	v25 =	vld [tilespmem:s9+$0xFFFFFFB0]  }
0x37e: {  	v26 =	vld [tilespmem:s9+$0xFFFFFFC0]  }
0x37f: {  	v27 =	vld [tilespmem:s9+$0xFFFFFFD0]  }
0x380: {  	v28 =	vld [tilespmem:s9+$0xFFFFFFE0]  }
0x381: {  	v29 =	vld [tilespmem:s9+$0xFFFFFFF0]  }
0x382: {  	v30 =	vld [tilespmem:s9+$0xFFFFFE10]  }
0x383: {  	v0 =	vld.idx.msk [tilespmem:v0+s3+$0x0], $0xffff  }
0x384: {  	v1 =	vld.idx.msk [tilespmem:v1+s3+$0x0], $0xffff  }
0x385: {  	v2 =	vld.idx.msk [tilespmem:v2+s3+$0x0], $0xffff  }
0x386: {  	v3 =	vld.idx.msk [tilespmem:v3+s3+$0x0], $0xffff  }
0x387: {  	v4 =	vld.idx.msk [tilespmem:v4+s3+$0x0], $0xffff  }
0x388: {  	v5 =	vld.idx.msk [tilespmem:v5+s3+$0x0], $0xffff  }
0x389: {  	[tilespmem:s6+$0xFFFFFE20] =	vst v0;
	v0 =	vld.idx.msk [tilespmem:v7+s3+$0x0], $0xffff  }
0x38a: {  	v7 =	vld.idx.msk [tilespmem:v30+s3+$0x0], $0xffff;
	[tilespmem:s6+$0xFFFFFE30] =	vst v1  }
0x38b: {  	[tilespmem:s6+$0xFFFFFE40] =	vst v2;
	v1 =	vld.idx.msk [tilespmem:v8+s3+$0x0], $0xffff  }
0x38c: {  	[tilespmem:s6+$0xFFFFFE50] =	vst v3;
	v2 =	vld.idx.msk [tilespmem:v9+s3+$0x0], $0xffff  }
0x38d: {  	[tilespmem:s6+$0xFFFFFE60] =	vst v4;
	v3 =	vld.idx.msk [tilespmem:v10+s3+$0x0], $0xffff  }
0x38e: {  	[tilespmem:s6+$0xFFFFFE70] =	vst v5;
	v4 =	vld.idx.msk [tilespmem:v11+s3+$0x0], $0xffff  }
0x38f: {  	[tilespmem:s6+$0xFFFFFE80] =	vst v0;
	v0 =	vld.idx.msk [tilespmem:v12+s3+$0x0], $0xffff  }
0x390: {  	[tilespmem:s6+$0xFFFFFE10] =	vst v7;
	v5 =	vld.idx.msk [tilespmem:v13+s3+$0x0], $0xffff  }
0x391: {  	[tilespmem:s6+$0xFFFFFE90] =	vst v1;
	v1 =	vld.idx.msk [tilespmem:v6+s3+$0x0], $0xffff  }
0x392: {  	[tilespmem:s6+$0xFFFFFEA0] =	vst v2;
	v2 =	vld.idx.msk [tilespmem:v14+s3+$0x0], $0xffff  }
0x393: {  	[tilespmem:s6+$0xFFFFFEB0] =	vst v3;
	v3 =	vld.idx.msk [tilespmem:v15+s3+$0x0], $0xffff  }
0x394: {  	[tilespmem:s6+$0xFFFFFEC0] =	vst v4;
	v4 =	vld.idx.msk [tilespmem:v16+s3+$0x0], $0xffff  }
0x395: {  	[tilespmem:s6+$0xFFFFFED0] =	vst v0;
	v0 =	vld.idx.msk [tilespmem:v17+s3+$0x0], $0xffff  }
0x396: {  	[tilespmem:s6+$0xFFFFFEE0] =	vst v5;
	v5 =	vld.idx.msk [tilespmem:v18+s3+$0x0], $0xffff  }
0x397: {  	[tilespmem:s6+$0xFFFFFEF0] =	vst v1;
	v1 =	vld.idx.msk [tilespmem:v19+s3+$0x0], $0xffff  }
0x398: {  	[tilespmem:s6+$0xFFFFFF00] =	vst v2;
	v2 =	vld.idx.msk [tilespmem:v20+s3+$0x0], $0xffff  }
0x399: {  	[tilespmem:s6+$0xFFFFFF10] =	vst v3;
	v3 =	vld.idx.msk [tilespmem:v21+s3+$0x0], $0xffff  }
0x39a: {  	[tilespmem:s6+$0xFFFFFF20] =	vst v4;
	v4 =	vld.idx.msk [tilespmem:v22+s3+$0x0], $0xffff  }
0x39b: {  	[tilespmem:s6+$0xFFFFFF30] =	vst v0;
	v6 =	vld.idx.msk [tilespmem:v23+s3+$0x0], $0xffff  }
0x39c: {  	[tilespmem:s6+$0xFFFFFF40] =	vst v5;
	v0 =	vld.idx.msk [tilespmem:v24+s3+$0x0], $0xffff  }
.Ltmp9:
0x39d: {  	[tilespmem:s6+$0xFFFFFF50] =	vst v1;
	v1 =	vld.idx.msk [tilespmem:v25+s3+$0x0], $0xffff;
	(pc) =	sbr.rel @p3 .LBB2_13-.Ltmp9, $4  }
0x39e: {  	[tilespmem:s6+$0xFFFFFF60] =	vst v2;
	v2 =	vld.idx.msk [tilespmem:v26+s3+$0x0], $0xffff  }
0x39f: {  	[tilespmem:s6+$0xFFFFFF70] =	vst v3;
	v3 =	vld.idx.msk [tilespmem:v27+s3+$0x0], $0xffff  }
0x3a0: {  	[tilespmem:s6+$0xFFFFFF80] =	vst v4;
	v4 =	vld.idx.msk [tilespmem:v28+s3+$0x0], $0xffff  }
0x3a1: {  	s9 =	sadd.s32 $0x200, s9;
	[tilespmem:s6+$0xFFFFFF90] =	vst v6;
	v5 =	vld.idx.msk [tilespmem:v29+s3+$0x0], $0xffff  }
0x3a2: {  	[tilespmem:s6+$0xFFFFFFA0] =	vst v0  }
0x3a3: {  	[tilespmem:s6+$0xFFFFFFB0] =	vst v1  }
0x3a4: {  	[tilespmem:s6+$0xFFFFFFC0] =	vst v2  }
0x3a5: {  	[tilespmem:s6+$0xFFFFFFD0] =	vst v3  }
0x3a6: {  	[tilespmem:s6+$0xFFFFFFE0] =	vst v4  }
0x3a7: {  	s7 =	sadd.s32 s8, s13;
	[tilespmem:s6+$0xFFFFFFF0] =	vst v5  }
0x3a8: {  	[hbm4b:s7+s24] =	stream.strided.scatter [tilespmem:s29], [sflag:$0x4], $0x1000, s25, s24, $0x38;
	[tilespmem:$0x1F6A0] =	vst v63  }
0x3a9: {  	s9 =	sadd.s32 $0x7000, s17  }
0x3aa: {  	[tilespmem:s22], [sflag:$0x2] =	stream.linear.gather [spmem:s9], $0x1000, $0x38;
	[tilespmem:$0x1F6A0] =	vst v63  }
0x3ab: {  	_ =	swait.ge [sflag:s23], $0x1000  }
0x3ac: {  	[sflag:s23] =	ssyncset.done $0x0  }
0x3ad: {  	[sflag:s23] =	ssyncadd.s32 $0xFFFFF000  }
0x3ae: {  	_ =	swait.ge [sflag:s16], $0x1000  }
0x3af: {  	[sflag:s16] =	ssyncset.done $0x0  }
0x3b0: {  	s17 =	simm.s32 $0x187A0;
	[sflag:s16] =	ssyncadd.s32 $0xFFFFF000  }
0x3b1: {  	v0 =	vld [tilespmem:s17+$0xF0]  }
0x3b2: {  	v1 =	vld [tilespmem:s17+$0xFFFFFF10]  }
0x3b3: {  	v2 =	vld [tilespmem:s17+$0xFFFFFF20]  }
0x3b4: {  	v3 =	vld [tilespmem:s17+$0xFFFFFF30]  }
0x3b5: {  	v4 =	vld [tilespmem:s17+$0xFFFFFF40]  }
0x3b6: {  	v5 =	vld [tilespmem:s17+$0xFFFFFF50]  }
0x3b7: {  	v6 =	vld [tilespmem:s17+$0xFFFFFF60]  }
0x3b8: {  	v7 =	vld [tilespmem:s17+$0xFFFFFF70]  }
0x3b9: {  	v8 =	vld [tilespmem:s17+$0xFFFFFF80]  }
0x3ba: {  	v9 =	vld [tilespmem:s17+$0xFFFFFF90]  }
0x3bb: {  	v10 =	vld [tilespmem:s17+$0xFFFFFFA0]  }
0x3bc: {  	v11 =	vld [tilespmem:s17+$0xFFFFFFB0]  }
0x3bd: {  	v12 =	vld [tilespmem:s17+$0xFFFFFFC0]  }
0x3be: {  	v13 =	vld [tilespmem:s17+$0xFFFFFFD0]  }
0x3bf: {  	v14 =	vld [tilespmem:s17+$0xFFFFFFE0]  }
0x3c0: {  	v15 =	vld [tilespmem:s17+$0xFFFFFFF0]  }
0x3c1: {  	v16 =	vld [tilespmem:s17+$0x0]  }
0x3c2: {  	v17 =	vld [tilespmem:s17+$0x10]  }
0x3c3: {  	v18 =	vld [tilespmem:s17+$0x20]  }
0x3c4: {  	v19 =	vld [tilespmem:s17+$0x30]  }
0x3c5: {  	v20 =	vld [tilespmem:s17+$0x40]  }
0x3c6: {  	v21 =	vld [tilespmem:s17+$0x50]  }
0x3c7: {  	v22 =	vld [tilespmem:s17+$0x60]  }
0x3c8: {  	v23 =	vld [tilespmem:s17+$0x70]  }
0x3c9: {  	v24 =	vld [tilespmem:s17+$0x80]  }
0x3ca: {  	v25 =	vld [tilespmem:s17+$0x90]  }
0x3cb: {  	v26 =	vld [tilespmem:s17+$0xA0]  }
0x3cc: {  	v27 =	vld [tilespmem:s17+$0xB0]  }
0x3cd: {  	v28 =	vld [tilespmem:s17+$0xC0]  }
0x3ce: {  	v29 =	vld [tilespmem:s17+$0xD0]  }
0x3cf: {  	v30 =	vld [tilespmem:s17+$0xE0]  }
0x3d0: {  	v31 =	vld [tilespmem:s17+$0xFFFFFF00]  }
0x3d1: {  	v0 =	vld.idx.msk [tilespmem:v0+s3+$0x0], $0xffff  }
0x3d2: {  	v1 =	vld.idx.msk [tilespmem:v1+s3+$0x0], $0xffff  }
0x3d3: {  	v2 =	vld.idx.msk [tilespmem:v2+s3+$0x0], $0xffff  }
0x3d4: {  	v3 =	vld.idx.msk [tilespmem:v3+s3+$0x0], $0xffff  }
0x3d5: {  	v4 =	vld.idx.msk [tilespmem:v4+s3+$0x0], $0xffff  }
0x3d6: {  	s6 =	simm.s32 $0x1C890;
	v5 =	vld.idx.msk [tilespmem:v5+s3+$0x0], $0xffff  }
0x3d7: {  	[tilespmem:s6+$0x0] =	vst v0;
	v0 =	vld.idx.msk [tilespmem:v6+s3+$0x0], $0xffff  }
0x3d8: {  	[tilespmem:s6+$0xFFFFFE20] =	vst v1;
	v1 =	vld.idx.msk [tilespmem:v7+s3+$0x0], $0xffff  }
0x3d9: {  	v6 =	vld.idx.msk [tilespmem:v31+s3+$0x0], $0xffff;
	[tilespmem:s6+$0xFFFFFE30] =	vst v2  }
0x3da: {  	[tilespmem:s6+$0xFFFFFE40] =	vst v3;
	v2 =	vld.idx.msk [tilespmem:v8+s3+$0x0], $0xffff  }
0x3db: {  	[tilespmem:s6+$0xFFFFFE50] =	vst v4;
	v3 =	vld.idx.msk [tilespmem:v9+s3+$0x0], $0xffff  }
0x3dc: {  	[tilespmem:s6+$0xFFFFFE60] =	vst v5;
	v4 =	vld.idx.msk [tilespmem:v10+s3+$0x0], $0xffff  }
0x3dd: {  	v5 =	vld.idx.msk [tilespmem:v13+s3+$0x0], $0xffff;
	[tilespmem:s6+$0xFFFFFE70] =	vst v0  }
0x3de: {  	v7 =	vld.idx.msk [tilespmem:v24+s3+$0x0], $0xffff;
	[tilespmem:s6+$0xFFFFFE80] =	vst v1  }
0x3df: {  	v0 =	vld.idx.msk [tilespmem:v11+s3+$0x0], $0xffff;
	[tilespmem:s6+$0xFFFFFE10] =	vst v6  }
0x3e0: {  	v1 =	vld.idx.msk [tilespmem:v12+s3+$0x0], $0xffff;
	[tilespmem:s6+$0xFFFFFE90] =	vst v2  }
0x3e1: {  	v2 =	vld.idx.msk [tilespmem:v14+s3+$0x0], $0xffff;
	[tilespmem:s6+$0xFFFFFEA0] =	vst v3  }
0x3e2: {  	v3 =	vld.idx.msk [tilespmem:v15+s3+$0x0], $0xffff;
	[tilespmem:s6+$0xFFFFFEB0] =	vst v4  }
0x3e3: {  	v4 =	vld.idx.msk [tilespmem:v16+s3+$0x0], $0xffff;
	[tilespmem:s6+$0xFFFFFEE0] =	vst v5  }
0x3e4: {  	v5 =	vld.idx.msk [tilespmem:v19+s3+$0x0], $0xffff;
	[tilespmem:s6+$0xFFFFFF90] =	vst v7  }
0x3e5: {  	v6 =	vld.idx.msk [tilespmem:v23+s3+$0x0], $0xffff;
	[tilespmem:s6+$0xFFFFFEC0] =	vst v0  }
0x3e6: {  	v0 =	vld.idx.msk [tilespmem:v17+s3+$0x0], $0xffff;
	[tilespmem:s6+$0xFFFFFED0] =	vst v1  }
0x3e7: {  	v1 =	vld.idx.msk [tilespmem:v18+s3+$0x0], $0xffff;
	[tilespmem:s6+$0xFFFFFEF0] =	vst v2  }
0x3e8: {  	v2 =	vld.idx.msk [tilespmem:v20+s3+$0x0], $0xffff;
	[tilespmem:s6+$0xFFFFFF00] =	vst v3  }
0x3e9: {  	v3 =	vld.idx.msk [tilespmem:v21+s3+$0x0], $0xffff;
	[tilespmem:s6+$0xFFFFFF10] =	vst v4  }
0x3ea: {  	v4 =	vld.idx.msk [tilespmem:v22+s3+$0x0], $0xffff;
	[tilespmem:s6+$0xFFFFFF40] =	vst v5  }
0x3eb: {  	[tilespmem:s6+$0xFFFFFF80] =	vst v6;
	v5 =	vld.idx.msk [tilespmem:v30+s3+$0x0], $0xffff  }
0x3ec: {  	[tilespmem:s6+$0xFFFFFF20] =	vst v0;
	v0 =	vld.idx.msk [tilespmem:v25+s3+$0x0], $0xffff  }
0x3ed: {  	[tilespmem:s6+$0xFFFFFF30] =	vst v1;
	v1 =	vld.idx.msk [tilespmem:v26+s3+$0x0], $0xffff  }
0x3ee: {  	[tilespmem:s6+$0xFFFFFF50] =	vst v2;
	v2 =	vld.idx.msk [tilespmem:v27+s3+$0x0], $0xffff  }
0x3ef: {  	[tilespmem:s6+$0xFFFFFF60] =	vst v3;
	v3 =	vld.idx.msk [tilespmem:v28+s3+$0x0], $0xffff  }
0x3f0: {  	s7 =	simm.s32 $0x0;
	s9 =	simm.s32 $0x189A0;
	[tilespmem:s6+$0xFFFFFF70] =	vst v4;
	v4 =	vld.idx.msk [tilespmem:v29+s3+$0x0], $0xffff  }
.LBB2_15:
0x3f1: {  	v6 =	vld [tilespmem:s9+$0xF0];
	s7 =	sadd.s32 $0x20, s7;
	[tilespmem:s6+$0xFFFFFFA0] =	vst v0  }
0x3f2: {  	v0 =	vld [tilespmem:s9+$0xFFFFFF10];
	p3 =	slt.u32 s7, $0xE0;
	[tilespmem:s6+$0xFFFFFFB0] =	vst v1  }
0x3f3: {  	v1 =	vld [tilespmem:s9+$0xFFFFFF20];
	[tilespmem:s6+$0xFFFFFFC0] =	vst v2  }
0x3f4: {  	v2 =	vld [tilespmem:s9+$0xFFFFFF30];
	[tilespmem:s6+$0xFFFFFFD0] =	vst v3  }
0x3f5: {  	v3 =	vld [tilespmem:s9+$0xFFFFFF40];
	[tilespmem:s6+$0xFFFFFFE0] =	vst v4  }
0x3f6: {  	v4 =	vld [tilespmem:s9+$0xFFFFFF50];
	[tilespmem:s6+$0xFFFFFFF0] =	vst v5  }
0x3f7: {  	v5 =	vld [tilespmem:s9+$0xFFFFFF60]  }
0x3f8: {  	v7 =	vld [tilespmem:s9+$0xFFFFFF70]  }
0x3f9: {  	v6 =	vld.idx.msk [tilespmem:v6+s3+$0x0], $0xffff  }
0x3fa: {  	v8 =	vld [tilespmem:s9+$0xFFFFFF80]  }
0x3fb: {  	v9 =	vld [tilespmem:s9+$0xFFFFFF90]  }
0x3fc: {  	v10 =	vld [tilespmem:s9+$0xFFFFFFA0]  }
0x3fd: {  	v11 =	vld [tilespmem:s9+$0xFFFFFFB0]  }
0x3fe: {  	s6 =	sadd.s32 $0x200, s6;
	v12 =	vld [tilespmem:s9+$0xFFFFFFC0]  }
0x3ff: {  	v13 =	vld [tilespmem:s9+$0xFFFFFFD0];
	[tilespmem:s6+$0x0] =	vst v6  }
0x400: {  	v6 =	vld [tilespmem:s9+$0xFFFFFFE0]  }
0x401: {  	v14 =	vld [tilespmem:s9+$0xFFFFFFF0]  }
0x402: {  	v15 =	vld [tilespmem:s9+$0x0]  }
0x403: {  	v16 =	vld [tilespmem:s9+$0x10]  }
0x404: {  	v17 =	vld [tilespmem:s9+$0x20]  }
0x405: {  	v18 =	vld [tilespmem:s9+$0x30]  }
0x406: {  	v19 =	vld [tilespmem:s9+$0x40]  }
0x407: {  	v20 =	vld [tilespmem:s9+$0x50]  }
0x408: {  	v21 =	vld [tilespmem:s9+$0x60]  }
0x409: {  	v22 =	vld [tilespmem:s9+$0x70]  }
0x40a: {  	v23 =	vld [tilespmem:s9+$0x80]  }
0x40b: {  	v24 =	vld [tilespmem:s9+$0x90]  }
0x40c: {  	v25 =	vld [tilespmem:s9+$0xA0]  }
0x40d: {  	v26 =	vld [tilespmem:s9+$0xB0]  }
0x40e: {  	v27 =	vld [tilespmem:s9+$0xC0]  }
0x40f: {  	v28 =	vld [tilespmem:s9+$0xD0]  }
0x410: {  	v29 =	vld [tilespmem:s9+$0xE0]  }
0x411: {  	v30 =	vld [tilespmem:s9+$0xFFFFFF00]  }
0x412: {  	v0 =	vld.idx.msk [tilespmem:v0+s3+$0x0], $0xffff  }
0x413: {  	v1 =	vld.idx.msk [tilespmem:v1+s3+$0x0], $0xffff  }
0x414: {  	v2 =	vld.idx.msk [tilespmem:v2+s3+$0x0], $0xffff  }
0x415: {  	v3 =	vld.idx.msk [tilespmem:v3+s3+$0x0], $0xffff  }
0x416: {  	v4 =	vld.idx.msk [tilespmem:v4+s3+$0x0], $0xffff  }
0x417: {  	v5 =	vld.idx.msk [tilespmem:v5+s3+$0x0], $0xffff  }
0x418: {  	[tilespmem:s6+$0xFFFFFE20] =	vst v0;
	v0 =	vld.idx.msk [tilespmem:v7+s3+$0x0], $0xffff  }
0x419: {  	v7 =	vld.idx.msk [tilespmem:v30+s3+$0x0], $0xffff;
	[tilespmem:s6+$0xFFFFFE30] =	vst v1  }
0x41a: {  	[tilespmem:s6+$0xFFFFFE40] =	vst v2;
	v1 =	vld.idx.msk [tilespmem:v8+s3+$0x0], $0xffff  }
0x41b: {  	[tilespmem:s6+$0xFFFFFE50] =	vst v3;
	v2 =	vld.idx.msk [tilespmem:v9+s3+$0x0], $0xffff  }
0x41c: {  	[tilespmem:s6+$0xFFFFFE60] =	vst v4;
	v3 =	vld.idx.msk [tilespmem:v10+s3+$0x0], $0xffff  }
0x41d: {  	[tilespmem:s6+$0xFFFFFE70] =	vst v5;
	v4 =	vld.idx.msk [tilespmem:v11+s3+$0x0], $0xffff  }
0x41e: {  	[tilespmem:s6+$0xFFFFFE80] =	vst v0;
	v0 =	vld.idx.msk [tilespmem:v12+s3+$0x0], $0xffff  }
0x41f: {  	[tilespmem:s6+$0xFFFFFE10] =	vst v7;
	v5 =	vld.idx.msk [tilespmem:v13+s3+$0x0], $0xffff  }
0x420: {  	[tilespmem:s6+$0xFFFFFE90] =	vst v1;
	v1 =	vld.idx.msk [tilespmem:v6+s3+$0x0], $0xffff  }
0x421: {  	[tilespmem:s6+$0xFFFFFEA0] =	vst v2;
	v2 =	vld.idx.msk [tilespmem:v14+s3+$0x0], $0xffff  }
0x422: {  	[tilespmem:s6+$0xFFFFFEB0] =	vst v3;
	v3 =	vld.idx.msk [tilespmem:v15+s3+$0x0], $0xffff  }
0x423: {  	[tilespmem:s6+$0xFFFFFEC0] =	vst v4;
	v4 =	vld.idx.msk [tilespmem:v16+s3+$0x0], $0xffff  }
0x424: {  	[tilespmem:s6+$0xFFFFFED0] =	vst v0;
	v0 =	vld.idx.msk [tilespmem:v17+s3+$0x0], $0xffff  }
0x425: {  	[tilespmem:s6+$0xFFFFFEE0] =	vst v5;
	v5 =	vld.idx.msk [tilespmem:v18+s3+$0x0], $0xffff  }
0x426: {  	[tilespmem:s6+$0xFFFFFEF0] =	vst v1;
	v1 =	vld.idx.msk [tilespmem:v19+s3+$0x0], $0xffff  }
0x427: {  	[tilespmem:s6+$0xFFFFFF00] =	vst v2;
	v2 =	vld.idx.msk [tilespmem:v20+s3+$0x0], $0xffff  }
0x428: {  	[tilespmem:s6+$0xFFFFFF10] =	vst v3;
	v3 =	vld.idx.msk [tilespmem:v21+s3+$0x0], $0xffff  }
0x429: {  	[tilespmem:s6+$0xFFFFFF20] =	vst v4;
	v4 =	vld.idx.msk [tilespmem:v22+s3+$0x0], $0xffff  }
0x42a: {  	[tilespmem:s6+$0xFFFFFF30] =	vst v0;
	v6 =	vld.idx.msk [tilespmem:v23+s3+$0x0], $0xffff  }
0x42b: {  	[tilespmem:s6+$0xFFFFFF40] =	vst v5;
	v0 =	vld.idx.msk [tilespmem:v24+s3+$0x0], $0xffff  }
.Ltmp10:
0x42c: {  	[tilespmem:s6+$0xFFFFFF50] =	vst v1;
	v1 =	vld.idx.msk [tilespmem:v25+s3+$0x0], $0xffff;
	(pc) =	sbr.rel @p3 .LBB2_15-.Ltmp10, $4  }
0x42d: {  	[tilespmem:s6+$0xFFFFFF60] =	vst v2;
	v2 =	vld.idx.msk [tilespmem:v26+s3+$0x0], $0xffff  }
0x42e: {  	[tilespmem:s6+$0xFFFFFF70] =	vst v3;
	v3 =	vld.idx.msk [tilespmem:v27+s3+$0x0], $0xffff  }
0x42f: {  	[tilespmem:s6+$0xFFFFFF80] =	vst v4;
	v4 =	vld.idx.msk [tilespmem:v28+s3+$0x0], $0xffff  }
0x430: {  	s9 =	sadd.s32 $0x200, s9;
	[tilespmem:s6+$0xFFFFFF90] =	vst v6;
	v5 =	vld.idx.msk [tilespmem:v29+s3+$0x0], $0xffff  }
0x431: {  	[tilespmem:s6+$0xFFFFFFA0] =	vst v0  }
0x432: {  	[tilespmem:s6+$0xFFFFFFB0] =	vst v1  }
0x433: {  	[tilespmem:s6+$0xFFFFFFC0] =	vst v2  }
0x434: {  	[tilespmem:s6+$0xFFFFFFD0] =	vst v3  }
0x435: {  	[tilespmem:s6+$0xFFFFFFE0] =	vst v4  }
0x436: {  	s9 =	sadd.s32 s8, s14;
	[tilespmem:s6+$0xFFFFFFF0] =	vst v5  }
0x437: {  	[hbm4b:s9+s24] =	stream.strided.scatter [tilespmem:s30], [sflag:$0x5], $0x1000, s25, s24, $0x38;
	[tilespmem:$0x1F6A0] =	vst v63  }
0x438: {  	_ =	swait.ge [sflag:s28], $0x1000  }
0x439: {  	[sflag:s28] =	ssyncset.done $0x0  }
0x43a: {  	[sflag:s28] =	ssyncadd.s32 $0xFFFFF000  }
0x43b: {  	_ =	swait.ge [sflag:s18], $0x1000  }
0x43c: {  	[sflag:s18] =	ssyncset.done $0x0  }
0x43d: {  	s17 =	simm.s32 $0x19890;
	[sflag:s18] =	ssyncadd.s32 $0xFFFFF000  }
0x43e: {  	v0 =	vld [tilespmem:s17+$0x0]  }
0x43f: {  	v1 =	vld [tilespmem:s17+$0xFFFFFE20]  }
0x440: {  	v2 =	vld [tilespmem:s17+$0xFFFFFE30]  }
0x441: {  	v3 =	vld [tilespmem:s17+$0xFFFFFE40]  }
0x442: {  	v4 =	vld [tilespmem:s17+$0xFFFFFE50]  }
0x443: {  	v5 =	vld [tilespmem:s17+$0xFFFFFE60]  }
0x444: {  	v6 =	vld [tilespmem:s17+$0xFFFFFE70]  }
0x445: {  	v7 =	vld [tilespmem:s17+$0xFFFFFE80]  }
0x446: {  	v8 =	vld [tilespmem:s17+$0xFFFFFE90]  }
0x447: {  	v9 =	vld [tilespmem:s17+$0xFFFFFEA0]  }
0x448: {  	v10 =	vld [tilespmem:s17+$0xFFFFFEB0]  }
0x449: {  	v11 =	vld [tilespmem:s17+$0xFFFFFEC0]  }
0x44a: {  	v12 =	vld [tilespmem:s17+$0xFFFFFED0]  }
0x44b: {  	v13 =	vld [tilespmem:s17+$0xFFFFFEE0]  }
0x44c: {  	v14 =	vld [tilespmem:s17+$0xFFFFFEF0]  }
0x44d: {  	v15 =	vld [tilespmem:s17+$0xFFFFFF00]  }
0x44e: {  	v16 =	vld [tilespmem:s17+$0xFFFFFF10]  }
0x44f: {  	v17 =	vld [tilespmem:s17+$0xFFFFFF20]  }
0x450: {  	v18 =	vld [tilespmem:s17+$0xFFFFFF30]  }
0x451: {  	v19 =	vld [tilespmem:s17+$0xFFFFFF40]  }
0x452: {  	v20 =	vld [tilespmem:s17+$0xFFFFFF50]  }
0x453: {  	v21 =	vld [tilespmem:s17+$0xFFFFFF60]  }
0x454: {  	v22 =	vld [tilespmem:s17+$0xFFFFFF70]  }
0x455: {  	v23 =	vld [tilespmem:s17+$0xFFFFFF80]  }
0x456: {  	v24 =	vld [tilespmem:s17+$0xFFFFFF90]  }
0x457: {  	v25 =	vld [tilespmem:s17+$0xFFFFFFA0]  }
0x458: {  	v26 =	vld [tilespmem:s17+$0xFFFFFFB0]  }
0x459: {  	v27 =	vld [tilespmem:s17+$0xFFFFFFC0]  }
0x45a: {  	v28 =	vld [tilespmem:s17+$0xFFFFFFD0]  }
0x45b: {  	v29 =	vld [tilespmem:s17+$0xFFFFFFE0]  }
0x45c: {  	v30 =	vld [tilespmem:s17+$0xFFFFFFF0]  }
0x45d: {  	v31 =	vld [tilespmem:s17+$0xFFFFFE10]  }
0x45e: {  	v0 =	vld.idx.msk [tilespmem:v0+s3+$0x0], $0xffff  }
0x45f: {  	v1 =	vld.idx.msk [tilespmem:v1+s3+$0x0], $0xffff  }
0x460: {  	v2 =	vld.idx.msk [tilespmem:v2+s3+$0x0], $0xffff  }
0x461: {  	v3 =	vld.idx.msk [tilespmem:v3+s3+$0x0], $0xffff  }
0x462: {  	v4 =	vld.idx.msk [tilespmem:v4+s3+$0x0], $0xffff  }
0x463: {  	s6 =	simm.s32 $0x1D890;
	v5 =	vld.idx.msk [tilespmem:v5+s3+$0x0], $0xffff  }
0x464: {  	[tilespmem:s6+$0x0] =	vst v0;
	v0 =	vld.idx.msk [tilespmem:v6+s3+$0x0], $0xffff  }
0x465: {  	[tilespmem:s6+$0xFFFFFE20] =	vst v1;
	v1 =	vld.idx.msk [tilespmem:v7+s3+$0x0], $0xffff  }
0x466: {  	v6 =	vld.idx.msk [tilespmem:v31+s3+$0x0], $0xffff;
	[tilespmem:s6+$0xFFFFFE30] =	vst v2  }
0x467: {  	[tilespmem:s6+$0xFFFFFE40] =	vst v3;
	v2 =	vld.idx.msk [tilespmem:v8+s3+$0x0], $0xffff  }
0x468: {  	[tilespmem:s6+$0xFFFFFE50] =	vst v4;
	v3 =	vld.idx.msk [tilespmem:v9+s3+$0x0], $0xffff  }
0x469: {  	[tilespmem:s6+$0xFFFFFE60] =	vst v5;
	v4 =	vld.idx.msk [tilespmem:v10+s3+$0x0], $0xffff  }
0x46a: {  	v5 =	vld.idx.msk [tilespmem:v13+s3+$0x0], $0xffff;
	[tilespmem:s6+$0xFFFFFE70] =	vst v0  }
0x46b: {  	v7 =	vld.idx.msk [tilespmem:v24+s3+$0x0], $0xffff;
	[tilespmem:s6+$0xFFFFFE80] =	vst v1  }
0x46c: {  	v0 =	vld.idx.msk [tilespmem:v11+s3+$0x0], $0xffff;
	[tilespmem:s6+$0xFFFFFE10] =	vst v6  }
0x46d: {  	v1 =	vld.idx.msk [tilespmem:v12+s3+$0x0], $0xffff;
	[tilespmem:s6+$0xFFFFFE90] =	vst v2  }
0x46e: {  	v2 =	vld.idx.msk [tilespmem:v14+s3+$0x0], $0xffff;
	[tilespmem:s6+$0xFFFFFEA0] =	vst v3  }
0x46f: {  	v3 =	vld.idx.msk [tilespmem:v15+s3+$0x0], $0xffff;
	[tilespmem:s6+$0xFFFFFEB0] =	vst v4  }
0x470: {  	v4 =	vld.idx.msk [tilespmem:v16+s3+$0x0], $0xffff;
	[tilespmem:s6+$0xFFFFFEE0] =	vst v5  }
0x471: {  	v5 =	vld.idx.msk [tilespmem:v19+s3+$0x0], $0xffff;
	[tilespmem:s6+$0xFFFFFF90] =	vst v7  }
0x472: {  	v6 =	vld.idx.msk [tilespmem:v23+s3+$0x0], $0xffff;
	[tilespmem:s6+$0xFFFFFEC0] =	vst v0  }
0x473: {  	v0 =	vld.idx.msk [tilespmem:v17+s3+$0x0], $0xffff;
	[tilespmem:s6+$0xFFFFFED0] =	vst v1  }
0x474: {  	v1 =	vld.idx.msk [tilespmem:v18+s3+$0x0], $0xffff;
	[tilespmem:s6+$0xFFFFFEF0] =	vst v2  }
0x475: {  	v2 =	vld.idx.msk [tilespmem:v20+s3+$0x0], $0xffff;
	[tilespmem:s6+$0xFFFFFF00] =	vst v3  }
0x476: {  	v3 =	vld.idx.msk [tilespmem:v21+s3+$0x0], $0xffff;
	[tilespmem:s6+$0xFFFFFF10] =	vst v4  }
0x477: {  	v4 =	vld.idx.msk [tilespmem:v22+s3+$0x0], $0xffff;
	[tilespmem:s6+$0xFFFFFF40] =	vst v5  }
0x478: {  	[tilespmem:s6+$0xFFFFFF80] =	vst v6;
	v5 =	vld.idx.msk [tilespmem:v30+s3+$0x0], $0xffff  }
0x479: {  	[tilespmem:s6+$0xFFFFFF20] =	vst v0;
	v0 =	vld.idx.msk [tilespmem:v25+s3+$0x0], $0xffff  }
0x47a: {  	[tilespmem:s6+$0xFFFFFF30] =	vst v1;
	v1 =	vld.idx.msk [tilespmem:v26+s3+$0x0], $0xffff  }
0x47b: {  	[tilespmem:s6+$0xFFFFFF50] =	vst v2;
	v2 =	vld.idx.msk [tilespmem:v27+s3+$0x0], $0xffff  }
0x47c: {  	[tilespmem:s6+$0xFFFFFF60] =	vst v3;
	v3 =	vld.idx.msk [tilespmem:v28+s3+$0x0], $0xffff  }
0x47d: {  	s7 =	simm.s32 $0x0;
	s9 =	simm.s32 $0x19A90;
	[tilespmem:s6+$0xFFFFFF70] =	vst v4;
	v4 =	vld.idx.msk [tilespmem:v29+s3+$0x0], $0xffff  }
.LBB2_17:
0x47e: {  	v6 =	vld [tilespmem:s9+$0x0];
	s7 =	sadd.s32 $0x20, s7;
	[tilespmem:s6+$0xFFFFFFA0] =	vst v0  }
0x47f: {  	v0 =	vld [tilespmem:s9+$0xFFFFFE20];
	p3 =	slt.u32 s7, $0xE0;
	[tilespmem:s6+$0xFFFFFFB0] =	vst v1  }
0x480: {  	v1 =	vld [tilespmem:s9+$0xFFFFFE30];
	[tilespmem:s6+$0xFFFFFFC0] =	vst v2  }
0x481: {  	v2 =	vld [tilespmem:s9+$0xFFFFFE40];
	[tilespmem:s6+$0xFFFFFFD0] =	vst v3  }
0x482: {  	v3 =	vld [tilespmem:s9+$0xFFFFFE50];
	[tilespmem:s6+$0xFFFFFFE0] =	vst v4  }
0x483: {  	v4 =	vld [tilespmem:s9+$0xFFFFFE60];
	[tilespmem:s6+$0xFFFFFFF0] =	vst v5  }
0x484: {  	v5 =	vld [tilespmem:s9+$0xFFFFFE70]  }
0x485: {  	v7 =	vld [tilespmem:s9+$0xFFFFFE80]  }
0x486: {  	v6 =	vld.idx.msk [tilespmem:v6+s3+$0x0], $0xffff  }
0x487: {  	v8 =	vld [tilespmem:s9+$0xFFFFFE90]  }
0x488: {  	v9 =	vld [tilespmem:s9+$0xFFFFFEA0]  }
0x489: {  	v10 =	vld [tilespmem:s9+$0xFFFFFEB0]  }
0x48a: {  	v11 =	vld [tilespmem:s9+$0xFFFFFEC0]  }
0x48b: {  	s6 =	sadd.s32 $0x200, s6;
	v12 =	vld [tilespmem:s9+$0xFFFFFED0]  }
0x48c: {  	v13 =	vld [tilespmem:s9+$0xFFFFFEE0];
	[tilespmem:s6+$0x0] =	vst v6  }
0x48d: {  	v6 =	vld [tilespmem:s9+$0xFFFFFEF0]  }
0x48e: {  	v14 =	vld [tilespmem:s9+$0xFFFFFF00]  }
0x48f: {  	v15 =	vld [tilespmem:s9+$0xFFFFFF10]  }
0x490: {  	v16 =	vld [tilespmem:s9+$0xFFFFFF20]  }
0x491: {  	v17 =	vld [tilespmem:s9+$0xFFFFFF30]  }
0x492: {  	v18 =	vld [tilespmem:s9+$0xFFFFFF40]  }
0x493: {  	v19 =	vld [tilespmem:s9+$0xFFFFFF50]  }
0x494: {  	v20 =	vld [tilespmem:s9+$0xFFFFFF60]  }
0x495: {  	v21 =	vld [tilespmem:s9+$0xFFFFFF70]  }
0x496: {  	v22 =	vld [tilespmem:s9+$0xFFFFFF80]  }
0x497: {  	v23 =	vld [tilespmem:s9+$0xFFFFFF90]  }
0x498: {  	v24 =	vld [tilespmem:s9+$0xFFFFFFA0]  }
0x499: {  	v25 =	vld [tilespmem:s9+$0xFFFFFFB0]  }
0x49a: {  	v26 =	vld [tilespmem:s9+$0xFFFFFFC0]  }
0x49b: {  	v27 =	vld [tilespmem:s9+$0xFFFFFFD0]  }
0x49c: {  	v28 =	vld [tilespmem:s9+$0xFFFFFFE0]  }
0x49d: {  	v29 =	vld [tilespmem:s9+$0xFFFFFFF0]  }
0x49e: {  	v30 =	vld [tilespmem:s9+$0xFFFFFE10]  }
0x49f: {  	v0 =	vld.idx.msk [tilespmem:v0+s3+$0x0], $0xffff  }
0x4a0: {  	v1 =	vld.idx.msk [tilespmem:v1+s3+$0x0], $0xffff  }
0x4a1: {  	v2 =	vld.idx.msk [tilespmem:v2+s3+$0x0], $0xffff  }
0x4a2: {  	v3 =	vld.idx.msk [tilespmem:v3+s3+$0x0], $0xffff  }
0x4a3: {  	v4 =	vld.idx.msk [tilespmem:v4+s3+$0x0], $0xffff  }
0x4a4: {  	v5 =	vld.idx.msk [tilespmem:v5+s3+$0x0], $0xffff  }
0x4a5: {  	[tilespmem:s6+$0xFFFFFE20] =	vst v0;
	v0 =	vld.idx.msk [tilespmem:v7+s3+$0x0], $0xffff  }
0x4a6: {  	v7 =	vld.idx.msk [tilespmem:v30+s3+$0x0], $0xffff;
	[tilespmem:s6+$0xFFFFFE30] =	vst v1  }
0x4a7: {  	[tilespmem:s6+$0xFFFFFE40] =	vst v2;
	v1 =	vld.idx.msk [tilespmem:v8+s3+$0x0], $0xffff  }
0x4a8: {  	[tilespmem:s6+$0xFFFFFE50] =	vst v3;
	v2 =	vld.idx.msk [tilespmem:v9+s3+$0x0], $0xffff  }
0x4a9: {  	[tilespmem:s6+$0xFFFFFE60] =	vst v4;
	v3 =	vld.idx.msk [tilespmem:v10+s3+$0x0], $0xffff  }
0x4aa: {  	[tilespmem:s6+$0xFFFFFE70] =	vst v5;
	v4 =	vld.idx.msk [tilespmem:v11+s3+$0x0], $0xffff  }
0x4ab: {  	[tilespmem:s6+$0xFFFFFE80] =	vst v0;
	v0 =	vld.idx.msk [tilespmem:v12+s3+$0x0], $0xffff  }
0x4ac: {  	[tilespmem:s6+$0xFFFFFE10] =	vst v7;
	v5 =	vld.idx.msk [tilespmem:v13+s3+$0x0], $0xffff  }
0x4ad: {  	[tilespmem:s6+$0xFFFFFE90] =	vst v1;
	v1 =	vld.idx.msk [tilespmem:v6+s3+$0x0], $0xffff  }
0x4ae: {  	[tilespmem:s6+$0xFFFFFEA0] =	vst v2;
	v2 =	vld.idx.msk [tilespmem:v14+s3+$0x0], $0xffff  }
0x4af: {  	[tilespmem:s6+$0xFFFFFEB0] =	vst v3;
	v3 =	vld.idx.msk [tilespmem:v15+s3+$0x0], $0xffff  }
0x4b0: {  	[tilespmem:s6+$0xFFFFFEC0] =	vst v4;
	v4 =	vld.idx.msk [tilespmem:v16+s3+$0x0], $0xffff  }
0x4b1: {  	[tilespmem:s6+$0xFFFFFED0] =	vst v0;
	v0 =	vld.idx.msk [tilespmem:v17+s3+$0x0], $0xffff  }
0x4b2: {  	[tilespmem:s6+$0xFFFFFEE0] =	vst v5;
	v5 =	vld.idx.msk [tilespmem:v18+s3+$0x0], $0xffff  }
0x4b3: {  	[tilespmem:s6+$0xFFFFFEF0] =	vst v1;
	v1 =	vld.idx.msk [tilespmem:v19+s3+$0x0], $0xffff  }
0x4b4: {  	[tilespmem:s6+$0xFFFFFF00] =	vst v2;
	v2 =	vld.idx.msk [tilespmem:v20+s3+$0x0], $0xffff  }
0x4b5: {  	[tilespmem:s6+$0xFFFFFF10] =	vst v3;
	v3 =	vld.idx.msk [tilespmem:v21+s3+$0x0], $0xffff  }
0x4b6: {  	[tilespmem:s6+$0xFFFFFF20] =	vst v4;
	v4 =	vld.idx.msk [tilespmem:v22+s3+$0x0], $0xffff  }
0x4b7: {  	[tilespmem:s6+$0xFFFFFF30] =	vst v0;
	v6 =	vld.idx.msk [tilespmem:v23+s3+$0x0], $0xffff  }
0x4b8: {  	[tilespmem:s6+$0xFFFFFF40] =	vst v5;
	v0 =	vld.idx.msk [tilespmem:v24+s3+$0x0], $0xffff  }
.Ltmp11:
0x4b9: {  	[tilespmem:s6+$0xFFFFFF50] =	vst v1;
	v1 =	vld.idx.msk [tilespmem:v25+s3+$0x0], $0xffff;
	(pc) =	sbr.rel @p3 .LBB2_17-.Ltmp11, $4  }
0x4ba: {  	[tilespmem:s6+$0xFFFFFF60] =	vst v2;
	v2 =	vld.idx.msk [tilespmem:v26+s3+$0x0], $0xffff  }
0x4bb: {  	[tilespmem:s6+$0xFFFFFF70] =	vst v3;
	v3 =	vld.idx.msk [tilespmem:v27+s3+$0x0], $0xffff  }
0x4bc: {  	[tilespmem:s6+$0xFFFFFF80] =	vst v4;
	v4 =	vld.idx.msk [tilespmem:v28+s3+$0x0], $0xffff  }
0x4bd: {  	s9 =	sadd.s32 $0x200, s9;
	[tilespmem:s6+$0xFFFFFF90] =	vst v6;
	v5 =	vld.idx.msk [tilespmem:v29+s3+$0x0], $0xffff  }
0x4be: {  	[tilespmem:s6+$0xFFFFFFA0] =	vst v0  }
0x4bf: {  	[tilespmem:s6+$0xFFFFFFB0] =	vst v1  }
.Ltmp12:
0x4c0: {  	[tilespmem:s6+$0xFFFFFFC0] =	vst v2;
	(pc) =	sbr.rel @p2 .LBB2_19-.Ltmp12, $4  }
0x4c1: {  	[tilespmem:s6+$0xFFFFFFD0] =	vst v3  }
0x4c2: {  	[tilespmem:s6+$0xFFFFFFE0] =	vst v4  }
0x4c3: {  	s17 =	sadd.s32 s8, s15;
	[tilespmem:s6+$0xFFFFFFF0] =	vst v5  }
0x4c4: {  	[hbm4b:s17+s24] =	stream.strided.scatter [tilespmem:s31], [sflag:$0x6], $0x1000, s25, s24, $0x38;
	[tilespmem:$0x1F6A0] =	vst v63  }
0x4c5: {  	p2 =	seq.s32 s19, $0x18  }
.Ltmp13:
0x4c6: {  	_ = 	snop;
	(pc) =	sbr.rel @!p2 .LBB2_21-.Ltmp13, $2  }
0x4c7: {  	_ =	sdelay $0x1  }
0x4c8: {  	[bflag:$0x0] =	sbarrier.arrive $0xFFFF;
	_ =	sdelay $0x1  }
.LBB2_22:
0x4c9: {  	s1 =	rddreg [dreg:$0x9];
	s19 =	simm.s32 $0x8  }
0x4ca: {  	[tilespmem:s3], [sflag:$0x8] =	stream.linear.gather [hbm4b:s1+s3], $0x186A0, $0x38;
	[tilespmem:$0x1F6A0] =	vst v63  }
0x4cb: {  	_ =	swait.ge [sflag:s19], $0x186A0  }
0x4cc: {  	[sflag:s19] =	ssyncset.done $0x0  }
0x4cd: {  	s1 =	simm.s32 @!p0 $0x1C08;
	s6 =	rddreg [dreg:$0xc];
	[sflag:s19] =	ssyncadd.s32 $0xFFFE7960  }
0x4ce: {  	[spmem:s6], [sflag:s1] =	dma.local @!p0 [hbm:s4], $0x1000  }
0x4cf: {  	s1 =	simm.s32 @!p0 $0x8  }
0x4d0: {  	_ =	swait.ge @!p0 [sflag:s1], $0x1000  }
0x4d1: {  	[sflag:s1] =	ssyncset.done @!p0 $0x0  }
.Ltmp14:
0x4d2: {  	[sflag:s1] =	ssyncadd.s32 @!p0 $0xFFFFF000;
	(pc) =	sbr.rel .LBB2_23-.Ltmp14, $4  }
0x4d3: {  	[bflag:$0x0] =	sbarrier.arrive $0xFFFF  }
0x4d4: {  	[tilespmem:s21], [sflag:$0x1] =	stream.linear.gather [spmem:s2], $0x1000, $0x38;
	[tilespmem:$0x1F6A0] =	vst v63  }
0x4d5: {  	s19 =	simm.s32 $0x0;
	s20 =	rddreg [dreg:$0x5]  }
0x4d6: {  	[tilespmem:s22], [sflag:$0x2] =	stream.linear.gather [spmem:s20], $0x1000, $0x38;
	[tilespmem:$0x1F6A0] =	vst v63  }
.LBB2_40:
0x4d7: {  	s1 =	simm.s32 $0x7  }
0x4d8: {  	_ =	swait.ge [sflag:s1], $0x1000  }
0x4d9: {  	[sflag:s1] =	ssyncset.done $0x0  }
0x4da: {  	[sflag:s1] =	ssyncadd.s32 $0xFFFFF000  }
0x4db: {  	[bflag:$0x0] =	sbarrier.arrive $0xFFFF  }
.LBB2_42:
0x4dc: {  	p2 =	sne.s32 s19, $0x19  }
.Ltmp15:
0x4dd: {  	s1 =	sshll.u32 s20, $0xF;
	(pc) =	sbr.rel @!p2 .LBB2_43-.Ltmp15, $4  }
0x4de: {  	s1 =	sadd.s32 s1, s2  }
0x4df: {  	[tilespmem:s21], [sflag:$0x1] =	stream.linear.gather [spmem:s1], $0x1000, $0x38;
	[tilespmem:$0x1F6A0] =	vst v63  }
0x4e0: {  	s1 =	sadd.s32 $0x1000, s1  }
0x4e1: {  	[tilespmem:s22], [sflag:$0x2] =	stream.linear.gather [spmem:s1], $0x1000, $0x38;
	[tilespmem:$0x1F6A0] =	vst v63  }
.LBB2_23:
0x4e2: {  	p2 =	sne.s32 s19, $0x18  }
0x4e3: {  	s1 =	smov.u32 s19;
	s19 =	sadd.s32 $0x1, s19;
	p2 =	por !p1, !p2  }
0x4e4: {  	s20 =	sand.u32 $0x1, s19;
	p2 =	por !p2, !p2  }
0x4e5: {  	s6 =	sshll.u32 @p2 s20, $0xF  }
0x4e6: {  	s7 =	sshll.u32 @p2 s19, $0xC;
	s6 =	sadd.s32 @p2 s6, s2  }
0x4e7: {  	s8 =	simm.s32 @p2 $0x1C07;
	s7 =	sadd.s32 @p2 s4, s7;
	s6 =	sshrl.u32 @p2 s6, $0x3  }
0x4e8: {  	[spmem:s6], [sflag:s8] =	dma.local @p2 [hbm:s7], $0x1000  }
0x4e9: {  	_ =	swait.ge [sflag:s23], $0x1000  }
0x4ea: {  	[sflag:s23] =	ssyncset.done $0x0  }
0x4eb: {  	[sflag:s23] =	ssyncadd.s32 $0xFFFFF000  }
0x4ec: {  	_ =	swait.ge [sflag:s0], $0x1000  }
0x4ed: {  	[sflag:s0] =	ssyncset.done $0x0  }
0x4ee: {  	s17 =	simm.s32 $0x187A0;
	[sflag:s0] =	ssyncadd.s32 $0xFFFFF000  }
0x4ef: {  	v0 =	vld [tilespmem:s17+$0xF0]  }
0x4f0: {  	v1 =	vld [tilespmem:s17+$0xFFFFFF10]  }
0x4f1: {  	v2 =	vld [tilespmem:s17+$0xFFFFFF20]  }
0x4f2: {  	v3 =	vld [tilespmem:s17+$0xFFFFFF30]  }
0x4f3: {  	v4 =	vld [tilespmem:s17+$0xFFFFFF40]  }
0x4f4: {  	v5 =	vld [tilespmem:s17+$0xFFFFFF50]  }
0x4f5: {  	v6 =	vld [tilespmem:s17+$0xFFFFFF60]  }
0x4f6: {  	v7 =	vld [tilespmem:s17+$0xFFFFFF70]  }
0x4f7: {  	v8 =	vld [tilespmem:s17+$0xFFFFFF80]  }
0x4f8: {  	v9 =	vld [tilespmem:s17+$0xFFFFFF90]  }
0x4f9: {  	v10 =	vld [tilespmem:s17+$0xFFFFFFA0]  }
0x4fa: {  	v11 =	vld [tilespmem:s17+$0xFFFFFFB0]  }
0x4fb: {  	v12 =	vld [tilespmem:s17+$0xFFFFFFC0]  }
0x4fc: {  	v13 =	vld [tilespmem:s17+$0xFFFFFFD0]  }
0x4fd: {  	v14 =	vld [tilespmem:s17+$0xFFFFFFE0]  }
0x4fe: {  	v15 =	vld [tilespmem:s17+$0xFFFFFFF0]  }
0x4ff: {  	v16 =	vld [tilespmem:s17+$0x0]  }
0x500: {  	v17 =	vld [tilespmem:s17+$0x10]  }
0x501: {  	v18 =	vld [tilespmem:s17+$0x20]  }
0x502: {  	v19 =	vld [tilespmem:s17+$0x30]  }
0x503: {  	v20 =	vld [tilespmem:s17+$0x40]  }
0x504: {  	v21 =	vld [tilespmem:s17+$0x50]  }
0x505: {  	v22 =	vld [tilespmem:s17+$0x60]  }
0x506: {  	v23 =	vld [tilespmem:s17+$0x70]  }
0x507: {  	v24 =	vld [tilespmem:s17+$0x80]  }
0x508: {  	v25 =	vld [tilespmem:s17+$0x90]  }
0x509: {  	v26 =	vld [tilespmem:s17+$0xA0]  }
0x50a: {  	v27 =	vld [tilespmem:s17+$0xB0]  }
0x50b: {  	v28 =	vld [tilespmem:s17+$0xC0]  }
0x50c: {  	v29 =	vld [tilespmem:s17+$0xD0]  }
0x50d: {  	v30 =	vld [tilespmem:s17+$0xE0]  }
0x50e: {  	v31 =	vld [tilespmem:s17+$0xFFFFFF00]  }
0x50f: {  	v0 =	vld.idx.msk [tilespmem:v0+s3+$0x0], $0xffff  }
0x510: {  	v1 =	vld.idx.msk [tilespmem:v1+s3+$0x0], $0xffff  }
0x511: {  	v2 =	vld.idx.msk [tilespmem:v2+s3+$0x0], $0xffff  }
0x512: {  	v3 =	vld.idx.msk [tilespmem:v3+s3+$0x0], $0xffff  }
0x513: {  	v4 =	vld.idx.msk [tilespmem:v4+s3+$0x0], $0xffff  }
0x514: {  	s17 =	simm.s32 $0x1A7A0;
	v5 =	vld.idx.msk [tilespmem:v5+s3+$0x0], $0xffff  }
0x515: {  	[tilespmem:s17+$0xF0] =	vst v0;
	v0 =	vld.idx.msk [tilespmem:v6+s3+$0x0], $0xffff  }
0x516: {  	[tilespmem:s17+$0xFFFFFF10] =	vst v1;
	v1 =	vld.idx.msk [tilespmem:v7+s3+$0x0], $0xffff  }
0x517: {  	v6 =	vld.idx.msk [tilespmem:v31+s3+$0x0], $0xffff;
	[tilespmem:s17+$0xFFFFFF20] =	vst v2  }
0x518: {  	[tilespmem:s17+$0xFFFFFF30] =	vst v3;
	v2 =	vld.idx.msk [tilespmem:v8+s3+$0x0], $0xffff  }
0x519: {  	[tilespmem:s17+$0xFFFFFF40] =	vst v4;
	v3 =	vld.idx.msk [tilespmem:v9+s3+$0x0], $0xffff  }
0x51a: {  	[tilespmem:s17+$0xFFFFFF50] =	vst v5;
	v4 =	vld.idx.msk [tilespmem:v10+s3+$0x0], $0xffff  }
0x51b: {  	v5 =	vld.idx.msk [tilespmem:v13+s3+$0x0], $0xffff;
	[tilespmem:s17+$0xFFFFFF60] =	vst v0  }
0x51c: {  	v7 =	vld.idx.msk [tilespmem:v24+s3+$0x0], $0xffff;
	[tilespmem:s17+$0xFFFFFF70] =	vst v1  }
0x51d: {  	v0 =	vld.idx.msk [tilespmem:v11+s3+$0x0], $0xffff;
	[tilespmem:s17+$0xFFFFFF00] =	vst v6  }
0x51e: {  	v1 =	vld.idx.msk [tilespmem:v12+s3+$0x0], $0xffff;
	[tilespmem:s17+$0xFFFFFF80] =	vst v2  }
0x51f: {  	v2 =	vld.idx.msk [tilespmem:v14+s3+$0x0], $0xffff;
	[tilespmem:s17+$0xFFFFFF90] =	vst v3  }
0x520: {  	v3 =	vld.idx.msk [tilespmem:v15+s3+$0x0], $0xffff;
	[tilespmem:s17+$0xFFFFFFA0] =	vst v4  }
0x521: {  	v4 =	vld.idx.msk [tilespmem:v16+s3+$0x0], $0xffff;
	[tilespmem:s17+$0xFFFFFFD0] =	vst v5  }
0x522: {  	v5 =	vld.idx.msk [tilespmem:v19+s3+$0x0], $0xffff;
	[tilespmem:s17+$0x80] =	vst v7  }
0x523: {  	v6 =	vld.idx.msk [tilespmem:v23+s3+$0x0], $0xffff;
	[tilespmem:s17+$0xFFFFFFB0] =	vst v0  }
0x524: {  	v0 =	vld.idx.msk [tilespmem:v17+s3+$0x0], $0xffff;
	[tilespmem:s17+$0xFFFFFFC0] =	vst v1  }
0x525: {  	v1 =	vld.idx.msk [tilespmem:v18+s3+$0x0], $0xffff;
	[tilespmem:s17+$0xFFFFFFE0] =	vst v2  }
0x526: {  	v2 =	vld.idx.msk [tilespmem:v20+s3+$0x0], $0xffff;
	[tilespmem:s17+$0xFFFFFFF0] =	vst v3  }
0x527: {  	v3 =	vld.idx.msk [tilespmem:v21+s3+$0x0], $0xffff;
	[tilespmem:s17+$0x0] =	vst v4  }
0x528: {  	v4 =	vld.idx.msk [tilespmem:v22+s3+$0x0], $0xffff;
	[tilespmem:s17+$0x30] =	vst v5  }
0x529: {  	[tilespmem:s17+$0x70] =	vst v6;
	v5 =	vld.idx.msk [tilespmem:v30+s3+$0x0], $0xffff  }
0x52a: {  	[tilespmem:s17+$0x10] =	vst v0;
	v0 =	vld.idx.msk [tilespmem:v25+s3+$0x0], $0xffff  }
0x52b: {  	[tilespmem:s17+$0x20] =	vst v1;
	v1 =	vld.idx.msk [tilespmem:v26+s3+$0x0], $0xffff  }
0x52c: {  	[tilespmem:s17+$0x40] =	vst v2;
	v2 =	vld.idx.msk [tilespmem:v27+s3+$0x0], $0xffff  }
0x52d: {  	[tilespmem:s17+$0x50] =	vst v3;
	v3 =	vld.idx.msk [tilespmem:v28+s3+$0x0], $0xffff  }
0x52e: {  	s6 =	simm.s32 $0x0;
	s7 =	simm.s32 $0x189A0;
	[tilespmem:s17+$0x60] =	vst v4;
	v4 =	vld.idx.msk [tilespmem:v29+s3+$0x0], $0xffff  }
.LBB2_24:
0x52f: {  	v6 =	vld [tilespmem:s7+$0xF0];
	s6 =	sadd.s32 $0x20, s6;
	[tilespmem:s17+$0x90] =	vst v0  }
0x530: {  	v0 =	vld [tilespmem:s7+$0xFFFFFF10];
	p3 =	slt.u32 s6, $0xE0;
	[tilespmem:s17+$0xA0] =	vst v1  }
0x531: {  	v1 =	vld [tilespmem:s7+$0xFFFFFF20];
	[tilespmem:s17+$0xB0] =	vst v2  }
0x532: {  	v2 =	vld [tilespmem:s7+$0xFFFFFF30];
	[tilespmem:s17+$0xC0] =	vst v3  }
0x533: {  	v3 =	vld [tilespmem:s7+$0xFFFFFF40];
	[tilespmem:s17+$0xD0] =	vst v4  }
0x534: {  	v4 =	vld [tilespmem:s7+$0xFFFFFF50];
	[tilespmem:s17+$0xE0] =	vst v5  }
0x535: {  	v5 =	vld [tilespmem:s7+$0xFFFFFF60]  }
0x536: {  	v7 =	vld [tilespmem:s7+$0xFFFFFF70]  }
0x537: {  	v6 =	vld.idx.msk [tilespmem:v6+s3+$0x0], $0xffff  }
0x538: {  	v8 =	vld [tilespmem:s7+$0xFFFFFF80]  }
0x539: {  	v9 =	vld [tilespmem:s7+$0xFFFFFF90]  }
0x53a: {  	v10 =	vld [tilespmem:s7+$0xFFFFFFA0]  }
0x53b: {  	v11 =	vld [tilespmem:s7+$0xFFFFFFB0]  }
0x53c: {  	s17 =	sadd.s32 $0x200, s17;
	v12 =	vld [tilespmem:s7+$0xFFFFFFC0]  }
0x53d: {  	v13 =	vld [tilespmem:s7+$0xFFFFFFD0];
	[tilespmem:s17+$0xF0] =	vst v6  }
0x53e: {  	v6 =	vld [tilespmem:s7+$0xFFFFFFE0]  }
0x53f: {  	v14 =	vld [tilespmem:s7+$0xFFFFFFF0]  }
0x540: {  	v15 =	vld [tilespmem:s7+$0x0]  }
0x541: {  	v16 =	vld [tilespmem:s7+$0x10]  }
0x542: {  	v17 =	vld [tilespmem:s7+$0x20]  }
0x543: {  	v18 =	vld [tilespmem:s7+$0x30]  }
0x544: {  	v19 =	vld [tilespmem:s7+$0x40]  }
0x545: {  	v20 =	vld [tilespmem:s7+$0x50]  }
0x546: {  	v21 =	vld [tilespmem:s7+$0x60]  }
0x547: {  	v22 =	vld [tilespmem:s7+$0x70]  }
0x548: {  	v23 =	vld [tilespmem:s7+$0x80]  }
0x549: {  	v24 =	vld [tilespmem:s7+$0x90]  }
0x54a: {  	v25 =	vld [tilespmem:s7+$0xA0]  }
0x54b: {  	v26 =	vld [tilespmem:s7+$0xB0]  }
0x54c: {  	v27 =	vld [tilespmem:s7+$0xC0]  }
0x54d: {  	v28 =	vld [tilespmem:s7+$0xD0]  }
0x54e: {  	v29 =	vld [tilespmem:s7+$0xE0]  }
0x54f: {  	v30 =	vld [tilespmem:s7+$0xFFFFFF00]  }
0x550: {  	v0 =	vld.idx.msk [tilespmem:v0+s3+$0x0], $0xffff  }
0x551: {  	v1 =	vld.idx.msk [tilespmem:v1+s3+$0x0], $0xffff  }
0x552: {  	v2 =	vld.idx.msk [tilespmem:v2+s3+$0x0], $0xffff  }
0x553: {  	v3 =	vld.idx.msk [tilespmem:v3+s3+$0x0], $0xffff  }
0x554: {  	v4 =	vld.idx.msk [tilespmem:v4+s3+$0x0], $0xffff  }
0x555: {  	v5 =	vld.idx.msk [tilespmem:v5+s3+$0x0], $0xffff  }
0x556: {  	[tilespmem:s17+$0xFFFFFF10] =	vst v0;
	v0 =	vld.idx.msk [tilespmem:v7+s3+$0x0], $0xffff  }
0x557: {  	v7 =	vld.idx.msk [tilespmem:v30+s3+$0x0], $0xffff;
	[tilespmem:s17+$0xFFFFFF20] =	vst v1  }
0x558: {  	[tilespmem:s17+$0xFFFFFF30] =	vst v2;
	v1 =	vld.idx.msk [tilespmem:v8+s3+$0x0], $0xffff  }
0x559: {  	[tilespmem:s17+$0xFFFFFF40] =	vst v3;
	v2 =	vld.idx.msk [tilespmem:v9+s3+$0x0], $0xffff  }
0x55a: {  	[tilespmem:s17+$0xFFFFFF50] =	vst v4;
	v3 =	vld.idx.msk [tilespmem:v10+s3+$0x0], $0xffff  }
0x55b: {  	[tilespmem:s17+$0xFFFFFF60] =	vst v5;
	v4 =	vld.idx.msk [tilespmem:v11+s3+$0x0], $0xffff  }
0x55c: {  	[tilespmem:s17+$0xFFFFFF70] =	vst v0;
	v0 =	vld.idx.msk [tilespmem:v12+s3+$0x0], $0xffff  }
0x55d: {  	[tilespmem:s17+$0xFFFFFF00] =	vst v7;
	v5 =	vld.idx.msk [tilespmem:v13+s3+$0x0], $0xffff  }
0x55e: {  	[tilespmem:s17+$0xFFFFFF80] =	vst v1;
	v1 =	vld.idx.msk [tilespmem:v6+s3+$0x0], $0xffff  }
0x55f: {  	[tilespmem:s17+$0xFFFFFF90] =	vst v2;
	v2 =	vld.idx.msk [tilespmem:v14+s3+$0x0], $0xffff  }
0x560: {  	[tilespmem:s17+$0xFFFFFFA0] =	vst v3;
	v3 =	vld.idx.msk [tilespmem:v15+s3+$0x0], $0xffff  }
0x561: {  	[tilespmem:s17+$0xFFFFFFB0] =	vst v4;
	v4 =	vld.idx.msk [tilespmem:v16+s3+$0x0], $0xffff  }
0x562: {  	[tilespmem:s17+$0xFFFFFFC0] =	vst v0;
	v0 =	vld.idx.msk [tilespmem:v17+s3+$0x0], $0xffff  }
0x563: {  	[tilespmem:s17+$0xFFFFFFD0] =	vst v5;
	v5 =	vld.idx.msk [tilespmem:v18+s3+$0x0], $0xffff  }
0x564: {  	[tilespmem:s17+$0xFFFFFFE0] =	vst v1;
	v1 =	vld.idx.msk [tilespmem:v19+s3+$0x0], $0xffff  }
0x565: {  	[tilespmem:s17+$0xFFFFFFF0] =	vst v2;
	v2 =	vld.idx.msk [tilespmem:v20+s3+$0x0], $0xffff  }
0x566: {  	[tilespmem:s17+$0x0] =	vst v3;
	v3 =	vld.idx.msk [tilespmem:v21+s3+$0x0], $0xffff  }
0x567: {  	[tilespmem:s17+$0x10] =	vst v4;
	v4 =	vld.idx.msk [tilespmem:v22+s3+$0x0], $0xffff  }
0x568: {  	[tilespmem:s17+$0x20] =	vst v0;
	v6 =	vld.idx.msk [tilespmem:v23+s3+$0x0], $0xffff  }
0x569: {  	[tilespmem:s17+$0x30] =	vst v5;
	v0 =	vld.idx.msk [tilespmem:v24+s3+$0x0], $0xffff  }
.Ltmp16:
0x56a: {  	[tilespmem:s17+$0x40] =	vst v1;
	v1 =	vld.idx.msk [tilespmem:v25+s3+$0x0], $0xffff;
	(pc) =	sbr.rel @p3 .LBB2_24-.Ltmp16, $4  }
0x56b: {  	[tilespmem:s17+$0x50] =	vst v2;
	v2 =	vld.idx.msk [tilespmem:v26+s3+$0x0], $0xffff  }
0x56c: {  	[tilespmem:s17+$0x60] =	vst v3;
	v3 =	vld.idx.msk [tilespmem:v27+s3+$0x0], $0xffff  }
0x56d: {  	[tilespmem:s17+$0x70] =	vst v4;
	v4 =	vld.idx.msk [tilespmem:v28+s3+$0x0], $0xffff  }
0x56e: {  	s7 =	sadd.s32 $0x200, s7;
	[tilespmem:s17+$0x80] =	vst v6;
	v5 =	vld.idx.msk [tilespmem:v29+s3+$0x0], $0xffff  }
0x56f: {  	[tilespmem:s17+$0x90] =	vst v0  }
0x570: {  	[tilespmem:s17+$0xA0] =	vst v1  }
0x571: {  	[tilespmem:s17+$0xB0] =	vst v2  }
0x572: {  	[tilespmem:s17+$0xC0] =	vst v3  }
0x573: {  	s6 =	sshll.u32 s1, $0x12;
	s7 =	rddreg [dreg:$0xa];
	[tilespmem:s17+$0xD0] =	vst v4  }
0x574: {  	s6 =	sor.u32 s6, s7;
	s9 =	rddreg [dreg:$0x6]  }
0x575: {  	[tilespmem:s17+$0xE0] =	vst v5;
	s17 =	rddreg [dreg:$0x1];
	s8 =	sor.u32 s9, s6  }
0x576: {  	s7 =	sshll.u32 s1, $0xF;
	s6 =	sadd.s32 s17, s8  }
0x577: {  	[hbm4b:s6+s24] =	stream.strided.scatter [tilespmem:s26], [sflag:$0x3], $0x1000, s25, s24, $0x38;
	[tilespmem:$0x1F6A0] =	vst v63  }
0x578: {  	s6 =	sand.u32 $0x8000, s7  }
0x579: {  	s17 =	sadd.s32 s6, s2  }
0x57a: {  	s6 =	sadd.s32 $0x2000, s17  }
0x57b: {  	[tilespmem:s21], [sflag:$0x1] =	stream.linear.gather [spmem:s6], $0x1000, $0x38;
	[tilespmem:$0x1F6A0] =	vst v63  }
0x57c: {  	_ =	swait.ge [sflag:s28], $0x1000  }
0x57d: {  	[sflag:s28] =	ssyncset.done $0x0  }
0x57e: {  	[sflag:s28] =	ssyncadd.s32 $0xFFFFF000  }
0x57f: {  	_ =	swait.ge [sflag:s5], $0x1000  }
0x580: {  	[sflag:s5] =	ssyncset.done $0x0  }
0x581: {  	s9 =	simm.s32 $0x19890;
	[sflag:s5] =	ssyncadd.s32 $0xFFFFF000  }
0x582: {  	v0 =	vld [tilespmem:s9+$0x0]  }
0x583: {  	v1 =	vld [tilespmem:s9+$0xFFFFFE20]  }
0x584: {  	v2 =	vld [tilespmem:s9+$0xFFFFFE30]  }
0x585: {  	v3 =	vld [tilespmem:s9+$0xFFFFFE40]  }
0x586: {  	v4 =	vld [tilespmem:s9+$0xFFFFFE50]  }
0x587: {  	v5 =	vld [tilespmem:s9+$0xFFFFFE60]  }
0x588: {  	v6 =	vld [tilespmem:s9+$0xFFFFFE70]  }
0x589: {  	v7 =	vld [tilespmem:s9+$0xFFFFFE80]  }
0x58a: {  	v8 =	vld [tilespmem:s9+$0xFFFFFE90]  }
0x58b: {  	v9 =	vld [tilespmem:s9+$0xFFFFFEA0]  }
0x58c: {  	v10 =	vld [tilespmem:s9+$0xFFFFFEB0]  }
0x58d: {  	v11 =	vld [tilespmem:s9+$0xFFFFFEC0]  }
0x58e: {  	v12 =	vld [tilespmem:s9+$0xFFFFFED0]  }
0x58f: {  	v13 =	vld [tilespmem:s9+$0xFFFFFEE0]  }
0x590: {  	v14 =	vld [tilespmem:s9+$0xFFFFFEF0]  }
0x591: {  	v15 =	vld [tilespmem:s9+$0xFFFFFF00]  }
0x592: {  	v16 =	vld [tilespmem:s9+$0xFFFFFF10]  }
0x593: {  	v17 =	vld [tilespmem:s9+$0xFFFFFF20]  }
0x594: {  	v18 =	vld [tilespmem:s9+$0xFFFFFF30]  }
0x595: {  	v19 =	vld [tilespmem:s9+$0xFFFFFF40]  }
0x596: {  	v20 =	vld [tilespmem:s9+$0xFFFFFF50]  }
0x597: {  	v21 =	vld [tilespmem:s9+$0xFFFFFF60]  }
0x598: {  	v22 =	vld [tilespmem:s9+$0xFFFFFF70]  }
0x599: {  	v23 =	vld [tilespmem:s9+$0xFFFFFF80]  }
0x59a: {  	v24 =	vld [tilespmem:s9+$0xFFFFFF90]  }
0x59b: {  	v25 =	vld [tilespmem:s9+$0xFFFFFFA0]  }
0x59c: {  	v26 =	vld [tilespmem:s9+$0xFFFFFFB0]  }
0x59d: {  	v27 =	vld [tilespmem:s9+$0xFFFFFFC0]  }
0x59e: {  	v28 =	vld [tilespmem:s9+$0xFFFFFFD0]  }
0x59f: {  	v29 =	vld [tilespmem:s9+$0xFFFFFFE0]  }
0x5a0: {  	v30 =	vld [tilespmem:s9+$0xFFFFFFF0]  }
0x5a1: {  	v31 =	vld [tilespmem:s9+$0xFFFFFE10]  }
0x5a2: {  	v0 =	vld.idx.msk [tilespmem:v0+s3+$0x0], $0xffff  }
0x5a3: {  	v1 =	vld.idx.msk [tilespmem:v1+s3+$0x0], $0xffff  }
0x5a4: {  	v2 =	vld.idx.msk [tilespmem:v2+s3+$0x0], $0xffff  }
0x5a5: {  	v3 =	vld.idx.msk [tilespmem:v3+s3+$0x0], $0xffff  }
0x5a6: {  	v4 =	vld.idx.msk [tilespmem:v4+s3+$0x0], $0xffff  }
0x5a7: {  	s6 =	simm.s32 $0x1B890;
	v5 =	vld.idx.msk [tilespmem:v5+s3+$0x0], $0xffff  }
0x5a8: {  	[tilespmem:s6+$0x0] =	vst v0;
	v0 =	vld.idx.msk [tilespmem:v6+s3+$0x0], $0xffff  }
0x5a9: {  	[tilespmem:s6+$0xFFFFFE20] =	vst v1;
	v1 =	vld.idx.msk [tilespmem:v7+s3+$0x0], $0xffff  }
0x5aa: {  	v6 =	vld.idx.msk [tilespmem:v31+s3+$0x0], $0xffff;
	[tilespmem:s6+$0xFFFFFE30] =	vst v2  }
0x5ab: {  	[tilespmem:s6+$0xFFFFFE40] =	vst v3;
	v2 =	vld.idx.msk [tilespmem:v8+s3+$0x0], $0xffff  }
0x5ac: {  	[tilespmem:s6+$0xFFFFFE50] =	vst v4;
	v3 =	vld.idx.msk [tilespmem:v9+s3+$0x0], $0xffff  }
0x5ad: {  	[tilespmem:s6+$0xFFFFFE60] =	vst v5;
	v4 =	vld.idx.msk [tilespmem:v10+s3+$0x0], $0xffff  }
0x5ae: {  	v5 =	vld.idx.msk [tilespmem:v13+s3+$0x0], $0xffff;
	[tilespmem:s6+$0xFFFFFE70] =	vst v0  }
0x5af: {  	v7 =	vld.idx.msk [tilespmem:v24+s3+$0x0], $0xffff;
	[tilespmem:s6+$0xFFFFFE80] =	vst v1  }
0x5b0: {  	v0 =	vld.idx.msk [tilespmem:v11+s3+$0x0], $0xffff;
	[tilespmem:s6+$0xFFFFFE10] =	vst v6  }
0x5b1: {  	v1 =	vld.idx.msk [tilespmem:v12+s3+$0x0], $0xffff;
	[tilespmem:s6+$0xFFFFFE90] =	vst v2  }
0x5b2: {  	v2 =	vld.idx.msk [tilespmem:v14+s3+$0x0], $0xffff;
	[tilespmem:s6+$0xFFFFFEA0] =	vst v3  }
0x5b3: {  	v3 =	vld.idx.msk [tilespmem:v15+s3+$0x0], $0xffff;
	[tilespmem:s6+$0xFFFFFEB0] =	vst v4  }
0x5b4: {  	v4 =	vld.idx.msk [tilespmem:v16+s3+$0x0], $0xffff;
	[tilespmem:s6+$0xFFFFFEE0] =	vst v5  }
0x5b5: {  	v5 =	vld.idx.msk [tilespmem:v19+s3+$0x0], $0xffff;
	[tilespmem:s6+$0xFFFFFF90] =	vst v7  }
0x5b6: {  	v6 =	vld.idx.msk [tilespmem:v23+s3+$0x0], $0xffff;
	[tilespmem:s6+$0xFFFFFEC0] =	vst v0  }
0x5b7: {  	v0 =	vld.idx.msk [tilespmem:v17+s3+$0x0], $0xffff;
	[tilespmem:s6+$0xFFFFFED0] =	vst v1  }
0x5b8: {  	v1 =	vld.idx.msk [tilespmem:v18+s3+$0x0], $0xffff;
	[tilespmem:s6+$0xFFFFFEF0] =	vst v2  }
0x5b9: {  	v2 =	vld.idx.msk [tilespmem:v20+s3+$0x0], $0xffff;
	[tilespmem:s6+$0xFFFFFF00] =	vst v3  }
0x5ba: {  	v3 =	vld.idx.msk [tilespmem:v21+s3+$0x0], $0xffff;
	[tilespmem:s6+$0xFFFFFF10] =	vst v4  }
0x5bb: {  	v4 =	vld.idx.msk [tilespmem:v22+s3+$0x0], $0xffff;
	[tilespmem:s6+$0xFFFFFF40] =	vst v5  }
0x5bc: {  	[tilespmem:s6+$0xFFFFFF80] =	vst v6;
	v5 =	vld.idx.msk [tilespmem:v30+s3+$0x0], $0xffff  }
0x5bd: {  	[tilespmem:s6+$0xFFFFFF20] =	vst v0;
	v0 =	vld.idx.msk [tilespmem:v25+s3+$0x0], $0xffff  }
0x5be: {  	[tilespmem:s6+$0xFFFFFF30] =	vst v1;
	v1 =	vld.idx.msk [tilespmem:v26+s3+$0x0], $0xffff  }
0x5bf: {  	[tilespmem:s6+$0xFFFFFF50] =	vst v2;
	v2 =	vld.idx.msk [tilespmem:v27+s3+$0x0], $0xffff  }
0x5c0: {  	[tilespmem:s6+$0xFFFFFF60] =	vst v3;
	v3 =	vld.idx.msk [tilespmem:v28+s3+$0x0], $0xffff  }
0x5c1: {  	s7 =	simm.s32 $0x0;
	s9 =	simm.s32 $0x19A90;
	[tilespmem:s6+$0xFFFFFF70] =	vst v4;
	v4 =	vld.idx.msk [tilespmem:v29+s3+$0x0], $0xffff  }
.LBB2_26:
0x5c2: {  	v6 =	vld [tilespmem:s9+$0x0];
	s7 =	sadd.s32 $0x20, s7;
	[tilespmem:s6+$0xFFFFFFA0] =	vst v0  }
0x5c3: {  	v0 =	vld [tilespmem:s9+$0xFFFFFE20];
	p3 =	slt.u32 s7, $0xE0;
	[tilespmem:s6+$0xFFFFFFB0] =	vst v1  }
0x5c4: {  	v1 =	vld [tilespmem:s9+$0xFFFFFE30];
	[tilespmem:s6+$0xFFFFFFC0] =	vst v2  }
0x5c5: {  	v2 =	vld [tilespmem:s9+$0xFFFFFE40];
	[tilespmem:s6+$0xFFFFFFD0] =	vst v3  }
0x5c6: {  	v3 =	vld [tilespmem:s9+$0xFFFFFE50];
	[tilespmem:s6+$0xFFFFFFE0] =	vst v4  }
0x5c7: {  	v4 =	vld [tilespmem:s9+$0xFFFFFE60];
	[tilespmem:s6+$0xFFFFFFF0] =	vst v5  }
0x5c8: {  	v5 =	vld [tilespmem:s9+$0xFFFFFE70]  }
0x5c9: {  	v7 =	vld [tilespmem:s9+$0xFFFFFE80]  }
0x5ca: {  	v6 =	vld.idx.msk [tilespmem:v6+s3+$0x0], $0xffff  }
0x5cb: {  	v8 =	vld [tilespmem:s9+$0xFFFFFE90]  }
0x5cc: {  	v9 =	vld [tilespmem:s9+$0xFFFFFEA0]  }
0x5cd: {  	v10 =	vld [tilespmem:s9+$0xFFFFFEB0]  }
0x5ce: {  	v11 =	vld [tilespmem:s9+$0xFFFFFEC0]  }
0x5cf: {  	s6 =	sadd.s32 $0x200, s6;
	v12 =	vld [tilespmem:s9+$0xFFFFFED0]  }
0x5d0: {  	v13 =	vld [tilespmem:s9+$0xFFFFFEE0];
	[tilespmem:s6+$0x0] =	vst v6  }
0x5d1: {  	v6 =	vld [tilespmem:s9+$0xFFFFFEF0]  }
0x5d2: {  	v14 =	vld [tilespmem:s9+$0xFFFFFF00]  }
0x5d3: {  	v15 =	vld [tilespmem:s9+$0xFFFFFF10]  }
0x5d4: {  	v16 =	vld [tilespmem:s9+$0xFFFFFF20]  }
0x5d5: {  	v17 =	vld [tilespmem:s9+$0xFFFFFF30]  }
0x5d6: {  	v18 =	vld [tilespmem:s9+$0xFFFFFF40]  }
0x5d7: {  	v19 =	vld [tilespmem:s9+$0xFFFFFF50]  }
0x5d8: {  	v20 =	vld [tilespmem:s9+$0xFFFFFF60]  }
0x5d9: {  	v21 =	vld [tilespmem:s9+$0xFFFFFF70]  }
0x5da: {  	v22 =	vld [tilespmem:s9+$0xFFFFFF80]  }
0x5db: {  	v23 =	vld [tilespmem:s9+$0xFFFFFF90]  }
0x5dc: {  	v24 =	vld [tilespmem:s9+$0xFFFFFFA0]  }
0x5dd: {  	v25 =	vld [tilespmem:s9+$0xFFFFFFB0]  }
0x5de: {  	v26 =	vld [tilespmem:s9+$0xFFFFFFC0]  }
0x5df: {  	v27 =	vld [tilespmem:s9+$0xFFFFFFD0]  }
0x5e0: {  	v28 =	vld [tilespmem:s9+$0xFFFFFFE0]  }
0x5e1: {  	v29 =	vld [tilespmem:s9+$0xFFFFFFF0]  }
0x5e2: {  	v30 =	vld [tilespmem:s9+$0xFFFFFE10]  }
0x5e3: {  	v0 =	vld.idx.msk [tilespmem:v0+s3+$0x0], $0xffff  }
0x5e4: {  	v1 =	vld.idx.msk [tilespmem:v1+s3+$0x0], $0xffff  }
0x5e5: {  	v2 =	vld.idx.msk [tilespmem:v2+s3+$0x0], $0xffff  }
0x5e6: {  	v3 =	vld.idx.msk [tilespmem:v3+s3+$0x0], $0xffff  }
0x5e7: {  	v4 =	vld.idx.msk [tilespmem:v4+s3+$0x0], $0xffff  }
0x5e8: {  	v5 =	vld.idx.msk [tilespmem:v5+s3+$0x0], $0xffff  }
0x5e9: {  	[tilespmem:s6+$0xFFFFFE20] =	vst v0;
	v0 =	vld.idx.msk [tilespmem:v7+s3+$0x0], $0xffff  }
0x5ea: {  	v7 =	vld.idx.msk [tilespmem:v30+s3+$0x0], $0xffff;
	[tilespmem:s6+$0xFFFFFE30] =	vst v1  }
0x5eb: {  	[tilespmem:s6+$0xFFFFFE40] =	vst v2;
	v1 =	vld.idx.msk [tilespmem:v8+s3+$0x0], $0xffff  }
0x5ec: {  	[tilespmem:s6+$0xFFFFFE50] =	vst v3;
	v2 =	vld.idx.msk [tilespmem:v9+s3+$0x0], $0xffff  }
0x5ed: {  	[tilespmem:s6+$0xFFFFFE60] =	vst v4;
	v3 =	vld.idx.msk [tilespmem:v10+s3+$0x0], $0xffff  }
0x5ee: {  	[tilespmem:s6+$0xFFFFFE70] =	vst v5;
	v4 =	vld.idx.msk [tilespmem:v11+s3+$0x0], $0xffff  }
0x5ef: {  	[tilespmem:s6+$0xFFFFFE80] =	vst v0;
	v0 =	vld.idx.msk [tilespmem:v12+s3+$0x0], $0xffff  }
0x5f0: {  	[tilespmem:s6+$0xFFFFFE10] =	vst v7;
	v5 =	vld.idx.msk [tilespmem:v13+s3+$0x0], $0xffff  }
0x5f1: {  	[tilespmem:s6+$0xFFFFFE90] =	vst v1;
	v1 =	vld.idx.msk [tilespmem:v6+s3+$0x0], $0xffff  }
0x5f2: {  	[tilespmem:s6+$0xFFFFFEA0] =	vst v2;
	v2 =	vld.idx.msk [tilespmem:v14+s3+$0x0], $0xffff  }
0x5f3: {  	[tilespmem:s6+$0xFFFFFEB0] =	vst v3;
	v3 =	vld.idx.msk [tilespmem:v15+s3+$0x0], $0xffff  }
0x5f4: {  	[tilespmem:s6+$0xFFFFFEC0] =	vst v4;
	v4 =	vld.idx.msk [tilespmem:v16+s3+$0x0], $0xffff  }
0x5f5: {  	[tilespmem:s6+$0xFFFFFED0] =	vst v0;
	v0 =	vld.idx.msk [tilespmem:v17+s3+$0x0], $0xffff  }
0x5f6: {  	[tilespmem:s6+$0xFFFFFEE0] =	vst v5;
	v5 =	vld.idx.msk [tilespmem:v18+s3+$0x0], $0xffff  }
0x5f7: {  	[tilespmem:s6+$0xFFFFFEF0] =	vst v1;
	v1 =	vld.idx.msk [tilespmem:v19+s3+$0x0], $0xffff  }
0x5f8: {  	[tilespmem:s6+$0xFFFFFF00] =	vst v2;
	v2 =	vld.idx.msk [tilespmem:v20+s3+$0x0], $0xffff  }
0x5f9: {  	[tilespmem:s6+$0xFFFFFF10] =	vst v3;
	v3 =	vld.idx.msk [tilespmem:v21+s3+$0x0], $0xffff  }
0x5fa: {  	[tilespmem:s6+$0xFFFFFF20] =	vst v4;
	v4 =	vld.idx.msk [tilespmem:v22+s3+$0x0], $0xffff  }
0x5fb: {  	[tilespmem:s6+$0xFFFFFF30] =	vst v0;
	v6 =	vld.idx.msk [tilespmem:v23+s3+$0x0], $0xffff  }
0x5fc: {  	[tilespmem:s6+$0xFFFFFF40] =	vst v5;
	v0 =	vld.idx.msk [tilespmem:v24+s3+$0x0], $0xffff  }
.Ltmp17:
0x5fd: {  	[tilespmem:s6+$0xFFFFFF50] =	vst v1;
	v1 =	vld.idx.msk [tilespmem:v25+s3+$0x0], $0xffff;
	(pc) =	sbr.rel @p3 .LBB2_26-.Ltmp17, $4  }
0x5fe: {  	[tilespmem:s6+$0xFFFFFF60] =	vst v2;
	v2 =	vld.idx.msk [tilespmem:v26+s3+$0x0], $0xffff  }
0x5ff: {  	[tilespmem:s6+$0xFFFFFF70] =	vst v3;
	v3 =	vld.idx.msk [tilespmem:v27+s3+$0x0], $0xffff  }
0x600: {  	[tilespmem:s6+$0xFFFFFF80] =	vst v4;
	v4 =	vld.idx.msk [tilespmem:v28+s3+$0x0], $0xffff  }
0x601: {  	s9 =	sadd.s32 $0x200, s9;
	[tilespmem:s6+$0xFFFFFF90] =	vst v6;
	v5 =	vld.idx.msk [tilespmem:v29+s3+$0x0], $0xffff  }
0x602: {  	[tilespmem:s6+$0xFFFFFFA0] =	vst v0  }
0x603: {  	[tilespmem:s6+$0xFFFFFFB0] =	vst v1  }
0x604: {  	[tilespmem:s6+$0xFFFFFFC0] =	vst v2  }
0x605: {  	[tilespmem:s6+$0xFFFFFFD0] =	vst v3  }
0x606: {  	[tilespmem:s6+$0xFFFFFFE0] =	vst v4  }
0x607: {  	[tilespmem:s6+$0xFFFFFFF0] =	vst v5  }
0x608: {  	s6 =	rddreg [dreg:$0x8]  }
0x609: {  	s6 =	sadd.s32 s8, s6  }
0x60a: {  	[hbm4b:s6+s24] =	stream.strided.scatter [tilespmem:s29], [sflag:$0x4], $0x1000, s25, s24, $0x38;
	[tilespmem:$0x1F6A0] =	vst v63  }
0x60b: {  	s7 =	sadd.s32 $0x3000, s17  }
0x60c: {  	[tilespmem:s22], [sflag:$0x2] =	stream.linear.gather [spmem:s7], $0x1000, $0x38;
	[tilespmem:$0x1F6A0] =	vst v63  }
0x60d: {  	_ =	swait.ge [sflag:s23], $0x1000  }
0x60e: {  	[sflag:s23] =	ssyncset.done $0x0  }
0x60f: {  	[sflag:s23] =	ssyncadd.s32 $0xFFFFF000  }
0x610: {  	_ =	swait.ge [sflag:s16], $0x1000  }
0x611: {  	[sflag:s16] =	ssyncset.done $0x0  }
0x612: {  	s9 =	simm.s32 $0x187A0;
	[sflag:s16] =	ssyncadd.s32 $0xFFFFF000  }
0x613: {  	v0 =	vld [tilespmem:s9+$0xF0]  }
0x614: {  	v1 =	vld [tilespmem:s9+$0xFFFFFF10]  }
0x615: {  	v2 =	vld [tilespmem:s9+$0xFFFFFF20]  }
0x616: {  	v3 =	vld [tilespmem:s9+$0xFFFFFF30]  }
0x617: {  	v4 =	vld [tilespmem:s9+$0xFFFFFF40]  }
0x618: {  	v5 =	vld [tilespmem:s9+$0xFFFFFF50]  }
0x619: {  	v6 =	vld [tilespmem:s9+$0xFFFFFF60]  }
0x61a: {  	v7 =	vld [tilespmem:s9+$0xFFFFFF70]  }
0x61b: {  	v8 =	vld [tilespmem:s9+$0xFFFFFF80]  }
0x61c: {  	v9 =	vld [tilespmem:s9+$0xFFFFFF90]  }
0x61d: {  	v10 =	vld [tilespmem:s9+$0xFFFFFFA0]  }
0x61e: {  	v11 =	vld [tilespmem:s9+$0xFFFFFFB0]  }
0x61f: {  	v12 =	vld [tilespmem:s9+$0xFFFFFFC0]  }
0x620: {  	v13 =	vld [tilespmem:s9+$0xFFFFFFD0]  }
0x621: {  	v14 =	vld [tilespmem:s9+$0xFFFFFFE0]  }
0x622: {  	v15 =	vld [tilespmem:s9+$0xFFFFFFF0]  }
0x623: {  	v16 =	vld [tilespmem:s9+$0x0]  }
0x624: {  	v17 =	vld [tilespmem:s9+$0x10]  }
0x625: {  	v18 =	vld [tilespmem:s9+$0x20]  }
0x626: {  	v19 =	vld [tilespmem:s9+$0x30]  }
0x627: {  	v20 =	vld [tilespmem:s9+$0x40]  }
0x628: {  	v21 =	vld [tilespmem:s9+$0x50]  }
0x629: {  	v22 =	vld [tilespmem:s9+$0x60]  }
0x62a: {  	v23 =	vld [tilespmem:s9+$0x70]  }
0x62b: {  	v24 =	vld [tilespmem:s9+$0x80]  }
0x62c: {  	v25 =	vld [tilespmem:s9+$0x90]  }
0x62d: {  	v26 =	vld [tilespmem:s9+$0xA0]  }
0x62e: {  	v27 =	vld [tilespmem:s9+$0xB0]  }
0x62f: {  	v28 =	vld [tilespmem:s9+$0xC0]  }
0x630: {  	v29 =	vld [tilespmem:s9+$0xD0]  }
0x631: {  	v30 =	vld [tilespmem:s9+$0xE0]  }
0x632: {  	v31 =	vld [tilespmem:s9+$0xFFFFFF00]  }
0x633: {  	v0 =	vld.idx.msk [tilespmem:v0+s3+$0x0], $0xffff  }
0x634: {  	v1 =	vld.idx.msk [tilespmem:v1+s3+$0x0], $0xffff  }
0x635: {  	v2 =	vld.idx.msk [tilespmem:v2+s3+$0x0], $0xffff  }
0x636: {  	v3 =	vld.idx.msk [tilespmem:v3+s3+$0x0], $0xffff  }
0x637: {  	v4 =	vld.idx.msk [tilespmem:v4+s3+$0x0], $0xffff  }
0x638: {  	s6 =	simm.s32 $0x1C890;
	v5 =	vld.idx.msk [tilespmem:v5+s3+$0x0], $0xffff  }
0x639: {  	[tilespmem:s6+$0x0] =	vst v0;
	v0 =	vld.idx.msk [tilespmem:v6+s3+$0x0], $0xffff  }
0x63a: {  	[tilespmem:s6+$0xFFFFFE20] =	vst v1;
	v1 =	vld.idx.msk [tilespmem:v7+s3+$0x0], $0xffff  }
0x63b: {  	v6 =	vld.idx.msk [tilespmem:v31+s3+$0x0], $0xffff;
	[tilespmem:s6+$0xFFFFFE30] =	vst v2  }
0x63c: {  	[tilespmem:s6+$0xFFFFFE40] =	vst v3;
	v2 =	vld.idx.msk [tilespmem:v8+s3+$0x0], $0xffff  }
0x63d: {  	[tilespmem:s6+$0xFFFFFE50] =	vst v4;
	v3 =	vld.idx.msk [tilespmem:v9+s3+$0x0], $0xffff  }
0x63e: {  	[tilespmem:s6+$0xFFFFFE60] =	vst v5;
	v4 =	vld.idx.msk [tilespmem:v10+s3+$0x0], $0xffff  }
0x63f: {  	v5 =	vld.idx.msk [tilespmem:v13+s3+$0x0], $0xffff;
	[tilespmem:s6+$0xFFFFFE70] =	vst v0  }
0x640: {  	v7 =	vld.idx.msk [tilespmem:v24+s3+$0x0], $0xffff;
	[tilespmem:s6+$0xFFFFFE80] =	vst v1  }
0x641: {  	v0 =	vld.idx.msk [tilespmem:v11+s3+$0x0], $0xffff;
	[tilespmem:s6+$0xFFFFFE10] =	vst v6  }
0x642: {  	v1 =	vld.idx.msk [tilespmem:v12+s3+$0x0], $0xffff;
	[tilespmem:s6+$0xFFFFFE90] =	vst v2  }
0x643: {  	v2 =	vld.idx.msk [tilespmem:v14+s3+$0x0], $0xffff;
	[tilespmem:s6+$0xFFFFFEA0] =	vst v3  }
0x644: {  	v3 =	vld.idx.msk [tilespmem:v15+s3+$0x0], $0xffff;
	[tilespmem:s6+$0xFFFFFEB0] =	vst v4  }
0x645: {  	v4 =	vld.idx.msk [tilespmem:v16+s3+$0x0], $0xffff;
	[tilespmem:s6+$0xFFFFFEE0] =	vst v5  }
0x646: {  	v5 =	vld.idx.msk [tilespmem:v19+s3+$0x0], $0xffff;
	[tilespmem:s6+$0xFFFFFF90] =	vst v7  }
0x647: {  	v6 =	vld.idx.msk [tilespmem:v23+s3+$0x0], $0xffff;
	[tilespmem:s6+$0xFFFFFEC0] =	vst v0  }
0x648: {  	v0 =	vld.idx.msk [tilespmem:v17+s3+$0x0], $0xffff;
	[tilespmem:s6+$0xFFFFFED0] =	vst v1  }
0x649: {  	v1 =	vld.idx.msk [tilespmem:v18+s3+$0x0], $0xffff;
	[tilespmem:s6+$0xFFFFFEF0] =	vst v2  }
0x64a: {  	v2 =	vld.idx.msk [tilespmem:v20+s3+$0x0], $0xffff;
	[tilespmem:s6+$0xFFFFFF00] =	vst v3  }
0x64b: {  	v3 =	vld.idx.msk [tilespmem:v21+s3+$0x0], $0xffff;
	[tilespmem:s6+$0xFFFFFF10] =	vst v4  }
0x64c: {  	v4 =	vld.idx.msk [tilespmem:v22+s3+$0x0], $0xffff;
	[tilespmem:s6+$0xFFFFFF40] =	vst v5  }
0x64d: {  	[tilespmem:s6+$0xFFFFFF80] =	vst v6;
	v5 =	vld.idx.msk [tilespmem:v30+s3+$0x0], $0xffff  }
0x64e: {  	[tilespmem:s6+$0xFFFFFF20] =	vst v0;
	v0 =	vld.idx.msk [tilespmem:v25+s3+$0x0], $0xffff  }
0x64f: {  	[tilespmem:s6+$0xFFFFFF30] =	vst v1;
	v1 =	vld.idx.msk [tilespmem:v26+s3+$0x0], $0xffff  }
0x650: {  	[tilespmem:s6+$0xFFFFFF50] =	vst v2;
	v2 =	vld.idx.msk [tilespmem:v27+s3+$0x0], $0xffff  }
0x651: {  	[tilespmem:s6+$0xFFFFFF60] =	vst v3;
	v3 =	vld.idx.msk [tilespmem:v28+s3+$0x0], $0xffff  }
0x652: {  	s7 =	simm.s32 $0x0;
	s9 =	simm.s32 $0x189A0;
	[tilespmem:s6+$0xFFFFFF70] =	vst v4;
	v4 =	vld.idx.msk [tilespmem:v29+s3+$0x0], $0xffff  }
.LBB2_28:
0x653: {  	v6 =	vld [tilespmem:s9+$0xF0];
	s7 =	sadd.s32 $0x20, s7;
	[tilespmem:s6+$0xFFFFFFA0] =	vst v0  }
0x654: {  	v0 =	vld [tilespmem:s9+$0xFFFFFF10];
	p3 =	slt.u32 s7, $0xE0;
	[tilespmem:s6+$0xFFFFFFB0] =	vst v1  }
0x655: {  	v1 =	vld [tilespmem:s9+$0xFFFFFF20];
	[tilespmem:s6+$0xFFFFFFC0] =	vst v2  }
0x656: {  	v2 =	vld [tilespmem:s9+$0xFFFFFF30];
	[tilespmem:s6+$0xFFFFFFD0] =	vst v3  }
0x657: {  	v3 =	vld [tilespmem:s9+$0xFFFFFF40];
	[tilespmem:s6+$0xFFFFFFE0] =	vst v4  }
0x658: {  	v4 =	vld [tilespmem:s9+$0xFFFFFF50];
	[tilespmem:s6+$0xFFFFFFF0] =	vst v5  }
0x659: {  	v5 =	vld [tilespmem:s9+$0xFFFFFF60]  }
0x65a: {  	v7 =	vld [tilespmem:s9+$0xFFFFFF70]  }
0x65b: {  	v6 =	vld.idx.msk [tilespmem:v6+s3+$0x0], $0xffff  }
0x65c: {  	v8 =	vld [tilespmem:s9+$0xFFFFFF80]  }
0x65d: {  	v9 =	vld [tilespmem:s9+$0xFFFFFF90]  }
0x65e: {  	v10 =	vld [tilespmem:s9+$0xFFFFFFA0]  }
0x65f: {  	v11 =	vld [tilespmem:s9+$0xFFFFFFB0]  }
0x660: {  	s6 =	sadd.s32 $0x200, s6;
	v12 =	vld [tilespmem:s9+$0xFFFFFFC0]  }
0x661: {  	v13 =	vld [tilespmem:s9+$0xFFFFFFD0];
	[tilespmem:s6+$0x0] =	vst v6  }
0x662: {  	v6 =	vld [tilespmem:s9+$0xFFFFFFE0]  }
0x663: {  	v14 =	vld [tilespmem:s9+$0xFFFFFFF0]  }
0x664: {  	v15 =	vld [tilespmem:s9+$0x0]  }
0x665: {  	v16 =	vld [tilespmem:s9+$0x10]  }
0x666: {  	v17 =	vld [tilespmem:s9+$0x20]  }
0x667: {  	v18 =	vld [tilespmem:s9+$0x30]  }
0x668: {  	v19 =	vld [tilespmem:s9+$0x40]  }
0x669: {  	v20 =	vld [tilespmem:s9+$0x50]  }
0x66a: {  	v21 =	vld [tilespmem:s9+$0x60]  }
0x66b: {  	v22 =	vld [tilespmem:s9+$0x70]  }
0x66c: {  	v23 =	vld [tilespmem:s9+$0x80]  }
0x66d: {  	v24 =	vld [tilespmem:s9+$0x90]  }
0x66e: {  	v25 =	vld [tilespmem:s9+$0xA0]  }
0x66f: {  	v26 =	vld [tilespmem:s9+$0xB0]  }
0x670: {  	v27 =	vld [tilespmem:s9+$0xC0]  }
0x671: {  	v28 =	vld [tilespmem:s9+$0xD0]  }
0x672: {  	v29 =	vld [tilespmem:s9+$0xE0]  }
0x673: {  	v30 =	vld [tilespmem:s9+$0xFFFFFF00]  }
0x674: {  	v0 =	vld.idx.msk [tilespmem:v0+s3+$0x0], $0xffff  }
0x675: {  	v1 =	vld.idx.msk [tilespmem:v1+s3+$0x0], $0xffff  }
0x676: {  	v2 =	vld.idx.msk [tilespmem:v2+s3+$0x0], $0xffff  }
0x677: {  	v3 =	vld.idx.msk [tilespmem:v3+s3+$0x0], $0xffff  }
0x678: {  	v4 =	vld.idx.msk [tilespmem:v4+s3+$0x0], $0xffff  }
0x679: {  	v5 =	vld.idx.msk [tilespmem:v5+s3+$0x0], $0xffff  }
0x67a: {  	[tilespmem:s6+$0xFFFFFE20] =	vst v0;
	v0 =	vld.idx.msk [tilespmem:v7+s3+$0x0], $0xffff  }
0x67b: {  	v7 =	vld.idx.msk [tilespmem:v30+s3+$0x0], $0xffff;
	[tilespmem:s6+$0xFFFFFE30] =	vst v1  }
0x67c: {  	[tilespmem:s6+$0xFFFFFE40] =	vst v2;
	v1 =	vld.idx.msk [tilespmem:v8+s3+$0x0], $0xffff  }
0x67d: {  	[tilespmem:s6+$0xFFFFFE50] =	vst v3;
	v2 =	vld.idx.msk [tilespmem:v9+s3+$0x0], $0xffff  }
0x67e: {  	[tilespmem:s6+$0xFFFFFE60] =	vst v4;
	v3 =	vld.idx.msk [tilespmem:v10+s3+$0x0], $0xffff  }
0x67f: {  	[tilespmem:s6+$0xFFFFFE70] =	vst v5;
	v4 =	vld.idx.msk [tilespmem:v11+s3+$0x0], $0xffff  }
0x680: {  	[tilespmem:s6+$0xFFFFFE80] =	vst v0;
	v0 =	vld.idx.msk [tilespmem:v12+s3+$0x0], $0xffff  }
0x681: {  	[tilespmem:s6+$0xFFFFFE10] =	vst v7;
	v5 =	vld.idx.msk [tilespmem:v13+s3+$0x0], $0xffff  }
0x682: {  	[tilespmem:s6+$0xFFFFFE90] =	vst v1;
	v1 =	vld.idx.msk [tilespmem:v6+s3+$0x0], $0xffff  }
0x683: {  	[tilespmem:s6+$0xFFFFFEA0] =	vst v2;
	v2 =	vld.idx.msk [tilespmem:v14+s3+$0x0], $0xffff  }
0x684: {  	[tilespmem:s6+$0xFFFFFEB0] =	vst v3;
	v3 =	vld.idx.msk [tilespmem:v15+s3+$0x0], $0xffff  }
0x685: {  	[tilespmem:s6+$0xFFFFFEC0] =	vst v4;
	v4 =	vld.idx.msk [tilespmem:v16+s3+$0x0], $0xffff  }
0x686: {  	[tilespmem:s6+$0xFFFFFED0] =	vst v0;
	v0 =	vld.idx.msk [tilespmem:v17+s3+$0x0], $0xffff  }
0x687: {  	[tilespmem:s6+$0xFFFFFEE0] =	vst v5;
	v5 =	vld.idx.msk [tilespmem:v18+s3+$0x0], $0xffff  }
0x688: {  	[tilespmem:s6+$0xFFFFFEF0] =	vst v1;
	v1 =	vld.idx.msk [tilespmem:v19+s3+$0x0], $0xffff  }
0x689: {  	[tilespmem:s6+$0xFFFFFF00] =	vst v2;
	v2 =	vld.idx.msk [tilespmem:v20+s3+$0x0], $0xffff  }
0x68a: {  	[tilespmem:s6+$0xFFFFFF10] =	vst v3;
	v3 =	vld.idx.msk [tilespmem:v21+s3+$0x0], $0xffff  }
0x68b: {  	[tilespmem:s6+$0xFFFFFF20] =	vst v4;
	v4 =	vld.idx.msk [tilespmem:v22+s3+$0x0], $0xffff  }
0x68c: {  	[tilespmem:s6+$0xFFFFFF30] =	vst v0;
	v6 =	vld.idx.msk [tilespmem:v23+s3+$0x0], $0xffff  }
0x68d: {  	[tilespmem:s6+$0xFFFFFF40] =	vst v5;
	v0 =	vld.idx.msk [tilespmem:v24+s3+$0x0], $0xffff  }
.Ltmp18:
0x68e: {  	[tilespmem:s6+$0xFFFFFF50] =	vst v1;
	v1 =	vld.idx.msk [tilespmem:v25+s3+$0x0], $0xffff;
	(pc) =	sbr.rel @p3 .LBB2_28-.Ltmp18, $4  }
0x68f: {  	[tilespmem:s6+$0xFFFFFF60] =	vst v2;
	v2 =	vld.idx.msk [tilespmem:v26+s3+$0x0], $0xffff  }
0x690: {  	[tilespmem:s6+$0xFFFFFF70] =	vst v3;
	v3 =	vld.idx.msk [tilespmem:v27+s3+$0x0], $0xffff  }
0x691: {  	[tilespmem:s6+$0xFFFFFF80] =	vst v4;
	v4 =	vld.idx.msk [tilespmem:v28+s3+$0x0], $0xffff  }
0x692: {  	s9 =	sadd.s32 $0x200, s9;
	[tilespmem:s6+$0xFFFFFF90] =	vst v6;
	v5 =	vld.idx.msk [tilespmem:v29+s3+$0x0], $0xffff  }
0x693: {  	[tilespmem:s6+$0xFFFFFFA0] =	vst v0  }
0x694: {  	[tilespmem:s6+$0xFFFFFFB0] =	vst v1  }
0x695: {  	[tilespmem:s6+$0xFFFFFFC0] =	vst v2  }
0x696: {  	[tilespmem:s6+$0xFFFFFFD0] =	vst v3  }
0x697: {  	[tilespmem:s6+$0xFFFFFFE0] =	vst v4  }
0x698: {  	s9 =	sadd.s32 s8, s10;
	[tilespmem:s6+$0xFFFFFFF0] =	vst v5  }
0x699: {  	[hbm4b:s9+s24] =	stream.strided.scatter [tilespmem:s30], [sflag:$0x5], $0x1000, s25, s24, $0x38;
	[tilespmem:$0x1F6A0] =	vst v63  }
0x69a: {  	s7 =	sadd.s32 $0x4000, s17  }
0x69b: {  	[tilespmem:s21], [sflag:$0x1] =	stream.linear.gather [spmem:s7], $0x1000, $0x38;
	[tilespmem:$0x1F6A0] =	vst v63  }
0x69c: {  	_ =	swait.ge [sflag:s28], $0x1000  }
0x69d: {  	[sflag:s28] =	ssyncset.done $0x0  }
0x69e: {  	[sflag:s28] =	ssyncadd.s32 $0xFFFFF000  }
0x69f: {  	_ =	swait.ge [sflag:s18], $0x1000  }
0x6a0: {  	[sflag:s18] =	ssyncset.done $0x0  }
0x6a1: {  	s9 =	simm.s32 $0x19890;
	[sflag:s18] =	ssyncadd.s32 $0xFFFFF000  }
0x6a2: {  	v0 =	vld [tilespmem:s9+$0x0]  }
0x6a3: {  	v1 =	vld [tilespmem:s9+$0xFFFFFE20]  }
0x6a4: {  	v2 =	vld [tilespmem:s9+$0xFFFFFE30]  }
0x6a5: {  	v3 =	vld [tilespmem:s9+$0xFFFFFE40]  }
0x6a6: {  	v4 =	vld [tilespmem:s9+$0xFFFFFE50]  }
0x6a7: {  	v5 =	vld [tilespmem:s9+$0xFFFFFE60]  }
0x6a8: {  	v6 =	vld [tilespmem:s9+$0xFFFFFE70]  }
0x6a9: {  	v7 =	vld [tilespmem:s9+$0xFFFFFE80]  }
0x6aa: {  	v8 =	vld [tilespmem:s9+$0xFFFFFE90]  }
0x6ab: {  	v9 =	vld [tilespmem:s9+$0xFFFFFEA0]  }
0x6ac: {  	v10 =	vld [tilespmem:s9+$0xFFFFFEB0]  }
0x6ad: {  	v11 =	vld [tilespmem:s9+$0xFFFFFEC0]  }
0x6ae: {  	v12 =	vld [tilespmem:s9+$0xFFFFFED0]  }
0x6af: {  	v13 =	vld [tilespmem:s9+$0xFFFFFEE0]  }
0x6b0: {  	v14 =	vld [tilespmem:s9+$0xFFFFFEF0]  }
0x6b1: {  	v15 =	vld [tilespmem:s9+$0xFFFFFF00]  }
0x6b2: {  	v16 =	vld [tilespmem:s9+$0xFFFFFF10]  }
0x6b3: {  	v17 =	vld [tilespmem:s9+$0xFFFFFF20]  }
0x6b4: {  	v18 =	vld [tilespmem:s9+$0xFFFFFF30]  }
0x6b5: {  	v19 =	vld [tilespmem:s9+$0xFFFFFF40]  }
0x6b6: {  	v20 =	vld [tilespmem:s9+$0xFFFFFF50]  }
0x6b7: {  	v21 =	vld [tilespmem:s9+$0xFFFFFF60]  }
0x6b8: {  	v22 =	vld [tilespmem:s9+$0xFFFFFF70]  }
0x6b9: {  	v23 =	vld [tilespmem:s9+$0xFFFFFF80]  }
0x6ba: {  	v24 =	vld [tilespmem:s9+$0xFFFFFF90]  }
0x6bb: {  	v25 =	vld [tilespmem:s9+$0xFFFFFFA0]  }
0x6bc: {  	v26 =	vld [tilespmem:s9+$0xFFFFFFB0]  }
0x6bd: {  	v27 =	vld [tilespmem:s9+$0xFFFFFFC0]  }
0x6be: {  	v28 =	vld [tilespmem:s9+$0xFFFFFFD0]  }
0x6bf: {  	v29 =	vld [tilespmem:s9+$0xFFFFFFE0]  }
0x6c0: {  	v30 =	vld [tilespmem:s9+$0xFFFFFFF0]  }
0x6c1: {  	v31 =	vld [tilespmem:s9+$0xFFFFFE10]  }
0x6c2: {  	v0 =	vld.idx.msk [tilespmem:v0+s3+$0x0], $0xffff  }
0x6c3: {  	v1 =	vld.idx.msk [tilespmem:v1+s3+$0x0], $0xffff  }
0x6c4: {  	v2 =	vld.idx.msk [tilespmem:v2+s3+$0x0], $0xffff  }
0x6c5: {  	v3 =	vld.idx.msk [tilespmem:v3+s3+$0x0], $0xffff  }
0x6c6: {  	v4 =	vld.idx.msk [tilespmem:v4+s3+$0x0], $0xffff  }
0x6c7: {  	s6 =	simm.s32 $0x1D890;
	v5 =	vld.idx.msk [tilespmem:v5+s3+$0x0], $0xffff  }
0x6c8: {  	[tilespmem:s6+$0x0] =	vst v0;
	v0 =	vld.idx.msk [tilespmem:v6+s3+$0x0], $0xffff  }
0x6c9: {  	[tilespmem:s6+$0xFFFFFE20] =	vst v1;
	v1 =	vld.idx.msk [tilespmem:v7+s3+$0x0], $0xffff  }
0x6ca: {  	v6 =	vld.idx.msk [tilespmem:v31+s3+$0x0], $0xffff;
	[tilespmem:s6+$0xFFFFFE30] =	vst v2  }
0x6cb: {  	[tilespmem:s6+$0xFFFFFE40] =	vst v3;
	v2 =	vld.idx.msk [tilespmem:v8+s3+$0x0], $0xffff  }
0x6cc: {  	[tilespmem:s6+$0xFFFFFE50] =	vst v4;
	v3 =	vld.idx.msk [tilespmem:v9+s3+$0x0], $0xffff  }
0x6cd: {  	[tilespmem:s6+$0xFFFFFE60] =	vst v5;
	v4 =	vld.idx.msk [tilespmem:v10+s3+$0x0], $0xffff  }
0x6ce: {  	v5 =	vld.idx.msk [tilespmem:v13+s3+$0x0], $0xffff;
	[tilespmem:s6+$0xFFFFFE70] =	vst v0  }
0x6cf: {  	v7 =	vld.idx.msk [tilespmem:v24+s3+$0x0], $0xffff;
	[tilespmem:s6+$0xFFFFFE80] =	vst v1  }
0x6d0: {  	v0 =	vld.idx.msk [tilespmem:v11+s3+$0x0], $0xffff;
	[tilespmem:s6+$0xFFFFFE10] =	vst v6  }
0x6d1: {  	v1 =	vld.idx.msk [tilespmem:v12+s3+$0x0], $0xffff;
	[tilespmem:s6+$0xFFFFFE90] =	vst v2  }
0x6d2: {  	v2 =	vld.idx.msk [tilespmem:v14+s3+$0x0], $0xffff;
	[tilespmem:s6+$0xFFFFFEA0] =	vst v3  }
0x6d3: {  	v3 =	vld.idx.msk [tilespmem:v15+s3+$0x0], $0xffff;
	[tilespmem:s6+$0xFFFFFEB0] =	vst v4  }
0x6d4: {  	v4 =	vld.idx.msk [tilespmem:v16+s3+$0x0], $0xffff;
	[tilespmem:s6+$0xFFFFFEE0] =	vst v5  }
0x6d5: {  	v5 =	vld.idx.msk [tilespmem:v19+s3+$0x0], $0xffff;
	[tilespmem:s6+$0xFFFFFF90] =	vst v7  }
0x6d6: {  	v6 =	vld.idx.msk [tilespmem:v23+s3+$0x0], $0xffff;
	[tilespmem:s6+$0xFFFFFEC0] =	vst v0  }
0x6d7: {  	v0 =	vld.idx.msk [tilespmem:v17+s3+$0x0], $0xffff;
	[tilespmem:s6+$0xFFFFFED0] =	vst v1  }
0x6d8: {  	v1 =	vld.idx.msk [tilespmem:v18+s3+$0x0], $0xffff;
	[tilespmem:s6+$0xFFFFFEF0] =	vst v2  }
0x6d9: {  	v2 =	vld.idx.msk [tilespmem:v20+s3+$0x0], $0xffff;
	[tilespmem:s6+$0xFFFFFF00] =	vst v3  }
0x6da: {  	v3 =	vld.idx.msk [tilespmem:v21+s3+$0x0], $0xffff;
	[tilespmem:s6+$0xFFFFFF10] =	vst v4  }
0x6db: {  	v4 =	vld.idx.msk [tilespmem:v22+s3+$0x0], $0xffff;
	[tilespmem:s6+$0xFFFFFF40] =	vst v5  }
0x6dc: {  	[tilespmem:s6+$0xFFFFFF80] =	vst v6;
	v5 =	vld.idx.msk [tilespmem:v30+s3+$0x0], $0xffff  }
0x6dd: {  	[tilespmem:s6+$0xFFFFFF20] =	vst v0;
	v0 =	vld.idx.msk [tilespmem:v25+s3+$0x0], $0xffff  }
0x6de: {  	[tilespmem:s6+$0xFFFFFF30] =	vst v1;
	v1 =	vld.idx.msk [tilespmem:v26+s3+$0x0], $0xffff  }
0x6df: {  	[tilespmem:s6+$0xFFFFFF50] =	vst v2;
	v2 =	vld.idx.msk [tilespmem:v27+s3+$0x0], $0xffff  }
0x6e0: {  	[tilespmem:s6+$0xFFFFFF60] =	vst v3;
	v3 =	vld.idx.msk [tilespmem:v28+s3+$0x0], $0xffff  }
0x6e1: {  	s7 =	simm.s32 $0x0;
	s9 =	simm.s32 $0x19A90;
	[tilespmem:s6+$0xFFFFFF70] =	vst v4;
	v4 =	vld.idx.msk [tilespmem:v29+s3+$0x0], $0xffff  }
.LBB2_30:
0x6e2: {  	v6 =	vld [tilespmem:s9+$0x0];
	s7 =	sadd.s32 $0x20, s7;
	[tilespmem:s6+$0xFFFFFFA0] =	vst v0  }
0x6e3: {  	v0 =	vld [tilespmem:s9+$0xFFFFFE20];
	p3 =	slt.u32 s7, $0xE0;
	[tilespmem:s6+$0xFFFFFFB0] =	vst v1  }
0x6e4: {  	v1 =	vld [tilespmem:s9+$0xFFFFFE30];
	[tilespmem:s6+$0xFFFFFFC0] =	vst v2  }
0x6e5: {  	v2 =	vld [tilespmem:s9+$0xFFFFFE40];
	[tilespmem:s6+$0xFFFFFFD0] =	vst v3  }
0x6e6: {  	v3 =	vld [tilespmem:s9+$0xFFFFFE50];
	[tilespmem:s6+$0xFFFFFFE0] =	vst v4  }
0x6e7: {  	v4 =	vld [tilespmem:s9+$0xFFFFFE60];
	[tilespmem:s6+$0xFFFFFFF0] =	vst v5  }
0x6e8: {  	v5 =	vld [tilespmem:s9+$0xFFFFFE70]  }
0x6e9: {  	v7 =	vld [tilespmem:s9+$0xFFFFFE80]  }
0x6ea: {  	v6 =	vld.idx.msk [tilespmem:v6+s3+$0x0], $0xffff  }
0x6eb: {  	v8 =	vld [tilespmem:s9+$0xFFFFFE90]  }
0x6ec: {  	v9 =	vld [tilespmem:s9+$0xFFFFFEA0]  }
0x6ed: {  	v10 =	vld [tilespmem:s9+$0xFFFFFEB0]  }
0x6ee: {  	v11 =	vld [tilespmem:s9+$0xFFFFFEC0]  }
0x6ef: {  	s6 =	sadd.s32 $0x200, s6;
	v12 =	vld [tilespmem:s9+$0xFFFFFED0]  }
0x6f0: {  	v13 =	vld [tilespmem:s9+$0xFFFFFEE0];
	[tilespmem:s6+$0x0] =	vst v6  }
0x6f1: {  	v6 =	vld [tilespmem:s9+$0xFFFFFEF0]  }
0x6f2: {  	v14 =	vld [tilespmem:s9+$0xFFFFFF00]  }
0x6f3: {  	v15 =	vld [tilespmem:s9+$0xFFFFFF10]  }
0x6f4: {  	v16 =	vld [tilespmem:s9+$0xFFFFFF20]  }
0x6f5: {  	v17 =	vld [tilespmem:s9+$0xFFFFFF30]  }
0x6f6: {  	v18 =	vld [tilespmem:s9+$0xFFFFFF40]  }
0x6f7: {  	v19 =	vld [tilespmem:s9+$0xFFFFFF50]  }
0x6f8: {  	v20 =	vld [tilespmem:s9+$0xFFFFFF60]  }
0x6f9: {  	v21 =	vld [tilespmem:s9+$0xFFFFFF70]  }
0x6fa: {  	v22 =	vld [tilespmem:s9+$0xFFFFFF80]  }
0x6fb: {  	v23 =	vld [tilespmem:s9+$0xFFFFFF90]  }
0x6fc: {  	v24 =	vld [tilespmem:s9+$0xFFFFFFA0]  }
0x6fd: {  	v25 =	vld [tilespmem:s9+$0xFFFFFFB0]  }
0x6fe: {  	v26 =	vld [tilespmem:s9+$0xFFFFFFC0]  }
0x6ff: {  	v27 =	vld [tilespmem:s9+$0xFFFFFFD0]  }
0x700: {  	v28 =	vld [tilespmem:s9+$0xFFFFFFE0]  }
0x701: {  	v29 =	vld [tilespmem:s9+$0xFFFFFFF0]  }
0x702: {  	v30 =	vld [tilespmem:s9+$0xFFFFFE10]  }
0x703: {  	v0 =	vld.idx.msk [tilespmem:v0+s3+$0x0], $0xffff  }
0x704: {  	v1 =	vld.idx.msk [tilespmem:v1+s3+$0x0], $0xffff  }
0x705: {  	v2 =	vld.idx.msk [tilespmem:v2+s3+$0x0], $0xffff  }
0x706: {  	v3 =	vld.idx.msk [tilespmem:v3+s3+$0x0], $0xffff  }
0x707: {  	v4 =	vld.idx.msk [tilespmem:v4+s3+$0x0], $0xffff  }
0x708: {  	v5 =	vld.idx.msk [tilespmem:v5+s3+$0x0], $0xffff  }
0x709: {  	[tilespmem:s6+$0xFFFFFE20] =	vst v0;
	v0 =	vld.idx.msk [tilespmem:v7+s3+$0x0], $0xffff  }
0x70a: {  	v7 =	vld.idx.msk [tilespmem:v30+s3+$0x0], $0xffff;
	[tilespmem:s6+$0xFFFFFE30] =	vst v1  }
0x70b: {  	[tilespmem:s6+$0xFFFFFE40] =	vst v2;
	v1 =	vld.idx.msk [tilespmem:v8+s3+$0x0], $0xffff  }
0x70c: {  	[tilespmem:s6+$0xFFFFFE50] =	vst v3;
	v2 =	vld.idx.msk [tilespmem:v9+s3+$0x0], $0xffff  }
0x70d: {  	[tilespmem:s6+$0xFFFFFE60] =	vst v4;
	v3 =	vld.idx.msk [tilespmem:v10+s3+$0x0], $0xffff  }
0x70e: {  	[tilespmem:s6+$0xFFFFFE70] =	vst v5;
	v4 =	vld.idx.msk [tilespmem:v11+s3+$0x0], $0xffff  }
0x70f: {  	[tilespmem:s6+$0xFFFFFE80] =	vst v0;
	v0 =	vld.idx.msk [tilespmem:v12+s3+$0x0], $0xffff  }
0x710: {  	[tilespmem:s6+$0xFFFFFE10] =	vst v7;
	v5 =	vld.idx.msk [tilespmem:v13+s3+$0x0], $0xffff  }
0x711: {  	[tilespmem:s6+$0xFFFFFE90] =	vst v1;
	v1 =	vld.idx.msk [tilespmem:v6+s3+$0x0], $0xffff  }
0x712: {  	[tilespmem:s6+$0xFFFFFEA0] =	vst v2;
	v2 =	vld.idx.msk [tilespmem:v14+s3+$0x0], $0xffff  }
0x713: {  	[tilespmem:s6+$0xFFFFFEB0] =	vst v3;
	v3 =	vld.idx.msk [tilespmem:v15+s3+$0x0], $0xffff  }
0x714: {  	[tilespmem:s6+$0xFFFFFEC0] =	vst v4;
	v4 =	vld.idx.msk [tilespmem:v16+s3+$0x0], $0xffff  }
0x715: {  	[tilespmem:s6+$0xFFFFFED0] =	vst v0;
	v0 =	vld.idx.msk [tilespmem:v17+s3+$0x0], $0xffff  }
0x716: {  	[tilespmem:s6+$0xFFFFFEE0] =	vst v5;
	v5 =	vld.idx.msk [tilespmem:v18+s3+$0x0], $0xffff  }
0x717: {  	[tilespmem:s6+$0xFFFFFEF0] =	vst v1;
	v1 =	vld.idx.msk [tilespmem:v19+s3+$0x0], $0xffff  }
0x718: {  	[tilespmem:s6+$0xFFFFFF00] =	vst v2;
	v2 =	vld.idx.msk [tilespmem:v20+s3+$0x0], $0xffff  }
0x719: {  	[tilespmem:s6+$0xFFFFFF10] =	vst v3;
	v3 =	vld.idx.msk [tilespmem:v21+s3+$0x0], $0xffff  }
0x71a: {  	[tilespmem:s6+$0xFFFFFF20] =	vst v4;
	v4 =	vld.idx.msk [tilespmem:v22+s3+$0x0], $0xffff  }
0x71b: {  	[tilespmem:s6+$0xFFFFFF30] =	vst v0;
	v6 =	vld.idx.msk [tilespmem:v23+s3+$0x0], $0xffff  }
0x71c: {  	[tilespmem:s6+$0xFFFFFF40] =	vst v5;
	v0 =	vld.idx.msk [tilespmem:v24+s3+$0x0], $0xffff  }
.Ltmp19:
0x71d: {  	[tilespmem:s6+$0xFFFFFF50] =	vst v1;
	v1 =	vld.idx.msk [tilespmem:v25+s3+$0x0], $0xffff;
	(pc) =	sbr.rel @p3 .LBB2_30-.Ltmp19, $4  }
0x71e: {  	[tilespmem:s6+$0xFFFFFF60] =	vst v2;
	v2 =	vld.idx.msk [tilespmem:v26+s3+$0x0], $0xffff  }
0x71f: {  	[tilespmem:s6+$0xFFFFFF70] =	vst v3;
	v3 =	vld.idx.msk [tilespmem:v27+s3+$0x0], $0xffff  }
0x720: {  	[tilespmem:s6+$0xFFFFFF80] =	vst v4;
	v4 =	vld.idx.msk [tilespmem:v28+s3+$0x0], $0xffff  }
0x721: {  	s9 =	sadd.s32 $0x200, s9;
	[tilespmem:s6+$0xFFFFFF90] =	vst v6;
	v5 =	vld.idx.msk [tilespmem:v29+s3+$0x0], $0xffff  }
0x722: {  	[tilespmem:s6+$0xFFFFFFA0] =	vst v0  }
0x723: {  	[tilespmem:s6+$0xFFFFFFB0] =	vst v1  }
0x724: {  	[tilespmem:s6+$0xFFFFFFC0] =	vst v2  }
0x725: {  	[tilespmem:s6+$0xFFFFFFD0] =	vst v3  }
0x726: {  	[tilespmem:s6+$0xFFFFFFE0] =	vst v4  }
0x727: {  	s9 =	sadd.s32 s8, s11;
	[tilespmem:s6+$0xFFFFFFF0] =	vst v5  }
0x728: {  	[hbm4b:s9+s24] =	stream.strided.scatter [tilespmem:s31], [sflag:$0x6], $0x1000, s25, s24, $0x38;
	[tilespmem:$0x1F6A0] =	vst v63  }
0x729: {  	s7 =	sadd.s32 $0x5000, s17  }
0x72a: {  	[tilespmem:s22], [sflag:$0x2] =	stream.linear.gather [spmem:s7], $0x1000, $0x38;
	[tilespmem:$0x1F6A0] =	vst v63  }
0x72b: {  	_ =	swait.ge [sflag:s23], $0x1000  }
0x72c: {  	[sflag:s23] =	ssyncset.done $0x0  }
0x72d: {  	[sflag:s23] =	ssyncadd.s32 $0xFFFFF000  }
0x72e: {  	_ =	swait.ge [sflag:s0], $0x1000  }
0x72f: {  	[sflag:s0] =	ssyncset.done $0x0  }
0x730: {  	s9 =	simm.s32 $0x187A0;
	[sflag:s0] =	ssyncadd.s32 $0xFFFFF000  }
0x731: {  	v0 =	vld [tilespmem:s9+$0xF0]  }
0x732: {  	v1 =	vld [tilespmem:s9+$0xFFFFFF10]  }
0x733: {  	v2 =	vld [tilespmem:s9+$0xFFFFFF20]  }
0x734: {  	v3 =	vld [tilespmem:s9+$0xFFFFFF30]  }
0x735: {  	v4 =	vld [tilespmem:s9+$0xFFFFFF40]  }
0x736: {  	v5 =	vld [tilespmem:s9+$0xFFFFFF50]  }
0x737: {  	v6 =	vld [tilespmem:s9+$0xFFFFFF60]  }
0x738: {  	v7 =	vld [tilespmem:s9+$0xFFFFFF70]  }
0x739: {  	v8 =	vld [tilespmem:s9+$0xFFFFFF80]  }
0x73a: {  	v9 =	vld [tilespmem:s9+$0xFFFFFF90]  }
0x73b: {  	v10 =	vld [tilespmem:s9+$0xFFFFFFA0]  }
0x73c: {  	v11 =	vld [tilespmem:s9+$0xFFFFFFB0]  }
0x73d: {  	v12 =	vld [tilespmem:s9+$0xFFFFFFC0]  }
0x73e: {  	v13 =	vld [tilespmem:s9+$0xFFFFFFD0]  }
0x73f: {  	v14 =	vld [tilespmem:s9+$0xFFFFFFE0]  }
0x740: {  	v15 =	vld [tilespmem:s9+$0xFFFFFFF0]  }
0x741: {  	v16 =	vld [tilespmem:s9+$0x0]  }
0x742: {  	v17 =	vld [tilespmem:s9+$0x10]  }
0x743: {  	v18 =	vld [tilespmem:s9+$0x20]  }
0x744: {  	v19 =	vld [tilespmem:s9+$0x30]  }
0x745: {  	v20 =	vld [tilespmem:s9+$0x40]  }
0x746: {  	v21 =	vld [tilespmem:s9+$0x50]  }
0x747: {  	v22 =	vld [tilespmem:s9+$0x60]  }
0x748: {  	v23 =	vld [tilespmem:s9+$0x70]  }
0x749: {  	v24 =	vld [tilespmem:s9+$0x80]  }
0x74a: {  	v25 =	vld [tilespmem:s9+$0x90]  }
0x74b: {  	v26 =	vld [tilespmem:s9+$0xA0]  }
0x74c: {  	v27 =	vld [tilespmem:s9+$0xB0]  }
0x74d: {  	v28 =	vld [tilespmem:s9+$0xC0]  }
0x74e: {  	v29 =	vld [tilespmem:s9+$0xD0]  }
0x74f: {  	v30 =	vld [tilespmem:s9+$0xE0]  }
0x750: {  	v31 =	vld [tilespmem:s9+$0xFFFFFF00]  }
0x751: {  	v0 =	vld.idx.msk [tilespmem:v0+s3+$0x0], $0xffff  }
0x752: {  	v1 =	vld.idx.msk [tilespmem:v1+s3+$0x0], $0xffff  }
0x753: {  	v2 =	vld.idx.msk [tilespmem:v2+s3+$0x0], $0xffff  }
0x754: {  	v3 =	vld.idx.msk [tilespmem:v3+s3+$0x0], $0xffff  }
0x755: {  	v4 =	vld.idx.msk [tilespmem:v4+s3+$0x0], $0xffff  }
0x756: {  	s6 =	simm.s32 $0x1A7A0;
	v5 =	vld.idx.msk [tilespmem:v5+s3+$0x0], $0xffff  }
0x757: {  	[tilespmem:s6+$0xF0] =	vst v0;
	v0 =	vld.idx.msk [tilespmem:v6+s3+$0x0], $0xffff  }
0x758: {  	[tilespmem:s6+$0xFFFFFF10] =	vst v1;
	v1 =	vld.idx.msk [tilespmem:v7+s3+$0x0], $0xffff  }
0x759: {  	v6 =	vld.idx.msk [tilespmem:v31+s3+$0x0], $0xffff;
	[tilespmem:s6+$0xFFFFFF20] =	vst v2  }
0x75a: {  	[tilespmem:s6+$0xFFFFFF30] =	vst v3;
	v2 =	vld.idx.msk [tilespmem:v8+s3+$0x0], $0xffff  }
0x75b: {  	[tilespmem:s6+$0xFFFFFF40] =	vst v4;
	v3 =	vld.idx.msk [tilespmem:v9+s3+$0x0], $0xffff  }
0x75c: {  	[tilespmem:s6+$0xFFFFFF50] =	vst v5;
	v4 =	vld.idx.msk [tilespmem:v10+s3+$0x0], $0xffff  }
0x75d: {  	v5 =	vld.idx.msk [tilespmem:v13+s3+$0x0], $0xffff;
	[tilespmem:s6+$0xFFFFFF60] =	vst v0  }
0x75e: {  	v7 =	vld.idx.msk [tilespmem:v24+s3+$0x0], $0xffff;
	[tilespmem:s6+$0xFFFFFF70] =	vst v1  }
0x75f: {  	v0 =	vld.idx.msk [tilespmem:v11+s3+$0x0], $0xffff;
	[tilespmem:s6+$0xFFFFFF00] =	vst v6  }
0x760: {  	v1 =	vld.idx.msk [tilespmem:v12+s3+$0x0], $0xffff;
	[tilespmem:s6+$0xFFFFFF80] =	vst v2  }
0x761: {  	v2 =	vld.idx.msk [tilespmem:v14+s3+$0x0], $0xffff;
	[tilespmem:s6+$0xFFFFFF90] =	vst v3  }
0x762: {  	v3 =	vld.idx.msk [tilespmem:v15+s3+$0x0], $0xffff;
	[tilespmem:s6+$0xFFFFFFA0] =	vst v4  }
0x763: {  	v4 =	vld.idx.msk [tilespmem:v16+s3+$0x0], $0xffff;
	[tilespmem:s6+$0xFFFFFFD0] =	vst v5  }
0x764: {  	v5 =	vld.idx.msk [tilespmem:v19+s3+$0x0], $0xffff;
	[tilespmem:s6+$0x80] =	vst v7  }
0x765: {  	v6 =	vld.idx.msk [tilespmem:v23+s3+$0x0], $0xffff;
	[tilespmem:s6+$0xFFFFFFB0] =	vst v0  }
0x766: {  	v0 =	vld.idx.msk [tilespmem:v17+s3+$0x0], $0xffff;
	[tilespmem:s6+$0xFFFFFFC0] =	vst v1  }
0x767: {  	v1 =	vld.idx.msk [tilespmem:v18+s3+$0x0], $0xffff;
	[tilespmem:s6+$0xFFFFFFE0] =	vst v2  }
0x768: {  	v2 =	vld.idx.msk [tilespmem:v20+s3+$0x0], $0xffff;
	[tilespmem:s6+$0xFFFFFFF0] =	vst v3  }
0x769: {  	v3 =	vld.idx.msk [tilespmem:v21+s3+$0x0], $0xffff;
	[tilespmem:s6+$0x0] =	vst v4  }
0x76a: {  	v4 =	vld.idx.msk [tilespmem:v22+s3+$0x0], $0xffff;
	[tilespmem:s6+$0x30] =	vst v5  }
0x76b: {  	[tilespmem:s6+$0x70] =	vst v6;
	v5 =	vld.idx.msk [tilespmem:v30+s3+$0x0], $0xffff  }
0x76c: {  	[tilespmem:s6+$0x10] =	vst v0;
	v0 =	vld.idx.msk [tilespmem:v25+s3+$0x0], $0xffff  }
0x76d: {  	[tilespmem:s6+$0x20] =	vst v1;
	v1 =	vld.idx.msk [tilespmem:v26+s3+$0x0], $0xffff  }
0x76e: {  	[tilespmem:s6+$0x40] =	vst v2;
	v2 =	vld.idx.msk [tilespmem:v27+s3+$0x0], $0xffff  }
0x76f: {  	[tilespmem:s6+$0x50] =	vst v3;
	v3 =	vld.idx.msk [tilespmem:v28+s3+$0x0], $0xffff  }
0x770: {  	s7 =	simm.s32 $0x0;
	s9 =	simm.s32 $0x189A0;
	[tilespmem:s6+$0x60] =	vst v4;
	v4 =	vld.idx.msk [tilespmem:v29+s3+$0x0], $0xffff  }
.LBB2_32:
0x771: {  	v6 =	vld [tilespmem:s9+$0xF0];
	s7 =	sadd.s32 $0x20, s7;
	[tilespmem:s6+$0x90] =	vst v0  }
0x772: {  	v0 =	vld [tilespmem:s9+$0xFFFFFF10];
	p3 =	slt.u32 s7, $0xE0;
	[tilespmem:s6+$0xA0] =	vst v1  }
0x773: {  	v1 =	vld [tilespmem:s9+$0xFFFFFF20];
	[tilespmem:s6+$0xB0] =	vst v2  }
0x774: {  	v2 =	vld [tilespmem:s9+$0xFFFFFF30];
	[tilespmem:s6+$0xC0] =	vst v3  }
0x775: {  	v3 =	vld [tilespmem:s9+$0xFFFFFF40];
	[tilespmem:s6+$0xD0] =	vst v4  }
0x776: {  	v4 =	vld [tilespmem:s9+$0xFFFFFF50];
	[tilespmem:s6+$0xE0] =	vst v5  }
0x777: {  	v5 =	vld [tilespmem:s9+$0xFFFFFF60]  }
0x778: {  	v7 =	vld [tilespmem:s9+$0xFFFFFF70]  }
0x779: {  	v6 =	vld.idx.msk [tilespmem:v6+s3+$0x0], $0xffff  }
0x77a: {  	v8 =	vld [tilespmem:s9+$0xFFFFFF80]  }
0x77b: {  	v9 =	vld [tilespmem:s9+$0xFFFFFF90]  }
0x77c: {  	v10 =	vld [tilespmem:s9+$0xFFFFFFA0]  }
0x77d: {  	v11 =	vld [tilespmem:s9+$0xFFFFFFB0]  }
0x77e: {  	s6 =	sadd.s32 $0x200, s6;
	v12 =	vld [tilespmem:s9+$0xFFFFFFC0]  }
0x77f: {  	v13 =	vld [tilespmem:s9+$0xFFFFFFD0];
	[tilespmem:s6+$0xF0] =	vst v6  }
0x780: {  	v6 =	vld [tilespmem:s9+$0xFFFFFFE0]  }
0x781: {  	v14 =	vld [tilespmem:s9+$0xFFFFFFF0]  }
0x782: {  	v15 =	vld [tilespmem:s9+$0x0]  }
0x783: {  	v16 =	vld [tilespmem:s9+$0x10]  }
0x784: {  	v17 =	vld [tilespmem:s9+$0x20]  }
0x785: {  	v18 =	vld [tilespmem:s9+$0x30]  }
0x786: {  	v19 =	vld [tilespmem:s9+$0x40]  }
0x787: {  	v20 =	vld [tilespmem:s9+$0x50]  }
0x788: {  	v21 =	vld [tilespmem:s9+$0x60]  }
0x789: {  	v22 =	vld [tilespmem:s9+$0x70]  }
0x78a: {  	v23 =	vld [tilespmem:s9+$0x80]  }
0x78b: {  	v24 =	vld [tilespmem:s9+$0x90]  }
0x78c: {  	v25 =	vld [tilespmem:s9+$0xA0]  }
0x78d: {  	v26 =	vld [tilespmem:s9+$0xB0]  }
0x78e: {  	v27 =	vld [tilespmem:s9+$0xC0]  }
0x78f: {  	v28 =	vld [tilespmem:s9+$0xD0]  }
0x790: {  	v29 =	vld [tilespmem:s9+$0xE0]  }
0x791: {  	v30 =	vld [tilespmem:s9+$0xFFFFFF00]  }
0x792: {  	v0 =	vld.idx.msk [tilespmem:v0+s3+$0x0], $0xffff  }
0x793: {  	v1 =	vld.idx.msk [tilespmem:v1+s3+$0x0], $0xffff  }
0x794: {  	v2 =	vld.idx.msk [tilespmem:v2+s3+$0x0], $0xffff  }
0x795: {  	v3 =	vld.idx.msk [tilespmem:v3+s3+$0x0], $0xffff  }
0x796: {  	v4 =	vld.idx.msk [tilespmem:v4+s3+$0x0], $0xffff  }
0x797: {  	v5 =	vld.idx.msk [tilespmem:v5+s3+$0x0], $0xffff  }
0x798: {  	[tilespmem:s6+$0xFFFFFF10] =	vst v0;
	v0 =	vld.idx.msk [tilespmem:v7+s3+$0x0], $0xffff  }
0x799: {  	v7 =	vld.idx.msk [tilespmem:v30+s3+$0x0], $0xffff;
	[tilespmem:s6+$0xFFFFFF20] =	vst v1  }
0x79a: {  	[tilespmem:s6+$0xFFFFFF30] =	vst v2;
	v1 =	vld.idx.msk [tilespmem:v8+s3+$0x0], $0xffff  }
0x79b: {  	[tilespmem:s6+$0xFFFFFF40] =	vst v3;
	v2 =	vld.idx.msk [tilespmem:v9+s3+$0x0], $0xffff  }
0x79c: {  	[tilespmem:s6+$0xFFFFFF50] =	vst v4;
	v3 =	vld.idx.msk [tilespmem:v10+s3+$0x0], $0xffff  }
0x79d: {  	[tilespmem:s6+$0xFFFFFF60] =	vst v5;
	v4 =	vld.idx.msk [tilespmem:v11+s3+$0x0], $0xffff  }
0x79e: {  	[tilespmem:s6+$0xFFFFFF70] =	vst v0;
	v0 =	vld.idx.msk [tilespmem:v12+s3+$0x0], $0xffff  }
0x79f: {  	[tilespmem:s6+$0xFFFFFF00] =	vst v7;
	v5 =	vld.idx.msk [tilespmem:v13+s3+$0x0], $0xffff  }
0x7a0: {  	[tilespmem:s6+$0xFFFFFF80] =	vst v1;
	v1 =	vld.idx.msk [tilespmem:v6+s3+$0x0], $0xffff  }
0x7a1: {  	[tilespmem:s6+$0xFFFFFF90] =	vst v2;
	v2 =	vld.idx.msk [tilespmem:v14+s3+$0x0], $0xffff  }
0x7a2: {  	[tilespmem:s6+$0xFFFFFFA0] =	vst v3;
	v3 =	vld.idx.msk [tilespmem:v15+s3+$0x0], $0xffff  }
0x7a3: {  	[tilespmem:s6+$0xFFFFFFB0] =	vst v4;
	v4 =	vld.idx.msk [tilespmem:v16+s3+$0x0], $0xffff  }
0x7a4: {  	[tilespmem:s6+$0xFFFFFFC0] =	vst v0;
	v0 =	vld.idx.msk [tilespmem:v17+s3+$0x0], $0xffff  }
0x7a5: {  	[tilespmem:s6+$0xFFFFFFD0] =	vst v5;
	v5 =	vld.idx.msk [tilespmem:v18+s3+$0x0], $0xffff  }
0x7a6: {  	[tilespmem:s6+$0xFFFFFFE0] =	vst v1;
	v1 =	vld.idx.msk [tilespmem:v19+s3+$0x0], $0xffff  }
0x7a7: {  	[tilespmem:s6+$0xFFFFFFF0] =	vst v2;
	v2 =	vld.idx.msk [tilespmem:v20+s3+$0x0], $0xffff  }
0x7a8: {  	[tilespmem:s6+$0x0] =	vst v3;
	v3 =	vld.idx.msk [tilespmem:v21+s3+$0x0], $0xffff  }
0x7a9: {  	[tilespmem:s6+$0x10] =	vst v4;
	v4 =	vld.idx.msk [tilespmem:v22+s3+$0x0], $0xffff  }
0x7aa: {  	[tilespmem:s6+$0x20] =	vst v0;
	v6 =	vld.idx.msk [tilespmem:v23+s3+$0x0], $0xffff  }
0x7ab: {  	[tilespmem:s6+$0x30] =	vst v5;
	v0 =	vld.idx.msk [tilespmem:v24+s3+$0x0], $0xffff  }
.Ltmp20:
0x7ac: {  	[tilespmem:s6+$0x40] =	vst v1;
	v1 =	vld.idx.msk [tilespmem:v25+s3+$0x0], $0xffff;
	(pc) =	sbr.rel @p3 .LBB2_32-.Ltmp20, $4  }
0x7ad: {  	[tilespmem:s6+$0x50] =	vst v2;
	v2 =	vld.idx.msk [tilespmem:v26+s3+$0x0], $0xffff  }
0x7ae: {  	[tilespmem:s6+$0x60] =	vst v3;
	v3 =	vld.idx.msk [tilespmem:v27+s3+$0x0], $0xffff  }
0x7af: {  	[tilespmem:s6+$0x70] =	vst v4;
	v4 =	vld.idx.msk [tilespmem:v28+s3+$0x0], $0xffff  }
0x7b0: {  	s9 =	sadd.s32 $0x200, s9;
	[tilespmem:s6+$0x80] =	vst v6;
	v5 =	vld.idx.msk [tilespmem:v29+s3+$0x0], $0xffff  }
0x7b1: {  	[tilespmem:s6+$0x90] =	vst v0  }
0x7b2: {  	[tilespmem:s6+$0xA0] =	vst v1  }
0x7b3: {  	[tilespmem:s6+$0xB0] =	vst v2  }
0x7b4: {  	[tilespmem:s6+$0xC0] =	vst v3  }
0x7b5: {  	[tilespmem:s6+$0xD0] =	vst v4  }
0x7b6: {  	s9 =	sadd.s32 s8, s12;
	[tilespmem:s6+$0xE0] =	vst v5  }
0x7b7: {  	[hbm4b:s9+s24] =	stream.strided.scatter [tilespmem:s26], [sflag:$0x3], $0x1000, s25, s24, $0x38;
	[tilespmem:$0x1F6A0] =	vst v63  }
0x7b8: {  	s7 =	sadd.s32 $0x6000, s17  }
0x7b9: {  	[tilespmem:s21], [sflag:$0x1] =	stream.linear.gather [spmem:s7], $0x1000, $0x38;
	[tilespmem:$0x1F6A0] =	vst v63  }
0x7ba: {  	_ =	swait.ge [sflag:s28], $0x1000  }
0x7bb: {  	[sflag:s28] =	ssyncset.done $0x0  }
0x7bc: {  	[sflag:s28] =	ssyncadd.s32 $0xFFFFF000  }
0x7bd: {  	_ =	swait.ge [sflag:s5], $0x1000  }
0x7be: {  	[sflag:s5] =	ssyncset.done $0x0  }
0x7bf: {  	s9 =	simm.s32 $0x19890;
	[sflag:s5] =	ssyncadd.s32 $0xFFFFF000  }
0x7c0: {  	v0 =	vld [tilespmem:s9+$0x0]  }
0x7c1: {  	v1 =	vld [tilespmem:s9+$0xFFFFFE20]  }
0x7c2: {  	v2 =	vld [tilespmem:s9+$0xFFFFFE30]  }
0x7c3: {  	v3 =	vld [tilespmem:s9+$0xFFFFFE40]  }
0x7c4: {  	v4 =	vld [tilespmem:s9+$0xFFFFFE50]  }
0x7c5: {  	v5 =	vld [tilespmem:s9+$0xFFFFFE60]  }
0x7c6: {  	v6 =	vld [tilespmem:s9+$0xFFFFFE70]  }
0x7c7: {  	v7 =	vld [tilespmem:s9+$0xFFFFFE80]  }
0x7c8: {  	v8 =	vld [tilespmem:s9+$0xFFFFFE90]  }
0x7c9: {  	v9 =	vld [tilespmem:s9+$0xFFFFFEA0]  }
0x7ca: {  	v10 =	vld [tilespmem:s9+$0xFFFFFEB0]  }
0x7cb: {  	v11 =	vld [tilespmem:s9+$0xFFFFFEC0]  }
0x7cc: {  	v12 =	vld [tilespmem:s9+$0xFFFFFED0]  }
0x7cd: {  	v13 =	vld [tilespmem:s9+$0xFFFFFEE0]  }
0x7ce: {  	v14 =	vld [tilespmem:s9+$0xFFFFFEF0]  }
0x7cf: {  	v15 =	vld [tilespmem:s9+$0xFFFFFF00]  }
0x7d0: {  	v16 =	vld [tilespmem:s9+$0xFFFFFF10]  }
0x7d1: {  	v17 =	vld [tilespmem:s9+$0xFFFFFF20]  }
0x7d2: {  	v18 =	vld [tilespmem:s9+$0xFFFFFF30]  }
0x7d3: {  	v19 =	vld [tilespmem:s9+$0xFFFFFF40]  }
0x7d4: {  	v20 =	vld [tilespmem:s9+$0xFFFFFF50]  }
0x7d5: {  	v21 =	vld [tilespmem:s9+$0xFFFFFF60]  }
0x7d6: {  	v22 =	vld [tilespmem:s9+$0xFFFFFF70]  }
0x7d7: {  	v23 =	vld [tilespmem:s9+$0xFFFFFF80]  }
0x7d8: {  	v24 =	vld [tilespmem:s9+$0xFFFFFF90]  }
0x7d9: {  	v25 =	vld [tilespmem:s9+$0xFFFFFFA0]  }
0x7da: {  	v26 =	vld [tilespmem:s9+$0xFFFFFFB0]  }
0x7db: {  	v27 =	vld [tilespmem:s9+$0xFFFFFFC0]  }
0x7dc: {  	v28 =	vld [tilespmem:s9+$0xFFFFFFD0]  }
0x7dd: {  	v29 =	vld [tilespmem:s9+$0xFFFFFFE0]  }
0x7de: {  	v30 =	vld [tilespmem:s9+$0xFFFFFFF0]  }
0x7df: {  	v31 =	vld [tilespmem:s9+$0xFFFFFE10]  }
0x7e0: {  	v0 =	vld.idx.msk [tilespmem:v0+s3+$0x0], $0xffff  }
0x7e1: {  	v1 =	vld.idx.msk [tilespmem:v1+s3+$0x0], $0xffff  }
0x7e2: {  	v2 =	vld.idx.msk [tilespmem:v2+s3+$0x0], $0xffff  }
0x7e3: {  	v3 =	vld.idx.msk [tilespmem:v3+s3+$0x0], $0xffff  }
0x7e4: {  	v4 =	vld.idx.msk [tilespmem:v4+s3+$0x0], $0xffff  }
0x7e5: {  	s6 =	simm.s32 $0x1B890;
	v5 =	vld.idx.msk [tilespmem:v5+s3+$0x0], $0xffff  }
0x7e6: {  	[tilespmem:s6+$0x0] =	vst v0;
	v0 =	vld.idx.msk [tilespmem:v6+s3+$0x0], $0xffff  }
0x7e7: {  	[tilespmem:s6+$0xFFFFFE20] =	vst v1;
	v1 =	vld.idx.msk [tilespmem:v7+s3+$0x0], $0xffff  }
0x7e8: {  	v6 =	vld.idx.msk [tilespmem:v31+s3+$0x0], $0xffff;
	[tilespmem:s6+$0xFFFFFE30] =	vst v2  }
0x7e9: {  	[tilespmem:s6+$0xFFFFFE40] =	vst v3;
	v2 =	vld.idx.msk [tilespmem:v8+s3+$0x0], $0xffff  }
0x7ea: {  	[tilespmem:s6+$0xFFFFFE50] =	vst v4;
	v3 =	vld.idx.msk [tilespmem:v9+s3+$0x0], $0xffff  }
0x7eb: {  	[tilespmem:s6+$0xFFFFFE60] =	vst v5;
	v4 =	vld.idx.msk [tilespmem:v10+s3+$0x0], $0xffff  }
0x7ec: {  	v5 =	vld.idx.msk [tilespmem:v13+s3+$0x0], $0xffff;
	[tilespmem:s6+$0xFFFFFE70] =	vst v0  }
0x7ed: {  	v7 =	vld.idx.msk [tilespmem:v24+s3+$0x0], $0xffff;
	[tilespmem:s6+$0xFFFFFE80] =	vst v1  }
0x7ee: {  	v0 =	vld.idx.msk [tilespmem:v11+s3+$0x0], $0xffff;
	[tilespmem:s6+$0xFFFFFE10] =	vst v6  }
0x7ef: {  	v1 =	vld.idx.msk [tilespmem:v12+s3+$0x0], $0xffff;
	[tilespmem:s6+$0xFFFFFE90] =	vst v2  }
0x7f0: {  	v2 =	vld.idx.msk [tilespmem:v14+s3+$0x0], $0xffff;
	[tilespmem:s6+$0xFFFFFEA0] =	vst v3  }
0x7f1: {  	v3 =	vld.idx.msk [tilespmem:v15+s3+$0x0], $0xffff;
	[tilespmem:s6+$0xFFFFFEB0] =	vst v4  }
0x7f2: {  	v4 =	vld.idx.msk [tilespmem:v16+s3+$0x0], $0xffff;
	[tilespmem:s6+$0xFFFFFEE0] =	vst v5  }
0x7f3: {  	v5 =	vld.idx.msk [tilespmem:v19+s3+$0x0], $0xffff;
	[tilespmem:s6+$0xFFFFFF90] =	vst v7  }
0x7f4: {  	v6 =	vld.idx.msk [tilespmem:v23+s3+$0x0], $0xffff;
	[tilespmem:s6+$0xFFFFFEC0] =	vst v0  }
0x7f5: {  	v0 =	vld.idx.msk [tilespmem:v17+s3+$0x0], $0xffff;
	[tilespmem:s6+$0xFFFFFED0] =	vst v1  }
0x7f6: {  	v1 =	vld.idx.msk [tilespmem:v18+s3+$0x0], $0xffff;
	[tilespmem:s6+$0xFFFFFEF0] =	vst v2  }
0x7f7: {  	v2 =	vld.idx.msk [tilespmem:v20+s3+$0x0], $0xffff;
	[tilespmem:s6+$0xFFFFFF00] =	vst v3  }
0x7f8: {  	v3 =	vld.idx.msk [tilespmem:v21+s3+$0x0], $0xffff;
	[tilespmem:s6+$0xFFFFFF10] =	vst v4  }
0x7f9: {  	v4 =	vld.idx.msk [tilespmem:v22+s3+$0x0], $0xffff;
	[tilespmem:s6+$0xFFFFFF40] =	vst v5  }
0x7fa: {  	[tilespmem:s6+$0xFFFFFF80] =	vst v6;
	v5 =	vld.idx.msk [tilespmem:v30+s3+$0x0], $0xffff  }
0x7fb: {  	[tilespmem:s6+$0xFFFFFF20] =	vst v0;
	v0 =	vld.idx.msk [tilespmem:v25+s3+$0x0], $0xffff  }
0x7fc: {  	[tilespmem:s6+$0xFFFFFF30] =	vst v1;
	v1 =	vld.idx.msk [tilespmem:v26+s3+$0x0], $0xffff  }
0x7fd: {  	[tilespmem:s6+$0xFFFFFF50] =	vst v2;
	v2 =	vld.idx.msk [tilespmem:v27+s3+$0x0], $0xffff  }
0x7fe: {  	[tilespmem:s6+$0xFFFFFF60] =	vst v3;
	v3 =	vld.idx.msk [tilespmem:v28+s3+$0x0], $0xffff  }
0x7ff: {  	s7 =	simm.s32 $0x0;
	s9 =	simm.s32 $0x19A90;
	[tilespmem:s6+$0xFFFFFF70] =	vst v4;
	v4 =	vld.idx.msk [tilespmem:v29+s3+$0x0], $0xffff  }
.LBB2_34:
0x800: {  	v6 =	vld [tilespmem:s9+$0x0];
	s7 =	sadd.s32 $0x20, s7;
	[tilespmem:s6+$0xFFFFFFA0] =	vst v0  }
0x801: {  	v0 =	vld [tilespmem:s9+$0xFFFFFE20];
	p3 =	slt.u32 s7, $0xE0;
	[tilespmem:s6+$0xFFFFFFB0] =	vst v1  }
0x802: {  	v1 =	vld [tilespmem:s9+$0xFFFFFE30];
	[tilespmem:s6+$0xFFFFFFC0] =	vst v2  }
0x803: {  	v2 =	vld [tilespmem:s9+$0xFFFFFE40];
	[tilespmem:s6+$0xFFFFFFD0] =	vst v3  }
0x804: {  	v3 =	vld [tilespmem:s9+$0xFFFFFE50];
	[tilespmem:s6+$0xFFFFFFE0] =	vst v4  }
0x805: {  	v4 =	vld [tilespmem:s9+$0xFFFFFE60];
	[tilespmem:s6+$0xFFFFFFF0] =	vst v5  }
0x806: {  	v5 =	vld [tilespmem:s9+$0xFFFFFE70]  }
0x807: {  	v7 =	vld [tilespmem:s9+$0xFFFFFE80]  }
0x808: {  	v6 =	vld.idx.msk [tilespmem:v6+s3+$0x0], $0xffff  }
0x809: {  	v8 =	vld [tilespmem:s9+$0xFFFFFE90]  }
0x80a: {  	v9 =	vld [tilespmem:s9+$0xFFFFFEA0]  }
0x80b: {  	v10 =	vld [tilespmem:s9+$0xFFFFFEB0]  }
0x80c: {  	v11 =	vld [tilespmem:s9+$0xFFFFFEC0]  }
0x80d: {  	s6 =	sadd.s32 $0x200, s6;
	v12 =	vld [tilespmem:s9+$0xFFFFFED0]  }
0x80e: {  	v13 =	vld [tilespmem:s9+$0xFFFFFEE0];
	[tilespmem:s6+$0x0] =	vst v6  }
0x80f: {  	v6 =	vld [tilespmem:s9+$0xFFFFFEF0]  }
0x810: {  	v14 =	vld [tilespmem:s9+$0xFFFFFF00]  }
0x811: {  	v15 =	vld [tilespmem:s9+$0xFFFFFF10]  }
0x812: {  	v16 =	vld [tilespmem:s9+$0xFFFFFF20]  }
0x813: {  	v17 =	vld [tilespmem:s9+$0xFFFFFF30]  }
0x814: {  	v18 =	vld [tilespmem:s9+$0xFFFFFF40]  }
0x815: {  	v19 =	vld [tilespmem:s9+$0xFFFFFF50]  }
0x816: {  	v20 =	vld [tilespmem:s9+$0xFFFFFF60]  }
0x817: {  	v21 =	vld [tilespmem:s9+$0xFFFFFF70]  }
0x818: {  	v22 =	vld [tilespmem:s9+$0xFFFFFF80]  }
0x819: {  	v23 =	vld [tilespmem:s9+$0xFFFFFF90]  }
0x81a: {  	v24 =	vld [tilespmem:s9+$0xFFFFFFA0]  }
0x81b: {  	v25 =	vld [tilespmem:s9+$0xFFFFFFB0]  }
0x81c: {  	v26 =	vld [tilespmem:s9+$0xFFFFFFC0]  }
0x81d: {  	v27 =	vld [tilespmem:s9+$0xFFFFFFD0]  }
0x81e: {  	v28 =	vld [tilespmem:s9+$0xFFFFFFE0]  }
0x81f: {  	v29 =	vld [tilespmem:s9+$0xFFFFFFF0]  }
0x820: {  	v30 =	vld [tilespmem:s9+$0xFFFFFE10]  }
0x821: {  	v0 =	vld.idx.msk [tilespmem:v0+s3+$0x0], $0xffff  }
0x822: {  	v1 =	vld.idx.msk [tilespmem:v1+s3+$0x0], $0xffff  }
0x823: {  	v2 =	vld.idx.msk [tilespmem:v2+s3+$0x0], $0xffff  }
0x824: {  	v3 =	vld.idx.msk [tilespmem:v3+s3+$0x0], $0xffff  }
0x825: {  	v4 =	vld.idx.msk [tilespmem:v4+s3+$0x0], $0xffff  }
0x826: {  	v5 =	vld.idx.msk [tilespmem:v5+s3+$0x0], $0xffff  }
0x827: {  	[tilespmem:s6+$0xFFFFFE20] =	vst v0;
	v0 =	vld.idx.msk [tilespmem:v7+s3+$0x0], $0xffff  }
0x828: {  	v7 =	vld.idx.msk [tilespmem:v30+s3+$0x0], $0xffff;
	[tilespmem:s6+$0xFFFFFE30] =	vst v1  }
0x829: {  	[tilespmem:s6+$0xFFFFFE40] =	vst v2;
	v1 =	vld.idx.msk [tilespmem:v8+s3+$0x0], $0xffff  }
0x82a: {  	[tilespmem:s6+$0xFFFFFE50] =	vst v3;
	v2 =	vld.idx.msk [tilespmem:v9+s3+$0x0], $0xffff  }
0x82b: {  	[tilespmem:s6+$0xFFFFFE60] =	vst v4;
	v3 =	vld.idx.msk [tilespmem:v10+s3+$0x0], $0xffff  }
0x82c: {  	[tilespmem:s6+$0xFFFFFE70] =	vst v5;
	v4 =	vld.idx.msk [tilespmem:v11+s3+$0x0], $0xffff  }
0x82d: {  	[tilespmem:s6+$0xFFFFFE80] =	vst v0;
	v0 =	vld.idx.msk [tilespmem:v12+s3+$0x0], $0xffff  }
0x82e: {  	[tilespmem:s6+$0xFFFFFE10] =	vst v7;
	v5 =	vld.idx.msk [tilespmem:v13+s3+$0x0], $0xffff  }
0x82f: {  	[tilespmem:s6+$0xFFFFFE90] =	vst v1;
	v1 =	vld.idx.msk [tilespmem:v6+s3+$0x0], $0xffff  }
0x830: {  	[tilespmem:s6+$0xFFFFFEA0] =	vst v2;
	v2 =	vld.idx.msk [tilespmem:v14+s3+$0x0], $0xffff  }
0x831: {  	[tilespmem:s6+$0xFFFFFEB0] =	vst v3;
	v3 =	vld.idx.msk [tilespmem:v15+s3+$0x0], $0xffff  }
0x832: {  	[tilespmem:s6+$0xFFFFFEC0] =	vst v4;
	v4 =	vld.idx.msk [tilespmem:v16+s3+$0x0], $0xffff  }
0x833: {  	[tilespmem:s6+$0xFFFFFED0] =	vst v0;
	v0 =	vld.idx.msk [tilespmem:v17+s3+$0x0], $0xffff  }
0x834: {  	[tilespmem:s6+$0xFFFFFEE0] =	vst v5;
	v5 =	vld.idx.msk [tilespmem:v18+s3+$0x0], $0xffff  }
0x835: {  	[tilespmem:s6+$0xFFFFFEF0] =	vst v1;
	v1 =	vld.idx.msk [tilespmem:v19+s3+$0x0], $0xffff  }
0x836: {  	[tilespmem:s6+$0xFFFFFF00] =	vst v2;
	v2 =	vld.idx.msk [tilespmem:v20+s3+$0x0], $0xffff  }
0x837: {  	[tilespmem:s6+$0xFFFFFF10] =	vst v3;
	v3 =	vld.idx.msk [tilespmem:v21+s3+$0x0], $0xffff  }
0x838: {  	[tilespmem:s6+$0xFFFFFF20] =	vst v4;
	v4 =	vld.idx.msk [tilespmem:v22+s3+$0x0], $0xffff  }
0x839: {  	[tilespmem:s6+$0xFFFFFF30] =	vst v0;
	v6 =	vld.idx.msk [tilespmem:v23+s3+$0x0], $0xffff  }
0x83a: {  	[tilespmem:s6+$0xFFFFFF40] =	vst v5;
	v0 =	vld.idx.msk [tilespmem:v24+s3+$0x0], $0xffff  }
.Ltmp21:
0x83b: {  	[tilespmem:s6+$0xFFFFFF50] =	vst v1;
	v1 =	vld.idx.msk [tilespmem:v25+s3+$0x0], $0xffff;
	(pc) =	sbr.rel @p3 .LBB2_34-.Ltmp21, $4  }
0x83c: {  	[tilespmem:s6+$0xFFFFFF60] =	vst v2;
	v2 =	vld.idx.msk [tilespmem:v26+s3+$0x0], $0xffff  }
0x83d: {  	[tilespmem:s6+$0xFFFFFF70] =	vst v3;
	v3 =	vld.idx.msk [tilespmem:v27+s3+$0x0], $0xffff  }
0x83e: {  	[tilespmem:s6+$0xFFFFFF80] =	vst v4;
	v4 =	vld.idx.msk [tilespmem:v28+s3+$0x0], $0xffff  }
0x83f: {  	s9 =	sadd.s32 $0x200, s9;
	[tilespmem:s6+$0xFFFFFF90] =	vst v6;
	v5 =	vld.idx.msk [tilespmem:v29+s3+$0x0], $0xffff  }
0x840: {  	[tilespmem:s6+$0xFFFFFFA0] =	vst v0  }
0x841: {  	[tilespmem:s6+$0xFFFFFFB0] =	vst v1  }
0x842: {  	[tilespmem:s6+$0xFFFFFFC0] =	vst v2  }
0x843: {  	[tilespmem:s6+$0xFFFFFFD0] =	vst v3  }
0x844: {  	[tilespmem:s6+$0xFFFFFFE0] =	vst v4  }
0x845: {  	s7 =	sadd.s32 s8, s13;
	[tilespmem:s6+$0xFFFFFFF0] =	vst v5  }
0x846: {  	[hbm4b:s7+s24] =	stream.strided.scatter [tilespmem:s29], [sflag:$0x4], $0x1000, s25, s24, $0x38;
	[tilespmem:$0x1F6A0] =	vst v63  }
0x847: {  	s9 =	sadd.s32 $0x7000, s17  }
0x848: {  	[tilespmem:s22], [sflag:$0x2] =	stream.linear.gather [spmem:s9], $0x1000, $0x38;
	[tilespmem:$0x1F6A0] =	vst v63  }
0x849: {  	_ =	swait.ge [sflag:s23], $0x1000  }
0x84a: {  	[sflag:s23] =	ssyncset.done $0x0  }
0x84b: {  	[sflag:s23] =	ssyncadd.s32 $0xFFFFF000  }
0x84c: {  	_ =	swait.ge [sflag:s16], $0x1000  }
0x84d: {  	[sflag:s16] =	ssyncset.done $0x0  }
0x84e: {  	s17 =	simm.s32 $0x187A0;
	[sflag:s16] =	ssyncadd.s32 $0xFFFFF000  }
0x84f: {  	v0 =	vld [tilespmem:s17+$0xF0]  }
0x850: {  	v1 =	vld [tilespmem:s17+$0xFFFFFF10]  }
0x851: {  	v2 =	vld [tilespmem:s17+$0xFFFFFF20]  }
0x852: {  	v3 =	vld [tilespmem:s17+$0xFFFFFF30]  }
0x853: {  	v4 =	vld [tilespmem:s17+$0xFFFFFF40]  }
0x854: {  	v5 =	vld [tilespmem:s17+$0xFFFFFF50]  }
0x855: {  	v6 =	vld [tilespmem:s17+$0xFFFFFF60]  }
0x856: {  	v7 =	vld [tilespmem:s17+$0xFFFFFF70]  }
0x857: {  	v8 =	vld [tilespmem:s17+$0xFFFFFF80]  }
0x858: {  	v9 =	vld [tilespmem:s17+$0xFFFFFF90]  }
0x859: {  	v10 =	vld [tilespmem:s17+$0xFFFFFFA0]  }
0x85a: {  	v11 =	vld [tilespmem:s17+$0xFFFFFFB0]  }
0x85b: {  	v12 =	vld [tilespmem:s17+$0xFFFFFFC0]  }
0x85c: {  	v13 =	vld [tilespmem:s17+$0xFFFFFFD0]  }
0x85d: {  	v14 =	vld [tilespmem:s17+$0xFFFFFFE0]  }
0x85e: {  	v15 =	vld [tilespmem:s17+$0xFFFFFFF0]  }
0x85f: {  	v16 =	vld [tilespmem:s17+$0x0]  }
0x860: {  	v17 =	vld [tilespmem:s17+$0x10]  }
0x861: {  	v18 =	vld [tilespmem:s17+$0x20]  }
0x862: {  	v19 =	vld [tilespmem:s17+$0x30]  }
0x863: {  	v20 =	vld [tilespmem:s17+$0x40]  }
0x864: {  	v21 =	vld [tilespmem:s17+$0x50]  }
0x865: {  	v22 =	vld [tilespmem:s17+$0x60]  }
0x866: {  	v23 =	vld [tilespmem:s17+$0x70]  }
0x867: {  	v24 =	vld [tilespmem:s17+$0x80]  }
0x868: {  	v25 =	vld [tilespmem:s17+$0x90]  }
0x869: {  	v26 =	vld [tilespmem:s17+$0xA0]  }
0x86a: {  	v27 =	vld [tilespmem:s17+$0xB0]  }
0x86b: {  	v28 =	vld [tilespmem:s17+$0xC0]  }
0x86c: {  	v29 =	vld [tilespmem:s17+$0xD0]  }
0x86d: {  	v30 =	vld [tilespmem:s17+$0xE0]  }
0x86e: {  	v31 =	vld [tilespmem:s17+$0xFFFFFF00]  }
0x86f: {  	v0 =	vld.idx.msk [tilespmem:v0+s3+$0x0], $0xffff  }
0x870: {  	v1 =	vld.idx.msk [tilespmem:v1+s3+$0x0], $0xffff  }
0x871: {  	v2 =	vld.idx.msk [tilespmem:v2+s3+$0x0], $0xffff  }
0x872: {  	v3 =	vld.idx.msk [tilespmem:v3+s3+$0x0], $0xffff  }
0x873: {  	v4 =	vld.idx.msk [tilespmem:v4+s3+$0x0], $0xffff  }
0x874: {  	s6 =	simm.s32 $0x1C890;
	v5 =	vld.idx.msk [tilespmem:v5+s3+$0x0], $0xffff  }
0x875: {  	[tilespmem:s6+$0x0] =	vst v0;
	v0 =	vld.idx.msk [tilespmem:v6+s3+$0x0], $0xffff  }
0x876: {  	[tilespmem:s6+$0xFFFFFE20] =	vst v1;
	v1 =	vld.idx.msk [tilespmem:v7+s3+$0x0], $0xffff  }
0x877: {  	v6 =	vld.idx.msk [tilespmem:v31+s3+$0x0], $0xffff;
	[tilespmem:s6+$0xFFFFFE30] =	vst v2  }
0x878: {  	[tilespmem:s6+$0xFFFFFE40] =	vst v3;
	v2 =	vld.idx.msk [tilespmem:v8+s3+$0x0], $0xffff  }
0x879: {  	[tilespmem:s6+$0xFFFFFE50] =	vst v4;
	v3 =	vld.idx.msk [tilespmem:v9+s3+$0x0], $0xffff  }
0x87a: {  	[tilespmem:s6+$0xFFFFFE60] =	vst v5;
	v4 =	vld.idx.msk [tilespmem:v10+s3+$0x0], $0xffff  }
0x87b: {  	v5 =	vld.idx.msk [tilespmem:v13+s3+$0x0], $0xffff;
	[tilespmem:s6+$0xFFFFFE70] =	vst v0  }
0x87c: {  	v7 =	vld.idx.msk [tilespmem:v24+s3+$0x0], $0xffff;
	[tilespmem:s6+$0xFFFFFE80] =	vst v1  }
0x87d: {  	v0 =	vld.idx.msk [tilespmem:v11+s3+$0x0], $0xffff;
	[tilespmem:s6+$0xFFFFFE10] =	vst v6  }
0x87e: {  	v1 =	vld.idx.msk [tilespmem:v12+s3+$0x0], $0xffff;
	[tilespmem:s6+$0xFFFFFE90] =	vst v2  }
0x87f: {  	v2 =	vld.idx.msk [tilespmem:v14+s3+$0x0], $0xffff;
	[tilespmem:s6+$0xFFFFFEA0] =	vst v3  }
0x880: {  	v3 =	vld.idx.msk [tilespmem:v15+s3+$0x0], $0xffff;
	[tilespmem:s6+$0xFFFFFEB0] =	vst v4  }
0x881: {  	v4 =	vld.idx.msk [tilespmem:v16+s3+$0x0], $0xffff;
	[tilespmem:s6+$0xFFFFFEE0] =	vst v5  }
0x882: {  	v5 =	vld.idx.msk [tilespmem:v19+s3+$0x0], $0xffff;
	[tilespmem:s6+$0xFFFFFF90] =	vst v7  }
0x883: {  	v6 =	vld.idx.msk [tilespmem:v23+s3+$0x0], $0xffff;
	[tilespmem:s6+$0xFFFFFEC0] =	vst v0  }
0x884: {  	v0 =	vld.idx.msk [tilespmem:v17+s3+$0x0], $0xffff;
	[tilespmem:s6+$0xFFFFFED0] =	vst v1  }
0x885: {  	v1 =	vld.idx.msk [tilespmem:v18+s3+$0x0], $0xffff;
	[tilespmem:s6+$0xFFFFFEF0] =	vst v2  }
0x886: {  	v2 =	vld.idx.msk [tilespmem:v20+s3+$0x0], $0xffff;
	[tilespmem:s6+$0xFFFFFF00] =	vst v3  }
0x887: {  	v3 =	vld.idx.msk [tilespmem:v21+s3+$0x0], $0xffff;
	[tilespmem:s6+$0xFFFFFF10] =	vst v4  }
0x888: {  	v4 =	vld.idx.msk [tilespmem:v22+s3+$0x0], $0xffff;
	[tilespmem:s6+$0xFFFFFF40] =	vst v5  }
0x889: {  	[tilespmem:s6+$0xFFFFFF80] =	vst v6;
	v5 =	vld.idx.msk [tilespmem:v30+s3+$0x0], $0xffff  }
0x88a: {  	[tilespmem:s6+$0xFFFFFF20] =	vst v0;
	v0 =	vld.idx.msk [tilespmem:v25+s3+$0x0], $0xffff  }
0x88b: {  	[tilespmem:s6+$0xFFFFFF30] =	vst v1;
	v1 =	vld.idx.msk [tilespmem:v26+s3+$0x0], $0xffff  }
0x88c: {  	[tilespmem:s6+$0xFFFFFF50] =	vst v2;
	v2 =	vld.idx.msk [tilespmem:v27+s3+$0x0], $0xffff  }
0x88d: {  	[tilespmem:s6+$0xFFFFFF60] =	vst v3;
	v3 =	vld.idx.msk [tilespmem:v28+s3+$0x0], $0xffff  }
0x88e: {  	s7 =	simm.s32 $0x0;
	s9 =	simm.s32 $0x189A0;
	[tilespmem:s6+$0xFFFFFF70] =	vst v4;
	v4 =	vld.idx.msk [tilespmem:v29+s3+$0x0], $0xffff  }
.LBB2_36:
0x88f: {  	v6 =	vld [tilespmem:s9+$0xF0];
	s7 =	sadd.s32 $0x20, s7;
	[tilespmem:s6+$0xFFFFFFA0] =	vst v0  }
0x890: {  	v0 =	vld [tilespmem:s9+$0xFFFFFF10];
	p3 =	slt.u32 s7, $0xE0;
	[tilespmem:s6+$0xFFFFFFB0] =	vst v1  }
0x891: {  	v1 =	vld [tilespmem:s9+$0xFFFFFF20];
	[tilespmem:s6+$0xFFFFFFC0] =	vst v2  }
0x892: {  	v2 =	vld [tilespmem:s9+$0xFFFFFF30];
	[tilespmem:s6+$0xFFFFFFD0] =	vst v3  }
0x893: {  	v3 =	vld [tilespmem:s9+$0xFFFFFF40];
	[tilespmem:s6+$0xFFFFFFE0] =	vst v4  }
0x894: {  	v4 =	vld [tilespmem:s9+$0xFFFFFF50];
	[tilespmem:s6+$0xFFFFFFF0] =	vst v5  }
0x895: {  	v5 =	vld [tilespmem:s9+$0xFFFFFF60]  }
0x896: {  	v7 =	vld [tilespmem:s9+$0xFFFFFF70]  }
0x897: {  	v6 =	vld.idx.msk [tilespmem:v6+s3+$0x0], $0xffff  }
0x898: {  	v8 =	vld [tilespmem:s9+$0xFFFFFF80]  }
0x899: {  	v9 =	vld [tilespmem:s9+$0xFFFFFF90]  }
0x89a: {  	v10 =	vld [tilespmem:s9+$0xFFFFFFA0]  }
0x89b: {  	v11 =	vld [tilespmem:s9+$0xFFFFFFB0]  }
0x89c: {  	s6 =	sadd.s32 $0x200, s6;
	v12 =	vld [tilespmem:s9+$0xFFFFFFC0]  }
0x89d: {  	v13 =	vld [tilespmem:s9+$0xFFFFFFD0];
	[tilespmem:s6+$0x0] =	vst v6  }
0x89e: {  	v6 =	vld [tilespmem:s9+$0xFFFFFFE0]  }
0x89f: {  	v14 =	vld [tilespmem:s9+$0xFFFFFFF0]  }
0x8a0: {  	v15 =	vld [tilespmem:s9+$0x0]  }
0x8a1: {  	v16 =	vld [tilespmem:s9+$0x10]  }
0x8a2: {  	v17 =	vld [tilespmem:s9+$0x20]  }
0x8a3: {  	v18 =	vld [tilespmem:s9+$0x30]  }
0x8a4: {  	v19 =	vld [tilespmem:s9+$0x40]  }
0x8a5: {  	v20 =	vld [tilespmem:s9+$0x50]  }
0x8a6: {  	v21 =	vld [tilespmem:s9+$0x60]  }
0x8a7: {  	v22 =	vld [tilespmem:s9+$0x70]  }
0x8a8: {  	v23 =	vld [tilespmem:s9+$0x80]  }
0x8a9: {  	v24 =	vld [tilespmem:s9+$0x90]  }
0x8aa: {  	v25 =	vld [tilespmem:s9+$0xA0]  }
0x8ab: {  	v26 =	vld [tilespmem:s9+$0xB0]  }
0x8ac: {  	v27 =	vld [tilespmem:s9+$0xC0]  }
0x8ad: {  	v28 =	vld [tilespmem:s9+$0xD0]  }
0x8ae: {  	v29 =	vld [tilespmem:s9+$0xE0]  }
0x8af: {  	v30 =	vld [tilespmem:s9+$0xFFFFFF00]  }
0x8b0: {  	v0 =	vld.idx.msk [tilespmem:v0+s3+$0x0], $0xffff  }
0x8b1: {  	v1 =	vld.idx.msk [tilespmem:v1+s3+$0x0], $0xffff  }
0x8b2: {  	v2 =	vld.idx.msk [tilespmem:v2+s3+$0x0], $0xffff  }
0x8b3: {  	v3 =	vld.idx.msk [tilespmem:v3+s3+$0x0], $0xffff  }
0x8b4: {  	v4 =	vld.idx.msk [tilespmem:v4+s3+$0x0], $0xffff  }
0x8b5: {  	v5 =	vld.idx.msk [tilespmem:v5+s3+$0x0], $0xffff  }
0x8b6: {  	[tilespmem:s6+$0xFFFFFE20] =	vst v0;
	v0 =	vld.idx.msk [tilespmem:v7+s3+$0x0], $0xffff  }
0x8b7: {  	v7 =	vld.idx.msk [tilespmem:v30+s3+$0x0], $0xffff;
	[tilespmem:s6+$0xFFFFFE30] =	vst v1  }
0x8b8: {  	[tilespmem:s6+$0xFFFFFE40] =	vst v2;
	v1 =	vld.idx.msk [tilespmem:v8+s3+$0x0], $0xffff  }
0x8b9: {  	[tilespmem:s6+$0xFFFFFE50] =	vst v3;
	v2 =	vld.idx.msk [tilespmem:v9+s3+$0x0], $0xffff  }
0x8ba: {  	[tilespmem:s6+$0xFFFFFE60] =	vst v4;
	v3 =	vld.idx.msk [tilespmem:v10+s3+$0x0], $0xffff  }
0x8bb: {  	[tilespmem:s6+$0xFFFFFE70] =	vst v5;
	v4 =	vld.idx.msk [tilespmem:v11+s3+$0x0], $0xffff  }
0x8bc: {  	[tilespmem:s6+$0xFFFFFE80] =	vst v0;
	v0 =	vld.idx.msk [tilespmem:v12+s3+$0x0], $0xffff  }
0x8bd: {  	[tilespmem:s6+$0xFFFFFE10] =	vst v7;
	v5 =	vld.idx.msk [tilespmem:v13+s3+$0x0], $0xffff  }
0x8be: {  	[tilespmem:s6+$0xFFFFFE90] =	vst v1;
	v1 =	vld.idx.msk [tilespmem:v6+s3+$0x0], $0xffff  }
0x8bf: {  	[tilespmem:s6+$0xFFFFFEA0] =	vst v2;
	v2 =	vld.idx.msk [tilespmem:v14+s3+$0x0], $0xffff  }
0x8c0: {  	[tilespmem:s6+$0xFFFFFEB0] =	vst v3;
	v3 =	vld.idx.msk [tilespmem:v15+s3+$0x0], $0xffff  }
0x8c1: {  	[tilespmem:s6+$0xFFFFFEC0] =	vst v4;
	v4 =	vld.idx.msk [tilespmem:v16+s3+$0x0], $0xffff  }
0x8c2: {  	[tilespmem:s6+$0xFFFFFED0] =	vst v0;
	v0 =	vld.idx.msk [tilespmem:v17+s3+$0x0], $0xffff  }
0x8c3: {  	[tilespmem:s6+$0xFFFFFEE0] =	vst v5;
	v5 =	vld.idx.msk [tilespmem:v18+s3+$0x0], $0xffff  }
0x8c4: {  	[tilespmem:s6+$0xFFFFFEF0] =	vst v1;
	v1 =	vld.idx.msk [tilespmem:v19+s3+$0x0], $0xffff  }
0x8c5: {  	[tilespmem:s6+$0xFFFFFF00] =	vst v2;
	v2 =	vld.idx.msk [tilespmem:v20+s3+$0x0], $0xffff  }
0x8c6: {  	[tilespmem:s6+$0xFFFFFF10] =	vst v3;
	v3 =	vld.idx.msk [tilespmem:v21+s3+$0x0], $0xffff  }
0x8c7: {  	[tilespmem:s6+$0xFFFFFF20] =	vst v4;
	v4 =	vld.idx.msk [tilespmem:v22+s3+$0x0], $0xffff  }
0x8c8: {  	[tilespmem:s6+$0xFFFFFF30] =	vst v0;
	v6 =	vld.idx.msk [tilespmem:v23+s3+$0x0], $0xffff  }
0x8c9: {  	[tilespmem:s6+$0xFFFFFF40] =	vst v5;
	v0 =	vld.idx.msk [tilespmem:v24+s3+$0x0], $0xffff  }
.Ltmp22:
0x8ca: {  	[tilespmem:s6+$0xFFFFFF50] =	vst v1;
	v1 =	vld.idx.msk [tilespmem:v25+s3+$0x0], $0xffff;
	(pc) =	sbr.rel @p3 .LBB2_36-.Ltmp22, $4  }
0x8cb: {  	[tilespmem:s6+$0xFFFFFF60] =	vst v2;
	v2 =	vld.idx.msk [tilespmem:v26+s3+$0x0], $0xffff  }
0x8cc: {  	[tilespmem:s6+$0xFFFFFF70] =	vst v3;
	v3 =	vld.idx.msk [tilespmem:v27+s3+$0x0], $0xffff  }
0x8cd: {  	[tilespmem:s6+$0xFFFFFF80] =	vst v4;
	v4 =	vld.idx.msk [tilespmem:v28+s3+$0x0], $0xffff  }
0x8ce: {  	s9 =	sadd.s32 $0x200, s9;
	[tilespmem:s6+$0xFFFFFF90] =	vst v6;
	v5 =	vld.idx.msk [tilespmem:v29+s3+$0x0], $0xffff  }
0x8cf: {  	[tilespmem:s6+$0xFFFFFFA0] =	vst v0  }
0x8d0: {  	[tilespmem:s6+$0xFFFFFFB0] =	vst v1  }
0x8d1: {  	[tilespmem:s6+$0xFFFFFFC0] =	vst v2  }
0x8d2: {  	[tilespmem:s6+$0xFFFFFFD0] =	vst v3  }
0x8d3: {  	[tilespmem:s6+$0xFFFFFFE0] =	vst v4  }
0x8d4: {  	s9 =	sadd.s32 s8, s14;
	[tilespmem:s6+$0xFFFFFFF0] =	vst v5  }
0x8d5: {  	[hbm4b:s9+s24] =	stream.strided.scatter [tilespmem:s30], [sflag:$0x5], $0x1000, s25, s24, $0x38;
	[tilespmem:$0x1F6A0] =	vst v63  }
0x8d6: {  	_ =	swait.ge [sflag:s28], $0x1000  }
0x8d7: {  	[sflag:s28] =	ssyncset.done $0x0  }
0x8d8: {  	[sflag:s28] =	ssyncadd.s32 $0xFFFFF000  }
0x8d9: {  	_ =	swait.ge [sflag:s18], $0x1000  }
0x8da: {  	[sflag:s18] =	ssyncset.done $0x0  }
0x8db: {  	s17 =	simm.s32 $0x19890;
	[sflag:s18] =	ssyncadd.s32 $0xFFFFF000  }
0x8dc: {  	v0 =	vld [tilespmem:s17+$0x0]  }
0x8dd: {  	v1 =	vld [tilespmem:s17+$0xFFFFFE20]  }
0x8de: {  	v2 =	vld [tilespmem:s17+$0xFFFFFE30]  }
0x8df: {  	v3 =	vld [tilespmem:s17+$0xFFFFFE40]  }
0x8e0: {  	v4 =	vld [tilespmem:s17+$0xFFFFFE50]  }
0x8e1: {  	v5 =	vld [tilespmem:s17+$0xFFFFFE60]  }
0x8e2: {  	v6 =	vld [tilespmem:s17+$0xFFFFFE70]  }
0x8e3: {  	v7 =	vld [tilespmem:s17+$0xFFFFFE80]  }
0x8e4: {  	v8 =	vld [tilespmem:s17+$0xFFFFFE90]  }
0x8e5: {  	v9 =	vld [tilespmem:s17+$0xFFFFFEA0]  }
0x8e6: {  	v10 =	vld [tilespmem:s17+$0xFFFFFEB0]  }
0x8e7: {  	v11 =	vld [tilespmem:s17+$0xFFFFFEC0]  }
0x8e8: {  	v12 =	vld [tilespmem:s17+$0xFFFFFED0]  }
0x8e9: {  	v13 =	vld [tilespmem:s17+$0xFFFFFEE0]  }
0x8ea: {  	v14 =	vld [tilespmem:s17+$0xFFFFFEF0]  }
0x8eb: {  	v15 =	vld [tilespmem:s17+$0xFFFFFF00]  }
0x8ec: {  	v16 =	vld [tilespmem:s17+$0xFFFFFF10]  }
0x8ed: {  	v17 =	vld [tilespmem:s17+$0xFFFFFF20]  }
0x8ee: {  	v18 =	vld [tilespmem:s17+$0xFFFFFF30]  }
0x8ef: {  	v19 =	vld [tilespmem:s17+$0xFFFFFF40]  }
0x8f0: {  	v20 =	vld [tilespmem:s17+$0xFFFFFF50]  }
0x8f1: {  	v21 =	vld [tilespmem:s17+$0xFFFFFF60]  }
0x8f2: {  	v22 =	vld [tilespmem:s17+$0xFFFFFF70]  }
0x8f3: {  	v23 =	vld [tilespmem:s17+$0xFFFFFF80]  }
0x8f4: {  	v24 =	vld [tilespmem:s17+$0xFFFFFF90]  }
0x8f5: {  	v25 =	vld [tilespmem:s17+$0xFFFFFFA0]  }
0x8f6: {  	v26 =	vld [tilespmem:s17+$0xFFFFFFB0]  }
0x8f7: {  	v27 =	vld [tilespmem:s17+$0xFFFFFFC0]  }
0x8f8: {  	v28 =	vld [tilespmem:s17+$0xFFFFFFD0]  }
0x8f9: {  	v29 =	vld [tilespmem:s17+$0xFFFFFFE0]  }
0x8fa: {  	v30 =	vld [tilespmem:s17+$0xFFFFFFF0]  }
0x8fb: {  	v31 =	vld [tilespmem:s17+$0xFFFFFE10]  }
0x8fc: {  	v0 =	vld.idx.msk [tilespmem:v0+s3+$0x0], $0xffff  }
0x8fd: {  	v1 =	vld.idx.msk [tilespmem:v1+s3+$0x0], $0xffff  }
0x8fe: {  	v2 =	vld.idx.msk [tilespmem:v2+s3+$0x0], $0xffff  }
0x8ff: {  	v3 =	vld.idx.msk [tilespmem:v3+s3+$0x0], $0xffff  }
0x900: {  	v4 =	vld.idx.msk [tilespmem:v4+s3+$0x0], $0xffff  }
0x901: {  	s6 =	simm.s32 $0x1D890;
	v5 =	vld.idx.msk [tilespmem:v5+s3+$0x0], $0xffff  }
0x902: {  	[tilespmem:s6+$0x0] =	vst v0;
	v0 =	vld.idx.msk [tilespmem:v6+s3+$0x0], $0xffff  }
0x903: {  	[tilespmem:s6+$0xFFFFFE20] =	vst v1;
	v1 =	vld.idx.msk [tilespmem:v7+s3+$0x0], $0xffff  }
0x904: {  	v6 =	vld.idx.msk [tilespmem:v31+s3+$0x0], $0xffff;
	[tilespmem:s6+$0xFFFFFE30] =	vst v2  }
0x905: {  	[tilespmem:s6+$0xFFFFFE40] =	vst v3;
	v2 =	vld.idx.msk [tilespmem:v8+s3+$0x0], $0xffff  }
0x906: {  	[tilespmem:s6+$0xFFFFFE50] =	vst v4;
	v3 =	vld.idx.msk [tilespmem:v9+s3+$0x0], $0xffff  }
0x907: {  	[tilespmem:s6+$0xFFFFFE60] =	vst v5;
	v4 =	vld.idx.msk [tilespmem:v10+s3+$0x0], $0xffff  }
0x908: {  	v5 =	vld.idx.msk [tilespmem:v13+s3+$0x0], $0xffff;
	[tilespmem:s6+$0xFFFFFE70] =	vst v0  }
0x909: {  	v7 =	vld.idx.msk [tilespmem:v24+s3+$0x0], $0xffff;
	[tilespmem:s6+$0xFFFFFE80] =	vst v1  }
0x90a: {  	v0 =	vld.idx.msk [tilespmem:v11+s3+$0x0], $0xffff;
	[tilespmem:s6+$0xFFFFFE10] =	vst v6  }
0x90b: {  	v1 =	vld.idx.msk [tilespmem:v12+s3+$0x0], $0xffff;
	[tilespmem:s6+$0xFFFFFE90] =	vst v2  }
0x90c: {  	v2 =	vld.idx.msk [tilespmem:v14+s3+$0x0], $0xffff;
	[tilespmem:s6+$0xFFFFFEA0] =	vst v3  }
0x90d: {  	v3 =	vld.idx.msk [tilespmem:v15+s3+$0x0], $0xffff;
	[tilespmem:s6+$0xFFFFFEB0] =	vst v4  }
0x90e: {  	v4 =	vld.idx.msk [tilespmem:v16+s3+$0x0], $0xffff;
	[tilespmem:s6+$0xFFFFFEE0] =	vst v5  }
0x90f: {  	v5 =	vld.idx.msk [tilespmem:v19+s3+$0x0], $0xffff;
	[tilespmem:s6+$0xFFFFFF90] =	vst v7  }
0x910: {  	v6 =	vld.idx.msk [tilespmem:v23+s3+$0x0], $0xffff;
	[tilespmem:s6+$0xFFFFFEC0] =	vst v0  }
0x911: {  	v0 =	vld.idx.msk [tilespmem:v17+s3+$0x0], $0xffff;
	[tilespmem:s6+$0xFFFFFED0] =	vst v1  }
0x912: {  	v1 =	vld.idx.msk [tilespmem:v18+s3+$0x0], $0xffff;
	[tilespmem:s6+$0xFFFFFEF0] =	vst v2  }
0x913: {  	v2 =	vld.idx.msk [tilespmem:v20+s3+$0x0], $0xffff;
	[tilespmem:s6+$0xFFFFFF00] =	vst v3  }
0x914: {  	v3 =	vld.idx.msk [tilespmem:v21+s3+$0x0], $0xffff;
	[tilespmem:s6+$0xFFFFFF10] =	vst v4  }
0x915: {  	v4 =	vld.idx.msk [tilespmem:v22+s3+$0x0], $0xffff;
	[tilespmem:s6+$0xFFFFFF40] =	vst v5  }
0x916: {  	[tilespmem:s6+$0xFFFFFF80] =	vst v6;
	v5 =	vld.idx.msk [tilespmem:v30+s3+$0x0], $0xffff  }
0x917: {  	[tilespmem:s6+$0xFFFFFF20] =	vst v0;
	v0 =	vld.idx.msk [tilespmem:v25+s3+$0x0], $0xffff  }
0x918: {  	[tilespmem:s6+$0xFFFFFF30] =	vst v1;
	v1 =	vld.idx.msk [tilespmem:v26+s3+$0x0], $0xffff  }
0x919: {  	[tilespmem:s6+$0xFFFFFF50] =	vst v2;
	v2 =	vld.idx.msk [tilespmem:v27+s3+$0x0], $0xffff  }
0x91a: {  	[tilespmem:s6+$0xFFFFFF60] =	vst v3;
	v3 =	vld.idx.msk [tilespmem:v28+s3+$0x0], $0xffff  }
0x91b: {  	s7 =	simm.s32 $0x0;
	s9 =	simm.s32 $0x19A90;
	[tilespmem:s6+$0xFFFFFF70] =	vst v4;
	v4 =	vld.idx.msk [tilespmem:v29+s3+$0x0], $0xffff  }
.LBB2_38:
0x91c: {  	v6 =	vld [tilespmem:s9+$0x0];
	s7 =	sadd.s32 $0x20, s7;
	[tilespmem:s6+$0xFFFFFFA0] =	vst v0  }
0x91d: {  	v0 =	vld [tilespmem:s9+$0xFFFFFE20];
	p3 =	slt.u32 s7, $0xE0;
	[tilespmem:s6+$0xFFFFFFB0] =	vst v1  }
0x91e: {  	v1 =	vld [tilespmem:s9+$0xFFFFFE30];
	[tilespmem:s6+$0xFFFFFFC0] =	vst v2  }
0x91f: {  	v2 =	vld [tilespmem:s9+$0xFFFFFE40];
	[tilespmem:s6+$0xFFFFFFD0] =	vst v3  }
0x920: {  	v3 =	vld [tilespmem:s9+$0xFFFFFE50];
	[tilespmem:s6+$0xFFFFFFE0] =	vst v4  }
0x921: {  	v4 =	vld [tilespmem:s9+$0xFFFFFE60];
	[tilespmem:s6+$0xFFFFFFF0] =	vst v5  }
0x922: {  	v5 =	vld [tilespmem:s9+$0xFFFFFE70]  }
0x923: {  	v7 =	vld [tilespmem:s9+$0xFFFFFE80]  }
0x924: {  	v6 =	vld.idx.msk [tilespmem:v6+s3+$0x0], $0xffff  }
0x925: {  	v8 =	vld [tilespmem:s9+$0xFFFFFE90]  }
0x926: {  	v9 =	vld [tilespmem:s9+$0xFFFFFEA0]  }
0x927: {  	v10 =	vld [tilespmem:s9+$0xFFFFFEB0]  }
0x928: {  	v11 =	vld [tilespmem:s9+$0xFFFFFEC0]  }
0x929: {  	s6 =	sadd.s32 $0x200, s6;
	v12 =	vld [tilespmem:s9+$0xFFFFFED0]  }
0x92a: {  	v13 =	vld [tilespmem:s9+$0xFFFFFEE0];
	[tilespmem:s6+$0x0] =	vst v6  }
0x92b: {  	v6 =	vld [tilespmem:s9+$0xFFFFFEF0]  }
0x92c: {  	v14 =	vld [tilespmem:s9+$0xFFFFFF00]  }
0x92d: {  	v15 =	vld [tilespmem:s9+$0xFFFFFF10]  }
0x92e: {  	v16 =	vld [tilespmem:s9+$0xFFFFFF20]  }
0x92f: {  	v17 =	vld [tilespmem:s9+$0xFFFFFF30]  }
0x930: {  	v18 =	vld [tilespmem:s9+$0xFFFFFF40]  }
0x931: {  	v19 =	vld [tilespmem:s9+$0xFFFFFF50]  }
0x932: {  	v20 =	vld [tilespmem:s9+$0xFFFFFF60]  }
0x933: {  	v21 =	vld [tilespmem:s9+$0xFFFFFF70]  }
0x934: {  	v22 =	vld [tilespmem:s9+$0xFFFFFF80]  }
0x935: {  	v23 =	vld [tilespmem:s9+$0xFFFFFF90]  }
0x936: {  	v24 =	vld [tilespmem:s9+$0xFFFFFFA0]  }
0x937: {  	v25 =	vld [tilespmem:s9+$0xFFFFFFB0]  }
0x938: {  	v26 =	vld [tilespmem:s9+$0xFFFFFFC0]  }
0x939: {  	v27 =	vld [tilespmem:s9+$0xFFFFFFD0]  }
0x93a: {  	v28 =	vld [tilespmem:s9+$0xFFFFFFE0]  }
0x93b: {  	v29 =	vld [tilespmem:s9+$0xFFFFFFF0]  }
0x93c: {  	v30 =	vld [tilespmem:s9+$0xFFFFFE10]  }
0x93d: {  	v0 =	vld.idx.msk [tilespmem:v0+s3+$0x0], $0xffff  }
0x93e: {  	v1 =	vld.idx.msk [tilespmem:v1+s3+$0x0], $0xffff  }
0x93f: {  	v2 =	vld.idx.msk [tilespmem:v2+s3+$0x0], $0xffff  }
0x940: {  	v3 =	vld.idx.msk [tilespmem:v3+s3+$0x0], $0xffff  }
0x941: {  	v4 =	vld.idx.msk [tilespmem:v4+s3+$0x0], $0xffff  }
0x942: {  	v5 =	vld.idx.msk [tilespmem:v5+s3+$0x0], $0xffff  }
0x943: {  	[tilespmem:s6+$0xFFFFFE20] =	vst v0;
	v0 =	vld.idx.msk [tilespmem:v7+s3+$0x0], $0xffff  }
0x944: {  	v7 =	vld.idx.msk [tilespmem:v30+s3+$0x0], $0xffff;
	[tilespmem:s6+$0xFFFFFE30] =	vst v1  }
0x945: {  	[tilespmem:s6+$0xFFFFFE40] =	vst v2;
	v1 =	vld.idx.msk [tilespmem:v8+s3+$0x0], $0xffff  }
0x946: {  	[tilespmem:s6+$0xFFFFFE50] =	vst v3;
	v2 =	vld.idx.msk [tilespmem:v9+s3+$0x0], $0xffff  }
0x947: {  	[tilespmem:s6+$0xFFFFFE60] =	vst v4;
	v3 =	vld.idx.msk [tilespmem:v10+s3+$0x0], $0xffff  }
0x948: {  	[tilespmem:s6+$0xFFFFFE70] =	vst v5;
	v4 =	vld.idx.msk [tilespmem:v11+s3+$0x0], $0xffff  }
0x949: {  	[tilespmem:s6+$0xFFFFFE80] =	vst v0;
	v0 =	vld.idx.msk [tilespmem:v12+s3+$0x0], $0xffff  }
0x94a: {  	[tilespmem:s6+$0xFFFFFE10] =	vst v7;
	v5 =	vld.idx.msk [tilespmem:v13+s3+$0x0], $0xffff  }
0x94b: {  	[tilespmem:s6+$0xFFFFFE90] =	vst v1;
	v1 =	vld.idx.msk [tilespmem:v6+s3+$0x0], $0xffff  }
0x94c: {  	[tilespmem:s6+$0xFFFFFEA0] =	vst v2;
	v2 =	vld.idx.msk [tilespmem:v14+s3+$0x0], $0xffff  }
0x94d: {  	[tilespmem:s6+$0xFFFFFEB0] =	vst v3;
	v3 =	vld.idx.msk [tilespmem:v15+s3+$0x0], $0xffff  }
0x94e: {  	[tilespmem:s6+$0xFFFFFEC0] =	vst v4;
	v4 =	vld.idx.msk [tilespmem:v16+s3+$0x0], $0xffff  }
0x94f: {  	[tilespmem:s6+$0xFFFFFED0] =	vst v0;
	v0 =	vld.idx.msk [tilespmem:v17+s3+$0x0], $0xffff  }
0x950: {  	[tilespmem:s6+$0xFFFFFEE0] =	vst v5;
	v5 =	vld.idx.msk [tilespmem:v18+s3+$0x0], $0xffff  }
0x951: {  	[tilespmem:s6+$0xFFFFFEF0] =	vst v1;
	v1 =	vld.idx.msk [tilespmem:v19+s3+$0x0], $0xffff  }
0x952: {  	[tilespmem:s6+$0xFFFFFF00] =	vst v2;
	v2 =	vld.idx.msk [tilespmem:v20+s3+$0x0], $0xffff  }
0x953: {  	[tilespmem:s6+$0xFFFFFF10] =	vst v3;
	v3 =	vld.idx.msk [tilespmem:v21+s3+$0x0], $0xffff  }
0x954: {  	[tilespmem:s6+$0xFFFFFF20] =	vst v4;
	v4 =	vld.idx.msk [tilespmem:v22+s3+$0x0], $0xffff  }
0x955: {  	[tilespmem:s6+$0xFFFFFF30] =	vst v0;
	v6 =	vld.idx.msk [tilespmem:v23+s3+$0x0], $0xffff  }
0x956: {  	[tilespmem:s6+$0xFFFFFF40] =	vst v5;
	v0 =	vld.idx.msk [tilespmem:v24+s3+$0x0], $0xffff  }
.Ltmp23:
0x957: {  	[tilespmem:s6+$0xFFFFFF50] =	vst v1;
	v1 =	vld.idx.msk [tilespmem:v25+s3+$0x0], $0xffff;
	(pc) =	sbr.rel @p3 .LBB2_38-.Ltmp23, $4  }
0x958: {  	[tilespmem:s6+$0xFFFFFF60] =	vst v2;
	v2 =	vld.idx.msk [tilespmem:v26+s3+$0x0], $0xffff  }
0x959: {  	[tilespmem:s6+$0xFFFFFF70] =	vst v3;
	v3 =	vld.idx.msk [tilespmem:v27+s3+$0x0], $0xffff  }
0x95a: {  	[tilespmem:s6+$0xFFFFFF80] =	vst v4;
	v4 =	vld.idx.msk [tilespmem:v28+s3+$0x0], $0xffff  }
0x95b: {  	s9 =	sadd.s32 $0x200, s9;
	[tilespmem:s6+$0xFFFFFF90] =	vst v6;
	v5 =	vld.idx.msk [tilespmem:v29+s3+$0x0], $0xffff  }
0x95c: {  	[tilespmem:s6+$0xFFFFFFA0] =	vst v0  }
0x95d: {  	[tilespmem:s6+$0xFFFFFFB0] =	vst v1  }
.Ltmp24:
0x95e: {  	[tilespmem:s6+$0xFFFFFFC0] =	vst v2;
	(pc) =	sbr.rel @p2 .LBB2_40-.Ltmp24, $4  }
0x95f: {  	[tilespmem:s6+$0xFFFFFFD0] =	vst v3  }
0x960: {  	[tilespmem:s6+$0xFFFFFFE0] =	vst v4  }
0x961: {  	s17 =	sadd.s32 s8, s15;
	[tilespmem:s6+$0xFFFFFFF0] =	vst v5  }
0x962: {  	[hbm4b:s17+s24] =	stream.strided.scatter [tilespmem:s31], [sflag:$0x6], $0x1000, s25, s24, $0x38;
	[tilespmem:$0x1F6A0] =	vst v63  }
0x963: {  	p2 =	seq.s32 s1, $0x18  }
.Ltmp25:
0x964: {  	_ = 	snop;
	(pc) =	sbr.rel @!p2 .LBB2_42-.Ltmp25, $4  }
.Ltmp26:
0x965: {  	_ = 	snop;
	(pc) =	sbr.rel @p2 .LBB2_43-.Ltmp26, $4  }
0x966: {  	_ = 	snop  }
0x967: {  	[bflag:$0x0] =	sbarrier.arrive $0xFFFF  }
0x968: {  	_ = 	snop  }
0x969: {  	_ = 	snop  }
.LBB2_44:
0x96a: {  	_ =	sfence.sel $0x180000  }
0x96b: {  	[bflag:$0x0] =	sbarrier.arrive $0xFFFF  }
0x96c: {  	_ =	strace $0x90000047  }
0x96d: {  	[bflag:$0x2] =	sbarrier.arrive $0xFFFF  }
0x96e: {  	s0 =	rddreg [dreg:$0x3]  }
0x96f: {  	s0 =	sadd.s32 @!p0 $0x100000, s0  }
0x970: {  	[sflag:s0] =	ssyncadd.tile.s32 @!p0 $0x1;
	_ =	shalt  }
.Lfunc_end2:
_tile_overlayer_lowered:
.L_overlay_start_2:
0x971: {  	(tag) =	ssettag $0x2  }
0x972: {  	s0 =	rddreg [dreg:$0x0];
	s2 =	stileid.u32  }
0x973: {  	s1 =	rddreg [dreg:$0x1];
	p0 =	sne.s32 s2, $0x0  }
0x974: {  	s3 =	rddreg [dreg:$0x2];
	[bflag:$0x3] =	sbarrier.arrive $0xFFFF;
	s2 =	simm.s32 @!p0 $0x1C08  }
0x975: {  	[timem:s3], [sflag:s2] =	dma.local @!p0 [hbm:s0], s1  }
0x976: {  	s0 =	simm.s32 @!p0 $0x8  }
0x977: {  	_ =	swait.ge @!p0 [sflag:s0], s1  }
0x978: {  	s1 =	ssub.s32 @!p0 $0x0, s1;
	[sflag:s0] =	ssyncset.done @!p0 $0x0  }
0x979: {  	[sflag:s0] =	ssyncadd.s32 @!p0 s1  }
0x97a: {  	[bflag:$0x3] =	sbarrier.arrive $0xFFFF  }
0x97b: {  	_ =	shalt  }

</sc_bundles>
